<compile_context>
chip_gen: v7x
topology: tpu7x:2x2x1
jax: 0.10.2.dev20260603
libtpu: 0.0.44.dev20260713+nightly
codegen_flags: <defaults>
</compile_context>

<pallas_src>
import functools

import jax
import jax.numpy as jnp
from jax import lax
from jax.experimental import pallas as pl
from jax.experimental.pallas import tpu as pltpu
from jax.experimental.pallas import tpu_sc as plsc

N_NODES = 10000
NP = 10240
IN_C, HID_C, OUT_C = 128, 256, 128
BLK = 1024
_INTERPRET = False

NC, NS = 2, 16
W32 = NC * NS
SUB = NP // W32
E = 320000
PCH = 8000
F = 512
LOG2F = 9
PCB = PCH + 2 * F
EMAX = E + F


def _prep_body(src_hbm, dst_hbm, ew_hbm,
               deg_hbm, csrc_hbm, cdst_hbm, cw_hbm, cnt_hbm,
               src_s, dst_s, ew_s, src_b, dst_b, w_b, acc_ts, cnt_v):
    c = lax.axis_index("c")
    s = lax.axis_index("s")
    row = c * NS + s
    lo = row * SUB
    base = row * EMAX
    zero16 = jnp.zeros((16,), jnp.float32)
    zi16 = jnp.zeros((16,), jnp.int32)
    col0 = lax.iota(jnp.int32, 16)

    def _zrow(r, _):
        acc_ts[r, pl.ds(0, 16)] = zero16
        return 0
    lax.fori_loop(0, SUB, _zrow, 0)

    def _chunk(ci, TW):
        T, Wb = TW
        ebase = ci * PCH
        pltpu.sync_copy(src_hbm.at[pl.ds(ebase, PCH)], src_s)
        pltpu.sync_copy(dst_hbm.at[pl.ds(ebase, PCH)], dst_s)
        pltpu.sync_copy(ew_hbm.at[pl.ds(ebase, PCH)], ew_s)

        def _grp(gi, T):
            d = dst_s[pl.ds(gi * 16, 16)]
            sv = src_s[pl.ds(gi * 16, 16)]
            w = ew_s[pl.ds(gi * 16, 16)]
            m = (d >= lo) & (d < lo + SUB)
            dl = jnp.where(m, d - lo, 0)
            plsc.addupdate_scatter(acc_ts, [dl, col0], w, mask=m)
            pos = T + plsc.cumsum(m.astype(jnp.int32)) - 1
            plsc.store_scatter(dst_b, [pos], dl, mask=m)
            plsc.store_scatter(src_b, [pos], sv, mask=m)
            plsc.store_scatter(w_b, [pos], w, mask=m)
            return T + jnp.max(plsc.all_reduce_population_count(m))
        T = lax.fori_loop(0, PCH // 16, _grp, T)

        nf = lax.shift_right_logical(T, LOG2F)

        def _flush(fb, _):
            sl = pl.ds(fb * F, F)
            ob = pl.ds(base + (Wb + fb) * F, F)
            pltpu.sync_copy(src_b.at[sl], csrc_hbm.at[ob])
            pltpu.sync_copy(dst_b.at[sl], cdst_hbm.at[ob])
            pltpu.sync_copy(w_b.at[sl], cw_hbm.at[ob])
            return 0
        lax.fori_loop(0, nf, _flush, 0)
        rb = nf * F
        for j in range(F // 16):
            sl = pl.ds(rb + j * 16, 16)
            t = pl.ds(j * 16, 16)
            src_b[t] = src_b[sl]
            dst_b[t] = dst_b[sl]
            w_b[t] = w_b[sl]
        return (T - rb, Wb + nf)
    T, Wb = lax.fori_loop(0, E // PCH, _chunk,
                          (jnp.int32(0), jnp.int32(0)))

    for j in range(F // 16):
        t = pl.ds(j * 16, 16)
        m = (j * 16 + col0) < T
        src_b[t] = jnp.where(m, src_b[t], 0)
        dst_b[t] = jnp.where(m, dst_b[t], 0)
        w_b[t] = jnp.where(m, w_b[t], 0.0)
    sl = pl.ds(0, F)
    ob = pl.ds(base + Wb * F, F)
    pltpu.sync_copy(src_b.at[sl], csrc_hbm.at[ob])
    pltpu.sync_copy(dst_b.at[sl], cdst_hbm.at[ob])
    pltpu.sync_copy(w_b.at[sl], cw_hbm.at[ob])

    cnt_v[pl.ds(0, 16)] = zi16 + (Wb * F + T)
    pltpu.sync_copy(cnt_v, cnt_hbm.at[pl.ds(row * 16, 16)])
    pltpu.sync_copy(acc_ts, deg_hbm.at[pl.ds(lo, SUB)])


_prep_kernel = pl.kernel(
    _prep_body,
    out_type=[
        jax.ShapeDtypeStruct((NP, 16), jnp.float32),
        jax.ShapeDtypeStruct((W32 * EMAX,), jnp.int32),
        jax.ShapeDtypeStruct((W32 * EMAX,), jnp.int32),
        jax.ShapeDtypeStruct((W32 * EMAX,), jnp.float32),
        jax.ShapeDtypeStruct((W32 * 16,), jnp.int32),
    ],
    mesh=plsc.VectorSubcoreMesh(core_axis_name="c", subcore_axis_name="s"),
    scratch_types=[
        pltpu.VMEM((PCH,), jnp.int32),
        pltpu.VMEM((PCH,), jnp.int32),
        pltpu.VMEM((PCH,), jnp.float32),
        pltpu.VMEM((PCB,), jnp.int32),
        pltpu.VMEM((PCB,), jnp.int32),
        pltpu.VMEM((PCB,), jnp.float32),
        pltpu.VMEM((SUB, 16), jnp.float32),
        pltpu.VMEM((16,), jnp.int32),
    ],
    name="gcn_prep",
    compiler_params=pltpu.CompilerParams(needs_layout_passes=False),
)


def _edge_body(C, B, g_hbm, csrc_hbm, cdst_hbm, cw_hbm, cnt_hbm, out_hbm,
               rows_v, sidx_st, dst_st, w_st, cnt_v, acc_ts):
    c = lax.axis_index("c")
    s = lax.axis_index("s")
    row = c * NS + s
    lo = row * SUB
    base = row * EMAX
    nseg = C // 16
    log2b = B.bit_length() - 1
    zero16 = jnp.zeros((16,), jnp.float32)
    zi16 = jnp.zeros((16,), jnp.int32)
    col0 = lax.iota(jnp.int32, 16)

    def _zrow(r, _):
        for seg in range(nseg):
            acc_ts[r, pl.ds(seg * 16, 16)] = zero16
        return 0
    lax.fori_loop(0, SUB, _zrow, 0)

    pltpu.sync_copy(cnt_hbm.at[pl.ds(row * 16, 16)], cnt_v)
    n = jnp.max(cnt_v[pl.ds(0, 16)])
    nb = lax.shift_right_logical(n + (B - 1), log2b)

    def _fire(fb, _):
        eb = pl.ds(base + fb * B, B)
        pltpu.sync_copy(csrc_hbm.at[eb], sidx_st)
        pltpu.sync_copy(cdst_hbm.at[eb], dst_st)
        pltpu.sync_copy(cw_hbm.at[eb], w_st)
        pltpu.sync_copy(g_hbm.at[sidx_st], rows_v)

        def _row(r, _):
            dr = plsc.load_gather(dst_st, [zi16 + r])
            wr = plsc.load_gather(w_st, [zi16 + r])
            for seg in range(nseg):
                sl2 = pl.ds(seg * 16, 16)
                plsc.addupdate_scatter(acc_ts, [dr, col0 + seg * 16],
                                       rows_v[r, sl2] * wr)
            return 0
        lax.fori_loop(0, B, _row, 0)
        return 0
    lax.fori_loop(0, nb, _fire, 0)

    pltpu.sync_copy(acc_ts, out_hbm.at[pl.ds(lo, SUB)])


def _make_edge_kernel(C, B):
    mesh = plsc.VectorSubcoreMesh(core_axis_name="c", subcore_axis_name="s")
    return pl.kernel(
        functools.partial(_edge_body, C, B),
        out_type=jax.ShapeDtypeStruct((NP, C), jnp.float32),
        mesh=mesh,
        scratch_types=[
            pltpu.VMEM((B, C), jnp.float32),
            pltpu.VMEM((B,), jnp.int32),
            pltpu.VMEM((B,), jnp.int32),
            pltpu.VMEM((B,), jnp.float32),
            pltpu.VMEM((16,), jnp.int32),
            pltpu.VMEM((SUB, C), jnp.float32),
        ],
        name=f"gcn_edge_c{C}",
        compiler_params=pltpu.CompilerParams(needs_layout_passes=False),
    )


_edge256 = _make_edge_kernel(HID_C, 128)
_edge128 = _make_edge_kernel(OUT_C, 256)


def _k1_body(deg_ref, x_ref, W_ref, g_ref, dinv_ref):
    deg = jnp.sum(deg_ref[...], axis=1, keepdims=True)
    dinv = jax.lax.rsqrt(1.0 + deg)
    h = jnp.dot(x_ref[...], W_ref[...], preferred_element_type=jnp.float32)
    g_ref[...] = h * dinv
    dinv_ref[...] = dinv


def _k3_body(acc_ref, g_ref, dinv_ref, b_ref, W_ref, g2_ref):
    dinv = dinv_ref[...]
    t = jnp.maximum(dinv * (acc_ref[...] + g_ref[...]) + b_ref[...], 0.0)
    h2 = jnp.dot(t, W_ref[...], preferred_element_type=jnp.float32)
    g2_ref[...] = h2 * dinv


def _k5_body(acc_ref, g_ref, dinv_ref, b_ref, o_ref):
    o = dinv_ref[...] * (acc_ref[...] + g_ref[...]) + b_ref[...]
    m = jnp.max(o, axis=1, keepdims=True)
    e = jnp.exp(o - m)
    o_ref[...] = e / jnp.sum(e, axis=1, keepdims=True)


def _rows(c):
    return pl.BlockSpec((BLK, c), lambda i: (i, 0))


def _full(r, c):
    return pl.BlockSpec((r, c), lambda i: (0, 0))


_k1 = pl.pallas_call(
    _k1_body,
    grid=(NP // BLK,),
    in_specs=[_rows(16), _rows(IN_C), _full(IN_C, HID_C)],
    out_specs=[_rows(HID_C), _rows(1)],
    out_shape=[
        jax.ShapeDtypeStruct((NP, HID_C), jnp.float32),
        jax.ShapeDtypeStruct((NP, 1), jnp.float32),
    ],
    interpret=_INTERPRET,
)

_k3 = pl.pallas_call(
    _k3_body,
    grid=(NP // BLK,),
    in_specs=[_rows(HID_C), _rows(HID_C), _rows(1), _full(1, HID_C),
              _full(HID_C, OUT_C)],
    out_specs=_rows(OUT_C),
    out_shape=jax.ShapeDtypeStruct((NP, OUT_C), jnp.float32),
    interpret=_INTERPRET,
)

_k5 = pl.pallas_call(
    _k5_body,
    grid=(NP // BLK,),
    in_specs=[_rows(OUT_C), _rows(OUT_C), _rows(1), _full(1, OUT_C)],
    out_specs=_rows(OUT_C),
    out_shape=jax.ShapeDtypeStruct((NP, OUT_C), jnp.float32),
    interpret=_INTERPRET,
)

def kernel(x, edge_index, edge_weight, W1, b1, W2, b2):
    src = edge_index[0].astype(jnp.int32)
    dst = edge_index[1].astype(jnp.int32)
    ew = edge_weight

    xp = jnp.zeros((NP, IN_C), jnp.float32).at[:N_NODES].set(x)
    deg16, csrc, cdst, cw, cnt = _prep_kernel(src, dst, ew)

    g1, dinv = _k1(deg16, xp, W1)
    acc1 = _edge256(g1, csrc, cdst, cw, cnt)
    g2 = _k3(acc1, g1, dinv, b1[None, :], W2)
    acc2 = _edge128(g2, csrc, cdst, cw, cnt)
    out = _k5(acc2, g2, dinv, b2[None, :])
    return out[:N_NODES]

# --- scband reference (transcript-rebuilt; emitter-appended) ---
"""Pipeline reference for scband-anti-community-gnn-80865644249665 (READ-ONLY COPY).

The authoritative reference and input builder live on the scoring server;
editing this copy changes nothing except your own understanding.
"""

import jax, jax.numpy as jnp
import numpy as np

N_NODES = 10000
N_EDGES = 320000
IN_C = 128
HID_C = 256
OUT_C = 128


def setup_inputs(seed: int = 0) -> dict:
    key = jax.random.key(seed)
    k1, k2, k3, k4, k5, k6, k7 = jax.random.split(key, 7)
    x = jax.random.normal(k1, (N_NODES, IN_C), dtype=jnp.float32)
    edge_index = jax.random.randint(k2, (2, N_EDGES), 0, N_NODES, dtype=jnp.int64)
    edge_weight = jax.random.uniform(k3, (N_EDGES,), dtype=jnp.float32)
    # GCNConv params (glorot-style scale)
    W1 = jax.random.normal(k4, (IN_C, HID_C), dtype=jnp.float32) * (1.0 / np.sqrt(IN_C))
    b1 = jnp.zeros((HID_C,), dtype=jnp.float32)
    W2 = jax.random.normal(k5, (HID_C, OUT_C), dtype=jnp.float32) * (1.0 / np.sqrt(HID_C))
    b2 = jnp.zeros((OUT_C,), dtype=jnp.float32)
    return {"x": x, "edge_index": edge_index, "edge_weight": edge_weight,
            "W1": W1, "b1": b1, "W2": W2, "b2": b2}


def _gcn_conv(x, src, dst, ew, W, b, n_nodes):
    # PyG GCNConv: add self-loops (weight 1), symmetric normalization D^-1/2 A D^-1/2
    loop = jnp.arange(n_nodes, dtype=src.dtype)
    src2 = jnp.concatenate([src, loop])
    dst2 = jnp.concatenate([dst, loop])
    ew2 = jnp.concatenate([ew, jnp.ones((n_nodes,), dtype=ew.dtype)])
    deg = jax.ops.segment_sum(ew2, dst2, num_segments=n_nodes)
    dinv = jnp.where(deg > 0, jax.lax.rsqrt(deg), 0.0)
    norm = dinv[src2] * ew2 * dinv[dst2]
    h = x @ W
    msg = h[src2] * norm[:, None]
    out = jax.ops.segment_sum(msg, dst2, num_segments=n_nodes)
    return out + b


def reference(x, edge_index, edge_weight, W1, b1, W2, b2):
    src = edge_index[0]
    dst = edge_index[1]
    h = _gcn_conv(x, src, dst, edge_weight, W1, b1, N_NODES)
    h = jax.nn.relu(h)
    h = _gcn_conv(h, src, dst, edge_weight, W2, b2, N_NODES)
    return jax.nn.softmax(h, axis=1)

if __name__ == "__main__":
    import jax
    _d = setup_inputs()
    print(jax.jit(kernel)(*tuple(_d.values())))

</pallas_src>

<mosaic_0001>
#map = affine_map<(d0, d1) -> (0, 0)>
#map1 = affine_map<(d0, d1) -> (0)>
module attributes {stable_mosaic.version = 14 : i64} {
  func.func @gcn_edge_c128(%arg0: i32, %arg1: i32, %arg2: memref<10240x128xf32, #tpu.memory_space<hbm>>, %arg3: memref<10256384xi32, #tpu.memory_space<hbm>>, %arg4: memref<10256384xi32, #tpu.memory_space<hbm>>, %arg5: memref<10256384xf32, #tpu.memory_space<hbm>>, %arg6: memref<512xi32, #tpu.memory_space<hbm>>, %arg7: memref<10240x128xf32, #tpu.memory_space<hbm>>, %arg8: memref<256x128xf32, #tpu.memory_space<vmem>>, %arg9: memref<256xi32, #tpu.memory_space<vmem>>, %arg10: memref<256xi32, #tpu.memory_space<vmem>>, %arg11: memref<256xf32, #tpu.memory_space<vmem>>, %arg12: memref<16xi32, #tpu.memory_space<vmem>>, %arg13: memref<320x128xf32, #tpu.memory_space<vmem>>) attributes {dimension_semantics = [#tpu.dimension_semantics<core_parallel>, #tpu.dimension_semantics<subcore_parallel>], iteration_bounds = array<i64: 2, 16>, scalar_prefetch = 0 : i64, scratch_operands = 6 : i64, tpu.core_type = #tpu.core_type<sc_vector_subcore>, window_params = [{transform_indices = #map}, {transform_indices = #map1}, {transform_indices = #map1}, {transform_indices = #map1}, {transform_indices = #map1}, {transform_indices = #map}]} {
    %mul3A = arith.constant 16 : i32
    %mul3A_0 = arith.muli %arg0, %mul3A : i32
    %add3A = arith.addi %mul3A_0, %arg1 : i32
    %mul3A_1 = arith.constant 320 : i32
    %mul3A_2 = arith.muli %add3A, %mul3A_1 : i32
    %mul3A_3 = arith.constant 320512 : i32
    %mul3A_4 = arith.muli %add3A, %mul3A_3 : i32
    %broadcast_in_dim3A = arith.constant 0.000000e+00 : f32
    %broadcast_in_dim3A_5 = vector.broadcast %broadcast_in_dim3A : f32 to vector<16xf32>
    %broadcast_in_dim3A_6 = arith.constant 0 : i32
    %broadcast_in_dim3A_7 = vector.broadcast %broadcast_in_dim3A_6 : i32 to vector<16xi32>
    %iota3A = tpu.iota {dimensions = array<i32: 0>} : vector<16xi32>
    %scan3A = arith.constant 0 : i32
    %scan3A_8 = arith.constant 0 : i32
    %scan3A_9 = arith.constant 320 : i32
    %scan3A_10 = arith.addi %scan3A_8, %scan3A_9 : i32
    %scan3A_11 = arith.constant 1 : i32
    %scan3A_12 = scf.for %scan3A_38 = %scan3A_8 to %scan3A_10 step %scan3A_11 iter_args(%scan3A_39 = %scan3A) -> (i32)  : i32 {
      %swap3A = arith.index_cast %scan3A_38 : i32 to index
      %swap3A_40 = arith.constant 0 : index
      %swap3A_41 = tpu.vector_load %arg13[%swap3A, %swap3A_40] {strides = array<i32>} : memref<320x128xf32, #tpu.memory_space<vmem>>, vector<16xf32>,
      tpu.vector_store %arg13[%swap3A, %swap3A_40], %broadcast_in_dim3A_5 {strides = array<i32>} : memref<320x128xf32, #tpu.memory_space<vmem>>, vector<16xf32>,
      %swap3A_42 = arith.index_cast %scan3A_38 : i32 to index
      %swap3A_43 = arith.constant 16 : index
      %swap3A_44 = tpu.vector_load %arg13[%swap3A_42, %swap3A_43] {strides = array<i32>} : memref<320x128xf32, #tpu.memory_space<vmem>>, vector<16xf32>,
      tpu.vector_store %arg13[%swap3A_42, %swap3A_43], %broadcast_in_dim3A_5 {strides = array<i32>} : memref<320x128xf32, #tpu.memory_space<vmem>>, vector<16xf32>,
      %swap3A_45 = arith.index_cast %scan3A_38 : i32 to index
      %swap3A_46 = arith.constant 32 : index
      %swap3A_47 = tpu.vector_load %arg13[%swap3A_45, %swap3A_46] {strides = array<i32>} : memref<320x128xf32, #tpu.memory_space<vmem>>, vector<16xf32>,
      tpu.vector_store %arg13[%swap3A_45, %swap3A_46], %broadcast_in_dim3A_5 {strides = array<i32>} : memref<320x128xf32, #tpu.memory_space<vmem>>, vector<16xf32>,
      %swap3A_48 = arith.index_cast %scan3A_38 : i32 to index
      %swap3A_49 = arith.constant 48 : index
      %swap3A_50 = tpu.vector_load %arg13[%swap3A_48, %swap3A_49] {strides = array<i32>} : memref<320x128xf32, #tpu.memory_space<vmem>>, vector<16xf32>,
      tpu.vector_store %arg13[%swap3A_48, %swap3A_49], %broadcast_in_dim3A_5 {strides = array<i32>} : memref<320x128xf32, #tpu.memory_space<vmem>>, vector<16xf32>,
      %swap3A_51 = arith.index_cast %scan3A_38 : i32 to index
      %swap3A_52 = arith.constant 64 : index
      %swap3A_53 = tpu.vector_load %arg13[%swap3A_51, %swap3A_52] {strides = array<i32>} : memref<320x128xf32, #tpu.memory_space<vmem>>, vector<16xf32>,
      tpu.vector_store %arg13[%swap3A_51, %swap3A_52], %broadcast_in_dim3A_5 {strides = array<i32>} : memref<320x128xf32, #tpu.memory_space<vmem>>, vector<16xf32>,
      %swap3A_54 = arith.index_cast %scan3A_38 : i32 to index
      %swap3A_55 = arith.constant 80 : index
      %swap3A_56 = tpu.vector_load %arg13[%swap3A_54, %swap3A_55] {strides = array<i32>} : memref<320x128xf32, #tpu.memory_space<vmem>>, vector<16xf32>,
      tpu.vector_store %arg13[%swap3A_54, %swap3A_55], %broadcast_in_dim3A_5 {strides = array<i32>} : memref<320x128xf32, #tpu.memory_space<vmem>>, vector<16xf32>,
      %swap3A_57 = arith.index_cast %scan3A_38 : i32 to index
      %swap3A_58 = arith.constant 96 : index
      %swap3A_59 = tpu.vector_load %arg13[%swap3A_57, %swap3A_58] {strides = array<i32>} : memref<320x128xf32, #tpu.memory_space<vmem>>, vector<16xf32>,
      tpu.vector_store %arg13[%swap3A_57, %swap3A_58], %broadcast_in_dim3A_5 {strides = array<i32>} : memref<320x128xf32, #tpu.memory_space<vmem>>, vector<16xf32>,
      %swap3A_60 = arith.index_cast %scan3A_38 : i32 to index
      %swap3A_61 = arith.constant 112 : index
      %swap3A_62 = tpu.vector_load %arg13[%swap3A_60, %swap3A_61] {strides = array<i32>} : memref<320x128xf32, #tpu.memory_space<vmem>>, vector<16xf32>,
      tpu.vector_store %arg13[%swap3A_60, %swap3A_61], %broadcast_in_dim3A_5 {strides = array<i32>} : memref<320x128xf32, #tpu.memory_space<vmem>>, vector<16xf32>,
      %scan3A_63 = arith.constant 0 : i32
      scf.yield %scan3A_63 : i32
    }
    %scan3A_13 = arith.constant 320 : i32
    %mul3A_14 = arith.constant 16 : i32
    %mul3A_15 = arith.muli %add3A, %mul3A_14 : i32
    "tpu.region"() ({
      %run_scoped3A = tpu.sem_alloc : memref<!tpu.dma_semaphore, #tpu.memory_space<semaphore_mem>>
      %dma_start3A = tpu.memref_slice %arg6[%mul3A_15] : memref<512xi32, #tpu.memory_space<hbm>> -> memref<16xi32, #tpu.memory_space<hbm>>
      %dma_start3A_38 = tpu.memref_slice %arg6[%mul3A_15] : memref<512xi32, #tpu.memory_space<hbm>> -> memref<16xi32, #tpu.memory_space<hbm>>
      tpu.enqueue_dma source(%dma_start3A_38 : memref<16xi32, #tpu.memory_space<hbm>>) target(%arg12 : memref<16xi32, #tpu.memory_space<vmem>>) target_semaphore(%run_scoped3A : memref<!tpu.dma_semaphore, #tpu.memory_space<semaphore_mem>>)
      %dma_wait3A = tpu.memref_slice %arg6[%mul3A_15] : memref<512xi32, #tpu.memory_space<hbm>> -> memref<16xi32, #tpu.memory_space<hbm>>
      %dma_wait3A_39 = tpu.memref_slice %arg6[%mul3A_15] : memref<512xi32, #tpu.memory_space<hbm>> -> memref<16xi32, #tpu.memory_space<hbm>>
      tpu.wait_dma2 semaphore(%run_scoped3A : memref<!tpu.dma_semaphore, #tpu.memory_space<semaphore_mem>>) src(%dma_wait3A_39 : memref<16xi32, #tpu.memory_space<hbm>>) dst(%arg12 : memref<16xi32, #tpu.memory_space<vmem>>)
      tpu.yield
    }) : () -> ()
    %get3A = arith.constant 0 : index
    %get3A_16 = tpu.vector_load %arg12[%get3A] {strides = array<i32>} : memref<16xi32, #tpu.memory_space<vmem>>, vector<16xi32>,
    %reduce_max3A = arith.constant true
    %reduce_max3A_17 = vector.broadcast %reduce_max3A : i1 to vector<16xi1>
    %reduce_max3A_18 = arith.constant -2147483648 : i32
    %reduce_max3A_19 = vector.broadcast %reduce_max3A_18 : i32 to vector<16xi32>
    %reduce_max3A_20 = arith.xori %get3A_16, %reduce_max3A_19 : vector<16xi32>
    %reduce_max3A_21 = tpu.scan <max>, %reduce_max3A_20 masked %reduce_max3A_17 : vector<16xi32>, vector<16xi1> -> vector<16xi32>
    %reduce_max3A_22 = arith.xori %reduce_max3A_21, %reduce_max3A_19 : vector<16xi32>
    %reduce_max3A_23 = vector.extract %reduce_max3A_22[15] : i32 from vector<16xi32>
    %add3A_24 = arith.constant 255 : i32
    %add3A_25 = arith.addi %reduce_max3A_23, %add3A_24 : i32
    %shift_right_logical3A = arith.constant 8 : i32
    %shift_right_logical3A_26 = arith.shrui %add3A_25, %shift_right_logical3A : i32
    %while3A = arith.constant 0 : i32
    %while3A_27 = arith.constant 0 : i32
    %while3A_28 = arith.subi %shift_right_logical3A_26, %while3A : i32
    %while3A_29 = arith.addi %while3A, %while3A_28 : i32
    %while3A_30 = arith.constant 1 : i32
    %while3A_31 = arith.divsi %while3A_28, %while3A_30 : i32
    %while3A_32 = arith.muli %while3A_31, %while3A_30 : i32
    %while3A_33 = arith.addi %while3A, %while3A_32 : i32
    %while3A_34 = arith.constant 1 : i32
    %while3A_35 = scf.for %while3A_38 = %while3A to %while3A_33 step %while3A_34 iter_args(%while3A_39 = %while3A_27) -> (i32)  : i32 {
      %mul3A_40 = arith.constant 256 : i32
      %mul3A_41 = arith.muli %while3A_38, %mul3A_40 : i32
      %add3A_42 = arith.addi %mul3A_4, %mul3A_41 : i32
      "tpu.region"() ({
        %run_scoped3A = tpu.sem_alloc : memref<!tpu.dma_semaphore, #tpu.memory_space<semaphore_mem>>
        %dma_start3A = tpu.memref_slice %arg3[%add3A_42] : memref<10256384xi32, #tpu.memory_space<hbm>> -> memref<256xi32, #tpu.memory_space<hbm>>
        %dma_start3A_51 = tpu.memref_slice %arg3[%add3A_42] : memref<10256384xi32, #tpu.memory_space<hbm>> -> memref<256xi32, #tpu.memory_space<hbm>>
        tpu.enqueue_dma source(%dma_start3A_51 : memref<256xi32, #tpu.memory_space<hbm>>) target(%arg9 : memref<256xi32, #tpu.memory_space<vmem>>) target_semaphore(%run_scoped3A : memref<!tpu.dma_semaphore, #tpu.memory_space<semaphore_mem>>)
        %dma_wait3A = tpu.memref_slice %arg3[%add3A_42] : memref<10256384xi32, #tpu.memory_space<hbm>> -> memref<256xi32, #tpu.memory_space<hbm>>
        %dma_wait3A_52 = tpu.memref_slice %arg3[%add3A_42] : memref<10256384xi32, #tpu.memory_space<hbm>> -> memref<256xi32, #tpu.memory_space<hbm>>
        tpu.wait_dma2 semaphore(%run_scoped3A : memref<!tpu.dma_semaphore, #tpu.memory_space<semaphore_mem>>) src(%dma_wait3A_52 : memref<256xi32, #tpu.memory_space<hbm>>) dst(%arg9 : memref<256xi32, #tpu.memory_space<vmem>>)
        tpu.yield
      }) : () -> ()
      "tpu.region"() ({
        %run_scoped3A = tpu.sem_alloc : memref<!tpu.dma_semaphore, #tpu.memory_space<semaphore_mem>>
        %dma_start3A = tpu.memref_slice %arg4[%add3A_42] : memref<10256384xi32, #tpu.memory_space<hbm>> -> memref<256xi32, #tpu.memory_space<hbm>>
        %dma_start3A_51 = tpu.memref_slice %arg4[%add3A_42] : memref<10256384xi32, #tpu.memory_space<hbm>> -> memref<256xi32, #tpu.memory_space<hbm>>
        tpu.enqueue_dma source(%dma_start3A_51 : memref<256xi32, #tpu.memory_space<hbm>>) target(%arg10 : memref<256xi32, #tpu.memory_space<vmem>>) target_semaphore(%run_scoped3A : memref<!tpu.dma_semaphore, #tpu.memory_space<semaphore_mem>>)
        %dma_wait3A = tpu.memref_slice %arg4[%add3A_42] : memref<10256384xi32, #tpu.memory_space<hbm>> -> memref<256xi32, #tpu.memory_space<hbm>>
        %dma_wait3A_52 = tpu.memref_slice %arg4[%add3A_42] : memref<10256384xi32, #tpu.memory_space<hbm>> -> memref<256xi32, #tpu.memory_space<hbm>>
        tpu.wait_dma2 semaphore(%run_scoped3A : memref<!tpu.dma_semaphore, #tpu.memory_space<semaphore_mem>>) src(%dma_wait3A_52 : memref<256xi32, #tpu.memory_space<hbm>>) dst(%arg10 : memref<256xi32, #tpu.memory_space<vmem>>)
        tpu.yield
      }) : () -> ()
      "tpu.region"() ({
        %run_scoped3A = tpu.sem_alloc : memref<!tpu.dma_semaphore, #tpu.memory_space<semaphore_mem>>
        %dma_start3A = tpu.memref_slice %arg5[%add3A_42] : memref<10256384xf32, #tpu.memory_space<hbm>> -> memref<256xf32, #tpu.memory_space<hbm>>
        %dma_start3A_51 = tpu.memref_slice %arg5[%add3A_42] : memref<10256384xf32, #tpu.memory_space<hbm>> -> memref<256xf32, #tpu.memory_space<hbm>>
        tpu.enqueue_dma source(%dma_start3A_51 : memref<256xf32, #tpu.memory_space<hbm>>) target(%arg11 : memref<256xf32, #tpu.memory_space<vmem>>) target_semaphore(%run_scoped3A : memref<!tpu.dma_semaphore, #tpu.memory_space<semaphore_mem>>)
        %dma_wait3A = tpu.memref_slice %arg5[%add3A_42] : memref<10256384xf32, #tpu.memory_space<hbm>> -> memref<256xf32, #tpu.memory_space<hbm>>
        %dma_wait3A_52 = tpu.memref_slice %arg5[%add3A_42] : memref<10256384xf32, #tpu.memory_space<hbm>> -> memref<256xf32, #tpu.memory_space<hbm>>
        tpu.wait_dma2 semaphore(%run_scoped3A : memref<!tpu.dma_semaphore, #tpu.memory_space<semaphore_mem>>) src(%dma_wait3A_52 : memref<256xf32, #tpu.memory_space<hbm>>) dst(%arg11 : memref<256xf32, #tpu.memory_space<vmem>>)
        tpu.yield
      }) : () -> ()
      "tpu.region"() ({
        %run_scoped3A = tpu.sem_alloc : memref<!tpu.dma_semaphore, #tpu.memory_space<semaphore_mem>>
        %dma_start3A = arith.constant 0 : i32
        %dma_start3A_51 = arith.constant 0 : i32
        %dma_start3A_52 = tpu.memref_slice %arg2[%dma_start3A, %dma_start3A_51] : memref<10240x128xf32, #tpu.memory_space<hbm>> -> memref<10240x128xf32, #tpu.memory_space<hbm>>
        tpu.enqueue_indirect_dma source(%dma_start3A_52 : memref<10240x128xf32, #tpu.memory_space<hbm>>) target(%arg8 : memref<256x128xf32, #tpu.memory_space<vmem>>) offsets(%arg9 : memref<256xi32, #tpu.memory_space<vmem>>) semaphore(%run_scoped3A : memref<!tpu.dma_semaphore, #tpu.memory_space<semaphore_mem>>)
        %dma_wait3A = arith.constant 0 : i32
        %dma_wait3A_53 = arith.constant 0 : i32
        %dma_wait3A_54 = tpu.memref_slice %arg2[%dma_wait3A, %dma_wait3A_53] : memref<10240x128xf32, #tpu.memory_space<hbm>> -> memref<10240x128xf32, #tpu.memory_space<hbm>>
        tpu.wait_indirect_dma semaphore(%run_scoped3A : memref<!tpu.dma_semaphore, #tpu.memory_space<semaphore_mem>>) src(%dma_wait3A_54 : memref<10240x128xf32, #tpu.memory_space<hbm>>) dst(%arg8 : memref<256x128xf32, #tpu.memory_space<vmem>>)
        tpu.yield
      }) : () -> ()
      %scan3A_43 = arith.constant 0 : i32
      %scan3A_44 = arith.constant 0 : i32
      %scan3A_45 = arith.constant 256 : i32
      %scan3A_46 = arith.addi %scan3A_44, %scan3A_45 : i32
      %scan3A_47 = arith.constant 1 : i32
      %scan3A_48 = scf.for %scan3A_51 = %scan3A_44 to %scan3A_46 step %scan3A_47 iter_args(%scan3A_52 = %scan3A_43) -> (i32)  : i32 {
        %add3A_53 = vector.broadcast %scan3A_51 : i32 to vector<16xi32>
        %add3A_54 = arith.addi %broadcast_in_dim3A_7, %add3A_53 : vector<16xi32>
        %gather3A = tpu.vector_load_idx %arg10[%add3A_54] : memref<256xi32, #tpu.memory_space<vmem>>[vector<16xi32>], vector<16xi32>,
        %add3A_55 = vector.broadcast %scan3A_51 : i32 to vector<16xi32>
        %add3A_56 = arith.addi %broadcast_in_dim3A_7, %add3A_55 : vector<16xi32>
        %gather3A_57 = tpu.vector_load_idx %arg11[%add3A_56] : memref<256xf32, #tpu.memory_space<vmem>>[vector<16xi32>], vector<16xf32>,
        %add3A_58 = arith.constant 0 : i32
        %add3A_59 = vector.broadcast %add3A_58 : i32 to vector<16xi32>
        %add3A_60 = arith.addi %iota3A, %add3A_59 : vector<16xi32>
        %get3A_61 = arith.index_cast %scan3A_51 : i32 to index
        %get3A_62 = arith.constant 0 : index
        %get3A_63 = tpu.vector_load %arg8[%get3A_61, %get3A_62] {strides = array<i32>} : memref<256x128xf32, #tpu.memory_space<vmem>>, vector<16xf32>,
        %mul3A_64 = arith.mulf %get3A_63, %gather3A_57 : vector<16xf32>
        tpu.vector_store_idx %arg13[%gather3A, %add3A_60], %mul3A_64 {add = true} : memref<320x128xf32, #tpu.memory_space<vmem>>[vector<16xi32>, vector<16xi32>], vector<16xf32>,
        %add3A_65 = arith.constant 16 : i32
        %add3A_66 = vector.broadcast %add3A_65 : i32 to vector<16xi32>
        %add3A_67 = arith.addi %iota3A, %add3A_66 : vector<16xi32>
        %get3A_68 = arith.index_cast %scan3A_51 : i32 to index
        %get3A_69 = arith.constant 16 : index
        %get3A_70 = tpu.vector_load %arg8[%get3A_68, %get3A_69] {strides = array<i32>} : memref<256x128xf32, #tpu.memory_space<vmem>>, vector<16xf32>,
        %mul3A_71 = arith.mulf %get3A_70, %gather3A_57 : vector<16xf32>
        tpu.vector_store_idx %arg13[%gather3A, %add3A_67], %mul3A_71 {add = true} : memref<320x128xf32, #tpu.memory_space<vmem>>[vector<16xi32>, vector<16xi32>], vector<16xf32>,
        %add3A_72 = arith.constant 32 : i32
        %add3A_73 = vector.broadcast %add3A_72 : i32 to vector<16xi32>
        %add3A_74 = arith.addi %iota3A, %add3A_73 : vector<16xi32>
        %get3A_75 = arith.index_cast %scan3A_51 : i32 to index
        %get3A_76 = arith.constant 32 : index
        %get3A_77 = tpu.vector_load %arg8[%get3A_75, %get3A_76] {strides = array<i32>} : memref<256x128xf32, #tpu.memory_space<vmem>>, vector<16xf32>,
        %mul3A_78 = arith.mulf %get3A_77, %gather3A_57 : vector<16xf32>
        tpu.vector_store_idx %arg13[%gather3A, %add3A_74], %mul3A_78 {add = true} : memref<320x128xf32, #tpu.memory_space<vmem>>[vector<16xi32>, vector<16xi32>], vector<16xf32>,
        %add3A_79 = arith.constant 48 : i32
        %add3A_80 = vector.broadcast %add3A_79 : i32 to vector<16xi32>
        %add3A_81 = arith.addi %iota3A, %add3A_80 : vector<16xi32>
        %get3A_82 = arith.index_cast %scan3A_51 : i32 to index
        %get3A_83 = arith.constant 48 : index
        %get3A_84 = tpu.vector_load %arg8[%get3A_82, %get3A_83] {strides = array<i32>} : memref<256x128xf32, #tpu.memory_space<vmem>>, vector<16xf32>,
        %mul3A_85 = arith.mulf %get3A_84, %gather3A_57 : vector<16xf32>
        tpu.vector_store_idx %arg13[%gather3A, %add3A_81], %mul3A_85 {add = true} : memref<320x128xf32, #tpu.memory_space<vmem>>[vector<16xi32>, vector<16xi32>], vector<16xf32>,
        %add3A_86 = arith.constant 64 : i32
        %add3A_87 = vector.broadcast %add3A_86 : i32 to vector<16xi32>
        %add3A_88 = arith.addi %iota3A, %add3A_87 : vector<16xi32>
        %get3A_89 = arith.index_cast %scan3A_51 : i32 to index
        %get3A_90 = arith.constant 64 : index
        %get3A_91 = tpu.vector_load %arg8[%get3A_89, %get3A_90] {strides = array<i32>} : memref<256x128xf32, #tpu.memory_space<vmem>>, vector<16xf32>,
        %mul3A_92 = arith.mulf %get3A_91, %gather3A_57 : vector<16xf32>
        tpu.vector_store_idx %arg13[%gather3A, %add3A_88], %mul3A_92 {add = true} : memref<320x128xf32, #tpu.memory_space<vmem>>[vector<16xi32>, vector<16xi32>], vector<16xf32>,
        %add3A_93 = arith.constant 80 : i32
        %add3A_94 = vector.broadcast %add3A_93 : i32 to vector<16xi32>
        %add3A_95 = arith.addi %iota3A, %add3A_94 : vector<16xi32>
        %get3A_96 = arith.index_cast %scan3A_51 : i32 to index
        %get3A_97 = arith.constant 80 : index
        %get3A_98 = tpu.vector_load %arg8[%get3A_96, %get3A_97] {strides = array<i32>} : memref<256x128xf32, #tpu.memory_space<vmem>>, vector<16xf32>,
        %mul3A_99 = arith.mulf %get3A_98, %gather3A_57 : vector<16xf32>
        tpu.vector_store_idx %arg13[%gather3A, %add3A_95], %mul3A_99 {add = true} : memref<320x128xf32, #tpu.memory_space<vmem>>[vector<16xi32>, vector<16xi32>], vector<16xf32>,
        %add3A_100 = arith.constant 96 : i32
        %add3A_101 = vector.broadcast %add3A_100 : i32 to vector<16xi32>
        %add3A_102 = arith.addi %iota3A, %add3A_101 : vector<16xi32>
        %get3A_103 = arith.index_cast %scan3A_51 : i32 to index
        %get3A_104 = arith.constant 96 : index
        %get3A_105 = tpu.vector_load %arg8[%get3A_103, %get3A_104] {strides = array<i32>} : memref<256x128xf32, #tpu.memory_space<vmem>>, vector<16xf32>,
        %mul3A_106 = arith.mulf %get3A_105, %gather3A_57 : vector<16xf32>
        tpu.vector_store_idx %arg13[%gather3A, %add3A_102], %mul3A_106 {add = true} : memref<320x128xf32, #tpu.memory_space<vmem>>[vector<16xi32>, vector<16xi32>], vector<16xf32>,
        %add3A_107 = arith.constant 112 : i32
        %add3A_108 = vector.broadcast %add3A_107 : i32 to vector<16xi32>
        %add3A_109 = arith.addi %iota3A, %add3A_108 : vector<16xi32>
        %get3A_110 = arith.index_cast %scan3A_51 : i32 to index
        %get3A_111 = arith.constant 112 : index
        %get3A_112 = tpu.vector_load %arg8[%get3A_110, %get3A_111] {strides = array<i32>} : memref<256x128xf32, #tpu.memory_space<vmem>>, vector<16xf32>,
        %mul3A_113 = arith.mulf %get3A_112, %gather3A_57 : vector<16xf32>
        tpu.vector_store_idx %arg13[%gather3A, %add3A_109], %mul3A_113 {add = true} : memref<320x128xf32, #tpu.memory_space<vmem>>[vector<16xi32>, vector<16xi32>], vector<16xf32>,
        %scan3A_114 = arith.constant 0 : i32
        scf.yield %scan3A_114 : i32
      }
      %scan3A_49 = arith.constant 256 : i32
      %while3A_50 = arith.constant 0 : i32
      scf.yield %while3A_50 : i32
    }
    %while3A_36 = arith.constant 1 : i32
    %while3A_37 = scf.for %while3A_38 = %while3A_33 to %while3A_29 step %while3A_36 iter_args(%while3A_39 = %while3A_35) -> (i32)  : i32 {
      %mul3A_40 = arith.constant 256 : i32
      %mul3A_41 = arith.muli %while3A_38, %mul3A_40 : i32
      %add3A_42 = arith.addi %mul3A_4, %mul3A_41 : i32
      "tpu.region"() ({
        %run_scoped3A = tpu.sem_alloc : memref<!tpu.dma_semaphore, #tpu.memory_space<semaphore_mem>>
        %dma_start3A = tpu.memref_slice %arg3[%add3A_42] : memref<10256384xi32, #tpu.memory_space<hbm>> -> memref<256xi32, #tpu.memory_space<hbm>>
        %dma_start3A_51 = tpu.memref_slice %arg3[%add3A_42] : memref<10256384xi32, #tpu.memory_space<hbm>> -> memref<256xi32, #tpu.memory_space<hbm>>
        tpu.enqueue_dma source(%dma_start3A_51 : memref<256xi32, #tpu.memory_space<hbm>>) target(%arg9 : memref<256xi32, #tpu.memory_space<vmem>>) target_semaphore(%run_scoped3A : memref<!tpu.dma_semaphore, #tpu.memory_space<semaphore_mem>>)
        %dma_wait3A = tpu.memref_slice %arg3[%add3A_42] : memref<10256384xi32, #tpu.memory_space<hbm>> -> memref<256xi32, #tpu.memory_space<hbm>>
        %dma_wait3A_52 = tpu.memref_slice %arg3[%add3A_42] : memref<10256384xi32, #tpu.memory_space<hbm>> -> memref<256xi32, #tpu.memory_space<hbm>>
        tpu.wait_dma2 semaphore(%run_scoped3A : memref<!tpu.dma_semaphore, #tpu.memory_space<semaphore_mem>>) src(%dma_wait3A_52 : memref<256xi32, #tpu.memory_space<hbm>>) dst(%arg9 : memref<256xi32, #tpu.memory_space<vmem>>)
        tpu.yield
      }) : () -> ()
      "tpu.region"() ({
        %run_scoped3A = tpu.sem_alloc : memref<!tpu.dma_semaphore, #tpu.memory_space<semaphore_mem>>
        %dma_start3A = tpu.memref_slice %arg4[%add3A_42] : memref<10256384xi32, #tpu.memory_space<hbm>> -> memref<256xi32, #tpu.memory_space<hbm>>
        %dma_start3A_51 = tpu.memref_slice %arg4[%add3A_42] : memref<10256384xi32, #tpu.memory_space<hbm>> -> memref<256xi32, #tpu.memory_space<hbm>>
        tpu.enqueue_dma source(%dma_start3A_51 : memref<256xi32, #tpu.memory_space<hbm>>) target(%arg10 : memref<256xi32, #tpu.memory_space<vmem>>) target_semaphore(%run_scoped3A : memref<!tpu.dma_semaphore, #tpu.memory_space<semaphore_mem>>)
        %dma_wait3A = tpu.memref_slice %arg4[%add3A_42] : memref<10256384xi32, #tpu.memory_space<hbm>> -> memref<256xi32, #tpu.memory_space<hbm>>
        %dma_wait3A_52 = tpu.memref_slice %arg4[%add3A_42] : memref<10256384xi32, #tpu.memory_space<hbm>> -> memref<256xi32, #tpu.memory_space<hbm>>
        tpu.wait_dma2 semaphore(%run_scoped3A : memref<!tpu.dma_semaphore, #tpu.memory_space<semaphore_mem>>) src(%dma_wait3A_52 : memref<256xi32, #tpu.memory_space<hbm>>) dst(%arg10 : memref<256xi32, #tpu.memory_space<vmem>>)
        tpu.yield
      }) : () -> ()
      "tpu.region"() ({
        %run_scoped3A = tpu.sem_alloc : memref<!tpu.dma_semaphore, #tpu.memory_space<semaphore_mem>>
        %dma_start3A = tpu.memref_slice %arg5[%add3A_42] : memref<10256384xf32, #tpu.memory_space<hbm>> -> memref<256xf32, #tpu.memory_space<hbm>>
        %dma_start3A_51 = tpu.memref_slice %arg5[%add3A_42] : memref<10256384xf32, #tpu.memory_space<hbm>> -> memref<256xf32, #tpu.memory_space<hbm>>
        tpu.enqueue_dma source(%dma_start3A_51 : memref<256xf32, #tpu.memory_space<hbm>>) target(%arg11 : memref<256xf32, #tpu.memory_space<vmem>>) target_semaphore(%run_scoped3A : memref<!tpu.dma_semaphore, #tpu.memory_space<semaphore_mem>>)
        %dma_wait3A = tpu.memref_slice %arg5[%add3A_42] : memref<10256384xf32, #tpu.memory_space<hbm>> -> memref<256xf32, #tpu.memory_space<hbm>>
        %dma_wait3A_52 = tpu.memref_slice %arg5[%add3A_42] : memref<10256384xf32, #tpu.memory_space<hbm>> -> memref<256xf32, #tpu.memory_space<hbm>>
        tpu.wait_dma2 semaphore(%run_scoped3A : memref<!tpu.dma_semaphore, #tpu.memory_space<semaphore_mem>>) src(%dma_wait3A_52 : memref<256xf32, #tpu.memory_space<hbm>>) dst(%arg11 : memref<256xf32, #tpu.memory_space<vmem>>)
        tpu.yield
      }) : () -> ()
      "tpu.region"() ({
        %run_scoped3A = tpu.sem_alloc : memref<!tpu.dma_semaphore, #tpu.memory_space<semaphore_mem>>
        %dma_start3A = arith.constant 0 : i32
        %dma_start3A_51 = arith.constant 0 : i32
        %dma_start3A_52 = tpu.memref_slice %arg2[%dma_start3A, %dma_start3A_51] : memref<10240x128xf32, #tpu.memory_space<hbm>> -> memref<10240x128xf32, #tpu.memory_space<hbm>>
        tpu.enqueue_indirect_dma source(%dma_start3A_52 : memref<10240x128xf32, #tpu.memory_space<hbm>>) target(%arg8 : memref<256x128xf32, #tpu.memory_space<vmem>>) offsets(%arg9 : memref<256xi32, #tpu.memory_space<vmem>>) semaphore(%run_scoped3A : memref<!tpu.dma_semaphore, #tpu.memory_space<semaphore_mem>>)
        %dma_wait3A = arith.constant 0 : i32
        %dma_wait3A_53 = arith.constant 0 : i32
        %dma_wait3A_54 = tpu.memref_slice %arg2[%dma_wait3A, %dma_wait3A_53] : memref<10240x128xf32, #tpu.memory_space<hbm>> -> memref<10240x128xf32, #tpu.memory_space<hbm>>
        tpu.wait_indirect_dma semaphore(%run_scoped3A : memref<!tpu.dma_semaphore, #tpu.memory_space<semaphore_mem>>) src(%dma_wait3A_54 : memref<10240x128xf32, #tpu.memory_space<hbm>>) dst(%arg8 : memref<256x128xf32, #tpu.memory_space<vmem>>)
        tpu.yield
      }) : () -> ()
      %scan3A_43 = arith.constant 0 : i32
      %scan3A_44 = arith.constant 0 : i32
      %scan3A_45 = arith.constant 256 : i32
      %scan3A_46 = arith.addi %scan3A_44, %scan3A_45 : i32
      %scan3A_47 = arith.constant 1 : i32
      %scan3A_48 = scf.for %scan3A_51 = %scan3A_44 to %scan3A_46 step %scan3A_47 iter_args(%scan3A_52 = %scan3A_43) -> (i32)  : i32 {
        %add3A_53 = vector.broadcast %scan3A_51 : i32 to vector<16xi32>
        %add3A_54 = arith.addi %broadcast_in_dim3A_7, %add3A_53 : vector<16xi32>
        %gather3A = tpu.vector_load_idx %arg10[%add3A_54] : memref<256xi32, #tpu.memory_space<vmem>>[vector<16xi32>], vector<16xi32>,
        %add3A_55 = vector.broadcast %scan3A_51 : i32 to vector<16xi32>
        %add3A_56 = arith.addi %broadcast_in_dim3A_7, %add3A_55 : vector<16xi32>
        %gather3A_57 = tpu.vector_load_idx %arg11[%add3A_56] : memref<256xf32, #tpu.memory_space<vmem>>[vector<16xi32>], vector<16xf32>,
        %add3A_58 = arith.constant 0 : i32
        %add3A_59 = vector.broadcast %add3A_58 : i32 to vector<16xi32>
        %add3A_60 = arith.addi %iota3A, %add3A_59 : vector<16xi32>
        %get3A_61 = arith.index_cast %scan3A_51 : i32 to index
        %get3A_62 = arith.constant 0 : index
        %get3A_63 = tpu.vector_load %arg8[%get3A_61, %get3A_62] {strides = array<i32>} : memref<256x128xf32, #tpu.memory_space<vmem>>, vector<16xf32>,
        %mul3A_64 = arith.mulf %get3A_63, %gather3A_57 : vector<16xf32>
        tpu.vector_store_idx %arg13[%gather3A, %add3A_60], %mul3A_64 {add = true} : memref<320x128xf32, #tpu.memory_space<vmem>>[vector<16xi32>, vector<16xi32>], vector<16xf32>,
        %add3A_65 = arith.constant 16 : i32
        %add3A_66 = vector.broadcast %add3A_65 : i32 to vector<16xi32>
        %add3A_67 = arith.addi %iota3A, %add3A_66 : vector<16xi32>
        %get3A_68 = arith.index_cast %scan3A_51 : i32 to index
        %get3A_69 = arith.constant 16 : index
        %get3A_70 = tpu.vector_load %arg8[%get3A_68, %get3A_69] {strides = array<i32>} : memref<256x128xf32, #tpu.memory_space<vmem>>, vector<16xf32>,
        %mul3A_71 = arith.mulf %get3A_70, %gather3A_57 : vector<16xf32>
        tpu.vector_store_idx %arg13[%gather3A, %add3A_67], %mul3A_71 {add = true} : memref<320x128xf32, #tpu.memory_space<vmem>>[vector<16xi32>, vector<16xi32>], vector<16xf32>,
        %add3A_72 = arith.constant 32 : i32
        %add3A_73 = vector.broadcast %add3A_72 : i32 to vector<16xi32>
        %add3A_74 = arith.addi %iota3A, %add3A_73 : vector<16xi32>
        %get3A_75 = arith.index_cast %scan3A_51 : i32 to index
        %get3A_76 = arith.constant 32 : index
        %get3A_77 = tpu.vector_load %arg8[%get3A_75, %get3A_76] {strides = array<i32>} : memref<256x128xf32, #tpu.memory_space<vmem>>, vector<16xf32>,
        %mul3A_78 = arith.mulf %get3A_77, %gather3A_57 : vector<16xf32>
        tpu.vector_store_idx %arg13[%gather3A, %add3A_74], %mul3A_78 {add = true} : memref<320x128xf32, #tpu.memory_space<vmem>>[vector<16xi32>, vector<16xi32>], vector<16xf32>,
        %add3A_79 = arith.constant 48 : i32
        %add3A_80 = vector.broadcast %add3A_79 : i32 to vector<16xi32>
        %add3A_81 = arith.addi %iota3A, %add3A_80 : vector<16xi32>
        %get3A_82 = arith.index_cast %scan3A_51 : i32 to index
        %get3A_83 = arith.constant 48 : index
        %get3A_84 = tpu.vector_load %arg8[%get3A_82, %get3A_83] {strides = array<i32>} : memref<256x128xf32, #tpu.memory_space<vmem>>, vector<16xf32>,
        %mul3A_85 = arith.mulf %get3A_84, %gather3A_57 : vector<16xf32>
        tpu.vector_store_idx %arg13[%gather3A, %add3A_81], %mul3A_85 {add = true} : memref<320x128xf32, #tpu.memory_space<vmem>>[vector<16xi32>, vector<16xi32>], vector<16xf32>,
        %add3A_86 = arith.constant 64 : i32
        %add3A_87 = vector.broadcast %add3A_86 : i32 to vector<16xi32>
        %add3A_88 = arith.addi %iota3A, %add3A_87 : vector<16xi32>
        %get3A_89 = arith.index_cast %scan3A_51 : i32 to index
        %get3A_90 = arith.constant 64 : index
        %get3A_91 = tpu.vector_load %arg8[%get3A_89, %get3A_90] {strides = array<i32>} : memref<256x128xf32, #tpu.memory_space<vmem>>, vector<16xf32>,
        %mul3A_92 = arith.mulf %get3A_91, %gather3A_57 : vector<16xf32>
        tpu.vector_store_idx %arg13[%gather3A, %add3A_88], %mul3A_92 {add = true} : memref<320x128xf32, #tpu.memory_space<vmem>>[vector<16xi32>, vector<16xi32>], vector<16xf32>,
        %add3A_93 = arith.constant 80 : i32
        %add3A_94 = vector.broadcast %add3A_93 : i32 to vector<16xi32>
        %add3A_95 = arith.addi %iota3A, %add3A_94 : vector<16xi32>
        %get3A_96 = arith.index_cast %scan3A_51 : i32 to index
        %get3A_97 = arith.constant 80 : index
        %get3A_98 = tpu.vector_load %arg8[%get3A_96, %get3A_97] {strides = array<i32>} : memref<256x128xf32, #tpu.memory_space<vmem>>, vector<16xf32>,
        %mul3A_99 = arith.mulf %get3A_98, %gather3A_57 : vector<16xf32>
        tpu.vector_store_idx %arg13[%gather3A, %add3A_95], %mul3A_99 {add = true} : memref<320x128xf32, #tpu.memory_space<vmem>>[vector<16xi32>, vector<16xi32>], vector<16xf32>,
        %add3A_100 = arith.constant 96 : i32
        %add3A_101 = vector.broadcast %add3A_100 : i32 to vector<16xi32>
        %add3A_102 = arith.addi %iota3A, %add3A_101 : vector<16xi32>
        %get3A_103 = arith.index_cast %scan3A_51 : i32 to index
        %get3A_104 = arith.constant 96 : index
        %get3A_105 = tpu.vector_load %arg8[%get3A_103, %get3A_104] {strides = array<i32>} : memref<256x128xf32, #tpu.memory_space<vmem>>, vector<16xf32>,
        %mul3A_106 = arith.mulf %get3A_105, %gather3A_57 : vector<16xf32>
        tpu.vector_store_idx %arg13[%gather3A, %add3A_102], %mul3A_106 {add = true} : memref<320x128xf32, #tpu.memory_space<vmem>>[vector<16xi32>, vector<16xi32>], vector<16xf32>,
        %add3A_107 = arith.constant 112 : i32
        %add3A_108 = vector.broadcast %add3A_107 : i32 to vector<16xi32>
        %add3A_109 = arith.addi %iota3A, %add3A_108 : vector<16xi32>
        %get3A_110 = arith.index_cast %scan3A_51 : i32 to index
        %get3A_111 = arith.constant 112 : index
        %get3A_112 = tpu.vector_load %arg8[%get3A_110, %get3A_111] {strides = array<i32>} : memref<256x128xf32, #tpu.memory_space<vmem>>, vector<16xf32>,
        %mul3A_113 = arith.mulf %get3A_112, %gather3A_57 : vector<16xf32>
        tpu.vector_store_idx %arg13[%gather3A, %add3A_109], %mul3A_113 {add = true} : memref<320x128xf32, #tpu.memory_space<vmem>>[vector<16xi32>, vector<16xi32>], vector<16xf32>,
        %scan3A_114 = arith.constant 0 : i32
        scf.yield %scan3A_114 : i32
      }
      %scan3A_49 = arith.constant 256 : i32
      %while3A_50 = arith.constant 0 : i32
      scf.yield %while3A_50 : i32
    }
    "tpu.region"() ({
      %run_scoped3A = tpu.sem_alloc : memref<!tpu.dma_semaphore, #tpu.memory_space<semaphore_mem>>
      %dma_start3A = arith.constant 0 : i32
      %dma_start3A_38 = tpu.memref_slice %arg7[%mul3A_2, %dma_start3A] : memref<10240x128xf32, #tpu.memory_space<hbm>> -> memref<320x128xf32, #tpu.memory_space<hbm>>
      %dma_start3A_39 = arith.constant 0 : i32
      %dma_start3A_40 = tpu.memref_slice %arg7[%mul3A_2, %dma_start3A_39] : memref<10240x128xf32, #tpu.memory_space<hbm>> -> memref<320x128xf32, #tpu.memory_space<hbm>>
      tpu.enqueue_dma source(%arg13 : memref<320x128xf32, #tpu.memory_space<vmem>>) target(%dma_start3A_40 : memref<320x128xf32, #tpu.memory_space<hbm>>) target_semaphore(%run_scoped3A : memref<!tpu.dma_semaphore, #tpu.memory_space<semaphore_mem>>)
      %dma_wait3A = arith.constant 0 : i32
      %dma_wait3A_41 = tpu.memref_slice %arg7[%mul3A_2, %dma_wait3A] : memref<10240x128xf32, #tpu.memory_space<hbm>> -> memref<320x128xf32, #tpu.memory_space<hbm>>
      %dma_wait3A_42 = arith.constant 0 : i32
      %dma_wait3A_43 = tpu.memref_slice %arg7[%mul3A_2, %dma_wait3A_42] : memref<10240x128xf32, #tpu.memory_space<hbm>> -> memref<320x128xf32, #tpu.memory_space<hbm>>
      tpu.wait_dma2 semaphore(%run_scoped3A : memref<!tpu.dma_semaphore, #tpu.memory_space<semaphore_mem>>) src(%arg13 : memref<320x128xf32, #tpu.memory_space<vmem>>) dst(%dma_wait3A_43 : memref<320x128xf32, #tpu.memory_space<hbm>>)
      tpu.yield
    }) : () -> ()
    return
  }
}

#map = affine_map<(d0, d1) -> (0, 0)>
#map1 = affine_map<(d0, d1) -> (0)>
module attributes {stable_mosaic.version = 14 : i64} {
  func.func @gcn_edge_c256(%arg0: i32, %arg1: i32, %arg2: memref<10240x256xf32, #tpu.memory_space<hbm>>, %arg3: memref<10256384xi32, #tpu.memory_space<hbm>>, %arg4: memref<10256384xi32, #tpu.memory_space<hbm>>, %arg5: memref<10256384xf32, #tpu.memory_space<hbm>>, %arg6: memref<512xi32, #tpu.memory_space<hbm>>, %arg7: memref<10240x256xf32, #tpu.memory_space<hbm>>, %arg8: memref<128x256xf32, #tpu.memory_space<vmem>>, %arg9: memref<128xi32, #tpu.memory_space<vmem>>, %arg10: memref<128xi32, #tpu.memory_space<vmem>>, %arg11: memref<128xf32, #tpu.memory_space<vmem>>, %arg12: memref<16xi32, #tpu.memory_space<vmem>>, %arg13: memref<320x256xf32, #tpu.memory_space<vmem>>) attributes {dimension_semantics = [#tpu.dimension_semantics<core_parallel>, #tpu.dimension_semantics<subcore_parallel>], iteration_bounds = array<i64: 2, 16>, scalar_prefetch = 0 : i64, scratch_operands = 6 : i64, tpu.core_type = #tpu.core_type<sc_vector_subcore>, window_params = [{transform_indices = #map}, {transform_indices = #map1}, {transform_indices = #map1}, {transform_indices = #map1}, {transform_indices = #map1}, {transform_indices = #map}]} {
    %mul3A = arith.constant 16 : i32
    %mul3A_0 = arith.muli %arg0, %mul3A : i32
    %add3A = arith.addi %mul3A_0, %arg1 : i32
    %mul3A_1 = arith.constant 320 : i32
    %mul3A_2 = arith.muli %add3A, %mul3A_1 : i32
    %mul3A_3 = arith.constant 320512 : i32
    %mul3A_4 = arith.muli %add3A, %mul3A_3 : i32
    %broadcast_in_dim3A = arith.constant 0.000000e+00 : f32
    %broadcast_in_dim3A_5 = vector.broadcast %broadcast_in_dim3A : f32 to vector<16xf32>
    %broadcast_in_dim3A_6 = arith.constant 0 : i32
    %broadcast_in_dim3A_7 = vector.broadcast %broadcast_in_dim3A_6 : i32 to vector<16xi32>
    %iota3A = tpu.iota {dimensions = array<i32: 0>} : vector<16xi32>
    %scan3A = arith.constant 0 : i32
    %scan3A_8 = arith.constant 0 : i32
    %scan3A_9 = arith.constant 320 : i32
    %scan3A_10 = arith.addi %scan3A_8, %scan3A_9 : i32
    %scan3A_11 = arith.constant 1 : i32
    %scan3A_12 = scf.for %scan3A_38 = %scan3A_8 to %scan3A_10 step %scan3A_11 iter_args(%scan3A_39 = %scan3A) -> (i32)  : i32 {
      %swap3A = arith.index_cast %scan3A_38 : i32 to index
      %swap3A_40 = arith.constant 0 : index
      %swap3A_41 = tpu.vector_load %arg13[%swap3A, %swap3A_40] {strides = array<i32>} : memref<320x256xf32, #tpu.memory_space<vmem>>, vector<16xf32>,
      tpu.vector_store %arg13[%swap3A, %swap3A_40], %broadcast_in_dim3A_5 {strides = array<i32>} : memref<320x256xf32, #tpu.memory_space<vmem>>, vector<16xf32>,
      %swap3A_42 = arith.index_cast %scan3A_38 : i32 to index
      %swap3A_43 = arith.constant 16 : index
      %swap3A_44 = tpu.vector_load %arg13[%swap3A_42, %swap3A_43] {strides = array<i32>} : memref<320x256xf32, #tpu.memory_space<vmem>>, vector<16xf32>,
      tpu.vector_store %arg13[%swap3A_42, %swap3A_43], %broadcast_in_dim3A_5 {strides = array<i32>} : memref<320x256xf32, #tpu.memory_space<vmem>>, vector<16xf32>,
      %swap3A_45 = arith.index_cast %scan3A_38 : i32 to index
      %swap3A_46 = arith.constant 32 : index
      %swap3A_47 = tpu.vector_load %arg13[%swap3A_45, %swap3A_46] {strides = array<i32>} : memref<320x256xf32, #tpu.memory_space<vmem>>, vector<16xf32>,
      tpu.vector_store %arg13[%swap3A_45, %swap3A_46], %broadcast_in_dim3A_5 {strides = array<i32>} : memref<320x256xf32, #tpu.memory_space<vmem>>, vector<16xf32>,
      %swap3A_48 = arith.index_cast %scan3A_38 : i32 to index
      %swap3A_49 = arith.constant 48 : index
      %swap3A_50 = tpu.vector_load %arg13[%swap3A_48, %swap3A_49] {strides = array<i32>} : memref<320x256xf32, #tpu.memory_space<vmem>>, vector<16xf32>,
      tpu.vector_store %arg13[%swap3A_48, %swap3A_49], %broadcast_in_dim3A_5 {strides = array<i32>} : memref<320x256xf32, #tpu.memory_space<vmem>>, vector<16xf32>,
      %swap3A_51 = arith.index_cast %scan3A_38 : i32 to index
      %swap3A_52 = arith.constant 64 : index
      %swap3A_53 = tpu.vector_load %arg13[%swap3A_51, %swap3A_52] {strides = array<i32>} : memref<320x256xf32, #tpu.memory_space<vmem>>, vector<16xf32>,
      tpu.vector_store %arg13[%swap3A_51, %swap3A_52], %broadcast_in_dim3A_5 {strides = array<i32>} : memref<320x256xf32, #tpu.memory_space<vmem>>, vector<16xf32>,
      %swap3A_54 = arith.index_cast %scan3A_38 : i32 to index
      %swap3A_55 = arith.constant 80 : index
      %swap3A_56 = tpu.vector_load %arg13[%swap3A_54, %swap3A_55] {strides = array<i32>} : memref<320x256xf32, #tpu.memory_space<vmem>>, vector<16xf32>,
      tpu.vector_store %arg13[%swap3A_54, %swap3A_55], %broadcast_in_dim3A_5 {strides = array<i32>} : memref<320x256xf32, #tpu.memory_space<vmem>>, vector<16xf32>,
      %swap3A_57 = arith.index_cast %scan3A_38 : i32 to index
      %swap3A_58 = arith.constant 96 : index
      %swap3A_59 = tpu.vector_load %arg13[%swap3A_57, %swap3A_58] {strides = array<i32>} : memref<320x256xf32, #tpu.memory_space<vmem>>, vector<16xf32>,
      tpu.vector_store %arg13[%swap3A_57, %swap3A_58], %broadcast_in_dim3A_5 {strides = array<i32>} : memref<320x256xf32, #tpu.memory_space<vmem>>, vector<16xf32>,
      %swap3A_60 = arith.index_cast %scan3A_38 : i32 to index
      %swap3A_61 = arith.constant 112 : index
      %swap3A_62 = tpu.vector_load %arg13[%swap3A_60, %swap3A_61] {strides = array<i32>} : memref<320x256xf32, #tpu.memory_space<vmem>>, vector<16xf32>,
      tpu.vector_store %arg13[%swap3A_60, %swap3A_61], %broadcast_in_dim3A_5 {strides = array<i32>} : memref<320x256xf32, #tpu.memory_space<vmem>>, vector<16xf32>,
      %swap3A_63 = arith.index_cast %scan3A_38 : i32 to index
      %swap3A_64 = arith.constant 128 : index
      %swap3A_65 = tpu.vector_load %arg13[%swap3A_63, %swap3A_64] {strides = array<i32>} : memref<320x256xf32, #tpu.memory_space<vmem>>, vector<16xf32>,
      tpu.vector_store %arg13[%swap3A_63, %swap3A_64], %broadcast_in_dim3A_5 {strides = array<i32>} : memref<320x256xf32, #tpu.memory_space<vmem>>, vector<16xf32>,
      %swap3A_66 = arith.index_cast %scan3A_38 : i32 to index
      %swap3A_67 = arith.constant 144 : index
      %swap3A_68 = tpu.vector_load %arg13[%swap3A_66, %swap3A_67] {strides = array<i32>} : memref<320x256xf32, #tpu.memory_space<vmem>>, vector<16xf32>,
      tpu.vector_store %arg13[%swap3A_66, %swap3A_67], %broadcast_in_dim3A_5 {strides = array<i32>} : memref<320x256xf32, #tpu.memory_space<vmem>>, vector<16xf32>,
      %swap3A_69 = arith.index_cast %scan3A_38 : i32 to index
      %swap3A_70 = arith.constant 160 : index
      %swap3A_71 = tpu.vector_load %arg13[%swap3A_69, %swap3A_70] {strides = array<i32>} : memref<320x256xf32, #tpu.memory_space<vmem>>, vector<16xf32>,
      tpu.vector_store %arg13[%swap3A_69, %swap3A_70], %broadcast_in_dim3A_5 {strides = array<i32>} : memref<320x256xf32, #tpu.memory_space<vmem>>, vector<16xf32>,
      %swap3A_72 = arith.index_cast %scan3A_38 : i32 to index
      %swap3A_73 = arith.constant 176 : index
      %swap3A_74 = tpu.vector_load %arg13[%swap3A_72, %swap3A_73] {strides = array<i32>} : memref<320x256xf32, #tpu.memory_space<vmem>>, vector<16xf32>,
      tpu.vector_store %arg13[%swap3A_72, %swap3A_73], %broadcast_in_dim3A_5 {strides = array<i32>} : memref<320x256xf32, #tpu.memory_space<vmem>>, vector<16xf32>,
      %swap3A_75 = arith.index_cast %scan3A_38 : i32 to index
      %swap3A_76 = arith.constant 192 : index
      %swap3A_77 = tpu.vector_load %arg13[%swap3A_75, %swap3A_76] {strides = array<i32>} : memref<320x256xf32, #tpu.memory_space<vmem>>, vector<16xf32>,
      tpu.vector_store %arg13[%swap3A_75, %swap3A_76], %broadcast_in_dim3A_5 {strides = array<i32>} : memref<320x256xf32, #tpu.memory_space<vmem>>, vector<16xf32>,
      %swap3A_78 = arith.index_cast %scan3A_38 : i32 to index
      %swap3A_79 = arith.constant 208 : index
      %swap3A_80 = tpu.vector_load %arg13[%swap3A_78, %swap3A_79] {strides = array<i32>} : memref<320x256xf32, #tpu.memory_space<vmem>>, vector<16xf32>,
      tpu.vector_store %arg13[%swap3A_78, %swap3A_79], %broadcast_in_dim3A_5 {strides = array<i32>} : memref<320x256xf32, #tpu.memory_space<vmem>>, vector<16xf32>,
      %swap3A_81 = arith.index_cast %scan3A_38 : i32 to index
      %swap3A_82 = arith.constant 224 : index
      %swap3A_83 = tpu.vector_load %arg13[%swap3A_81, %swap3A_82] {strides = array<i32>} : memref<320x256xf32, #tpu.memory_space<vmem>>, vector<16xf32>,
      tpu.vector_store %arg13[%swap3A_81, %swap3A_82], %broadcast_in_dim3A_5 {strides = array<i32>} : memref<320x256xf32, #tpu.memory_space<vmem>>, vector<16xf32>,
      %swap3A_84 = arith.index_cast %scan3A_38 : i32 to index
      %swap3A_85 = arith.constant 240 : index
      %swap3A_86 = tpu.vector_load %arg13[%swap3A_84, %swap3A_85] {strides = array<i32>} : memref<320x256xf32, #tpu.memory_space<vmem>>, vector<16xf32>,
      tpu.vector_store %arg13[%swap3A_84, %swap3A_85], %broadcast_in_dim3A_5 {strides = array<i32>} : memref<320x256xf32, #tpu.memory_space<vmem>>, vector<16xf32>,
      %scan3A_87 = arith.constant 0 : i32
      scf.yield %scan3A_87 : i32
    }
    %scan3A_13 = arith.constant 320 : i32
    %mul3A_14 = arith.constant 16 : i32
    %mul3A_15 = arith.muli %add3A, %mul3A_14 : i32
    "tpu.region"() ({
      %run_scoped3A = tpu.sem_alloc : memref<!tpu.dma_semaphore, #tpu.memory_space<semaphore_mem>>
      %dma_start3A = tpu.memref_slice %arg6[%mul3A_15] : memref<512xi32, #tpu.memory_space<hbm>> -> memref<16xi32, #tpu.memory_space<hbm>>
      %dma_start3A_38 = tpu.memref_slice %arg6[%mul3A_15] : memref<512xi32, #tpu.memory_space<hbm>> -> memref<16xi32, #tpu.memory_space<hbm>>
      tpu.enqueue_dma source(%dma_start3A_38 : memref<16xi32, #tpu.memory_space<hbm>>) target(%arg12 : memref<16xi32, #tpu.memory_space<vmem>>) target_semaphore(%run_scoped3A : memref<!tpu.dma_semaphore, #tpu.memory_space<semaphore_mem>>)
      %dma_wait3A = tpu.memref_slice %arg6[%mul3A_15] : memref<512xi32, #tpu.memory_space<hbm>> -> memref<16xi32, #tpu.memory_space<hbm>>
      %dma_wait3A_39 = tpu.memref_slice %arg6[%mul3A_15] : memref<512xi32, #tpu.memory_space<hbm>> -> memref<16xi32, #tpu.memory_space<hbm>>
      tpu.wait_dma2 semaphore(%run_scoped3A : memref<!tpu.dma_semaphore, #tpu.memory_space<semaphore_mem>>) src(%dma_wait3A_39 : memref<16xi32, #tpu.memory_space<hbm>>) dst(%arg12 : memref<16xi32, #tpu.memory_space<vmem>>)
      tpu.yield
    }) : () -> ()
    %get3A = arith.constant 0 : index
    %get3A_16 = tpu.vector_load %arg12[%get3A] {strides = array<i32>} : memref<16xi32, #tpu.memory_space<vmem>>, vector<16xi32>,
    %reduce_max3A = arith.constant true
    %reduce_max3A_17 = vector.broadcast %reduce_max3A : i1 to vector<16xi1>
    %reduce_max3A_18 = arith.constant -2147483648 : i32
    %reduce_max3A_19 = vector.broadcast %reduce_max3A_18 : i32 to vector<16xi32>
    %reduce_max3A_20 = arith.xori %get3A_16, %reduce_max3A_19 : vector<16xi32>
    %reduce_max3A_21 = tpu.scan <max>, %reduce_max3A_20 masked %reduce_max3A_17 : vector<16xi32>, vector<16xi1> -> vector<16xi32>
    %reduce_max3A_22 = arith.xori %reduce_max3A_21, %reduce_max3A_19 : vector<16xi32>
    %reduce_max3A_23 = vector.extract %reduce_max3A_22[15] : i32 from vector<16xi32>
    %add3A_24 = arith.constant 127 : i32
    %add3A_25 = arith.addi %reduce_max3A_23, %add3A_24 : i32
    %shift_right_logical3A = arith.constant 7 : i32
    %shift_right_logical3A_26 = arith.shrui %add3A_25, %shift_right_logical3A : i32
    %while3A = arith.constant 0 : i32
    %while3A_27 = arith.constant 0 : i32
    %while3A_28 = arith.subi %shift_right_logical3A_26, %while3A : i32
    %while3A_29 = arith.addi %while3A, %while3A_28 : i32
    %while3A_30 = arith.constant 1 : i32
    %while3A_31 = arith.divsi %while3A_28, %while3A_30 : i32
    %while3A_32 = arith.muli %while3A_31, %while3A_30 : i32
    %while3A_33 = arith.addi %while3A, %while3A_32 : i32
    %while3A_34 = arith.constant 1 : i32
    %while3A_35 = scf.for %while3A_38 = %while3A to %while3A_33 step %while3A_34 iter_args(%while3A_39 = %while3A_27) -> (i32)  : i32 {
      %mul3A_40 = arith.constant 128 : i32
      %mul3A_41 = arith.muli %while3A_38, %mul3A_40 : i32
      %add3A_42 = arith.addi %mul3A_4, %mul3A_41 : i32
      "tpu.region"() ({
        %run_scoped3A = tpu.sem_alloc : memref<!tpu.dma_semaphore, #tpu.memory_space<semaphore_mem>>
        %dma_start3A = tpu.memref_slice %arg3[%add3A_42] : memref<10256384xi32, #tpu.memory_space<hbm>> -> memref<128xi32, #tpu.memory_space<hbm>>
        %dma_start3A_51 = tpu.memref_slice %arg3[%add3A_42] : memref<10256384xi32, #tpu.memory_space<hbm>> -> memref<128xi32, #tpu.memory_space<hbm>>
        tpu.enqueue_dma source(%dma_start3A_51 : memref<128xi32, #tpu.memory_space<hbm>>) target(%arg9 : memref<128xi32, #tpu.memory_space<vmem>>) target_semaphore(%run_scoped3A : memref<!tpu.dma_semaphore, #tpu.memory_space<semaphore_mem>>)
        %dma_wait3A = tpu.memref_slice %arg3[%add3A_42] : memref<10256384xi32, #tpu.memory_space<hbm>> -> memref<128xi32, #tpu.memory_space<hbm>>
        %dma_wait3A_52 = tpu.memref_slice %arg3[%add3A_42] : memref<10256384xi32, #tpu.memory_space<hbm>> -> memref<128xi32, #tpu.memory_space<hbm>>
        tpu.wait_dma2 semaphore(%run_scoped3A : memref<!tpu.dma_semaphore, #tpu.memory_space<semaphore_mem>>) src(%dma_wait3A_52 : memref<128xi32, #tpu.memory_space<hbm>>) dst(%arg9 : memref<128xi32, #tpu.memory_space<vmem>>)
        tpu.yield
      }) : () -> ()
      "tpu.region"() ({
        %run_scoped3A = tpu.sem_alloc : memref<!tpu.dma_semaphore, #tpu.memory_space<semaphore_mem>>
        %dma_start3A = tpu.memref_slice %arg4[%add3A_42] : memref<10256384xi32, #tpu.memory_space<hbm>> -> memref<128xi32, #tpu.memory_space<hbm>>
        %dma_start3A_51 = tpu.memref_slice %arg4[%add3A_42] : memref<10256384xi32, #tpu.memory_space<hbm>> -> memref<128xi32, #tpu.memory_space<hbm>>
        tpu.enqueue_dma source(%dma_start3A_51 : memref<128xi32, #tpu.memory_space<hbm>>) target(%arg10 : memref<128xi32, #tpu.memory_space<vmem>>) target_semaphore(%run_scoped3A : memref<!tpu.dma_semaphore, #tpu.memory_space<semaphore_mem>>)
        %dma_wait3A = tpu.memref_slice %arg4[%add3A_42] : memref<10256384xi32, #tpu.memory_space<hbm>> -> memref<128xi32, #tpu.memory_space<hbm>>
        %dma_wait3A_52 = tpu.memref_slice %arg4[%add3A_42] : memref<10256384xi32, #tpu.memory_space<hbm>> -> memref<128xi32, #tpu.memory_space<hbm>>
        tpu.wait_dma2 semaphore(%run_scoped3A : memref<!tpu.dma_semaphore, #tpu.memory_space<semaphore_mem>>) src(%dma_wait3A_52 : memref<128xi32, #tpu.memory_space<hbm>>) dst(%arg10 : memref<128xi32, #tpu.memory_space<vmem>>)
        tpu.yield
      }) : () -> ()
      "tpu.region"() ({
        %run_scoped3A = tpu.sem_alloc : memref<!tpu.dma_semaphore, #tpu.memory_space<semaphore_mem>>
        %dma_start3A = tpu.memref_slice %arg5[%add3A_42] : memref<10256384xf32, #tpu.memory_space<hbm>> -> memref<128xf32, #tpu.memory_space<hbm>>
        %dma_start3A_51 = tpu.memref_slice %arg5[%add3A_42] : memref<10256384xf32, #tpu.memory_space<hbm>> -> memref<128xf32, #tpu.memory_space<hbm>>
        tpu.enqueue_dma source(%dma_start3A_51 : memref<128xf32, #tpu.memory_space<hbm>>) target(%arg11 : memref<128xf32, #tpu.memory_space<vmem>>) target_semaphore(%run_scoped3A : memref<!tpu.dma_semaphore, #tpu.memory_space<semaphore_mem>>)
        %dma_wait3A = tpu.memref_slice %arg5[%add3A_42] : memref<10256384xf32, #tpu.memory_space<hbm>> -> memref<128xf32, #tpu.memory_space<hbm>>
        %dma_wait3A_52 = tpu.memref_slice %arg5[%add3A_42] : memref<10256384xf32, #tpu.memory_space<hbm>> -> memref<128xf32, #tpu.memory_space<hbm>>
        tpu.wait_dma2 semaphore(%run_scoped3A : memref<!tpu.dma_semaphore, #tpu.memory_space<semaphore_mem>>) src(%dma_wait3A_52 : memref<128xf32, #tpu.memory_space<hbm>>) dst(%arg11 : memref<128xf32, #tpu.memory_space<vmem>>)
        tpu.yield
      }) : () -> ()
      "tpu.region"() ({
        %run_scoped3A = tpu.sem_alloc : memref<!tpu.dma_semaphore, #tpu.memory_space<semaphore_mem>>
        %dma_start3A = arith.constant 0 : i32
        %dma_start3A_51 = arith.constant 0 : i32
        %dma_start3A_52 = tpu.memref_slice %arg2[%dma_start3A, %dma_start3A_51] : memref<10240x256xf32, #tpu.memory_space<hbm>> -> memref<10240x256xf32, #tpu.memory_space<hbm>>
        tpu.enqueue_indirect_dma source(%dma_start3A_52 : memref<10240x256xf32, #tpu.memory_space<hbm>>) target(%arg8 : memref<128x256xf32, #tpu.memory_space<vmem>>) offsets(%arg9 : memref<128xi32, #tpu.memory_space<vmem>>) semaphore(%run_scoped3A : memref<!tpu.dma_semaphore, #tpu.memory_space<semaphore_mem>>)
        %dma_wait3A = arith.constant 0 : i32
        %dma_wait3A_53 = arith.constant 0 : i32
        %dma_wait3A_54 = tpu.memref_slice %arg2[%dma_wait3A, %dma_wait3A_53] : memref<10240x256xf32, #tpu.memory_space<hbm>> -> memref<10240x256xf32, #tpu.memory_space<hbm>>
        tpu.wait_indirect_dma semaphore(%run_scoped3A : memref<!tpu.dma_semaphore, #tpu.memory_space<semaphore_mem>>) src(%dma_wait3A_54 : memref<10240x256xf32, #tpu.memory_space<hbm>>) dst(%arg8 : memref<128x256xf32, #tpu.memory_space<vmem>>)
        tpu.yield
      }) : () -> ()
      %scan3A_43 = arith.constant 0 : i32
      %scan3A_44 = arith.constant 0 : i32
      %scan3A_45 = arith.constant 128 : i32
      %scan3A_46 = arith.addi %scan3A_44, %scan3A_45 : i32
      %scan3A_47 = arith.constant 1 : i32
      %scan3A_48 = scf.for %scan3A_51 = %scan3A_44 to %scan3A_46 step %scan3A_47 iter_args(%scan3A_52 = %scan3A_43) -> (i32)  : i32 {
        %add3A_53 = vector.broadcast %scan3A_51 : i32 to vector<16xi32>
        %add3A_54 = arith.addi %broadcast_in_dim3A_7, %add3A_53 : vector<16xi32>
        %gather3A = tpu.vector_load_idx %arg10[%add3A_54] : memref<128xi32, #tpu.memory_space<vmem>>[vector<16xi32>], vector<16xi32>,
        %add3A_55 = vector.broadcast %scan3A_51 : i32 to vector<16xi32>
        %add3A_56 = arith.addi %broadcast_in_dim3A_7, %add3A_55 : vector<16xi32>
        %gather3A_57 = tpu.vector_load_idx %arg11[%add3A_56] : memref<128xf32, #tpu.memory_space<vmem>>[vector<16xi32>], vector<16xf32>,
        %add3A_58 = arith.constant 0 : i32
        %add3A_59 = vector.broadcast %add3A_58 : i32 to vector<16xi32>
        %add3A_60 = arith.addi %iota3A, %add3A_59 : vector<16xi32>
        %get3A_61 = arith.index_cast %scan3A_51 : i32 to index
        %get3A_62 = arith.constant 0 : index
        %get3A_63 = tpu.vector_load %arg8[%get3A_61, %get3A_62] {strides = array<i32>} : memref<128x256xf32, #tpu.memory_space<vmem>>, vector<16xf32>,
        %mul3A_64 = arith.mulf %get3A_63, %gather3A_57 : vector<16xf32>
        tpu.vector_store_idx %arg13[%gather3A, %add3A_60], %mul3A_64 {add = true} : memref<320x256xf32, #tpu.memory_space<vmem>>[vector<16xi32>, vector<16xi32>], vector<16xf32>,
        %add3A_65 = arith.constant 16 : i32
        %add3A_66 = vector.broadcast %add3A_65 : i32 to vector<16xi32>
        %add3A_67 = arith.addi %iota3A, %add3A_66 : vector<16xi32>
        %get3A_68 = arith.index_cast %scan3A_51 : i32 to index
        %get3A_69 = arith.constant 16 : index
        %get3A_70 = tpu.vector_load %arg8[%get3A_68, %get3A_69] {strides = array<i32>} : memref<128x256xf32, #tpu.memory_space<vmem>>, vector<16xf32>,
        %mul3A_71 = arith.mulf %get3A_70, %gather3A_57 : vector<16xf32>
        tpu.vector_store_idx %arg13[%gather3A, %add3A_67], %mul3A_71 {add = true} : memref<320x256xf32, #tpu.memory_space<vmem>>[vector<16xi32>, vector<16xi32>], vector<16xf32>,
        %add3A_72 = arith.constant 32 : i32
        %add3A_73 = vector.broadcast %add3A_72 : i32 to vector<16xi32>
        %add3A_74 = arith.addi %iota3A, %add3A_73 : vector<16xi32>
        %get3A_75 = arith.index_cast %scan3A_51 : i32 to index
        %get3A_76 = arith.constant 32 : index
        %get3A_77 = tpu.vector_load %arg8[%get3A_75, %get3A_76] {strides = array<i32>} : memref<128x256xf32, #tpu.memory_space<vmem>>, vector<16xf32>,
        %mul3A_78 = arith.mulf %get3A_77, %gather3A_57 : vector<16xf32>
        tpu.vector_store_idx %arg13[%gather3A, %add3A_74], %mul3A_78 {add = true} : memref<320x256xf32, #tpu.memory_space<vmem>>[vector<16xi32>, vector<16xi32>], vector<16xf32>,
        %add3A_79 = arith.constant 48 : i32
        %add3A_80 = vector.broadcast %add3A_79 : i32 to vector<16xi32>
        %add3A_81 = arith.addi %iota3A, %add3A_80 : vector<16xi32>
        %get3A_82 = arith.index_cast %scan3A_51 : i32 to index
        %get3A_83 = arith.constant 48 : index
        %get3A_84 = tpu.vector_load %arg8[%get3A_82, %get3A_83] {strides = array<i32>} : memref<128x256xf32, #tpu.memory_space<vmem>>, vector<16xf32>,
        %mul3A_85 = arith.mulf %get3A_84, %gather3A_57 : vector<16xf32>
        tpu.vector_store_idx %arg13[%gather3A, %add3A_81], %mul3A_85 {add = true} : memref<320x256xf32, #tpu.memory_space<vmem>>[vector<16xi32>, vector<16xi32>], vector<16xf32>,
        %add3A_86 = arith.constant 64 : i32
        %add3A_87 = vector.broadcast %add3A_86 : i32 to vector<16xi32>
        %add3A_88 = arith.addi %iota3A, %add3A_87 : vector<16xi32>
        %get3A_89 = arith.index_cast %scan3A_51 : i32 to index
        %get3A_90 = arith.constant 64 : index
        %get3A_91 = tpu.vector_load %arg8[%get3A_89, %get3A_90] {strides = array<i32>} : memref<128x256xf32, #tpu.memory_space<vmem>>, vector<16xf32>,
        %mul3A_92 = arith.mulf %get3A_91, %gather3A_57 : vector<16xf32>
        tpu.vector_store_idx %arg13[%gather3A, %add3A_88], %mul3A_92 {add = true} : memref<320x256xf32, #tpu.memory_space<vmem>>[vector<16xi32>, vector<16xi32>], vector<16xf32>,
        %add3A_93 = arith.constant 80 : i32
        %add3A_94 = vector.broadcast %add3A_93 : i32 to vector<16xi32>
        %add3A_95 = arith.addi %iota3A, %add3A_94 : vector<16xi32>
        %get3A_96 = arith.index_cast %scan3A_51 : i32 to index
        %get3A_97 = arith.constant 80 : index
        %get3A_98 = tpu.vector_load %arg8[%get3A_96, %get3A_97] {strides = array<i32>} : memref<128x256xf32, #tpu.memory_space<vmem>>, vector<16xf32>,
        %mul3A_99 = arith.mulf %get3A_98, %gather3A_57 : vector<16xf32>
        tpu.vector_store_idx %arg13[%gather3A, %add3A_95], %mul3A_99 {add = true} : memref<320x256xf32, #tpu.memory_space<vmem>>[vector<16xi32>, vector<16xi32>], vector<16xf32>,
        %add3A_100 = arith.constant 96 : i32
        %add3A_101 = vector.broadcast %add3A_100 : i32 to vector<16xi32>
        %add3A_102 = arith.addi %iota3A, %add3A_101 : vector<16xi32>
        %get3A_103 = arith.index_cast %scan3A_51 : i32 to index
        %get3A_104 = arith.constant 96 : index
        %get3A_105 = tpu.vector_load %arg8[%get3A_103, %get3A_104] {strides = array<i32>} : memref<128x256xf32, #tpu.memory_space<vmem>>, vector<16xf32>,
        %mul3A_106 = arith.mulf %get3A_105, %gather3A_57 : vector<16xf32>
        tpu.vector_store_idx %arg13[%gather3A, %add3A_102], %mul3A_106 {add = true} : memref<320x256xf32, #tpu.memory_space<vmem>>[vector<16xi32>, vector<16xi32>], vector<16xf32>,
        %add3A_107 = arith.constant 112 : i32
        %add3A_108 = vector.broadcast %add3A_107 : i32 to vector<16xi32>
        %add3A_109 = arith.addi %iota3A, %add3A_108 : vector<16xi32>
        %get3A_110 = arith.index_cast %scan3A_51 : i32 to index
        %get3A_111 = arith.constant 112 : index
        %get3A_112 = tpu.vector_load %arg8[%get3A_110, %get3A_111] {strides = array<i32>} : memref<128x256xf32, #tpu.memory_space<vmem>>, vector<16xf32>,
        %mul3A_113 = arith.mulf %get3A_112, %gather3A_57 : vector<16xf32>
        tpu.vector_store_idx %arg13[%gather3A, %add3A_109], %mul3A_113 {add = true} : memref<320x256xf32, #tpu.memory_space<vmem>>[vector<16xi32>, vector<16xi32>], vector<16xf32>,
        %add3A_114 = arith.constant 128 : i32
        %add3A_115 = vector.broadcast %add3A_114 : i32 to vector<16xi32>
        %add3A_116 = arith.addi %iota3A, %add3A_115 : vector<16xi32>
        %get3A_117 = arith.index_cast %scan3A_51 : i32 to index
        %get3A_118 = arith.constant 128 : index
        %get3A_119 = tpu.vector_load %arg8[%get3A_117, %get3A_118] {strides = array<i32>} : memref<128x256xf32, #tpu.memory_space<vmem>>, vector<16xf32>,
        %mul3A_120 = arith.mulf %get3A_119, %gather3A_57 : vector<16xf32>
        tpu.vector_store_idx %arg13[%gather3A, %add3A_116], %mul3A_120 {add = true} : memref<320x256xf32, #tpu.memory_space<vmem>>[vector<16xi32>, vector<16xi32>], vector<16xf32>,
        %add3A_121 = arith.constant 144 : i32
        %add3A_122 = vector.broadcast %add3A_121 : i32 to vector<16xi32>
        %add3A_123 = arith.addi %iota3A, %add3A_122 : vector<16xi32>
        %get3A_124 = arith.index_cast %scan3A_51 : i32 to index
        %get3A_125 = arith.constant 144 : index
        %get3A_126 = tpu.vector_load %arg8[%get3A_124, %get3A_125] {strides = array<i32>} : memref<128x256xf32, #tpu.memory_space<vmem>>, vector<16xf32>,
        %mul3A_127 = arith.mulf %get3A_126, %gather3A_57 : vector<16xf32>
        tpu.vector_store_idx %arg13[%gather3A, %add3A_123], %mul3A_127 {add = true} : memref<320x256xf32, #tpu.memory_space<vmem>>[vector<16xi32>, vector<16xi32>], vector<16xf32>,
        %add3A_128 = arith.constant 160 : i32
        %add3A_129 = vector.broadcast %add3A_128 : i32 to vector<16xi32>
        %add3A_130 = arith.addi %iota3A, %add3A_129 : vector<16xi32>
        %get3A_131 = arith.index_cast %scan3A_51 : i32 to index
        %get3A_132 = arith.constant 160 : index
        %get3A_133 = tpu.vector_load %arg8[%get3A_131, %get3A_132] {strides = array<i32>} : memref<128x256xf32, #tpu.memory_space<vmem>>, vector<16xf32>,
        %mul3A_134 = arith.mulf %get3A_133, %gather3A_57 : vector<16xf32>
        tpu.vector_store_idx %arg13[%gather3A, %add3A_130], %mul3A_134 {add = true} : memref<320x256xf32, #tpu.memory_space<vmem>>[vector<16xi32>, vector<16xi32>], vector<16xf32>,
        %add3A_135 = arith.constant 176 : i32
        %add3A_136 = vector.broadcast %add3A_135 : i32 to vector<16xi32>
        %add3A_137 = arith.addi %iota3A, %add3A_136 : vector<16xi32>
        %get3A_138 = arith.index_cast %scan3A_51 : i32 to index
        %get3A_139 = arith.constant 176 : index
        %get3A_140 = tpu.vector_load %arg8[%get3A_138, %get3A_139] {strides = array<i32>} : memref<128x256xf32, #tpu.memory_space<vmem>>, vector<16xf32>,
        %mul3A_141 = arith.mulf %get3A_140, %gather3A_57 : vector<16xf32>
        tpu.vector_store_idx %arg13[%gather3A, %add3A_137], %mul3A_141 {add = true} : memref<320x256xf32, #tpu.memory_space<vmem>>[vector<16xi32>, vector<16xi32>], vector<16xf32>,
        %add3A_142 = arith.constant 192 : i32
        %add3A_143 = vector.broadcast %add3A_142 : i32 to vector<16xi32>
        %add3A_144 = arith.addi %iota3A, %add3A_143 : vector<16xi32>
        %get3A_145 = arith.index_cast %scan3A_51 : i32 to index
        %get3A_146 = arith.constant 192 : index
        %get3A_147 = tpu.vector_load %arg8[%get3A_145, %get3A_146] {strides = array<i32>} : memref<128x256xf32, #tpu.memory_space<vmem>>, vector<16xf32>,
        %mul3A_148 = arith.mulf %get3A_147, %gather3A_57 : vector<16xf32>
        tpu.vector_store_idx %arg13[%gather3A, %add3A_144], %mul3A_148 {add = true} : memref<320x256xf32, #tpu.memory_space<vmem>>[vector<16xi32>, vector<16xi32>], vector<16xf32>,
        %add3A_149 = arith.constant 208 : i32
        %add3A_150 = vector.broadcast %add3A_149 : i32 to vector<16xi32>
        %add3A_151 = arith.addi %iota3A, %add3A_150 : vector<16xi32>
        %get3A_152 = arith.index_cast %scan3A_51 : i32 to index
        %get3A_153 = arith.constant 208 : index
        %get3A_154 = tpu.vector_load %arg8[%get3A_152, %get3A_153] {strides = array<i32>} : memref<128x256xf32, #tpu.memory_space<vmem>>, vector<16xf32>,
        %mul3A_155 = arith.mulf %get3A_154, %gather3A_57 : vector<16xf32>
        tpu.vector_store_idx %arg13[%gather3A, %add3A_151], %mul3A_155 {add = true} : memref<320x256xf32, #tpu.memory_space<vmem>>[vector<16xi32>, vector<16xi32>], vector<16xf32>,
        %add3A_156 = arith.constant 224 : i32
        %add3A_157 = vector.broadcast %add3A_156 : i32 to vector<16xi32>
        %add3A_158 = arith.addi %iota3A, %add3A_157 : vector<16xi32>
        %get3A_159 = arith.index_cast %scan3A_51 : i32 to index
        %get3A_160 = arith.constant 224 : index
        %get3A_161 = tpu.vector_load %arg8[%get3A_159, %get3A_160] {strides = array<i32>} : memref<128x256xf32, #tpu.memory_space<vmem>>, vector<16xf32>,
        %mul3A_162 = arith.mulf %get3A_161, %gather3A_57 : vector<16xf32>
        tpu.vector_store_idx %arg13[%gather3A, %add3A_158], %mul3A_162 {add = true} : memref<320x256xf32, #tpu.memory_space<vmem>>[vector<16xi32>, vector<16xi32>], vector<16xf32>,
        %add3A_163 = arith.constant 240 : i32
        %add3A_164 = vector.broadcast %add3A_163 : i32 to vector<16xi32>
        %add3A_165 = arith.addi %iota3A, %add3A_164 : vector<16xi32>
        %get3A_166 = arith.index_cast %scan3A_51 : i32 to index
        %get3A_167 = arith.constant 240 : index
        %get3A_168 = tpu.vector_load %arg8[%get3A_166, %get3A_167] {strides = array<i32>} : memref<128x256xf32, #tpu.memory_space<vmem>>, vector<16xf32>,
        %mul3A_169 = arith.mulf %get3A_168, %gather3A_57 : vector<16xf32>
        tpu.vector_store_idx %arg13[%gather3A, %add3A_165], %mul3A_169 {add = true} : memref<320x256xf32, #tpu.memory_space<vmem>>[vector<16xi32>, vector<16xi32>], vector<16xf32>,
        %scan3A_170 = arith.constant 0 : i32
        scf.yield %scan3A_170 : i32
      }
      %scan3A_49 = arith.constant 128 : i32
      %while3A_50 = arith.constant 0 : i32
      scf.yield %while3A_50 : i32
    }
    %while3A_36 = arith.constant 1 : i32
    %while3A_37 = scf.for %while3A_38 = %while3A_33 to %while3A_29 step %while3A_36 iter_args(%while3A_39 = %while3A_35) -> (i32)  : i32 {
      %mul3A_40 = arith.constant 128 : i32
      %mul3A_41 = arith.muli %while3A_38, %mul3A_40 : i32
      %add3A_42 = arith.addi %mul3A_4, %mul3A_41 : i32
      "tpu.region"() ({
        %run_scoped3A = tpu.sem_alloc : memref<!tpu.dma_semaphore, #tpu.memory_space<semaphore_mem>>
        %dma_start3A = tpu.memref_slice %arg3[%add3A_42] : memref<10256384xi32, #tpu.memory_space<hbm>> -> memref<128xi32, #tpu.memory_space<hbm>>
        %dma_start3A_51 = tpu.memref_slice %arg3[%add3A_42] : memref<10256384xi32, #tpu.memory_space<hbm>> -> memref<128xi32, #tpu.memory_space<hbm>>
        tpu.enqueue_dma source(%dma_start3A_51 : memref<128xi32, #tpu.memory_space<hbm>>) target(%arg9 : memref<128xi32, #tpu.memory_space<vmem>>) target_semaphore(%run_scoped3A : memref<!tpu.dma_semaphore, #tpu.memory_space<semaphore_mem>>)
        %dma_wait3A = tpu.memref_slice %arg3[%add3A_42] : memref<10256384xi32, #tpu.memory_space<hbm>> -> memref<128xi32, #tpu.memory_space<hbm>>
        %dma_wait3A_52 = tpu.memref_slice %arg3[%add3A_42] : memref<10256384xi32, #tpu.memory_space<hbm>> -> memref<128xi32, #tpu.memory_space<hbm>>
        tpu.wait_dma2 semaphore(%run_scoped3A : memref<!tpu.dma_semaphore, #tpu.memory_space<semaphore_mem>>) src(%dma_wait3A_52 : memref<128xi32, #tpu.memory_space<hbm>>) dst(%arg9 : memref<128xi32, #tpu.memory_space<vmem>>)
        tpu.yield
      }) : () -> ()
      "tpu.region"() ({
        %run_scoped3A = tpu.sem_alloc : memref<!tpu.dma_semaphore, #tpu.memory_space<semaphore_mem>>
        %dma_start3A = tpu.memref_slice %arg4[%add3A_42] : memref<10256384xi32, #tpu.memory_space<hbm>> -> memref<128xi32, #tpu.memory_space<hbm>>
        %dma_start3A_51 = tpu.memref_slice %arg4[%add3A_42] : memref<10256384xi32, #tpu.memory_space<hbm>> -> memref<128xi32, #tpu.memory_space<hbm>>
        tpu.enqueue_dma source(%dma_start3A_51 : memref<128xi32, #tpu.memory_space<hbm>>) target(%arg10 : memref<128xi32, #tpu.memory_space<vmem>>) target_semaphore(%run_scoped3A : memref<!tpu.dma_semaphore, #tpu.memory_space<semaphore_mem>>)
        %dma_wait3A = tpu.memref_slice %arg4[%add3A_42] : memref<10256384xi32, #tpu.memory_space<hbm>> -> memref<128xi32, #tpu.memory_space<hbm>>
        %dma_wait3A_52 = tpu.memref_slice %arg4[%add3A_42] : memref<10256384xi32, #tpu.memory_space<hbm>> -> memref<128xi32, #tpu.memory_space<hbm>>
        tpu.wait_dma2 semaphore(%run_scoped3A : memref<!tpu.dma_semaphore, #tpu.memory_space<semaphore_mem>>) src(%dma_wait3A_52 : memref<128xi32, #tpu.memory_space<hbm>>) dst(%arg10 : memref<128xi32, #tpu.memory_space<vmem>>)
        tpu.yield
      }) : () -> ()
      "tpu.region"() ({
        %run_scoped3A = tpu.sem_alloc : memref<!tpu.dma_semaphore, #tpu.memory_space<semaphore_mem>>
        %dma_start3A = tpu.memref_slice %arg5[%add3A_42] : memref<10256384xf32, #tpu.memory_space<hbm>> -> memref<128xf32, #tpu.memory_space<hbm>>
        %dma_start3A_51 = tpu.memref_slice %arg5[%add3A_42] : memref<10256384xf32, #tpu.memory_space<hbm>> -> memref<128xf32, #tpu.memory_space<hbm>>
        tpu.enqueue_dma source(%dma_start3A_51 : memref<128xf32, #tpu.memory_space<hbm>>) target(%arg11 : memref<128xf32, #tpu.memory_space<vmem>>) target_semaphore(%run_scoped3A : memref<!tpu.dma_semaphore, #tpu.memory_space<semaphore_mem>>)
        %dma_wait3A = tpu.memref_slice %arg5[%add3A_42] : memref<10256384xf32, #tpu.memory_space<hbm>> -> memref<128xf32, #tpu.memory_space<hbm>>
        %dma_wait3A_52 = tpu.memref_slice %arg5[%add3A_42] : memref<10256384xf32, #tpu.memory_space<hbm>> -> memref<128xf32, #tpu.memory_space<hbm>>
        tpu.wait_dma2 semaphore(%run_scoped3A : memref<!tpu.dma_semaphore, #tpu.memory_space<semaphore_mem>>) src(%dma_wait3A_52 : memref<128xf32, #tpu.memory_space<hbm>>) dst(%arg11 : memref<128xf32, #tpu.memory_space<vmem>>)
        tpu.yield
      }) : () -> ()
      "tpu.region"() ({
        %run_scoped3A = tpu.sem_alloc : memref<!tpu.dma_semaphore, #tpu.memory_space<semaphore_mem>>
        %dma_start3A = arith.constant 0 : i32
        %dma_start3A_51 = arith.constant 0 : i32
        %dma_start3A_52 = tpu.memref_slice %arg2[%dma_start3A, %dma_start3A_51] : memref<10240x256xf32, #tpu.memory_space<hbm>> -> memref<10240x256xf32, #tpu.memory_space<hbm>>
        tpu.enqueue_indirect_dma source(%dma_start3A_52 : memref<10240x256xf32, #tpu.memory_space<hbm>>) target(%arg8 : memref<128x256xf32, #tpu.memory_space<vmem>>) offsets(%arg9 : memref<128xi32, #tpu.memory_space<vmem>>) semaphore(%run_scoped3A : memref<!tpu.dma_semaphore, #tpu.memory_space<semaphore_mem>>)
        %dma_wait3A = arith.constant 0 : i32
        %dma_wait3A_53 = arith.constant 0 : i32
        %dma_wait3A_54 = tpu.memref_slice %arg2[%dma_wait3A, %dma_wait3A_53] : memref<10240x256xf32, #tpu.memory_space<hbm>> -> memref<10240x256xf32, #tpu.memory_space<hbm>>
        tpu.wait_indirect_dma semaphore(%run_scoped3A : memref<!tpu.dma_semaphore, #tpu.memory_space<semaphore_mem>>) src(%dma_wait3A_54 : memref<10240x256xf32, #tpu.memory_space<hbm>>) dst(%arg8 : memref<128x256xf32, #tpu.memory_space<vmem>>)
        tpu.yield
      }) : () -> ()
      %scan3A_43 = arith.constant 0 : i32
      %scan3A_44 = arith.constant 0 : i32
      %scan3A_45 = arith.constant 128 : i32
      %scan3A_46 = arith.addi %scan3A_44, %scan3A_45 : i32
      %scan3A_47 = arith.constant 1 : i32
      %scan3A_48 = scf.for %scan3A_51 = %scan3A_44 to %scan3A_46 step %scan3A_47 iter_args(%scan3A_52 = %scan3A_43) -> (i32)  : i32 {
        %add3A_53 = vector.broadcast %scan3A_51 : i32 to vector<16xi32>
        %add3A_54 = arith.addi %broadcast_in_dim3A_7, %add3A_53 : vector<16xi32>
        %gather3A = tpu.vector_load_idx %arg10[%add3A_54] : memref<128xi32, #tpu.memory_space<vmem>>[vector<16xi32>], vector<16xi32>,
        %add3A_55 = vector.broadcast %scan3A_51 : i32 to vector<16xi32>
        %add3A_56 = arith.addi %broadcast_in_dim3A_7, %add3A_55 : vector<16xi32>
        %gather3A_57 = tpu.vector_load_idx %arg11[%add3A_56] : memref<128xf32, #tpu.memory_space<vmem>>[vector<16xi32>], vector<16xf32>,
        %add3A_58 = arith.constant 0 : i32
        %add3A_59 = vector.broadcast %add3A_58 : i32 to vector<16xi32>
        %add3A_60 = arith.addi %iota3A, %add3A_59 : vector<16xi32>
        %get3A_61 = arith.index_cast %scan3A_51 : i32 to index
        %get3A_62 = arith.constant 0 : index
        %get3A_63 = tpu.vector_load %arg8[%get3A_61, %get3A_62] {strides = array<i32>} : memref<128x256xf32, #tpu.memory_space<vmem>>, vector<16xf32>,
        %mul3A_64 = arith.mulf %get3A_63, %gather3A_57 : vector<16xf32>
        tpu.vector_store_idx %arg13[%gather3A, %add3A_60], %mul3A_64 {add = true} : memref<320x256xf32, #tpu.memory_space<vmem>>[vector<16xi32>, vector<16xi32>], vector<16xf32>,
        %add3A_65 = arith.constant 16 : i32
        %add3A_66 = vector.broadcast %add3A_65 : i32 to vector<16xi32>
        %add3A_67 = arith.addi %iota3A, %add3A_66 : vector<16xi32>
        %get3A_68 = arith.index_cast %scan3A_51 : i32 to index
        %get3A_69 = arith.constant 16 : index
        %get3A_70 = tpu.vector_load %arg8[%get3A_68, %get3A_69] {strides = array<i32>} : memref<128x256xf32, #tpu.memory_space<vmem>>, vector<16xf32>,
        %mul3A_71 = arith.mulf %get3A_70, %gather3A_57 : vector<16xf32>
        tpu.vector_store_idx %arg13[%gather3A, %add3A_67], %mul3A_71 {add = true} : memref<320x256xf32, #tpu.memory_space<vmem>>[vector<16xi32>, vector<16xi32>], vector<16xf32>,
        %add3A_72 = arith.constant 32 : i32
        %add3A_73 = vector.broadcast %add3A_72 : i32 to vector<16xi32>
        %add3A_74 = arith.addi %iota3A, %add3A_73 : vector<16xi32>
        %get3A_75 = arith.index_cast %scan3A_51 : i32 to index
        %get3A_76 = arith.constant 32 : index
        %get3A_77 = tpu.vector_load %arg8[%get3A_75, %get3A_76] {strides = array<i32>} : memref<128x256xf32, #tpu.memory_space<vmem>>, vector<16xf32>,
        %mul3A_78 = arith.mulf %get3A_77, %gather3A_57 : vector<16xf32>
        tpu.vector_store_idx %arg13[%gather3A, %add3A_74], %mul3A_78 {add = true} : memref<320x256xf32, #tpu.memory_space<vmem>>[vector<16xi32>, vector<16xi32>], vector<16xf32>,
        %add3A_79 = arith.constant 48 : i32
        %add3A_80 = vector.broadcast %add3A_79 : i32 to vector<16xi32>
        %add3A_81 = arith.addi %iota3A, %add3A_80 : vector<16xi32>
        %get3A_82 = arith.index_cast %scan3A_51 : i32 to index
        %get3A_83 = arith.constant 48 : index
        %get3A_84 = tpu.vector_load %arg8[%get3A_82, %get3A_83] {strides = array<i32>} : memref<128x256xf32, #tpu.memory_space<vmem>>, vector<16xf32>,
        %mul3A_85 = arith.mulf %get3A_84, %gather3A_57 : vector<16xf32>
        tpu.vector_store_idx %arg13[%gather3A, %add3A_81], %mul3A_85 {add = true} : memref<320x256xf32, #tpu.memory_space<vmem>>[vector<16xi32>, vector<16xi32>], vector<16xf32>,
        %add3A_86 = arith.constant 64 : i32
        %add3A_87 = vector.broadcast %add3A_86 : i32 to vector<16xi32>
        %add3A_88 = arith.addi %iota3A, %add3A_87 : vector<16xi32>
        %get3A_89 = arith.index_cast %scan3A_51 : i32 to index
        %get3A_90 = arith.constant 64 : index
        %get3A_91 = tpu.vector_load %arg8[%get3A_89, %get3A_90] {strides = array<i32>} : memref<128x256xf32, #tpu.memory_space<vmem>>, vector<16xf32>,
        %mul3A_92 = arith.mulf %get3A_91, %gather3A_57 : vector<16xf32>
        tpu.vector_store_idx %arg13[%gather3A, %add3A_88], %mul3A_92 {add = true} : memref<320x256xf32, #tpu.memory_space<vmem>>[vector<16xi32>, vector<16xi32>], vector<16xf32>,
        %add3A_93 = arith.constant 80 : i32
        %add3A_94 = vector.broadcast %add3A_93 : i32 to vector<16xi32>
        %add3A_95 = arith.addi %iota3A, %add3A_94 : vector<16xi32>
        %get3A_96 = arith.index_cast %scan3A_51 : i32 to index
        %get3A_97 = arith.constant 80 : index
        %get3A_98 = tpu.vector_load %arg8[%get3A_96, %get3A_97] {strides = array<i32>} : memref<128x256xf32, #tpu.memory_space<vmem>>, vector<16xf32>,
        %mul3A_99 = arith.mulf %get3A_98, %gather3A_57 : vector<16xf32>
        tpu.vector_store_idx %arg13[%gather3A, %add3A_95], %mul3A_99 {add = true} : memref<320x256xf32, #tpu.memory_space<vmem>>[vector<16xi32>, vector<16xi32>], vector<16xf32>,
        %add3A_100 = arith.constant 96 : i32
        %add3A_101 = vector.broadcast %add3A_100 : i32 to vector<16xi32>
        %add3A_102 = arith.addi %iota3A, %add3A_101 : vector<16xi32>
        %get3A_103 = arith.index_cast %scan3A_51 : i32 to index
        %get3A_104 = arith.constant 96 : index
        %get3A_105 = tpu.vector_load %arg8[%get3A_103, %get3A_104] {strides = array<i32>} : memref<128x256xf32, #tpu.memory_space<vmem>>, vector<16xf32>,
        %mul3A_106 = arith.mulf %get3A_105, %gather3A_57 : vector<16xf32>
        tpu.vector_store_idx %arg13[%gather3A, %add3A_102], %mul3A_106 {add = true} : memref<320x256xf32, #tpu.memory_space<vmem>>[vector<16xi32>, vector<16xi32>], vector<16xf32>,
        %add3A_107 = arith.constant 112 : i32
        %add3A_108 = vector.broadcast %add3A_107 : i32 to vector<16xi32>
        %add3A_109 = arith.addi %iota3A, %add3A_108 : vector<16xi32>
        %get3A_110 = arith.index_cast %scan3A_51 : i32 to index
        %get3A_111 = arith.constant 112 : index
        %get3A_112 = tpu.vector_load %arg8[%get3A_110, %get3A_111] {strides = array<i32>} : memref<128x256xf32, #tpu.memory_space<vmem>>, vector<16xf32>,
        %mul3A_113 = arith.mulf %get3A_112, %gather3A_57 : vector<16xf32>
        tpu.vector_store_idx %arg13[%gather3A, %add3A_109], %mul3A_113 {add = true} : memref<320x256xf32, #tpu.memory_space<vmem>>[vector<16xi32>, vector<16xi32>], vector<16xf32>,
        %add3A_114 = arith.constant 128 : i32
        %add3A_115 = vector.broadcast %add3A_114 : i32 to vector<16xi32>
        %add3A_116 = arith.addi %iota3A, %add3A_115 : vector<16xi32>
        %get3A_117 = arith.index_cast %scan3A_51 : i32 to index
        %get3A_118 = arith.constant 128 : index
        %get3A_119 = tpu.vector_load %arg8[%get3A_117, %get3A_118] {strides = array<i32>} : memref<128x256xf32, #tpu.memory_space<vmem>>, vector<16xf32>,
        %mul3A_120 = arith.mulf %get3A_119, %gather3A_57 : vector<16xf32>
        tpu.vector_store_idx %arg13[%gather3A, %add3A_116], %mul3A_120 {add = true} : memref<320x256xf32, #tpu.memory_space<vmem>>[vector<16xi32>, vector<16xi32>], vector<16xf32>,
        %add3A_121 = arith.constant 144 : i32
        %add3A_122 = vector.broadcast %add3A_121 : i32 to vector<16xi32>
        %add3A_123 = arith.addi %iota3A, %add3A_122 : vector<16xi32>
        %get3A_124 = arith.index_cast %scan3A_51 : i32 to index
        %get3A_125 = arith.constant 144 : index
        %get3A_126 = tpu.vector_load %arg8[%get3A_124, %get3A_125] {strides = array<i32>} : memref<128x256xf32, #tpu.memory_space<vmem>>, vector<16xf32>,
        %mul3A_127 = arith.mulf %get3A_126, %gather3A_57 : vector<16xf32>
        tpu.vector_store_idx %arg13[%gather3A, %add3A_123], %mul3A_127 {add = true} : memref<320x256xf32, #tpu.memory_space<vmem>>[vector<16xi32>, vector<16xi32>], vector<16xf32>,
        %add3A_128 = arith.constant 160 : i32
        %add3A_129 = vector.broadcast %add3A_128 : i32 to vector<16xi32>
        %add3A_130 = arith.addi %iota3A, %add3A_129 : vector<16xi32>
        %get3A_131 = arith.index_cast %scan3A_51 : i32 to index
        %get3A_132 = arith.constant 160 : index
        %get3A_133 = tpu.vector_load %arg8[%get3A_131, %get3A_132] {strides = array<i32>} : memref<128x256xf32, #tpu.memory_space<vmem>>, vector<16xf32>,
        %mul3A_134 = arith.mulf %get3A_133, %gather3A_57 : vector<16xf32>
        tpu.vector_store_idx %arg13[%gather3A, %add3A_130], %mul3A_134 {add = true} : memref<320x256xf32, #tpu.memory_space<vmem>>[vector<16xi32>, vector<16xi32>], vector<16xf32>,
        %add3A_135 = arith.constant 176 : i32
        %add3A_136 = vector.broadcast %add3A_135 : i32 to vector<16xi32>
        %add3A_137 = arith.addi %iota3A, %add3A_136 : vector<16xi32>
        %get3A_138 = arith.index_cast %scan3A_51 : i32 to index
        %get3A_139 = arith.constant 176 : index
        %get3A_140 = tpu.vector_load %arg8[%get3A_138, %get3A_139] {strides = array<i32>} : memref<128x256xf32, #tpu.memory_space<vmem>>, vector<16xf32>,
        %mul3A_141 = arith.mulf %get3A_140, %gather3A_57 : vector<16xf32>
        tpu.vector_store_idx %arg13[%gather3A, %add3A_137], %mul3A_141 {add = true} : memref<320x256xf32, #tpu.memory_space<vmem>>[vector<16xi32>, vector<16xi32>], vector<16xf32>,
        %add3A_142 = arith.constant 192 : i32
        %add3A_143 = vector.broadcast %add3A_142 : i32 to vector<16xi32>
        %add3A_144 = arith.addi %iota3A, %add3A_143 : vector<16xi32>
        %get3A_145 = arith.index_cast %scan3A_51 : i32 to index
        %get3A_146 = arith.constant 192 : index
        %get3A_147 = tpu.vector_load %arg8[%get3A_145, %get3A_146] {strides = array<i32>} : memref<128x256xf32, #tpu.memory_space<vmem>>, vector<16xf32>,
        %mul3A_148 = arith.mulf %get3A_147, %gather3A_57 : vector<16xf32>
        tpu.vector_store_idx %arg13[%gather3A, %add3A_144], %mul3A_148 {add = true} : memref<320x256xf32, #tpu.memory_space<vmem>>[vector<16xi32>, vector<16xi32>], vector<16xf32>,
        %add3A_149 = arith.constant 208 : i32
        %add3A_150 = vector.broadcast %add3A_149 : i32 to vector<16xi32>
        %add3A_151 = arith.addi %iota3A, %add3A_150 : vector<16xi32>
        %get3A_152 = arith.index_cast %scan3A_51 : i32 to index
        %get3A_153 = arith.constant 208 : index
        %get3A_154 = tpu.vector_load %arg8[%get3A_152, %get3A_153] {strides = array<i32>} : memref<128x256xf32, #tpu.memory_space<vmem>>, vector<16xf32>,
        %mul3A_155 = arith.mulf %get3A_154, %gather3A_57 : vector<16xf32>
        tpu.vector_store_idx %arg13[%gather3A, %add3A_151], %mul3A_155 {add = true} : memref<320x256xf32, #tpu.memory_space<vmem>>[vector<16xi32>, vector<16xi32>], vector<16xf32>,
        %add3A_156 = arith.constant 224 : i32
        %add3A_157 = vector.broadcast %add3A_156 : i32 to vector<16xi32>
        %add3A_158 = arith.addi %iota3A, %add3A_157 : vector<16xi32>
        %get3A_159 = arith.index_cast %scan3A_51 : i32 to index
        %get3A_160 = arith.constant 224 : index
        %get3A_161 = tpu.vector_load %arg8[%get3A_159, %get3A_160] {strides = array<i32>} : memref<128x256xf32, #tpu.memory_space<vmem>>, vector<16xf32>,
        %mul3A_162 = arith.mulf %get3A_161, %gather3A_57 : vector<16xf32>
        tpu.vector_store_idx %arg13[%gather3A, %add3A_158], %mul3A_162 {add = true} : memref<320x256xf32, #tpu.memory_space<vmem>>[vector<16xi32>, vector<16xi32>], vector<16xf32>,
        %add3A_163 = arith.constant 240 : i32
        %add3A_164 = vector.broadcast %add3A_163 : i32 to vector<16xi32>
        %add3A_165 = arith.addi %iota3A, %add3A_164 : vector<16xi32>
        %get3A_166 = arith.index_cast %scan3A_51 : i32 to index
        %get3A_167 = arith.constant 240 : index
        %get3A_168 = tpu.vector_load %arg8[%get3A_166, %get3A_167] {strides = array<i32>} : memref<128x256xf32, #tpu.memory_space<vmem>>, vector<16xf32>,
        %mul3A_169 = arith.mulf %get3A_168, %gather3A_57 : vector<16xf32>
        tpu.vector_store_idx %arg13[%gather3A, %add3A_165], %mul3A_169 {add = true} : memref<320x256xf32, #tpu.memory_space<vmem>>[vector<16xi32>, vector<16xi32>], vector<16xf32>,
        %scan3A_170 = arith.constant 0 : i32
        scf.yield %scan3A_170 : i32
      }
      %scan3A_49 = arith.constant 128 : i32
      %while3A_50 = arith.constant 0 : i32
      scf.yield %while3A_50 : i32
    }
    "tpu.region"() ({
      %run_scoped3A = tpu.sem_alloc : memref<!tpu.dma_semaphore, #tpu.memory_space<semaphore_mem>>
      %dma_start3A = arith.constant 0 : i32
      %dma_start3A_38 = tpu.memref_slice %arg7[%mul3A_2, %dma_start3A] : memref<10240x256xf32, #tpu.memory_space<hbm>> -> memref<320x256xf32, #tpu.memory_space<hbm>>
      %dma_start3A_39 = arith.constant 0 : i32
      %dma_start3A_40 = tpu.memref_slice %arg7[%mul3A_2, %dma_start3A_39] : memref<10240x256xf32, #tpu.memory_space<hbm>> -> memref<320x256xf32, #tpu.memory_space<hbm>>
      tpu.enqueue_dma source(%arg13 : memref<320x256xf32, #tpu.memory_space<vmem>>) target(%dma_start3A_40 : memref<320x256xf32, #tpu.memory_space<hbm>>) target_semaphore(%run_scoped3A : memref<!tpu.dma_semaphore, #tpu.memory_space<semaphore_mem>>)
      %dma_wait3A = arith.constant 0 : i32
      %dma_wait3A_41 = tpu.memref_slice %arg7[%mul3A_2, %dma_wait3A] : memref<10240x256xf32, #tpu.memory_space<hbm>> -> memref<320x256xf32, #tpu.memory_space<hbm>>
      %dma_wait3A_42 = arith.constant 0 : i32
      %dma_wait3A_43 = tpu.memref_slice %arg7[%mul3A_2, %dma_wait3A_42] : memref<10240x256xf32, #tpu.memory_space<hbm>> -> memref<320x256xf32, #tpu.memory_space<hbm>>
      tpu.wait_dma2 semaphore(%run_scoped3A : memref<!tpu.dma_semaphore, #tpu.memory_space<semaphore_mem>>) src(%arg13 : memref<320x256xf32, #tpu.memory_space<vmem>>) dst(%dma_wait3A_43 : memref<320x256xf32, #tpu.memory_space<hbm>>)
      tpu.yield
    }) : () -> ()
    return
  }
}

#map = affine_map<(d0, d1) -> (0)>
#map1 = affine_map<(d0, d1) -> (0, 0)>
module attributes {stable_mosaic.version = 14 : i64} {
  func.func @gcn_prep(%arg0: i32, %arg1: i32, %arg2: memref<320000xi32, #tpu.memory_space<hbm>>, %arg3: memref<320000xi32, #tpu.memory_space<hbm>>, %arg4: memref<320000xf32, #tpu.memory_space<hbm>>, %arg5: memref<10240x16xf32, #tpu.memory_space<hbm>>, %arg6: memref<10256384xi32, #tpu.memory_space<hbm>>, %arg7: memref<10256384xi32, #tpu.memory_space<hbm>>, %arg8: memref<10256384xf32, #tpu.memory_space<hbm>>, %arg9: memref<512xi32, #tpu.memory_space<hbm>>, %arg10: memref<8000xi32, #tpu.memory_space<vmem>>, %arg11: memref<8000xi32, #tpu.memory_space<vmem>>, %arg12: memref<8000xf32, #tpu.memory_space<vmem>>, %arg13: memref<9024xi32, #tpu.memory_space<vmem>>, %arg14: memref<9024xi32, #tpu.memory_space<vmem>>, %arg15: memref<9024xf32, #tpu.memory_space<vmem>>, %arg16: memref<320x16xf32, #tpu.memory_space<vmem>>, %arg17: memref<16xi32, #tpu.memory_space<vmem>>) attributes {dimension_semantics = [#tpu.dimension_semantics<core_parallel>, #tpu.dimension_semantics<subcore_parallel>], iteration_bounds = array<i64: 2, 16>, scalar_prefetch = 0 : i64, scratch_operands = 8 : i64, tpu.core_type = #tpu.core_type<sc_vector_subcore>, window_params = [{transform_indices = #map}, {transform_indices = #map}, {transform_indices = #map}, {transform_indices = #map1}, {transform_indices = #map}, {transform_indices = #map}, {transform_indices = #map}, {transform_indices = #map}]} {
    %mul3A = arith.constant 16 : i32
    %mul3A_0 = arith.muli %arg0, %mul3A : i32
    %add3A = arith.addi %mul3A_0, %arg1 : i32
    %mul3A_1 = arith.constant 320 : i32
    %mul3A_2 = arith.muli %add3A, %mul3A_1 : i32
    %mul3A_3 = arith.constant 320512 : i32
    %mul3A_4 = arith.muli %add3A, %mul3A_3 : i32
    %broadcast_in_dim3A = arith.constant 0.000000e+00 : f32
    %broadcast_in_dim3A_5 = vector.broadcast %broadcast_in_dim3A : f32 to vector<16xf32>
    %broadcast_in_dim3A_6 = arith.constant 0 : i32
    %broadcast_in_dim3A_7 = vector.broadcast %broadcast_in_dim3A_6 : i32 to vector<16xi32>
    %iota3A = tpu.iota {dimensions = array<i32: 0>} : vector<16xi32>
    %scan3A = arith.constant 0 : i32
    %scan3A_8 = arith.constant 0 : i32
    %scan3A_9 = arith.constant 320 : i32
    %scan3A_10 = arith.addi %scan3A_8, %scan3A_9 : i32
    %scan3A_11 = arith.constant 1 : i32
    %scan3A_12 = scf.for %scan3A_861 = %scan3A_8 to %scan3A_10 step %scan3A_11 iter_args(%scan3A_862 = %scan3A) -> (i32)  : i32 {
      %swap3A_863 = arith.index_cast %scan3A_861 : i32 to index
      %swap3A_864 = arith.constant 0 : index
      %swap3A_865 = tpu.vector_load %arg16[%swap3A_863, %swap3A_864] {strides = array<i32>} : memref<320x16xf32, #tpu.memory_space<vmem>>, vector<16xf32>,
      tpu.vector_store %arg16[%swap3A_863, %swap3A_864], %broadcast_in_dim3A_5 {strides = array<i32>} : memref<320x16xf32, #tpu.memory_space<vmem>>, vector<16xf32>,
      %scan3A_866 = arith.constant 0 : i32
      scf.yield %scan3A_866 : i32
    }
    %scan3A_13 = arith.constant 320 : i32
    %scan3A_14 = arith.constant 0 : i32
    %scan3A_15 = arith.constant 0 : i32
    %scan3A_16 = arith.constant 0 : i32
    %scan3A_17 = arith.constant 40 : i32
    %scan3A_18 = arith.addi %scan3A_16, %scan3A_17 : i32
    %scan3A_19 = arith.constant 1 : i32
    %scan3A_20:2 = scf.for %scan3A_861 = %scan3A_16 to %scan3A_18 step %scan3A_19 iter_args(%scan3A_862 = %scan3A_14, %scan3A_863 = %scan3A_15) -> (i32, i32)  : i32 {
      %mul3A_864 = arith.constant 8000 : i32
      %mul3A_865 = arith.muli %scan3A_861, %mul3A_864 : i32
      "tpu.region"() ({
        %run_scoped3A = tpu.sem_alloc : memref<!tpu.dma_semaphore, #tpu.memory_space<semaphore_mem>>
        %dma_start3A = tpu.memref_slice %arg2[%mul3A_865] : memref<320000xi32, #tpu.memory_space<hbm>> -> memref<8000xi32, #tpu.memory_space<hbm>>
        %dma_start3A_1335 = tpu.memref_slice %arg2[%mul3A_865] : memref<320000xi32, #tpu.memory_space<hbm>> -> memref<8000xi32, #tpu.memory_space<hbm>>
        tpu.enqueue_dma source(%dma_start3A_1335 : memref<8000xi32, #tpu.memory_space<hbm>>) target(%arg10 : memref<8000xi32, #tpu.memory_space<vmem>>) target_semaphore(%run_scoped3A : memref<!tpu.dma_semaphore, #tpu.memory_space<semaphore_mem>>)
        %dma_wait3A = tpu.memref_slice %arg2[%mul3A_865] : memref<320000xi32, #tpu.memory_space<hbm>> -> memref<8000xi32, #tpu.memory_space<hbm>>
        %dma_wait3A_1336 = tpu.memref_slice %arg2[%mul3A_865] : memref<320000xi32, #tpu.memory_space<hbm>> -> memref<8000xi32, #tpu.memory_space<hbm>>
        tpu.wait_dma2 semaphore(%run_scoped3A : memref<!tpu.dma_semaphore, #tpu.memory_space<semaphore_mem>>) src(%dma_wait3A_1336 : memref<8000xi32, #tpu.memory_space<hbm>>) dst(%arg10 : memref<8000xi32, #tpu.memory_space<vmem>>)
        tpu.yield
      }) : () -> ()
      "tpu.region"() ({
        %run_scoped3A = tpu.sem_alloc : memref<!tpu.dma_semaphore, #tpu.memory_space<semaphore_mem>>
        %dma_start3A = tpu.memref_slice %arg3[%mul3A_865] : memref<320000xi32, #tpu.memory_space<hbm>> -> memref<8000xi32, #tpu.memory_space<hbm>>
        %dma_start3A_1335 = tpu.memref_slice %arg3[%mul3A_865] : memref<320000xi32, #tpu.memory_space<hbm>> -> memref<8000xi32, #tpu.memory_space<hbm>>
        tpu.enqueue_dma source(%dma_start3A_1335 : memref<8000xi32, #tpu.memory_space<hbm>>) target(%arg11 : memref<8000xi32, #tpu.memory_space<vmem>>) target_semaphore(%run_scoped3A : memref<!tpu.dma_semaphore, #tpu.memory_space<semaphore_mem>>)
        %dma_wait3A = tpu.memref_slice %arg3[%mul3A_865] : memref<320000xi32, #tpu.memory_space<hbm>> -> memref<8000xi32, #tpu.memory_space<hbm>>
        %dma_wait3A_1336 = tpu.memref_slice %arg3[%mul3A_865] : memref<320000xi32, #tpu.memory_space<hbm>> -> memref<8000xi32, #tpu.memory_space<hbm>>
        tpu.wait_dma2 semaphore(%run_scoped3A : memref<!tpu.dma_semaphore, #tpu.memory_space<semaphore_mem>>) src(%dma_wait3A_1336 : memref<8000xi32, #tpu.memory_space<hbm>>) dst(%arg11 : memref<8000xi32, #tpu.memory_space<vmem>>)
        tpu.yield
      }) : () -> ()
      "tpu.region"() ({
        %run_scoped3A = tpu.sem_alloc : memref<!tpu.dma_semaphore, #tpu.memory_space<semaphore_mem>>
        %dma_start3A = tpu.memref_slice %arg4[%mul3A_865] : memref<320000xf32, #tpu.memory_space<hbm>> -> memref<8000xf32, #tpu.memory_space<hbm>>
        %dma_start3A_1335 = tpu.memref_slice %arg4[%mul3A_865] : memref<320000xf32, #tpu.memory_space<hbm>> -> memref<8000xf32, #tpu.memory_space<hbm>>
        tpu.enqueue_dma source(%dma_start3A_1335 : memref<8000xf32, #tpu.memory_space<hbm>>) target(%arg12 : memref<8000xf32, #tpu.memory_space<vmem>>) target_semaphore(%run_scoped3A : memref<!tpu.dma_semaphore, #tpu.memory_space<semaphore_mem>>)
        %dma_wait3A = tpu.memref_slice %arg4[%mul3A_865] : memref<320000xf32, #tpu.memory_space<hbm>> -> memref<8000xf32, #tpu.memory_space<hbm>>
        %dma_wait3A_1336 = tpu.memref_slice %arg4[%mul3A_865] : memref<320000xf32, #tpu.memory_space<hbm>> -> memref<8000xf32, #tpu.memory_space<hbm>>
        tpu.wait_dma2 semaphore(%run_scoped3A : memref<!tpu.dma_semaphore, #tpu.memory_space<semaphore_mem>>) src(%dma_wait3A_1336 : memref<8000xf32, #tpu.memory_space<hbm>>) dst(%arg12 : memref<8000xf32, #tpu.memory_space<vmem>>)
        tpu.yield
      }) : () -> ()
      %scan3A_866 = arith.constant 0 : i32
      %scan3A_867 = arith.constant 500 : i32
      %scan3A_868 = arith.addi %scan3A_866, %scan3A_867 : i32
      %scan3A_869 = arith.constant 1 : i32
      %scan3A_870 = scf.for %scan3A_1335 = %scan3A_866 to %scan3A_868 step %scan3A_869 iter_args(%scan3A_1336 = %scan3A_862) -> (i32)  : i32 {
        %mul3A_1337 = arith.constant 16 : i32
        %mul3A_1338 = arith.muli %scan3A_1335, %mul3A_1337 : i32
        %get3A_1339 = arith.index_cast %mul3A_1338 : i32 to index
        %get3A_1340 = tpu.vector_load %arg11[%get3A_1339] {strides = array<i32>} : memref<8000xi32, #tpu.memory_space<vmem>>, vector<16xi32>,
        %mul3A_1341 = arith.constant 16 : i32
        %mul3A_1342 = arith.muli %scan3A_1335, %mul3A_1341 : i32
        %get3A_1343 = arith.index_cast %mul3A_1342 : i32 to index
        %get3A_1344 = tpu.vector_load %arg10[%get3A_1343] {strides = array<i32>} : memref<8000xi32, #tpu.memory_space<vmem>>, vector<16xi32>,
        %mul3A_1345 = arith.constant 16 : i32
        %mul3A_1346 = arith.muli %scan3A_1335, %mul3A_1345 : i32
        %get3A_1347 = arith.index_cast %mul3A_1346 : i32 to index
        %get3A_1348 = tpu.vector_load %arg12[%get3A_1347] {strides = array<i32>} : memref<8000xf32, #tpu.memory_space<vmem>>, vector<16xf32>,
        %ge3A = vector.broadcast %mul3A_2 : i32 to vector<16xi32>
        %ge3A_1349 = arith.cmpi sge, %get3A_1340, %ge3A : vector<16xi32>
        %add3A_1350 = arith.constant 320 : i32
        %add3A_1351 = arith.addi %mul3A_2, %add3A_1350 : i32
        %lt3A_1352 = vector.broadcast %add3A_1351 : i32 to vector<16xi32>
        %lt3A_1353 = arith.cmpi slt, %get3A_1340, %lt3A_1352 : vector<16xi32>
        %and3A = arith.andi %ge3A_1349, %lt3A_1353 : vector<16xi1>
        %sub3A_1354 = vector.broadcast %mul3A_2 : i32 to vector<16xi32>
        %sub3A_1355 = arith.subi %get3A_1340, %sub3A_1354 : vector<16xi32>
        %jit3A_1356 = arith.constant 0 : i32
        %broadcast_in_dim3A_1357 = vector.broadcast %jit3A_1356 : i32 to vector<16xi32>
        %select_n3A_1358 = arith.select %and3A, %sub3A_1355, %broadcast_in_dim3A_1357 : vector<16xi1>, vector<16xi32>
        tpu.vector_store_idx %arg16[%select_n3A_1358, %iota3A], %get3A_1348 masked %and3A {add = true} : memref<320x16xf32, #tpu.memory_space<vmem>>[vector<16xi32>, vector<16xi32>], vector<16xf32>, vector<16xi1>
        %convert_element_type3A = arith.extui %and3A : vector<16xi1> to vector<16xi32>
        %broadcast_in_dim3A_1359 = arith.constant true
        %broadcast_in_dim3A_1360 = vector.broadcast %broadcast_in_dim3A_1359 : i1 to vector<16xi1>
        %masked_cumsum3A = tpu.scan <sum>, %convert_element_type3A masked %broadcast_in_dim3A_1360 : vector<16xi32>, vector<16xi1> -> vector<16xi32>
        %add3A_1361 = vector.broadcast %scan3A_1336 : i32 to vector<16xi32>
        %add3A_1362 = arith.addi %add3A_1361, %masked_cumsum3A : vector<16xi32>
        %sub3A_1363 = arith.constant 1 : i32
        %sub3A_1364 = vector.broadcast %sub3A_1363 : i32 to vector<16xi32>
        %sub3A_1365 = arith.subi %add3A_1362, %sub3A_1364 : vector<16xi32>
        tpu.vector_store_idx %arg14[%sub3A_1365], %select_n3A_1358 masked %and3A : memref<9024xi32, #tpu.memory_space<vmem>>[vector<16xi32>], vector<16xi32>, vector<16xi1>
        tpu.vector_store_idx %arg13[%sub3A_1365], %get3A_1344 masked %and3A : memref<9024xi32, #tpu.memory_space<vmem>>[vector<16xi32>], vector<16xi32>, vector<16xi1>
        tpu.vector_store_idx %arg15[%sub3A_1365], %get3A_1348 masked %and3A : memref<9024xf32, #tpu.memory_space<vmem>>[vector<16xi32>], vector<16xf32>, vector<16xi1>
        %all_reduce_population_count3A = tpu.all_reduce %and3A {dim = 0 : i64, kind = #tpu.reduction_kind<sum>} : vector<16xi1> -> vector<16xi32>
        %reduce_max3A = arith.constant true
        %reduce_max3A_1366 = vector.broadcast %reduce_max3A : i1 to vector<16xi1>
        %reduce_max3A_1367 = arith.constant -2147483648 : i32
        %reduce_max3A_1368 = vector.broadcast %reduce_max3A_1367 : i32 to vector<16xi32>
        %reduce_max3A_1369 = arith.xori %all_reduce_population_count3A, %reduce_max3A_1368 : vector<16xi32>
        %reduce_max3A_1370 = tpu.scan <max>, %reduce_max3A_1369 masked %reduce_max3A_1366 : vector<16xi32>, vector<16xi1> -> vector<16xi32>
        %reduce_max3A_1371 = arith.xori %reduce_max3A_1370, %reduce_max3A_1368 : vector<16xi32>
        %reduce_max3A_1372 = vector.extract %reduce_max3A_1371[15] : i32 from vector<16xi32>
        %add3A_1373 = arith.addi %scan3A_1336, %reduce_max3A_1372 : i32
        scf.yield %add3A_1373 : i32
      }
      %scan3A_871 = arith.constant 500 : i32
      %shift_right_logical3A = arith.constant 9 : i32
      %shift_right_logical3A_872 = arith.shrui %scan3A_870, %shift_right_logical3A : i32
      %while3A = arith.constant 0 : i32
      %while3A_873 = arith.constant 0 : i32
      %while3A_874 = arith.subi %shift_right_logical3A_872, %while3A : i32
      %while3A_875 = arith.addi %while3A, %while3A_874 : i32
      %while3A_876 = arith.constant 1 : i32
      %while3A_877 = arith.divsi %while3A_874, %while3A_876 : i32
      %while3A_878 = arith.muli %while3A_877, %while3A_876 : i32
      %while3A_879 = arith.addi %while3A, %while3A_878 : i32
      %while3A_880 = arith.constant 1 : i32
      %while3A_881 = scf.for %while3A_1335 = %while3A to %while3A_879 step %while3A_880 iter_args(%while3A_1336 = %while3A_873) -> (i32)  : i32 {
        %mul3A_1337 = arith.constant 512 : i32
        %mul3A_1338 = arith.muli %while3A_1335, %mul3A_1337 : i32
        %add3A_1339 = arith.addi %scan3A_863, %while3A_1335 : i32
        %mul3A_1340 = arith.constant 512 : i32
        %mul3A_1341 = arith.muli %add3A_1339, %mul3A_1340 : i32
        %add3A_1342 = arith.addi %mul3A_4, %mul3A_1341 : i32
        "tpu.region"() ({
          %run_scoped3A = tpu.sem_alloc : memref<!tpu.dma_semaphore, #tpu.memory_space<semaphore_mem>>
          %dma_start3A = tpu.memref_slice %arg13[%mul3A_1338] : memref<9024xi32, #tpu.memory_space<vmem>> -> memref<512xi32, #tpu.memory_space<vmem>>
          %dma_start3A_1344 = tpu.memref_slice %arg6[%add3A_1342] : memref<10256384xi32, #tpu.memory_space<hbm>> -> memref<512xi32, #tpu.memory_space<hbm>>
          %dma_start3A_1345 = tpu.memref_slice %arg6[%add3A_1342] : memref<10256384xi32, #tpu.memory_space<hbm>> -> memref<512xi32, #tpu.memory_space<hbm>>
          %dma_start3A_1346 = tpu.memref_slice %arg13[%mul3A_1338] : memref<9024xi32, #tpu.memory_space<vmem>> -> memref<512xi32, #tpu.memory_space<vmem>>
          tpu.enqueue_dma source(%dma_start3A_1346 : memref<512xi32, #tpu.memory_space<vmem>>) target(%dma_start3A_1345 : memref<512xi32, #tpu.memory_space<hbm>>) target_semaphore(%run_scoped3A : memref<!tpu.dma_semaphore, #tpu.memory_space<semaphore_mem>>)
          %dma_wait3A = tpu.memref_slice %arg13[%mul3A_1338] : memref<9024xi32, #tpu.memory_space<vmem>> -> memref<512xi32, #tpu.memory_space<vmem>>
          %dma_wait3A_1347 = tpu.memref_slice %arg6[%add3A_1342] : memref<10256384xi32, #tpu.memory_space<hbm>> -> memref<512xi32, #tpu.memory_space<hbm>>
          %dma_wait3A_1348 = tpu.memref_slice %arg6[%add3A_1342] : memref<10256384xi32, #tpu.memory_space<hbm>> -> memref<512xi32, #tpu.memory_space<hbm>>
          %dma_wait3A_1349 = tpu.memref_slice %arg13[%mul3A_1338] : memref<9024xi32, #tpu.memory_space<vmem>> -> memref<512xi32, #tpu.memory_space<vmem>>
          tpu.wait_dma2 semaphore(%run_scoped3A : memref<!tpu.dma_semaphore, #tpu.memory_space<semaphore_mem>>) src(%dma_wait3A_1349 : memref<512xi32, #tpu.memory_space<vmem>>) dst(%dma_wait3A_1348 : memref<512xi32, #tpu.memory_space<hbm>>)
          tpu.yield
        }) : () -> ()
        "tpu.region"() ({
          %run_scoped3A = tpu.sem_alloc : memref<!tpu.dma_semaphore, #tpu.memory_space<semaphore_mem>>
          %dma_start3A = tpu.memref_slice %arg14[%mul3A_1338] : memref<9024xi32, #tpu.memory_space<vmem>> -> memref<512xi32, #tpu.memory_space<vmem>>
          %dma_start3A_1344 = tpu.memref_slice %arg7[%add3A_1342] : memref<10256384xi32, #tpu.memory_space<hbm>> -> memref<512xi32, #tpu.memory_space<hbm>>
          %dma_start3A_1345 = tpu.memref_slice %arg7[%add3A_1342] : memref<10256384xi32, #tpu.memory_space<hbm>> -> memref<512xi32, #tpu.memory_space<hbm>>
          %dma_start3A_1346 = tpu.memref_slice %arg14[%mul3A_1338] : memref<9024xi32, #tpu.memory_space<vmem>> -> memref<512xi32, #tpu.memory_space<vmem>>
          tpu.enqueue_dma source(%dma_start3A_1346 : memref<512xi32, #tpu.memory_space<vmem>>) target(%dma_start3A_1345 : memref<512xi32, #tpu.memory_space<hbm>>) target_semaphore(%run_scoped3A : memref<!tpu.dma_semaphore, #tpu.memory_space<semaphore_mem>>)
          %dma_wait3A = tpu.memref_slice %arg14[%mul3A_1338] : memref<9024xi32, #tpu.memory_space<vmem>> -> memref<512xi32, #tpu.memory_space<vmem>>
          %dma_wait3A_1347 = tpu.memref_slice %arg7[%add3A_1342] : memref<10256384xi32, #tpu.memory_space<hbm>> -> memref<512xi32, #tpu.memory_space<hbm>>
          %dma_wait3A_1348 = tpu.memref_slice %arg7[%add3A_1342] : memref<10256384xi32, #tpu.memory_space<hbm>> -> memref<512xi32, #tpu.memory_space<hbm>>
          %dma_wait3A_1349 = tpu.memref_slice %arg14[%mul3A_1338] : memref<9024xi32, #tpu.memory_space<vmem>> -> memref<512xi32, #tpu.memory_space<vmem>>
          tpu.wait_dma2 semaphore(%run_scoped3A : memref<!tpu.dma_semaphore, #tpu.memory_space<semaphore_mem>>) src(%dma_wait3A_1349 : memref<512xi32, #tpu.memory_space<vmem>>) dst(%dma_wait3A_1348 : memref<512xi32, #tpu.memory_space<hbm>>)
          tpu.yield
        }) : () -> ()
        "tpu.region"() ({
          %run_scoped3A = tpu.sem_alloc : memref<!tpu.dma_semaphore, #tpu.memory_space<semaphore_mem>>
          %dma_start3A = tpu.memref_slice %arg15[%mul3A_1338] : memref<9024xf32, #tpu.memory_space<vmem>> -> memref<512xf32, #tpu.memory_space<vmem>>
          %dma_start3A_1344 = tpu.memref_slice %arg8[%add3A_1342] : memref<10256384xf32, #tpu.memory_space<hbm>> -> memref<512xf32, #tpu.memory_space<hbm>>
          %dma_start3A_1345 = tpu.memref_slice %arg8[%add3A_1342] : memref<10256384xf32, #tpu.memory_space<hbm>> -> memref<512xf32, #tpu.memory_space<hbm>>
          %dma_start3A_1346 = tpu.memref_slice %arg15[%mul3A_1338] : memref<9024xf32, #tpu.memory_space<vmem>> -> memref<512xf32, #tpu.memory_space<vmem>>
          tpu.enqueue_dma source(%dma_start3A_1346 : memref<512xf32, #tpu.memory_space<vmem>>) target(%dma_start3A_1345 : memref<512xf32, #tpu.memory_space<hbm>>) target_semaphore(%run_scoped3A : memref<!tpu.dma_semaphore, #tpu.memory_space<semaphore_mem>>)
          %dma_wait3A = tpu.memref_slice %arg15[%mul3A_1338] : memref<9024xf32, #tpu.memory_space<vmem>> -> memref<512xf32, #tpu.memory_space<vmem>>
          %dma_wait3A_1347 = tpu.memref_slice %arg8[%add3A_1342] : memref<10256384xf32, #tpu.memory_space<hbm>> -> memref<512xf32, #tpu.memory_space<hbm>>
          %dma_wait3A_1348 = tpu.memref_slice %arg8[%add3A_1342] : memref<10256384xf32, #tpu.memory_space<hbm>> -> memref<512xf32, #tpu.memory_space<hbm>>
          %dma_wait3A_1349 = tpu.memref_slice %arg15[%mul3A_1338] : memref<9024xf32, #tpu.memory_space<vmem>> -> memref<512xf32, #tpu.memory_space<vmem>>
          tpu.wait_dma2 semaphore(%run_scoped3A : memref<!tpu.dma_semaphore, #tpu.memory_space<semaphore_mem>>) src(%dma_wait3A_1349 : memref<512xf32, #tpu.memory_space<vmem>>) dst(%dma_wait3A_1348 : memref<512xf32, #tpu.memory_space<hbm>>)
          tpu.yield
        }) : () -> ()
        %while3A_1343 = arith.constant 0 : i32
        scf.yield %while3A_1343 : i32
      }
      %while3A_882 = arith.constant 1 : i32
      %while3A_883 = scf.for %while3A_1335 = %while3A_879 to %while3A_875 step %while3A_882 iter_args(%while3A_1336 = %while3A_881) -> (i32)  : i32 {
        %mul3A_1337 = arith.constant 512 : i32
        %mul3A_1338 = arith.muli %while3A_1335, %mul3A_1337 : i32
        %add3A_1339 = arith.addi %scan3A_863, %while3A_1335 : i32
        %mul3A_1340 = arith.constant 512 : i32
        %mul3A_1341 = arith.muli %add3A_1339, %mul3A_1340 : i32
        %add3A_1342 = arith.addi %mul3A_4, %mul3A_1341 : i32
        "tpu.region"() ({
          %run_scoped3A = tpu.sem_alloc : memref<!tpu.dma_semaphore, #tpu.memory_space<semaphore_mem>>
          %dma_start3A = tpu.memref_slice %arg13[%mul3A_1338] : memref<9024xi32, #tpu.memory_space<vmem>> -> memref<512xi32, #tpu.memory_space<vmem>>
          %dma_start3A_1344 = tpu.memref_slice %arg6[%add3A_1342] : memref<10256384xi32, #tpu.memory_space<hbm>> -> memref<512xi32, #tpu.memory_space<hbm>>
          %dma_start3A_1345 = tpu.memref_slice %arg6[%add3A_1342] : memref<10256384xi32, #tpu.memory_space<hbm>> -> memref<512xi32, #tpu.memory_space<hbm>>
          %dma_start3A_1346 = tpu.memref_slice %arg13[%mul3A_1338] : memref<9024xi32, #tpu.memory_space<vmem>> -> memref<512xi32, #tpu.memory_space<vmem>>
          tpu.enqueue_dma source(%dma_start3A_1346 : memref<512xi32, #tpu.memory_space<vmem>>) target(%dma_start3A_1345 : memref<512xi32, #tpu.memory_space<hbm>>) target_semaphore(%run_scoped3A : memref<!tpu.dma_semaphore, #tpu.memory_space<semaphore_mem>>)
          %dma_wait3A = tpu.memref_slice %arg13[%mul3A_1338] : memref<9024xi32, #tpu.memory_space<vmem>> -> memref<512xi32, #tpu.memory_space<vmem>>
          %dma_wait3A_1347 = tpu.memref_slice %arg6[%add3A_1342] : memref<10256384xi32, #tpu.memory_space<hbm>> -> memref<512xi32, #tpu.memory_space<hbm>>
          %dma_wait3A_1348 = tpu.memref_slice %arg6[%add3A_1342] : memref<10256384xi32, #tpu.memory_space<hbm>> -> memref<512xi32, #tpu.memory_space<hbm>>
          %dma_wait3A_1349 = tpu.memref_slice %arg13[%mul3A_1338] : memref<9024xi32, #tpu.memory_space<vmem>> -> memref<512xi32, #tpu.memory_space<vmem>>
          tpu.wait_dma2 semaphore(%run_scoped3A : memref<!tpu.dma_semaphore, #tpu.memory_space<semaphore_mem>>) src(%dma_wait3A_1349 : memref<512xi32, #tpu.memory_space<vmem>>) dst(%dma_wait3A_1348 : memref<512xi32, #tpu.memory_space<hbm>>)
          tpu.yield
        }) : () -> ()
        "tpu.region"() ({
          %run_scoped3A = tpu.sem_alloc : memref<!tpu.dma_semaphore, #tpu.memory_space<semaphore_mem>>
          %dma_start3A = tpu.memref_slice %arg14[%mul3A_1338] : memref<9024xi32, #tpu.memory_space<vmem>> -> memref<512xi32, #tpu.memory_space<vmem>>
          %dma_start3A_1344 = tpu.memref_slice %arg7[%add3A_1342] : memref<10256384xi32, #tpu.memory_space<hbm>> -> memref<512xi32, #tpu.memory_space<hbm>>
          %dma_start3A_1345 = tpu.memref_slice %arg7[%add3A_1342] : memref<10256384xi32, #tpu.memory_space<hbm>> -> memref<512xi32, #tpu.memory_space<hbm>>
          %dma_start3A_1346 = tpu.memref_slice %arg14[%mul3A_1338] : memref<9024xi32, #tpu.memory_space<vmem>> -> memref<512xi32, #tpu.memory_space<vmem>>
          tpu.enqueue_dma source(%dma_start3A_1346 : memref<512xi32, #tpu.memory_space<vmem>>) target(%dma_start3A_1345 : memref<512xi32, #tpu.memory_space<hbm>>) target_semaphore(%run_scoped3A : memref<!tpu.dma_semaphore, #tpu.memory_space<semaphore_mem>>)
          %dma_wait3A = tpu.memref_slice %arg14[%mul3A_1338] : memref<9024xi32, #tpu.memory_space<vmem>> -> memref<512xi32, #tpu.memory_space<vmem>>
          %dma_wait3A_1347 = tpu.memref_slice %arg7[%add3A_1342] : memref<10256384xi32, #tpu.memory_space<hbm>> -> memref<512xi32, #tpu.memory_space<hbm>>
          %dma_wait3A_1348 = tpu.memref_slice %arg7[%add3A_1342] : memref<10256384xi32, #tpu.memory_space<hbm>> -> memref<512xi32, #tpu.memory_space<hbm>>
          %dma_wait3A_1349 = tpu.memref_slice %arg14[%mul3A_1338] : memref<9024xi32, #tpu.memory_space<vmem>> -> memref<512xi32, #tpu.memory_space<vmem>>
          tpu.wait_dma2 semaphore(%run_scoped3A : memref<!tpu.dma_semaphore, #tpu.memory_space<semaphore_mem>>) src(%dma_wait3A_1349 : memref<512xi32, #tpu.memory_space<vmem>>) dst(%dma_wait3A_1348 : memref<512xi32, #tpu.memory_space<hbm>>)
          tpu.yield
        }) : () -> ()
        "tpu.region"() ({
          %run_scoped3A = tpu.sem_alloc : memref<!tpu.dma_semaphore, #tpu.memory_space<semaphore_mem>>
          %dma_start3A = tpu.memref_slice %arg15[%mul3A_1338] : memref<9024xf32, #tpu.memory_space<vmem>> -> memref<512xf32, #tpu.memory_space<vmem>>
          %dma_start3A_1344 = tpu.memref_slice %arg8[%add3A_1342] : memref<10256384xf32, #tpu.memory_space<hbm>> -> memref<512xf32, #tpu.memory_space<hbm>>
          %dma_start3A_1345 = tpu.memref_slice %arg8[%add3A_1342] : memref<10256384xf32, #tpu.memory_space<hbm>> -> memref<512xf32, #tpu.memory_space<hbm>>
          %dma_start3A_1346 = tpu.memref_slice %arg15[%mul3A_1338] : memref<9024xf32, #tpu.memory_space<vmem>> -> memref<512xf32, #tpu.memory_space<vmem>>
          tpu.enqueue_dma source(%dma_start3A_1346 : memref<512xf32, #tpu.memory_space<vmem>>) target(%dma_start3A_1345 : memref<512xf32, #tpu.memory_space<hbm>>) target_semaphore(%run_scoped3A : memref<!tpu.dma_semaphore, #tpu.memory_space<semaphore_mem>>)
          %dma_wait3A = tpu.memref_slice %arg15[%mul3A_1338] : memref<9024xf32, #tpu.memory_space<vmem>> -> memref<512xf32, #tpu.memory_space<vmem>>
          %dma_wait3A_1347 = tpu.memref_slice %arg8[%add3A_1342] : memref<10256384xf32, #tpu.memory_space<hbm>> -> memref<512xf32, #tpu.memory_space<hbm>>
          %dma_wait3A_1348 = tpu.memref_slice %arg8[%add3A_1342] : memref<10256384xf32, #tpu.memory_space<hbm>> -> memref<512xf32, #tpu.memory_space<hbm>>
          %dma_wait3A_1349 = tpu.memref_slice %arg15[%mul3A_1338] : memref<9024xf32, #tpu.memory_space<vmem>> -> memref<512xf32, #tpu.memory_space<vmem>>
          tpu.wait_dma2 semaphore(%run_scoped3A : memref<!tpu.dma_semaphore, #tpu.memory_space<semaphore_mem>>) src(%dma_wait3A_1349 : memref<512xf32, #tpu.memory_space<vmem>>) dst(%dma_wait3A_1348 : memref<512xf32, #tpu.memory_space<hbm>>)
          tpu.yield
        }) : () -> ()
        %while3A_1343 = arith.constant 0 : i32
        scf.yield %while3A_1343 : i32
      }
      %mul3A_884 = arith.constant 512 : i32
      %mul3A_885 = arith.muli %shift_right_logical3A_872, %mul3A_884 : i32
      %add3A_886 = arith.constant 0 : i32
      %add3A_887 = arith.addi %mul3A_885, %add3A_886 : i32
      %get3A_888 = arith.index_cast %add3A_887 : i32 to index
      %get3A_889 = tpu.vector_load %arg13[%get3A_888] {strides = array<i32>} : memref<9024xi32, #tpu.memory_space<vmem>>, vector<16xi32>,
      %swap3A_890 = arith.constant 0 : index
      %swap3A_891 = tpu.vector_load %arg13[%swap3A_890] {strides = array<i32>} : memref<9024xi32, #tpu.memory_space<vmem>>, vector<16xi32>,
      tpu.vector_store %arg13[%swap3A_890], %get3A_889 {strides = array<i32>} : memref<9024xi32, #tpu.memory_space<vmem>>, vector<16xi32>,
      %get3A_892 = arith.index_cast %add3A_887 : i32 to index
      %get3A_893 = tpu.vector_load %arg14[%get3A_892] {strides = array<i32>} : memref<9024xi32, #tpu.memory_space<vmem>>, vector<16xi32>,
      %swap3A_894 = arith.constant 0 : index
      %swap3A_895 = tpu.vector_load %arg14[%swap3A_894] {strides = array<i32>} : memref<9024xi32, #tpu.memory_space<vmem>>, vector<16xi32>,
      tpu.vector_store %arg14[%swap3A_894], %get3A_893 {strides = array<i32>} : memref<9024xi32, #tpu.memory_space<vmem>>, vector<16xi32>,
      %get3A_896 = arith.index_cast %add3A_887 : i32 to index
      %get3A_897 = tpu.vector_load %arg15[%get3A_896] {strides = array<i32>} : memref<9024xf32, #tpu.memory_space<vmem>>, vector<16xf32>,
      %swap3A_898 = arith.constant 0 : index
      %swap3A_899 = tpu.vector_load %arg15[%swap3A_898] {strides = array<i32>} : memref<9024xf32, #tpu.memory_space<vmem>>, vector<16xf32>,
      tpu.vector_store %arg15[%swap3A_898], %get3A_897 {strides = array<i32>} : memref<9024xf32, #tpu.memory_space<vmem>>, vector<16xf32>,
      %add3A_900 = arith.constant 16 : i32
      %add3A_901 = arith.addi %mul3A_885, %add3A_900 : i32
      %get3A_902 = arith.index_cast %add3A_901 : i32 to index
      %get3A_903 = tpu.vector_load %arg13[%get3A_902] {strides = array<i32>} : memref<9024xi32, #tpu.memory_space<vmem>>, vector<16xi32>,
      %swap3A_904 = arith.constant 16 : index
      %swap3A_905 = tpu.vector_load %arg13[%swap3A_904] {strides = array<i32>} : memref<9024xi32, #tpu.memory_space<vmem>>, vector<16xi32>,
      tpu.vector_store %arg13[%swap3A_904], %get3A_903 {strides = array<i32>} : memref<9024xi32, #tpu.memory_space<vmem>>, vector<16xi32>,
      %get3A_906 = arith.index_cast %add3A_901 : i32 to index
      %get3A_907 = tpu.vector_load %arg14[%get3A_906] {strides = array<i32>} : memref<9024xi32, #tpu.memory_space<vmem>>, vector<16xi32>,
      %swap3A_908 = arith.constant 16 : index
      %swap3A_909 = tpu.vector_load %arg14[%swap3A_908] {strides = array<i32>} : memref<9024xi32, #tpu.memory_space<vmem>>, vector<16xi32>,
      tpu.vector_store %arg14[%swap3A_908], %get3A_907 {strides = array<i32>} : memref<9024xi32, #tpu.memory_space<vmem>>, vector<16xi32>,
      %get3A_910 = arith.index_cast %add3A_901 : i32 to index
      %get3A_911 = tpu.vector_load %arg15[%get3A_910] {strides = array<i32>} : memref<9024xf32, #tpu.memory_space<vmem>>, vector<16xf32>,
      %swap3A_912 = arith.constant 16 : index
      %swap3A_913 = tpu.vector_load %arg15[%swap3A_912] {strides = array<i32>} : memref<9024xf32, #tpu.memory_space<vmem>>, vector<16xf32>,
      tpu.vector_store %arg15[%swap3A_912], %get3A_911 {strides = array<i32>} : memref<9024xf32, #tpu.memory_space<vmem>>, vector<16xf32>,
      %add3A_914 = arith.constant 32 : i32
      %add3A_915 = arith.addi %mul3A_885, %add3A_914 : i32
      %get3A_916 = arith.index_cast %add3A_915 : i32 to index
      %get3A_917 = tpu.vector_load %arg13[%get3A_916] {strides = array<i32>} : memref<9024xi32, #tpu.memory_space<vmem>>, vector<16xi32>,
      %swap3A_918 = arith.constant 32 : index
      %swap3A_919 = tpu.vector_load %arg13[%swap3A_918] {strides = array<i32>} : memref<9024xi32, #tpu.memory_space<vmem>>, vector<16xi32>,
      tpu.vector_store %arg13[%swap3A_918], %get3A_917 {strides = array<i32>} : memref<9024xi32, #tpu.memory_space<vmem>>, vector<16xi32>,
      %get3A_920 = arith.index_cast %add3A_915 : i32 to index
      %get3A_921 = tpu.vector_load %arg14[%get3A_920] {strides = array<i32>} : memref<9024xi32, #tpu.memory_space<vmem>>, vector<16xi32>,
      %swap3A_922 = arith.constant 32 : index
      %swap3A_923 = tpu.vector_load %arg14[%swap3A_922] {strides = array<i32>} : memref<9024xi32, #tpu.memory_space<vmem>>, vector<16xi32>,
      tpu.vector_store %arg14[%swap3A_922], %get3A_921 {strides = array<i32>} : memref<9024xi32, #tpu.memory_space<vmem>>, vector<16xi32>,
      %get3A_924 = arith.index_cast %add3A_915 : i32 to index
      %get3A_925 = tpu.vector_load %arg15[%get3A_924] {strides = array<i32>} : memref<9024xf32, #tpu.memory_space<vmem>>, vector<16xf32>,
      %swap3A_926 = arith.constant 32 : index
      %swap3A_927 = tpu.vector_load %arg15[%swap3A_926] {strides = array<i32>} : memref<9024xf32, #tpu.memory_space<vmem>>, vector<16xf32>,
      tpu.vector_store %arg15[%swap3A_926], %get3A_925 {strides = array<i32>} : memref<9024xf32, #tpu.memory_space<vmem>>, vector<16xf32>,
      %add3A_928 = arith.constant 48 : i32
      %add3A_929 = arith.addi %mul3A_885, %add3A_928 : i32
      %get3A_930 = arith.index_cast %add3A_929 : i32 to index
      %get3A_931 = tpu.vector_load %arg13[%get3A_930] {strides = array<i32>} : memref<9024xi32, #tpu.memory_space<vmem>>, vector<16xi32>,
      %swap3A_932 = arith.constant 48 : index
      %swap3A_933 = tpu.vector_load %arg13[%swap3A_932] {strides = array<i32>} : memref<9024xi32, #tpu.memory_space<vmem>>, vector<16xi32>,
      tpu.vector_store %arg13[%swap3A_932], %get3A_931 {strides = array<i32>} : memref<9024xi32, #tpu.memory_space<vmem>>, vector<16xi32>,
      %get3A_934 = arith.index_cast %add3A_929 : i32 to index
      %get3A_935 = tpu.vector_load %arg14[%get3A_934] {strides = array<i32>} : memref<9024xi32, #tpu.memory_space<vmem>>, vector<16xi32>,
      %swap3A_936 = arith.constant 48 : index
      %swap3A_937 = tpu.vector_load %arg14[%swap3A_936] {strides = array<i32>} : memref<9024xi32, #tpu.memory_space<vmem>>, vector<16xi32>,
      tpu.vector_store %arg14[%swap3A_936], %get3A_935 {strides = array<i32>} : memref<9024xi32, #tpu.memory_space<vmem>>, vector<16xi32>,
      %get3A_938 = arith.index_cast %add3A_929 : i32 to index
      %get3A_939 = tpu.vector_load %arg15[%get3A_938] {strides = array<i32>} : memref<9024xf32, #tpu.memory_space<vmem>>, vector<16xf32>,
      %swap3A_940 = arith.constant 48 : index
      %swap3A_941 = tpu.vector_load %arg15[%swap3A_940] {strides = array<i32>} : memref<9024xf32, #tpu.memory_space<vmem>>, vector<16xf32>,
      tpu.vector_store %arg15[%swap3A_940], %get3A_939 {strides = array<i32>} : memref<9024xf32, #tpu.memory_space<vmem>>, vector<16xf32>,
      %add3A_942 = arith.constant 64 : i32
      %add3A_943 = arith.addi %mul3A_885, %add3A_942 : i32
      %get3A_944 = arith.index_cast %add3A_943 : i32 to index
      %get3A_945 = tpu.vector_load %arg13[%get3A_944] {strides = array<i32>} : memref<9024xi32, #tpu.memory_space<vmem>>, vector<16xi32>,
      %swap3A_946 = arith.constant 64 : index
      %swap3A_947 = tpu.vector_load %arg13[%swap3A_946] {strides = array<i32>} : memref<9024xi32, #tpu.memory_space<vmem>>, vector<16xi32>,
      tpu.vector_store %arg13[%swap3A_946], %get3A_945 {strides = array<i32>} : memref<9024xi32, #tpu.memory_space<vmem>>, vector<16xi32>,
      %get3A_948 = arith.index_cast %add3A_943 : i32 to index
      %get3A_949 = tpu.vector_load %arg14[%get3A_948] {strides = array<i32>} : memref<9024xi32, #tpu.memory_space<vmem>>, vector<16xi32>,
      %swap3A_950 = arith.constant 64 : index
      %swap3A_951 = tpu.vector_load %arg14[%swap3A_950] {strides = array<i32>} : memref<9024xi32, #tpu.memory_space<vmem>>, vector<16xi32>,
      tpu.vector_store %arg14[%swap3A_950], %get3A_949 {strides = array<i32>} : memref<9024xi32, #tpu.memory_space<vmem>>, vector<16xi32>,
      %get3A_952 = arith.index_cast %add3A_943 : i32 to index
      %get3A_953 = tpu.vector_load %arg15[%get3A_952] {strides = array<i32>} : memref<9024xf32, #tpu.memory_space<vmem>>, vector<16xf32>,
      %swap3A_954 = arith.constant 64 : index
      %swap3A_955 = tpu.vector_load %arg15[%swap3A_954] {strides = array<i32>} : memref<9024xf32, #tpu.memory_space<vmem>>, vector<16xf32>,
      tpu.vector_store %arg15[%swap3A_954], %get3A_953 {strides = array<i32>} : memref<9024xf32, #tpu.memory_space<vmem>>, vector<16xf32>,
      %add3A_956 = arith.constant 80 : i32
      %add3A_957 = arith.addi %mul3A_885, %add3A_956 : i32
      %get3A_958 = arith.index_cast %add3A_957 : i32 to index
      %get3A_959 = tpu.vector_load %arg13[%get3A_958] {strides = array<i32>} : memref<9024xi32, #tpu.memory_space<vmem>>, vector<16xi32>,
      %swap3A_960 = arith.constant 80 : index
      %swap3A_961 = tpu.vector_load %arg13[%swap3A_960] {strides = array<i32>} : memref<9024xi32, #tpu.memory_space<vmem>>, vector<16xi32>,
      tpu.vector_store %arg13[%swap3A_960], %get3A_959 {strides = array<i32>} : memref<9024xi32, #tpu.memory_space<vmem>>, vector<16xi32>,
      %get3A_962 = arith.index_cast %add3A_957 : i32 to index
      %get3A_963 = tpu.vector_load %arg14[%get3A_962] {strides = array<i32>} : memref<9024xi32, #tpu.memory_space<vmem>>, vector<16xi32>,
      %swap3A_964 = arith.constant 80 : index
      %swap3A_965 = tpu.vector_load %arg14[%swap3A_964] {strides = array<i32>} : memref<9024xi32, #tpu.memory_space<vmem>>, vector<16xi32>,
      tpu.vector_store %arg14[%swap3A_964], %get3A_963 {strides = array<i32>} : memref<9024xi32, #tpu.memory_space<vmem>>, vector<16xi32>,
      %get3A_966 = arith.index_cast %add3A_957 : i32 to index
      %get3A_967 = tpu.vector_load %arg15[%get3A_966] {strides = array<i32>} : memref<9024xf32, #tpu.memory_space<vmem>>, vector<16xf32>,
      %swap3A_968 = arith.constant 80 : index
      %swap3A_969 = tpu.vector_load %arg15[%swap3A_968] {strides = array<i32>} : memref<9024xf32, #tpu.memory_space<vmem>>, vector<16xf32>,
      tpu.vector_store %arg15[%swap3A_968], %get3A_967 {strides = array<i32>} : memref<9024xf32, #tpu.memory_space<vmem>>, vector<16xf32>,
      %add3A_970 = arith.constant 96 : i32
      %add3A_971 = arith.addi %mul3A_885, %add3A_970 : i32
      %get3A_972 = arith.index_cast %add3A_971 : i32 to index
      %get3A_973 = tpu.vector_load %arg13[%get3A_972] {strides = array<i32>} : memref<9024xi32, #tpu.memory_space<vmem>>, vector<16xi32>,
      %swap3A_974 = arith.constant 96 : index
      %swap3A_975 = tpu.vector_load %arg13[%swap3A_974] {strides = array<i32>} : memref<9024xi32, #tpu.memory_space<vmem>>, vector<16xi32>,
      tpu.vector_store %arg13[%swap3A_974], %get3A_973 {strides = array<i32>} : memref<9024xi32, #tpu.memory_space<vmem>>, vector<16xi32>,
      %get3A_976 = arith.index_cast %add3A_971 : i32 to index
      %get3A_977 = tpu.vector_load %arg14[%get3A_976] {strides = array<i32>} : memref<9024xi32, #tpu.memory_space<vmem>>, vector<16xi32>,
      %swap3A_978 = arith.constant 96 : index
      %swap3A_979 = tpu.vector_load %arg14[%swap3A_978] {strides = array<i32>} : memref<9024xi32, #tpu.memory_space<vmem>>, vector<16xi32>,
      tpu.vector_store %arg14[%swap3A_978], %get3A_977 {strides = array<i32>} : memref<9024xi32, #tpu.memory_space<vmem>>, vector<16xi32>,
      %get3A_980 = arith.index_cast %add3A_971 : i32 to index
      %get3A_981 = tpu.vector_load %arg15[%get3A_980] {strides = array<i32>} : memref<9024xf32, #tpu.memory_space<vmem>>, vector<16xf32>,
      %swap3A_982 = arith.constant 96 : index
      %swap3A_983 = tpu.vector_load %arg15[%swap3A_982] {strides = array<i32>} : memref<9024xf32, #tpu.memory_space<vmem>>, vector<16xf32>,
      tpu.vector_store %arg15[%swap3A_982], %get3A_981 {strides = array<i32>} : memref<9024xf32, #tpu.memory_space<vmem>>, vector<16xf32>,
      %add3A_984 = arith.constant 112 : i32
      %add3A_985 = arith.addi %mul3A_885, %add3A_984 : i32
      %get3A_986 = arith.index_cast %add3A_985 : i32 to index
      %get3A_987 = tpu.vector_load %arg13[%get3A_986] {strides = array<i32>} : memref<9024xi32, #tpu.memory_space<vmem>>, vector<16xi32>,
      %swap3A_988 = arith.constant 112 : index
      %swap3A_989 = tpu.vector_load %arg13[%swap3A_988] {strides = array<i32>} : memref<9024xi32, #tpu.memory_space<vmem>>, vector<16xi32>,
      tpu.vector_store %arg13[%swap3A_988], %get3A_987 {strides = array<i32>} : memref<9024xi32, #tpu.memory_space<vmem>>, vector<16xi32>,
      %get3A_990 = arith.index_cast %add3A_985 : i32 to index
      %get3A_991 = tpu.vector_load %arg14[%get3A_990] {strides = array<i32>} : memref<9024xi32, #tpu.memory_space<vmem>>, vector<16xi32>,
      %swap3A_992 = arith.constant 112 : index
      %swap3A_993 = tpu.vector_load %arg14[%swap3A_992] {strides = array<i32>} : memref<9024xi32, #tpu.memory_space<vmem>>, vector<16xi32>,
      tpu.vector_store %arg14[%swap3A_992], %get3A_991 {strides = array<i32>} : memref<9024xi32, #tpu.memory_space<vmem>>, vector<16xi32>,
      %get3A_994 = arith.index_cast %add3A_985 : i32 to index
      %get3A_995 = tpu.vector_load %arg15[%get3A_994] {strides = array<i32>} : memref<9024xf32, #tpu.memory_space<vmem>>, vector<16xf32>,
      %swap3A_996 = arith.constant 112 : index
      %swap3A_997 = tpu.vector_load %arg15[%swap3A_996] {strides = array<i32>} : memref<9024xf32, #tpu.memory_space<vmem>>, vector<16xf32>,
      tpu.vector_store %arg15[%swap3A_996], %get3A_995 {strides = array<i32>} : memref<9024xf32, #tpu.memory_space<vmem>>, vector<16xf32>,
      %add3A_998 = arith.constant 128 : i32
      %add3A_999 = arith.addi %mul3A_885, %add3A_998 : i32
      %get3A_1000 = arith.index_cast %add3A_999 : i32 to index
      %get3A_1001 = tpu.vector_load %arg13[%get3A_1000] {strides = array<i32>} : memref<9024xi32, #tpu.memory_space<vmem>>, vector<16xi32>,
      %swap3A_1002 = arith.constant 128 : index
      %swap3A_1003 = tpu.vector_load %arg13[%swap3A_1002] {strides = array<i32>} : memref<9024xi32, #tpu.memory_space<vmem>>, vector<16xi32>,
      tpu.vector_store %arg13[%swap3A_1002], %get3A_1001 {strides = array<i32>} : memref<9024xi32, #tpu.memory_space<vmem>>, vector<16xi32>,
      %get3A_1004 = arith.index_cast %add3A_999 : i32 to index
      %get3A_1005 = tpu.vector_load %arg14[%get3A_1004] {strides = array<i32>} : memref<9024xi32, #tpu.memory_space<vmem>>, vector<16xi32>,
      %swap3A_1006 = arith.constant 128 : index
      %swap3A_1007 = tpu.vector_load %arg14[%swap3A_1006] {strides = array<i32>} : memref<9024xi32, #tpu.memory_space<vmem>>, vector<16xi32>,
      tpu.vector_store %arg14[%swap3A_1006], %get3A_1005 {strides = array<i32>} : memref<9024xi32, #tpu.memory_space<vmem>>, vector<16xi32>,
      %get3A_1008 = arith.index_cast %add3A_999 : i32 to index
      %get3A_1009 = tpu.vector_load %arg15[%get3A_1008] {strides = array<i32>} : memref<9024xf32, #tpu.memory_space<vmem>>, vector<16xf32>,
      %swap3A_1010 = arith.constant 128 : index
      %swap3A_1011 = tpu.vector_load %arg15[%swap3A_1010] {strides = array<i32>} : memref<9024xf32, #tpu.memory_space<vmem>>, vector<16xf32>,
      tpu.vector_store %arg15[%swap3A_1010], %get3A_1009 {strides = array<i32>} : memref<9024xf32, #tpu.memory_space<vmem>>, vector<16xf32>,
      %add3A_1012 = arith.constant 144 : i32
      %add3A_1013 = arith.addi %mul3A_885, %add3A_1012 : i32
      %get3A_1014 = arith.index_cast %add3A_1013 : i32 to index
      %get3A_1015 = tpu.vector_load %arg13[%get3A_1014] {strides = array<i32>} : memref<9024xi32, #tpu.memory_space<vmem>>, vector<16xi32>,
      %swap3A_1016 = arith.constant 144 : index
      %swap3A_1017 = tpu.vector_load %arg13[%swap3A_1016] {strides = array<i32>} : memref<9024xi32, #tpu.memory_space<vmem>>, vector<16xi32>,
      tpu.vector_store %arg13[%swap3A_1016], %get3A_1015 {strides = array<i32>} : memref<9024xi32, #tpu.memory_space<vmem>>, vector<16xi32>,
      %get3A_1018 = arith.index_cast %add3A_1013 : i32 to index
      %get3A_1019 = tpu.vector_load %arg14[%get3A_1018] {strides = array<i32>} : memref<9024xi32, #tpu.memory_space<vmem>>, vector<16xi32>,
      %swap3A_1020 = arith.constant 144 : index
      %swap3A_1021 = tpu.vector_load %arg14[%swap3A_1020] {strides = array<i32>} : memref<9024xi32, #tpu.memory_space<vmem>>, vector<16xi32>,
      tpu.vector_store %arg14[%swap3A_1020], %get3A_1019 {strides = array<i32>} : memref<9024xi32, #tpu.memory_space<vmem>>, vector<16xi32>,
      %get3A_1022 = arith.index_cast %add3A_1013 : i32 to index
      %get3A_1023 = tpu.vector_load %arg15[%get3A_1022] {strides = array<i32>} : memref<9024xf32, #tpu.memory_space<vmem>>, vector<16xf32>,
      %swap3A_1024 = arith.constant 144 : index
      %swap3A_1025 = tpu.vector_load %arg15[%swap3A_1024] {strides = array<i32>} : memref<9024xf32, #tpu.memory_space<vmem>>, vector<16xf32>,
      tpu.vector_store %arg15[%swap3A_1024], %get3A_1023 {strides = array<i32>} : memref<9024xf32, #tpu.memory_space<vmem>>, vector<16xf32>,
      %add3A_1026 = arith.constant 160 : i32
      %add3A_1027 = arith.addi %mul3A_885, %add3A_1026 : i32
      %get3A_1028 = arith.index_cast %add3A_1027 : i32 to index
      %get3A_1029 = tpu.vector_load %arg13[%get3A_1028] {strides = array<i32>} : memref<9024xi32, #tpu.memory_space<vmem>>, vector<16xi32>,
      %swap3A_1030 = arith.constant 160 : index
      %swap3A_1031 = tpu.vector_load %arg13[%swap3A_1030] {strides = array<i32>} : memref<9024xi32, #tpu.memory_space<vmem>>, vector<16xi32>,
      tpu.vector_store %arg13[%swap3A_1030], %get3A_1029 {strides = array<i32>} : memref<9024xi32, #tpu.memory_space<vmem>>, vector<16xi32>,
      %get3A_1032 = arith.index_cast %add3A_1027 : i32 to index
      %get3A_1033 = tpu.vector_load %arg14[%get3A_1032] {strides = array<i32>} : memref<9024xi32, #tpu.memory_space<vmem>>, vector<16xi32>,
      %swap3A_1034 = arith.constant 160 : index
      %swap3A_1035 = tpu.vector_load %arg14[%swap3A_1034] {strides = array<i32>} : memref<9024xi32, #tpu.memory_space<vmem>>, vector<16xi32>,
      tpu.vector_store %arg14[%swap3A_1034], %get3A_1033 {strides = array<i32>} : memref<9024xi32, #tpu.memory_space<vmem>>, vector<16xi32>,
      %get3A_1036 = arith.index_cast %add3A_1027 : i32 to index
      %get3A_1037 = tpu.vector_load %arg15[%get3A_1036] {strides = array<i32>} : memref<9024xf32, #tpu.memory_space<vmem>>, vector<16xf32>,
      %swap3A_1038 = arith.constant 160 : index
      %swap3A_1039 = tpu.vector_load %arg15[%swap3A_1038] {strides = array<i32>} : memref<9024xf32, #tpu.memory_space<vmem>>, vector<16xf32>,
      tpu.vector_store %arg15[%swap3A_1038], %get3A_1037 {strides = array<i32>} : memref<9024xf32, #tpu.memory_space<vmem>>, vector<16xf32>,
      %add3A_1040 = arith.constant 176 : i32
      %add3A_1041 = arith.addi %mul3A_885, %add3A_1040 : i32
      %get3A_1042 = arith.index_cast %add3A_1041 : i32 to index
      %get3A_1043 = tpu.vector_load %arg13[%get3A_1042] {strides = array<i32>} : memref<9024xi32, #tpu.memory_space<vmem>>, vector<16xi32>,
      %swap3A_1044 = arith.constant 176 : index
      %swap3A_1045 = tpu.vector_load %arg13[%swap3A_1044] {strides = array<i32>} : memref<9024xi32, #tpu.memory_space<vmem>>, vector<16xi32>,
      tpu.vector_store %arg13[%swap3A_1044], %get3A_1043 {strides = array<i32>} : memref<9024xi32, #tpu.memory_space<vmem>>, vector<16xi32>,
      %get3A_1046 = arith.index_cast %add3A_1041 : i32 to index
      %get3A_1047 = tpu.vector_load %arg14[%get3A_1046] {strides = array<i32>} : memref<9024xi32, #tpu.memory_space<vmem>>, vector<16xi32>,
      %swap3A_1048 = arith.constant 176 : index
      %swap3A_1049 = tpu.vector_load %arg14[%swap3A_1048] {strides = array<i32>} : memref<9024xi32, #tpu.memory_space<vmem>>, vector<16xi32>,
      tpu.vector_store %arg14[%swap3A_1048], %get3A_1047 {strides = array<i32>} : memref<9024xi32, #tpu.memory_space<vmem>>, vector<16xi32>,
      %get3A_1050 = arith.index_cast %add3A_1041 : i32 to index
      %get3A_1051 = tpu.vector_load %arg15[%get3A_1050] {strides = array<i32>} : memref<9024xf32, #tpu.memory_space<vmem>>, vector<16xf32>,
      %swap3A_1052 = arith.constant 176 : index
      %swap3A_1053 = tpu.vector_load %arg15[%swap3A_1052] {strides = array<i32>} : memref<9024xf32, #tpu.memory_space<vmem>>, vector<16xf32>,
      tpu.vector_store %arg15[%swap3A_1052], %get3A_1051 {strides = array<i32>} : memref<9024xf32, #tpu.memory_space<vmem>>, vector<16xf32>,
      %add3A_1054 = arith.constant 192 : i32
      %add3A_1055 = arith.addi %mul3A_885, %add3A_1054 : i32
      %get3A_1056 = arith.index_cast %add3A_1055 : i32 to index
      %get3A_1057 = tpu.vector_load %arg13[%get3A_1056] {strides = array<i32>} : memref<9024xi32, #tpu.memory_space<vmem>>, vector<16xi32>,
      %swap3A_1058 = arith.constant 192 : index
      %swap3A_1059 = tpu.vector_load %arg13[%swap3A_1058] {strides = array<i32>} : memref<9024xi32, #tpu.memory_space<vmem>>, vector<16xi32>,
      tpu.vector_store %arg13[%swap3A_1058], %get3A_1057 {strides = array<i32>} : memref<9024xi32, #tpu.memory_space<vmem>>, vector<16xi32>,
      %get3A_1060 = arith.index_cast %add3A_1055 : i32 to index
      %get3A_1061 = tpu.vector_load %arg14[%get3A_1060] {strides = array<i32>} : memref<9024xi32, #tpu.memory_space<vmem>>, vector<16xi32>,
      %swap3A_1062 = arith.constant 192 : index
      %swap3A_1063 = tpu.vector_load %arg14[%swap3A_1062] {strides = array<i32>} : memref<9024xi32, #tpu.memory_space<vmem>>, vector<16xi32>,
      tpu.vector_store %arg14[%swap3A_1062], %get3A_1061 {strides = array<i32>} : memref<9024xi32, #tpu.memory_space<vmem>>, vector<16xi32>,
      %get3A_1064 = arith.index_cast %add3A_1055 : i32 to index
      %get3A_1065 = tpu.vector_load %arg15[%get3A_1064] {strides = array<i32>} : memref<9024xf32, #tpu.memory_space<vmem>>, vector<16xf32>,
      %swap3A_1066 = arith.constant 192 : index
      %swap3A_1067 = tpu.vector_load %arg15[%swap3A_1066] {strides = array<i32>} : memref<9024xf32, #tpu.memory_space<vmem>>, vector<16xf32>,
      tpu.vector_store %arg15[%swap3A_1066], %get3A_1065 {strides = array<i32>} : memref<9024xf32, #tpu.memory_space<vmem>>, vector<16xf32>,
      %add3A_1068 = arith.constant 208 : i32
      %add3A_1069 = arith.addi %mul3A_885, %add3A_1068 : i32
      %get3A_1070 = arith.index_cast %add3A_1069 : i32 to index
      %get3A_1071 = tpu.vector_load %arg13[%get3A_1070] {strides = array<i32>} : memref<9024xi32, #tpu.memory_space<vmem>>, vector<16xi32>,
      %swap3A_1072 = arith.constant 208 : index
      %swap3A_1073 = tpu.vector_load %arg13[%swap3A_1072] {strides = array<i32>} : memref<9024xi32, #tpu.memory_space<vmem>>, vector<16xi32>,
      tpu.vector_store %arg13[%swap3A_1072], %get3A_1071 {strides = array<i32>} : memref<9024xi32, #tpu.memory_space<vmem>>, vector<16xi32>,
      %get3A_1074 = arith.index_cast %add3A_1069 : i32 to index
      %get3A_1075 = tpu.vector_load %arg14[%get3A_1074] {strides = array<i32>} : memref<9024xi32, #tpu.memory_space<vmem>>, vector<16xi32>,
      %swap3A_1076 = arith.constant 208 : index
      %swap3A_1077 = tpu.vector_load %arg14[%swap3A_1076] {strides = array<i32>} : memref<9024xi32, #tpu.memory_space<vmem>>, vector<16xi32>,
      tpu.vector_store %arg14[%swap3A_1076], %get3A_1075 {strides = array<i32>} : memref<9024xi32, #tpu.memory_space<vmem>>, vector<16xi32>,
      %get3A_1078 = arith.index_cast %add3A_1069 : i32 to index
      %get3A_1079 = tpu.vector_load %arg15[%get3A_1078] {strides = array<i32>} : memref<9024xf32, #tpu.memory_space<vmem>>, vector<16xf32>,
      %swap3A_1080 = arith.constant 208 : index
      %swap3A_1081 = tpu.vector_load %arg15[%swap3A_1080] {strides = array<i32>} : memref<9024xf32, #tpu.memory_space<vmem>>, vector<16xf32>,
      tpu.vector_store %arg15[%swap3A_1080], %get3A_1079 {strides = array<i32>} : memref<9024xf32, #tpu.memory_space<vmem>>, vector<16xf32>,
      %add3A_1082 = arith.constant 224 : i32
      %add3A_1083 = arith.addi %mul3A_885, %add3A_1082 : i32
      %get3A_1084 = arith.index_cast %add3A_1083 : i32 to index
      %get3A_1085 = tpu.vector_load %arg13[%get3A_1084] {strides = array<i32>} : memref<9024xi32, #tpu.memory_space<vmem>>, vector<16xi32>,
      %swap3A_1086 = arith.constant 224 : index
      %swap3A_1087 = tpu.vector_load %arg13[%swap3A_1086] {strides = array<i32>} : memref<9024xi32, #tpu.memory_space<vmem>>, vector<16xi32>,
      tpu.vector_store %arg13[%swap3A_1086], %get3A_1085 {strides = array<i32>} : memref<9024xi32, #tpu.memory_space<vmem>>, vector<16xi32>,
      %get3A_1088 = arith.index_cast %add3A_1083 : i32 to index
      %get3A_1089 = tpu.vector_load %arg14[%get3A_1088] {strides = array<i32>} : memref<9024xi32, #tpu.memory_space<vmem>>, vector<16xi32>,
      %swap3A_1090 = arith.constant 224 : index
      %swap3A_1091 = tpu.vector_load %arg14[%swap3A_1090] {strides = array<i32>} : memref<9024xi32, #tpu.memory_space<vmem>>, vector<16xi32>,
      tpu.vector_store %arg14[%swap3A_1090], %get3A_1089 {strides = array<i32>} : memref<9024xi32, #tpu.memory_space<vmem>>, vector<16xi32>,
      %get3A_1092 = arith.index_cast %add3A_1083 : i32 to index
      %get3A_1093 = tpu.vector_load %arg15[%get3A_1092] {strides = array<i32>} : memref<9024xf32, #tpu.memory_space<vmem>>, vector<16xf32>,
      %swap3A_1094 = arith.constant 224 : index
      %swap3A_1095 = tpu.vector_load %arg15[%swap3A_1094] {strides = array<i32>} : memref<9024xf32, #tpu.memory_space<vmem>>, vector<16xf32>,
      tpu.vector_store %arg15[%swap3A_1094], %get3A_1093 {strides = array<i32>} : memref<9024xf32, #tpu.memory_space<vmem>>, vector<16xf32>,
      %add3A_1096 = arith.constant 240 : i32
      %add3A_1097 = arith.addi %mul3A_885, %add3A_1096 : i32
      %get3A_1098 = arith.index_cast %add3A_1097 : i32 to index
      %get3A_1099 = tpu.vector_load %arg13[%get3A_1098] {strides = array<i32>} : memref<9024xi32, #tpu.memory_space<vmem>>, vector<16xi32>,
      %swap3A_1100 = arith.constant 240 : index
      %swap3A_1101 = tpu.vector_load %arg13[%swap3A_1100] {strides = array<i32>} : memref<9024xi32, #tpu.memory_space<vmem>>, vector<16xi32>,
      tpu.vector_store %arg13[%swap3A_1100], %get3A_1099 {strides = array<i32>} : memref<9024xi32, #tpu.memory_space<vmem>>, vector<16xi32>,
      %get3A_1102 = arith.index_cast %add3A_1097 : i32 to index
      %get3A_1103 = tpu.vector_load %arg14[%get3A_1102] {strides = array<i32>} : memref<9024xi32, #tpu.memory_space<vmem>>, vector<16xi32>,
      %swap3A_1104 = arith.constant 240 : index
      %swap3A_1105 = tpu.vector_load %arg14[%swap3A_1104] {strides = array<i32>} : memref<9024xi32, #tpu.memory_space<vmem>>, vector<16xi32>,
      tpu.vector_store %arg14[%swap3A_1104], %get3A_1103 {strides = array<i32>} : memref<9024xi32, #tpu.memory_space<vmem>>, vector<16xi32>,
      %get3A_1106 = arith.index_cast %add3A_1097 : i32 to index
      %get3A_1107 = tpu.vector_load %arg15[%get3A_1106] {strides = array<i32>} : memref<9024xf32, #tpu.memory_space<vmem>>, vector<16xf32>,
      %swap3A_1108 = arith.constant 240 : index
      %swap3A_1109 = tpu.vector_load %arg15[%swap3A_1108] {strides = array<i32>} : memref<9024xf32, #tpu.memory_space<vmem>>, vector<16xf32>,
      tpu.vector_store %arg15[%swap3A_1108], %get3A_1107 {strides = array<i32>} : memref<9024xf32, #tpu.memory_space<vmem>>, vector<16xf32>,
      %add3A_1110 = arith.constant 256 : i32
      %add3A_1111 = arith.addi %mul3A_885, %add3A_1110 : i32
      %get3A_1112 = arith.index_cast %add3A_1111 : i32 to index
      %get3A_1113 = tpu.vector_load %arg13[%get3A_1112] {strides = array<i32>} : memref<9024xi32, #tpu.memory_space<vmem>>, vector<16xi32>,
      %swap3A_1114 = arith.constant 256 : index
      %swap3A_1115 = tpu.vector_load %arg13[%swap3A_1114] {strides = array<i32>} : memref<9024xi32, #tpu.memory_space<vmem>>, vector<16xi32>,
      tpu.vector_store %arg13[%swap3A_1114], %get3A_1113 {strides = array<i32>} : memref<9024xi32, #tpu.memory_space<vmem>>, vector<16xi32>,
      %get3A_1116 = arith.index_cast %add3A_1111 : i32 to index
      %get3A_1117 = tpu.vector_load %arg14[%get3A_1116] {strides = array<i32>} : memref<9024xi32, #tpu.memory_space<vmem>>, vector<16xi32>,
      %swap3A_1118 = arith.constant 256 : index
      %swap3A_1119 = tpu.vector_load %arg14[%swap3A_1118] {strides = array<i32>} : memref<9024xi32, #tpu.memory_space<vmem>>, vector<16xi32>,
      tpu.vector_store %arg14[%swap3A_1118], %get3A_1117 {strides = array<i32>} : memref<9024xi32, #tpu.memory_space<vmem>>, vector<16xi32>,
      %get3A_1120 = arith.index_cast %add3A_1111 : i32 to index
      %get3A_1121 = tpu.vector_load %arg15[%get3A_1120] {strides = array<i32>} : memref<9024xf32, #tpu.memory_space<vmem>>, vector<16xf32>,
      %swap3A_1122 = arith.constant 256 : index
      %swap3A_1123 = tpu.vector_load %arg15[%swap3A_1122] {strides = array<i32>} : memref<9024xf32, #tpu.memory_space<vmem>>, vector<16xf32>,
      tpu.vector_store %arg15[%swap3A_1122], %get3A_1121 {strides = array<i32>} : memref<9024xf32, #tpu.memory_space<vmem>>, vector<16xf32>,
      %add3A_1124 = arith.constant 272 : i32
      %add3A_1125 = arith.addi %mul3A_885, %add3A_1124 : i32
      %get3A_1126 = arith.index_cast %add3A_1125 : i32 to index
      %get3A_1127 = tpu.vector_load %arg13[%get3A_1126] {strides = array<i32>} : memref<9024xi32, #tpu.memory_space<vmem>>, vector<16xi32>,
      %swap3A_1128 = arith.constant 272 : index
      %swap3A_1129 = tpu.vector_load %arg13[%swap3A_1128] {strides = array<i32>} : memref<9024xi32, #tpu.memory_space<vmem>>, vector<16xi32>,
      tpu.vector_store %arg13[%swap3A_1128], %get3A_1127 {strides = array<i32>} : memref<9024xi32, #tpu.memory_space<vmem>>, vector<16xi32>,
      %get3A_1130 = arith.index_cast %add3A_1125 : i32 to index
      %get3A_1131 = tpu.vector_load %arg14[%get3A_1130] {strides = array<i32>} : memref<9024xi32, #tpu.memory_space<vmem>>, vector<16xi32>,
      %swap3A_1132 = arith.constant 272 : index
      %swap3A_1133 = tpu.vector_load %arg14[%swap3A_1132] {strides = array<i32>} : memref<9024xi32, #tpu.memory_space<vmem>>, vector<16xi32>,
      tpu.vector_store %arg14[%swap3A_1132], %get3A_1131 {strides = array<i32>} : memref<9024xi32, #tpu.memory_space<vmem>>, vector<16xi32>,
      %get3A_1134 = arith.index_cast %add3A_1125 : i32 to index
      %get3A_1135 = tpu.vector_load %arg15[%get3A_1134] {strides = array<i32>} : memref<9024xf32, #tpu.memory_space<vmem>>, vector<16xf32>,
      %swap3A_1136 = arith.constant 272 : index
      %swap3A_1137 = tpu.vector_load %arg15[%swap3A_1136] {strides = array<i32>} : memref<9024xf32, #tpu.memory_space<vmem>>, vector<16xf32>,
      tpu.vector_store %arg15[%swap3A_1136], %get3A_1135 {strides = array<i32>} : memref<9024xf32, #tpu.memory_space<vmem>>, vector<16xf32>,
      %add3A_1138 = arith.constant 288 : i32
      %add3A_1139 = arith.addi %mul3A_885, %add3A_1138 : i32
      %get3A_1140 = arith.index_cast %add3A_1139 : i32 to index
      %get3A_1141 = tpu.vector_load %arg13[%get3A_1140] {strides = array<i32>} : memref<9024xi32, #tpu.memory_space<vmem>>, vector<16xi32>,
      %swap3A_1142 = arith.constant 288 : index
      %swap3A_1143 = tpu.vector_load %arg13[%swap3A_1142] {strides = array<i32>} : memref<9024xi32, #tpu.memory_space<vmem>>, vector<16xi32>,
      tpu.vector_store %arg13[%swap3A_1142], %get3A_1141 {strides = array<i32>} : memref<9024xi32, #tpu.memory_space<vmem>>, vector<16xi32>,
      %get3A_1144 = arith.index_cast %add3A_1139 : i32 to index
      %get3A_1145 = tpu.vector_load %arg14[%get3A_1144] {strides = array<i32>} : memref<9024xi32, #tpu.memory_space<vmem>>, vector<16xi32>,
      %swap3A_1146 = arith.constant 288 : index
      %swap3A_1147 = tpu.vector_load %arg14[%swap3A_1146] {strides = array<i32>} : memref<9024xi32, #tpu.memory_space<vmem>>, vector<16xi32>,
      tpu.vector_store %arg14[%swap3A_1146], %get3A_1145 {strides = array<i32>} : memref<9024xi32, #tpu.memory_space<vmem>>, vector<16xi32>,
      %get3A_1148 = arith.index_cast %add3A_1139 : i32 to index
      %get3A_1149 = tpu.vector_load %arg15[%get3A_1148] {strides = array<i32>} : memref<9024xf32, #tpu.memory_space<vmem>>, vector<16xf32>,
      %swap3A_1150 = arith.constant 288 : index
      %swap3A_1151 = tpu.vector_load %arg15[%swap3A_1150] {strides = array<i32>} : memref<9024xf32, #tpu.memory_space<vmem>>, vector<16xf32>,
      tpu.vector_store %arg15[%swap3A_1150], %get3A_1149 {strides = array<i32>} : memref<9024xf32, #tpu.memory_space<vmem>>, vector<16xf32>,
      %add3A_1152 = arith.constant 304 : i32
      %add3A_1153 = arith.addi %mul3A_885, %add3A_1152 : i32
      %get3A_1154 = arith.index_cast %add3A_1153 : i32 to index
      %get3A_1155 = tpu.vector_load %arg13[%get3A_1154] {strides = array<i32>} : memref<9024xi32, #tpu.memory_space<vmem>>, vector<16xi32>,
      %swap3A_1156 = arith.constant 304 : index
      %swap3A_1157 = tpu.vector_load %arg13[%swap3A_1156] {strides = array<i32>} : memref<9024xi32, #tpu.memory_space<vmem>>, vector<16xi32>,
      tpu.vector_store %arg13[%swap3A_1156], %get3A_1155 {strides = array<i32>} : memref<9024xi32, #tpu.memory_space<vmem>>, vector<16xi32>,
      %get3A_1158 = arith.index_cast %add3A_1153 : i32 to index
      %get3A_1159 = tpu.vector_load %arg14[%get3A_1158] {strides = array<i32>} : memref<9024xi32, #tpu.memory_space<vmem>>, vector<16xi32>,
      %swap3A_1160 = arith.constant 304 : index
      %swap3A_1161 = tpu.vector_load %arg14[%swap3A_1160] {strides = array<i32>} : memref<9024xi32, #tpu.memory_space<vmem>>, vector<16xi32>,
      tpu.vector_store %arg14[%swap3A_1160], %get3A_1159 {strides = array<i32>} : memref<9024xi32, #tpu.memory_space<vmem>>, vector<16xi32>,
      %get3A_1162 = arith.index_cast %add3A_1153 : i32 to index
      %get3A_1163 = tpu.vector_load %arg15[%get3A_1162] {strides = array<i32>} : memref<9024xf32, #tpu.memory_space<vmem>>, vector<16xf32>,
      %swap3A_1164 = arith.constant 304 : index
      %swap3A_1165 = tpu.vector_load %arg15[%swap3A_1164] {strides = array<i32>} : memref<9024xf32, #tpu.memory_space<vmem>>, vector<16xf32>,
      tpu.vector_store %arg15[%swap3A_1164], %get3A_1163 {strides = array<i32>} : memref<9024xf32, #tpu.memory_space<vmem>>, vector<16xf32>,
      %add3A_1166 = arith.constant 320 : i32
      %add3A_1167 = arith.addi %mul3A_885, %add3A_1166 : i32
      %get3A_1168 = arith.index_cast %add3A_1167 : i32 to index
      %get3A_1169 = tpu.vector_load %arg13[%get3A_1168] {strides = array<i32>} : memref<9024xi32, #tpu.memory_space<vmem>>, vector<16xi32>,
      %swap3A_1170 = arith.constant 320 : index
      %swap3A_1171 = tpu.vector_load %arg13[%swap3A_1170] {strides = array<i32>} : memref<9024xi32, #tpu.memory_space<vmem>>, vector<16xi32>,
      tpu.vector_store %arg13[%swap3A_1170], %get3A_1169 {strides = array<i32>} : memref<9024xi32, #tpu.memory_space<vmem>>, vector<16xi32>,
      %get3A_1172 = arith.index_cast %add3A_1167 : i32 to index
      %get3A_1173 = tpu.vector_load %arg14[%get3A_1172] {strides = array<i32>} : memref<9024xi32, #tpu.memory_space<vmem>>, vector<16xi32>,
      %swap3A_1174 = arith.constant 320 : index
      %swap3A_1175 = tpu.vector_load %arg14[%swap3A_1174] {strides = array<i32>} : memref<9024xi32, #tpu.memory_space<vmem>>, vector<16xi32>,
      tpu.vector_store %arg14[%swap3A_1174], %get3A_1173 {strides = array<i32>} : memref<9024xi32, #tpu.memory_space<vmem>>, vector<16xi32>,
      %get3A_1176 = arith.index_cast %add3A_1167 : i32 to index
      %get3A_1177 = tpu.vector_load %arg15[%get3A_1176] {strides = array<i32>} : memref<9024xf32, #tpu.memory_space<vmem>>, vector<16xf32>,
      %swap3A_1178 = arith.constant 320 : index
      %swap3A_1179 = tpu.vector_load %arg15[%swap3A_1178] {strides = array<i32>} : memref<9024xf32, #tpu.memory_space<vmem>>, vector<16xf32>,
      tpu.vector_store %arg15[%swap3A_1178], %get3A_1177 {strides = array<i32>} : memref<9024xf32, #tpu.memory_space<vmem>>, vector<16xf32>,
      %add3A_1180 = arith.constant 336 : i32
      %add3A_1181 = arith.addi %mul3A_885, %add3A_1180 : i32
      %get3A_1182 = arith.index_cast %add3A_1181 : i32 to index
      %get3A_1183 = tpu.vector_load %arg13[%get3A_1182] {strides = array<i32>} : memref<9024xi32, #tpu.memory_space<vmem>>, vector<16xi32>,
      %swap3A_1184 = arith.constant 336 : index
      %swap3A_1185 = tpu.vector_load %arg13[%swap3A_1184] {strides = array<i32>} : memref<9024xi32, #tpu.memory_space<vmem>>, vector<16xi32>,
      tpu.vector_store %arg13[%swap3A_1184], %get3A_1183 {strides = array<i32>} : memref<9024xi32, #tpu.memory_space<vmem>>, vector<16xi32>,
      %get3A_1186 = arith.index_cast %add3A_1181 : i32 to index
      %get3A_1187 = tpu.vector_load %arg14[%get3A_1186] {strides = array<i32>} : memref<9024xi32, #tpu.memory_space<vmem>>, vector<16xi32>,
      %swap3A_1188 = arith.constant 336 : index
      %swap3A_1189 = tpu.vector_load %arg14[%swap3A_1188] {strides = array<i32>} : memref<9024xi32, #tpu.memory_space<vmem>>, vector<16xi32>,
      tpu.vector_store %arg14[%swap3A_1188], %get3A_1187 {strides = array<i32>} : memref<9024xi32, #tpu.memory_space<vmem>>, vector<16xi32>,
      %get3A_1190 = arith.index_cast %add3A_1181 : i32 to index
      %get3A_1191 = tpu.vector_load %arg15[%get3A_1190] {strides = array<i32>} : memref<9024xf32, #tpu.memory_space<vmem>>, vector<16xf32>,
      %swap3A_1192 = arith.constant 336 : index
      %swap3A_1193 = tpu.vector_load %arg15[%swap3A_1192] {strides = array<i32>} : memref<9024xf32, #tpu.memory_space<vmem>>, vector<16xf32>,
      tpu.vector_store %arg15[%swap3A_1192], %get3A_1191 {strides = array<i32>} : memref<9024xf32, #tpu.memory_space<vmem>>, vector<16xf32>,
      %add3A_1194 = arith.constant 352 : i32
      %add3A_1195 = arith.addi %mul3A_885, %add3A_1194 : i32
      %get3A_1196 = arith.index_cast %add3A_1195 : i32 to index
      %get3A_1197 = tpu.vector_load %arg13[%get3A_1196] {strides = array<i32>} : memref<9024xi32, #tpu.memory_space<vmem>>, vector<16xi32>,
      %swap3A_1198 = arith.constant 352 : index
      %swap3A_1199 = tpu.vector_load %arg13[%swap3A_1198] {strides = array<i32>} : memref<9024xi32, #tpu.memory_space<vmem>>, vector<16xi32>,
      tpu.vector_store %arg13[%swap3A_1198], %get3A_1197 {strides = array<i32>} : memref<9024xi32, #tpu.memory_space<vmem>>, vector<16xi32>,
      %get3A_1200 = arith.index_cast %add3A_1195 : i32 to index
      %get3A_1201 = tpu.vector_load %arg14[%get3A_1200] {strides = array<i32>} : memref<9024xi32, #tpu.memory_space<vmem>>, vector<16xi32>,
      %swap3A_1202 = arith.constant 352 : index
      %swap3A_1203 = tpu.vector_load %arg14[%swap3A_1202] {strides = array<i32>} : memref<9024xi32, #tpu.memory_space<vmem>>, vector<16xi32>,
      tpu.vector_store %arg14[%swap3A_1202], %get3A_1201 {strides = array<i32>} : memref<9024xi32, #tpu.memory_space<vmem>>, vector<16xi32>,
      %get3A_1204 = arith.index_cast %add3A_1195 : i32 to index
      %get3A_1205 = tpu.vector_load %arg15[%get3A_1204] {strides = array<i32>} : memref<9024xf32, #tpu.memory_space<vmem>>, vector<16xf32>,
      %swap3A_1206 = arith.constant 352 : index
      %swap3A_1207 = tpu.vector_load %arg15[%swap3A_1206] {strides = array<i32>} : memref<9024xf32, #tpu.memory_space<vmem>>, vector<16xf32>,
      tpu.vector_store %arg15[%swap3A_1206], %get3A_1205 {strides = array<i32>} : memref<9024xf32, #tpu.memory_space<vmem>>, vector<16xf32>,
      %add3A_1208 = arith.constant 368 : i32
      %add3A_1209 = arith.addi %mul3A_885, %add3A_1208 : i32
      %get3A_1210 = arith.index_cast %add3A_1209 : i32 to index
      %get3A_1211 = tpu.vector_load %arg13[%get3A_1210] {strides = array<i32>} : memref<9024xi32, #tpu.memory_space<vmem>>, vector<16xi32>,
      %swap3A_1212 = arith.constant 368 : index
      %swap3A_1213 = tpu.vector_load %arg13[%swap3A_1212] {strides = array<i32>} : memref<9024xi32, #tpu.memory_space<vmem>>, vector<16xi32>,
      tpu.vector_store %arg13[%swap3A_1212], %get3A_1211 {strides = array<i32>} : memref<9024xi32, #tpu.memory_space<vmem>>, vector<16xi32>,
      %get3A_1214 = arith.index_cast %add3A_1209 : i32 to index
      %get3A_1215 = tpu.vector_load %arg14[%get3A_1214] {strides = array<i32>} : memref<9024xi32, #tpu.memory_space<vmem>>, vector<16xi32>,
      %swap3A_1216 = arith.constant 368 : index
      %swap3A_1217 = tpu.vector_load %arg14[%swap3A_1216] {strides = array<i32>} : memref<9024xi32, #tpu.memory_space<vmem>>, vector<16xi32>,
      tpu.vector_store %arg14[%swap3A_1216], %get3A_1215 {strides = array<i32>} : memref<9024xi32, #tpu.memory_space<vmem>>, vector<16xi32>,
      %get3A_1218 = arith.index_cast %add3A_1209 : i32 to index
      %get3A_1219 = tpu.vector_load %arg15[%get3A_1218] {strides = array<i32>} : memref<9024xf32, #tpu.memory_space<vmem>>, vector<16xf32>,
      %swap3A_1220 = arith.constant 368 : index
      %swap3A_1221 = tpu.vector_load %arg15[%swap3A_1220] {strides = array<i32>} : memref<9024xf32, #tpu.memory_space<vmem>>, vector<16xf32>,
      tpu.vector_store %arg15[%swap3A_1220], %get3A_1219 {strides = array<i32>} : memref<9024xf32, #tpu.memory_space<vmem>>, vector<16xf32>,
      %add3A_1222 = arith.constant 384 : i32
      %add3A_1223 = arith.addi %mul3A_885, %add3A_1222 : i32
      %get3A_1224 = arith.index_cast %add3A_1223 : i32 to index
      %get3A_1225 = tpu.vector_load %arg13[%get3A_1224] {strides = array<i32>} : memref<9024xi32, #tpu.memory_space<vmem>>, vector<16xi32>,
      %swap3A_1226 = arith.constant 384 : index
      %swap3A_1227 = tpu.vector_load %arg13[%swap3A_1226] {strides = array<i32>} : memref<9024xi32, #tpu.memory_space<vmem>>, vector<16xi32>,
      tpu.vector_store %arg13[%swap3A_1226], %get3A_1225 {strides = array<i32>} : memref<9024xi32, #tpu.memory_space<vmem>>, vector<16xi32>,
      %get3A_1228 = arith.index_cast %add3A_1223 : i32 to index
      %get3A_1229 = tpu.vector_load %arg14[%get3A_1228] {strides = array<i32>} : memref<9024xi32, #tpu.memory_space<vmem>>, vector<16xi32>,
      %swap3A_1230 = arith.constant 384 : index
      %swap3A_1231 = tpu.vector_load %arg14[%swap3A_1230] {strides = array<i32>} : memref<9024xi32, #tpu.memory_space<vmem>>, vector<16xi32>,
      tpu.vector_store %arg14[%swap3A_1230], %get3A_1229 {strides = array<i32>} : memref<9024xi32, #tpu.memory_space<vmem>>, vector<16xi32>,
      %get3A_1232 = arith.index_cast %add3A_1223 : i32 to index
      %get3A_1233 = tpu.vector_load %arg15[%get3A_1232] {strides = array<i32>} : memref<9024xf32, #tpu.memory_space<vmem>>, vector<16xf32>,
      %swap3A_1234 = arith.constant 384 : index
      %swap3A_1235 = tpu.vector_load %arg15[%swap3A_1234] {strides = array<i32>} : memref<9024xf32, #tpu.memory_space<vmem>>, vector<16xf32>,
      tpu.vector_store %arg15[%swap3A_1234], %get3A_1233 {strides = array<i32>} : memref<9024xf32, #tpu.memory_space<vmem>>, vector<16xf32>,
      %add3A_1236 = arith.constant 400 : i32
      %add3A_1237 = arith.addi %mul3A_885, %add3A_1236 : i32
      %get3A_1238 = arith.index_cast %add3A_1237 : i32 to index
      %get3A_1239 = tpu.vector_load %arg13[%get3A_1238] {strides = array<i32>} : memref<9024xi32, #tpu.memory_space<vmem>>, vector<16xi32>,
      %swap3A_1240 = arith.constant 400 : index
      %swap3A_1241 = tpu.vector_load %arg13[%swap3A_1240] {strides = array<i32>} : memref<9024xi32, #tpu.memory_space<vmem>>, vector<16xi32>,
      tpu.vector_store %arg13[%swap3A_1240], %get3A_1239 {strides = array<i32>} : memref<9024xi32, #tpu.memory_space<vmem>>, vector<16xi32>,
      %get3A_1242 = arith.index_cast %add3A_1237 : i32 to index
      %get3A_1243 = tpu.vector_load %arg14[%get3A_1242] {strides = array<i32>} : memref<9024xi32, #tpu.memory_space<vmem>>, vector<16xi32>,
      %swap3A_1244 = arith.constant 400 : index
      %swap3A_1245 = tpu.vector_load %arg14[%swap3A_1244] {strides = array<i32>} : memref<9024xi32, #tpu.memory_space<vmem>>, vector<16xi32>,
      tpu.vector_store %arg14[%swap3A_1244], %get3A_1243 {strides = array<i32>} : memref<9024xi32, #tpu.memory_space<vmem>>, vector<16xi32>,
      %get3A_1246 = arith.index_cast %add3A_1237 : i32 to index
      %get3A_1247 = tpu.vector_load %arg15[%get3A_1246] {strides = array<i32>} : memref<9024xf32, #tpu.memory_space<vmem>>, vector<16xf32>,
      %swap3A_1248 = arith.constant 400 : index
      %swap3A_1249 = tpu.vector_load %arg15[%swap3A_1248] {strides = array<i32>} : memref<9024xf32, #tpu.memory_space<vmem>>, vector<16xf32>,
      tpu.vector_store %arg15[%swap3A_1248], %get3A_1247 {strides = array<i32>} : memref<9024xf32, #tpu.memory_space<vmem>>, vector<16xf32>,
      %add3A_1250 = arith.constant 416 : i32
      %add3A_1251 = arith.addi %mul3A_885, %add3A_1250 : i32
      %get3A_1252 = arith.index_cast %add3A_1251 : i32 to index
      %get3A_1253 = tpu.vector_load %arg13[%get3A_1252] {strides = array<i32>} : memref<9024xi32, #tpu.memory_space<vmem>>, vector<16xi32>,
      %swap3A_1254 = arith.constant 416 : index
      %swap3A_1255 = tpu.vector_load %arg13[%swap3A_1254] {strides = array<i32>} : memref<9024xi32, #tpu.memory_space<vmem>>, vector<16xi32>,
      tpu.vector_store %arg13[%swap3A_1254], %get3A_1253 {strides = array<i32>} : memref<9024xi32, #tpu.memory_space<vmem>>, vector<16xi32>,
      %get3A_1256 = arith.index_cast %add3A_1251 : i32 to index
      %get3A_1257 = tpu.vector_load %arg14[%get3A_1256] {strides = array<i32>} : memref<9024xi32, #tpu.memory_space<vmem>>, vector<16xi32>,
      %swap3A_1258 = arith.constant 416 : index
      %swap3A_1259 = tpu.vector_load %arg14[%swap3A_1258] {strides = array<i32>} : memref<9024xi32, #tpu.memory_space<vmem>>, vector<16xi32>,
      tpu.vector_store %arg14[%swap3A_1258], %get3A_1257 {strides = array<i32>} : memref<9024xi32, #tpu.memory_space<vmem>>, vector<16xi32>,
      %get3A_1260 = arith.index_cast %add3A_1251 : i32 to index
      %get3A_1261 = tpu.vector_load %arg15[%get3A_1260] {strides = array<i32>} : memref<9024xf32, #tpu.memory_space<vmem>>, vector<16xf32>,
      %swap3A_1262 = arith.constant 416 : index
      %swap3A_1263 = tpu.vector_load %arg15[%swap3A_1262] {strides = array<i32>} : memref<9024xf32, #tpu.memory_space<vmem>>, vector<16xf32>,
      tpu.vector_store %arg15[%swap3A_1262], %get3A_1261 {strides = array<i32>} : memref<9024xf32, #tpu.memory_space<vmem>>, vector<16xf32>,
      %add3A_1264 = arith.constant 432 : i32
      %add3A_1265 = arith.addi %mul3A_885, %add3A_1264 : i32
      %get3A_1266 = arith.index_cast %add3A_1265 : i32 to index
      %get3A_1267 = tpu.vector_load %arg13[%get3A_1266] {strides = array<i32>} : memref<9024xi32, #tpu.memory_space<vmem>>, vector<16xi32>,
      %swap3A_1268 = arith.constant 432 : index
      %swap3A_1269 = tpu.vector_load %arg13[%swap3A_1268] {strides = array<i32>} : memref<9024xi32, #tpu.memory_space<vmem>>, vector<16xi32>,
      tpu.vector_store %arg13[%swap3A_1268], %get3A_1267 {strides = array<i32>} : memref<9024xi32, #tpu.memory_space<vmem>>, vector<16xi32>,
      %get3A_1270 = arith.index_cast %add3A_1265 : i32 to index
      %get3A_1271 = tpu.vector_load %arg14[%get3A_1270] {strides = array<i32>} : memref<9024xi32, #tpu.memory_space<vmem>>, vector<16xi32>,
      %swap3A_1272 = arith.constant 432 : index
      %swap3A_1273 = tpu.vector_load %arg14[%swap3A_1272] {strides = array<i32>} : memref<9024xi32, #tpu.memory_space<vmem>>, vector<16xi32>,
      tpu.vector_store %arg14[%swap3A_1272], %get3A_1271 {strides = array<i32>} : memref<9024xi32, #tpu.memory_space<vmem>>, vector<16xi32>,
      %get3A_1274 = arith.index_cast %add3A_1265 : i32 to index
      %get3A_1275 = tpu.vector_load %arg15[%get3A_1274] {strides = array<i32>} : memref<9024xf32, #tpu.memory_space<vmem>>, vector<16xf32>,
      %swap3A_1276 = arith.constant 432 : index
      %swap3A_1277 = tpu.vector_load %arg15[%swap3A_1276] {strides = array<i32>} : memref<9024xf32, #tpu.memory_space<vmem>>, vector<16xf32>,
      tpu.vector_store %arg15[%swap3A_1276], %get3A_1275 {strides = array<i32>} : memref<9024xf32, #tpu.memory_space<vmem>>, vector<16xf32>,
      %add3A_1278 = arith.constant 448 : i32
      %add3A_1279 = arith.addi %mul3A_885, %add3A_1278 : i32
      %get3A_1280 = arith.index_cast %add3A_1279 : i32 to index
      %get3A_1281 = tpu.vector_load %arg13[%get3A_1280] {strides = array<i32>} : memref<9024xi32, #tpu.memory_space<vmem>>, vector<16xi32>,
      %swap3A_1282 = arith.constant 448 : index
      %swap3A_1283 = tpu.vector_load %arg13[%swap3A_1282] {strides = array<i32>} : memref<9024xi32, #tpu.memory_space<vmem>>, vector<16xi32>,
      tpu.vector_store %arg13[%swap3A_1282], %get3A_1281 {strides = array<i32>} : memref<9024xi32, #tpu.memory_space<vmem>>, vector<16xi32>,
      %get3A_1284 = arith.index_cast %add3A_1279 : i32 to index
      %get3A_1285 = tpu.vector_load %arg14[%get3A_1284] {strides = array<i32>} : memref<9024xi32, #tpu.memory_space<vmem>>, vector<16xi32>,
      %swap3A_1286 = arith.constant 448 : index
      %swap3A_1287 = tpu.vector_load %arg14[%swap3A_1286] {strides = array<i32>} : memref<9024xi32, #tpu.memory_space<vmem>>, vector<16xi32>,
      tpu.vector_store %arg14[%swap3A_1286], %get3A_1285 {strides = array<i32>} : memref<9024xi32, #tpu.memory_space<vmem>>, vector<16xi32>,
      %get3A_1288 = arith.index_cast %add3A_1279 : i32 to index
      %get3A_1289 = tpu.vector_load %arg15[%get3A_1288] {strides = array<i32>} : memref<9024xf32, #tpu.memory_space<vmem>>, vector<16xf32>,
      %swap3A_1290 = arith.constant 448 : index
      %swap3A_1291 = tpu.vector_load %arg15[%swap3A_1290] {strides = array<i32>} : memref<9024xf32, #tpu.memory_space<vmem>>, vector<16xf32>,
      tpu.vector_store %arg15[%swap3A_1290], %get3A_1289 {strides = array<i32>} : memref<9024xf32, #tpu.memory_space<vmem>>, vector<16xf32>,
      %add3A_1292 = arith.constant 464 : i32
      %add3A_1293 = arith.addi %mul3A_885, %add3A_1292 : i32
      %get3A_1294 = arith.index_cast %add3A_1293 : i32 to index
      %get3A_1295 = tpu.vector_load %arg13[%get3A_1294] {strides = array<i32>} : memref<9024xi32, #tpu.memory_space<vmem>>, vector<16xi32>,
      %swap3A_1296 = arith.constant 464 : index
      %swap3A_1297 = tpu.vector_load %arg13[%swap3A_1296] {strides = array<i32>} : memref<9024xi32, #tpu.memory_space<vmem>>, vector<16xi32>,
      tpu.vector_store %arg13[%swap3A_1296], %get3A_1295 {strides = array<i32>} : memref<9024xi32, #tpu.memory_space<vmem>>, vector<16xi32>,
      %get3A_1298 = arith.index_cast %add3A_1293 : i32 to index
      %get3A_1299 = tpu.vector_load %arg14[%get3A_1298] {strides = array<i32>} : memref<9024xi32, #tpu.memory_space<vmem>>, vector<16xi32>,
      %swap3A_1300 = arith.constant 464 : index
      %swap3A_1301 = tpu.vector_load %arg14[%swap3A_1300] {strides = array<i32>} : memref<9024xi32, #tpu.memory_space<vmem>>, vector<16xi32>,
      tpu.vector_store %arg14[%swap3A_1300], %get3A_1299 {strides = array<i32>} : memref<9024xi32, #tpu.memory_space<vmem>>, vector<16xi32>,
      %get3A_1302 = arith.index_cast %add3A_1293 : i32 to index
      %get3A_1303 = tpu.vector_load %arg15[%get3A_1302] {strides = array<i32>} : memref<9024xf32, #tpu.memory_space<vmem>>, vector<16xf32>,
      %swap3A_1304 = arith.constant 464 : index
      %swap3A_1305 = tpu.vector_load %arg15[%swap3A_1304] {strides = array<i32>} : memref<9024xf32, #tpu.memory_space<vmem>>, vector<16xf32>,
      tpu.vector_store %arg15[%swap3A_1304], %get3A_1303 {strides = array<i32>} : memref<9024xf32, #tpu.memory_space<vmem>>, vector<16xf32>,
      %add3A_1306 = arith.constant 480 : i32
      %add3A_1307 = arith.addi %mul3A_885, %add3A_1306 : i32
      %get3A_1308 = arith.index_cast %add3A_1307 : i32 to index
      %get3A_1309 = tpu.vector_load %arg13[%get3A_1308] {strides = array<i32>} : memref<9024xi32, #tpu.memory_space<vmem>>, vector<16xi32>,
      %swap3A_1310 = arith.constant 480 : index
      %swap3A_1311 = tpu.vector_load %arg13[%swap3A_1310] {strides = array<i32>} : memref<9024xi32, #tpu.memory_space<vmem>>, vector<16xi32>,
      tpu.vector_store %arg13[%swap3A_1310], %get3A_1309 {strides = array<i32>} : memref<9024xi32, #tpu.memory_space<vmem>>, vector<16xi32>,
      %get3A_1312 = arith.index_cast %add3A_1307 : i32 to index
      %get3A_1313 = tpu.vector_load %arg14[%get3A_1312] {strides = array<i32>} : memref<9024xi32, #tpu.memory_space<vmem>>, vector<16xi32>,
      %swap3A_1314 = arith.constant 480 : index
      %swap3A_1315 = tpu.vector_load %arg14[%swap3A_1314] {strides = array<i32>} : memref<9024xi32, #tpu.memory_space<vmem>>, vector<16xi32>,
      tpu.vector_store %arg14[%swap3A_1314], %get3A_1313 {strides = array<i32>} : memref<9024xi32, #tpu.memory_space<vmem>>, vector<16xi32>,
      %get3A_1316 = arith.index_cast %add3A_1307 : i32 to index
      %get3A_1317 = tpu.vector_load %arg15[%get3A_1316] {strides = array<i32>} : memref<9024xf32, #tpu.memory_space<vmem>>, vector<16xf32>,
      %swap3A_1318 = arith.constant 480 : index
      %swap3A_1319 = tpu.vector_load %arg15[%swap3A_1318] {strides = array<i32>} : memref<9024xf32, #tpu.memory_space<vmem>>, vector<16xf32>,
      tpu.vector_store %arg15[%swap3A_1318], %get3A_1317 {strides = array<i32>} : memref<9024xf32, #tpu.memory_space<vmem>>, vector<16xf32>,
      %add3A_1320 = arith.constant 496 : i32
      %add3A_1321 = arith.addi %mul3A_885, %add3A_1320 : i32
      %get3A_1322 = arith.index_cast %add3A_1321 : i32 to index
      %get3A_1323 = tpu.vector_load %arg13[%get3A_1322] {strides = array<i32>} : memref<9024xi32, #tpu.memory_space<vmem>>, vector<16xi32>,
      %swap3A_1324 = arith.constant 496 : index
      %swap3A_1325 = tpu.vector_load %arg13[%swap3A_1324] {strides = array<i32>} : memref<9024xi32, #tpu.memory_space<vmem>>, vector<16xi32>,
      tpu.vector_store %arg13[%swap3A_1324], %get3A_1323 {strides = array<i32>} : memref<9024xi32, #tpu.memory_space<vmem>>, vector<16xi32>,
      %get3A_1326 = arith.index_cast %add3A_1321 : i32 to index
      %get3A_1327 = tpu.vector_load %arg14[%get3A_1326] {strides = array<i32>} : memref<9024xi32, #tpu.memory_space<vmem>>, vector<16xi32>,
      %swap3A_1328 = arith.constant 496 : index
      %swap3A_1329 = tpu.vector_load %arg14[%swap3A_1328] {strides = array<i32>} : memref<9024xi32, #tpu.memory_space<vmem>>, vector<16xi32>,
      tpu.vector_store %arg14[%swap3A_1328], %get3A_1327 {strides = array<i32>} : memref<9024xi32, #tpu.memory_space<vmem>>, vector<16xi32>,
      %get3A_1330 = arith.index_cast %add3A_1321 : i32 to index
      %get3A_1331 = tpu.vector_load %arg15[%get3A_1330] {strides = array<i32>} : memref<9024xf32, #tpu.memory_space<vmem>>, vector<16xf32>,
      %swap3A_1332 = arith.constant 496 : index
      %swap3A_1333 = tpu.vector_load %arg15[%swap3A_1332] {strides = array<i32>} : memref<9024xf32, #tpu.memory_space<vmem>>, vector<16xf32>,
      tpu.vector_store %arg15[%swap3A_1332], %get3A_1331 {strides = array<i32>} : memref<9024xf32, #tpu.memory_space<vmem>>, vector<16xf32>,
      %sub3A = arith.subi %scan3A_870, %mul3A_885 : i32
      %add3A_1334 = arith.addi %scan3A_863, %shift_right_logical3A_872 : i32
      scf.yield %sub3A, %add3A_1334 : i32, i32
    }
    %scan3A_21 = arith.constant 40 : i32
    %add3A_22 = arith.constant 0 : i32
    %add3A_23 = vector.broadcast %add3A_22 : i32 to vector<16xi32>
    %add3A_24 = arith.addi %add3A_23, %iota3A : vector<16xi32>
    %lt3A = vector.broadcast %scan3A_20#0 : i32 to vector<16xi32>
    %lt3A_25 = arith.cmpi slt, %add3A_24, %lt3A : vector<16xi32>
    %get3A = arith.constant 0 : index
    %get3A_26 = tpu.vector_load %arg13[%get3A] {strides = array<i32>} : memref<9024xi32, #tpu.memory_space<vmem>>, vector<16xi32>,
    %jit3A = arith.constant 0 : i32
    %broadcast_in_dim3A_27 = vector.broadcast %jit3A : i32 to vector<16xi32>
    %select_n3A = arith.select %lt3A_25, %get3A_26, %broadcast_in_dim3A_27 : vector<16xi1>, vector<16xi32>
    %swap3A = arith.constant 0 : index
    %swap3A_28 = tpu.vector_load %arg13[%swap3A] {strides = array<i32>} : memref<9024xi32, #tpu.memory_space<vmem>>, vector<16xi32>,
    tpu.vector_store %arg13[%swap3A], %select_n3A {strides = array<i32>} : memref<9024xi32, #tpu.memory_space<vmem>>, vector<16xi32>,
    %get3A_29 = arith.constant 0 : index
    %get3A_30 = tpu.vector_load %arg14[%get3A_29] {strides = array<i32>} : memref<9024xi32, #tpu.memory_space<vmem>>, vector<16xi32>,
    %jit3A_31 = arith.constant 0 : i32
    %broadcast_in_dim3A_32 = vector.broadcast %jit3A_31 : i32 to vector<16xi32>
    %select_n3A_33 = arith.select %lt3A_25, %get3A_30, %broadcast_in_dim3A_32 : vector<16xi1>, vector<16xi32>
    %swap3A_34 = arith.constant 0 : index
    %swap3A_35 = tpu.vector_load %arg14[%swap3A_34] {strides = array<i32>} : memref<9024xi32, #tpu.memory_space<vmem>>, vector<16xi32>,
    tpu.vector_store %arg14[%swap3A_34], %select_n3A_33 {strides = array<i32>} : memref<9024xi32, #tpu.memory_space<vmem>>, vector<16xi32>,
    %get3A_36 = arith.constant 0 : index
    %get3A_37 = tpu.vector_load %arg15[%get3A_36] {strides = array<i32>} : memref<9024xf32, #tpu.memory_space<vmem>>, vector<16xf32>,
    %jit3A_38 = arith.constant 0.000000e+00 : f32
    %broadcast_in_dim3A_39 = vector.broadcast %jit3A_38 : f32 to vector<16xf32>
    %select_n3A_40 = arith.select %lt3A_25, %get3A_37, %broadcast_in_dim3A_39 : vector<16xi1>, vector<16xf32>
    %swap3A_41 = arith.constant 0 : index
    %swap3A_42 = tpu.vector_load %arg15[%swap3A_41] {strides = array<i32>} : memref<9024xf32, #tpu.memory_space<vmem>>, vector<16xf32>,
    tpu.vector_store %arg15[%swap3A_41], %select_n3A_40 {strides = array<i32>} : memref<9024xf32, #tpu.memory_space<vmem>>, vector<16xf32>,
    %add3A_43 = arith.constant 16 : i32
    %add3A_44 = vector.broadcast %add3A_43 : i32 to vector<16xi32>
    %add3A_45 = arith.addi %add3A_44, %iota3A : vector<16xi32>
    %lt3A_46 = vector.broadcast %scan3A_20#0 : i32 to vector<16xi32>
    %lt3A_47 = arith.cmpi slt, %add3A_45, %lt3A_46 : vector<16xi32>
    %get3A_48 = arith.constant 16 : index
    %get3A_49 = tpu.vector_load %arg13[%get3A_48] {strides = array<i32>} : memref<9024xi32, #tpu.memory_space<vmem>>, vector<16xi32>,
    %jit3A_50 = arith.constant 0 : i32
    %broadcast_in_dim3A_51 = vector.broadcast %jit3A_50 : i32 to vector<16xi32>
    %select_n3A_52 = arith.select %lt3A_47, %get3A_49, %broadcast_in_dim3A_51 : vector<16xi1>, vector<16xi32>
    %swap3A_53 = arith.constant 16 : index
    %swap3A_54 = tpu.vector_load %arg13[%swap3A_53] {strides = array<i32>} : memref<9024xi32, #tpu.memory_space<vmem>>, vector<16xi32>,
    tpu.vector_store %arg13[%swap3A_53], %select_n3A_52 {strides = array<i32>} : memref<9024xi32, #tpu.memory_space<vmem>>, vector<16xi32>,
    %get3A_55 = arith.constant 16 : index
    %get3A_56 = tpu.vector_load %arg14[%get3A_55] {strides = array<i32>} : memref<9024xi32, #tpu.memory_space<vmem>>, vector<16xi32>,
    %jit3A_57 = arith.constant 0 : i32
    %broadcast_in_dim3A_58 = vector.broadcast %jit3A_57 : i32 to vector<16xi32>
    %select_n3A_59 = arith.select %lt3A_47, %get3A_56, %broadcast_in_dim3A_58 : vector<16xi1>, vector<16xi32>
    %swap3A_60 = arith.constant 16 : index
    %swap3A_61 = tpu.vector_load %arg14[%swap3A_60] {strides = array<i32>} : memref<9024xi32, #tpu.memory_space<vmem>>, vector<16xi32>,
    tpu.vector_store %arg14[%swap3A_60], %select_n3A_59 {strides = array<i32>} : memref<9024xi32, #tpu.memory_space<vmem>>, vector<16xi32>,
    %get3A_62 = arith.constant 16 : index
    %get3A_63 = tpu.vector_load %arg15[%get3A_62] {strides = array<i32>} : memref<9024xf32, #tpu.memory_space<vmem>>, vector<16xf32>,
    %jit3A_64 = arith.constant 0.000000e+00 : f32
    %broadcast_in_dim3A_65 = vector.broadcast %jit3A_64 : f32 to vector<16xf32>
    %select_n3A_66 = arith.select %lt3A_47, %get3A_63, %broadcast_in_dim3A_65 : vector<16xi1>, vector<16xf32>
    %swap3A_67 = arith.constant 16 : index
    %swap3A_68 = tpu.vector_load %arg15[%swap3A_67] {strides = array<i32>} : memref<9024xf32, #tpu.memory_space<vmem>>, vector<16xf32>,
    tpu.vector_store %arg15[%swap3A_67], %select_n3A_66 {strides = array<i32>} : memref<9024xf32, #tpu.memory_space<vmem>>, vector<16xf32>,
    %add3A_69 = arith.constant 32 : i32
    %add3A_70 = vector.broadcast %add3A_69 : i32 to vector<16xi32>
    %add3A_71 = arith.addi %add3A_70, %iota3A : vector<16xi32>
    %lt3A_72 = vector.broadcast %scan3A_20#0 : i32 to vector<16xi32>
    %lt3A_73 = arith.cmpi slt, %add3A_71, %lt3A_72 : vector<16xi32>
    %get3A_74 = arith.constant 32 : index
    %get3A_75 = tpu.vector_load %arg13[%get3A_74] {strides = array<i32>} : memref<9024xi32, #tpu.memory_space<vmem>>, vector<16xi32>,
    %jit3A_76 = arith.constant 0 : i32
    %broadcast_in_dim3A_77 = vector.broadcast %jit3A_76 : i32 to vector<16xi32>
    %select_n3A_78 = arith.select %lt3A_73, %get3A_75, %broadcast_in_dim3A_77 : vector<16xi1>, vector<16xi32>
    %swap3A_79 = arith.constant 32 : index
    %swap3A_80 = tpu.vector_load %arg13[%swap3A_79] {strides = array<i32>} : memref<9024xi32, #tpu.memory_space<vmem>>, vector<16xi32>,
    tpu.vector_store %arg13[%swap3A_79], %select_n3A_78 {strides = array<i32>} : memref<9024xi32, #tpu.memory_space<vmem>>, vector<16xi32>,
    %get3A_81 = arith.constant 32 : index
    %get3A_82 = tpu.vector_load %arg14[%get3A_81] {strides = array<i32>} : memref<9024xi32, #tpu.memory_space<vmem>>, vector<16xi32>,
    %jit3A_83 = arith.constant 0 : i32
    %broadcast_in_dim3A_84 = vector.broadcast %jit3A_83 : i32 to vector<16xi32>
    %select_n3A_85 = arith.select %lt3A_73, %get3A_82, %broadcast_in_dim3A_84 : vector<16xi1>, vector<16xi32>
    %swap3A_86 = arith.constant 32 : index
    %swap3A_87 = tpu.vector_load %arg14[%swap3A_86] {strides = array<i32>} : memref<9024xi32, #tpu.memory_space<vmem>>, vector<16xi32>,
    tpu.vector_store %arg14[%swap3A_86], %select_n3A_85 {strides = array<i32>} : memref<9024xi32, #tpu.memory_space<vmem>>, vector<16xi32>,
    %get3A_88 = arith.constant 32 : index
    %get3A_89 = tpu.vector_load %arg15[%get3A_88] {strides = array<i32>} : memref<9024xf32, #tpu.memory_space<vmem>>, vector<16xf32>,
    %jit3A_90 = arith.constant 0.000000e+00 : f32
    %broadcast_in_dim3A_91 = vector.broadcast %jit3A_90 : f32 to vector<16xf32>
    %select_n3A_92 = arith.select %lt3A_73, %get3A_89, %broadcast_in_dim3A_91 : vector<16xi1>, vector<16xf32>
    %swap3A_93 = arith.constant 32 : index
    %swap3A_94 = tpu.vector_load %arg15[%swap3A_93] {strides = array<i32>} : memref<9024xf32, #tpu.memory_space<vmem>>, vector<16xf32>,
    tpu.vector_store %arg15[%swap3A_93], %select_n3A_92 {strides = array<i32>} : memref<9024xf32, #tpu.memory_space<vmem>>, vector<16xf32>,
    %add3A_95 = arith.constant 48 : i32
    %add3A_96 = vector.broadcast %add3A_95 : i32 to vector<16xi32>
    %add3A_97 = arith.addi %add3A_96, %iota3A : vector<16xi32>
    %lt3A_98 = vector.broadcast %scan3A_20#0 : i32 to vector<16xi32>
    %lt3A_99 = arith.cmpi slt, %add3A_97, %lt3A_98 : vector<16xi32>
    %get3A_100 = arith.constant 48 : index
    %get3A_101 = tpu.vector_load %arg13[%get3A_100] {strides = array<i32>} : memref<9024xi32, #tpu.memory_space<vmem>>, vector<16xi32>,
    %jit3A_102 = arith.constant 0 : i32
    %broadcast_in_dim3A_103 = vector.broadcast %jit3A_102 : i32 to vector<16xi32>
    %select_n3A_104 = arith.select %lt3A_99, %get3A_101, %broadcast_in_dim3A_103 : vector<16xi1>, vector<16xi32>
    %swap3A_105 = arith.constant 48 : index
    %swap3A_106 = tpu.vector_load %arg13[%swap3A_105] {strides = array<i32>} : memref<9024xi32, #tpu.memory_space<vmem>>, vector<16xi32>,
    tpu.vector_store %arg13[%swap3A_105], %select_n3A_104 {strides = array<i32>} : memref<9024xi32, #tpu.memory_space<vmem>>, vector<16xi32>,
    %get3A_107 = arith.constant 48 : index
    %get3A_108 = tpu.vector_load %arg14[%get3A_107] {strides = array<i32>} : memref<9024xi32, #tpu.memory_space<vmem>>, vector<16xi32>,
    %jit3A_109 = arith.constant 0 : i32
    %broadcast_in_dim3A_110 = vector.broadcast %jit3A_109 : i32 to vector<16xi32>
    %select_n3A_111 = arith.select %lt3A_99, %get3A_108, %broadcast_in_dim3A_110 : vector<16xi1>, vector<16xi32>
    %swap3A_112 = arith.constant 48 : index
    %swap3A_113 = tpu.vector_load %arg14[%swap3A_112] {strides = array<i32>} : memref<9024xi32, #tpu.memory_space<vmem>>, vector<16xi32>,
    tpu.vector_store %arg14[%swap3A_112], %select_n3A_111 {strides = array<i32>} : memref<9024xi32, #tpu.memory_space<vmem>>, vector<16xi32>,
    %get3A_114 = arith.constant 48 : index
    %get3A_115 = tpu.vector_load %arg15[%get3A_114] {strides = array<i32>} : memref<9024xf32, #tpu.memory_space<vmem>>, vector<16xf32>,
    %jit3A_116 = arith.constant 0.000000e+00 : f32
    %broadcast_in_dim3A_117 = vector.broadcast %jit3A_116 : f32 to vector<16xf32>
    %select_n3A_118 = arith.select %lt3A_99, %get3A_115, %broadcast_in_dim3A_117 : vector<16xi1>, vector<16xf32>
    %swap3A_119 = arith.constant 48 : index
    %swap3A_120 = tpu.vector_load %arg15[%swap3A_119] {strides = array<i32>} : memref<9024xf32, #tpu.memory_space<vmem>>, vector<16xf32>,
    tpu.vector_store %arg15[%swap3A_119], %select_n3A_118 {strides = array<i32>} : memref<9024xf32, #tpu.memory_space<vmem>>, vector<16xf32>,
    %add3A_121 = arith.constant 64 : i32
    %add3A_122 = vector.broadcast %add3A_121 : i32 to vector<16xi32>
    %add3A_123 = arith.addi %add3A_122, %iota3A : vector<16xi32>
    %lt3A_124 = vector.broadcast %scan3A_20#0 : i32 to vector<16xi32>
    %lt3A_125 = arith.cmpi slt, %add3A_123, %lt3A_124 : vector<16xi32>
    %get3A_126 = arith.constant 64 : index
    %get3A_127 = tpu.vector_load %arg13[%get3A_126] {strides = array<i32>} : memref<9024xi32, #tpu.memory_space<vmem>>, vector<16xi32>,
    %jit3A_128 = arith.constant 0 : i32
    %broadcast_in_dim3A_129 = vector.broadcast %jit3A_128 : i32 to vector<16xi32>
    %select_n3A_130 = arith.select %lt3A_125, %get3A_127, %broadcast_in_dim3A_129 : vector<16xi1>, vector<16xi32>
    %swap3A_131 = arith.constant 64 : index
    %swap3A_132 = tpu.vector_load %arg13[%swap3A_131] {strides = array<i32>} : memref<9024xi32, #tpu.memory_space<vmem>>, vector<16xi32>,
    tpu.vector_store %arg13[%swap3A_131], %select_n3A_130 {strides = array<i32>} : memref<9024xi32, #tpu.memory_space<vmem>>, vector<16xi32>,
    %get3A_133 = arith.constant 64 : index
    %get3A_134 = tpu.vector_load %arg14[%get3A_133] {strides = array<i32>} : memref<9024xi32, #tpu.memory_space<vmem>>, vector<16xi32>,
    %jit3A_135 = arith.constant 0 : i32
    %broadcast_in_dim3A_136 = vector.broadcast %jit3A_135 : i32 to vector<16xi32>
    %select_n3A_137 = arith.select %lt3A_125, %get3A_134, %broadcast_in_dim3A_136 : vector<16xi1>, vector<16xi32>
    %swap3A_138 = arith.constant 64 : index
    %swap3A_139 = tpu.vector_load %arg14[%swap3A_138] {strides = array<i32>} : memref<9024xi32, #tpu.memory_space<vmem>>, vector<16xi32>,
    tpu.vector_store %arg14[%swap3A_138], %select_n3A_137 {strides = array<i32>} : memref<9024xi32, #tpu.memory_space<vmem>>, vector<16xi32>,
    %get3A_140 = arith.constant 64 : index
    %get3A_141 = tpu.vector_load %arg15[%get3A_140] {strides = array<i32>} : memref<9024xf32, #tpu.memory_space<vmem>>, vector<16xf32>,
    %jit3A_142 = arith.constant 0.000000e+00 : f32
    %broadcast_in_dim3A_143 = vector.broadcast %jit3A_142 : f32 to vector<16xf32>
    %select_n3A_144 = arith.select %lt3A_125, %get3A_141, %broadcast_in_dim3A_143 : vector<16xi1>, vector<16xf32>
    %swap3A_145 = arith.constant 64 : index
    %swap3A_146 = tpu.vector_load %arg15[%swap3A_145] {strides = array<i32>} : memref<9024xf32, #tpu.memory_space<vmem>>, vector<16xf32>,
    tpu.vector_store %arg15[%swap3A_145], %select_n3A_144 {strides = array<i32>} : memref<9024xf32, #tpu.memory_space<vmem>>, vector<16xf32>,
    %add3A_147 = arith.constant 80 : i32
    %add3A_148 = vector.broadcast %add3A_147 : i32 to vector<16xi32>
    %add3A_149 = arith.addi %add3A_148, %iota3A : vector<16xi32>
    %lt3A_150 = vector.broadcast %scan3A_20#0 : i32 to vector<16xi32>
    %lt3A_151 = arith.cmpi slt, %add3A_149, %lt3A_150 : vector<16xi32>
    %get3A_152 = arith.constant 80 : index
    %get3A_153 = tpu.vector_load %arg13[%get3A_152] {strides = array<i32>} : memref<9024xi32, #tpu.memory_space<vmem>>, vector<16xi32>,
    %jit3A_154 = arith.constant 0 : i32
    %broadcast_in_dim3A_155 = vector.broadcast %jit3A_154 : i32 to vector<16xi32>
    %select_n3A_156 = arith.select %lt3A_151, %get3A_153, %broadcast_in_dim3A_155 : vector<16xi1>, vector<16xi32>
    %swap3A_157 = arith.constant 80 : index
    %swap3A_158 = tpu.vector_load %arg13[%swap3A_157] {strides = array<i32>} : memref<9024xi32, #tpu.memory_space<vmem>>, vector<16xi32>,
    tpu.vector_store %arg13[%swap3A_157], %select_n3A_156 {strides = array<i32>} : memref<9024xi32, #tpu.memory_space<vmem>>, vector<16xi32>,
    %get3A_159 = arith.constant 80 : index
    %get3A_160 = tpu.vector_load %arg14[%get3A_159] {strides = array<i32>} : memref<9024xi32, #tpu.memory_space<vmem>>, vector<16xi32>,
    %jit3A_161 = arith.constant 0 : i32
    %broadcast_in_dim3A_162 = vector.broadcast %jit3A_161 : i32 to vector<16xi32>
    %select_n3A_163 = arith.select %lt3A_151, %get3A_160, %broadcast_in_dim3A_162 : vector<16xi1>, vector<16xi32>
    %swap3A_164 = arith.constant 80 : index
    %swap3A_165 = tpu.vector_load %arg14[%swap3A_164] {strides = array<i32>} : memref<9024xi32, #tpu.memory_space<vmem>>, vector<16xi32>,
    tpu.vector_store %arg14[%swap3A_164], %select_n3A_163 {strides = array<i32>} : memref<9024xi32, #tpu.memory_space<vmem>>, vector<16xi32>,
    %get3A_166 = arith.constant 80 : index
    %get3A_167 = tpu.vector_load %arg15[%get3A_166] {strides = array<i32>} : memref<9024xf32, #tpu.memory_space<vmem>>, vector<16xf32>,
    %jit3A_168 = arith.constant 0.000000e+00 : f32
    %broadcast_in_dim3A_169 = vector.broadcast %jit3A_168 : f32 to vector<16xf32>
    %select_n3A_170 = arith.select %lt3A_151, %get3A_167, %broadcast_in_dim3A_169 : vector<16xi1>, vector<16xf32>
    %swap3A_171 = arith.constant 80 : index
    %swap3A_172 = tpu.vector_load %arg15[%swap3A_171] {strides = array<i32>} : memref<9024xf32, #tpu.memory_space<vmem>>, vector<16xf32>,
    tpu.vector_store %arg15[%swap3A_171], %select_n3A_170 {strides = array<i32>} : memref<9024xf32, #tpu.memory_space<vmem>>, vector<16xf32>,
    %add3A_173 = arith.constant 96 : i32
    %add3A_174 = vector.broadcast %add3A_173 : i32 to vector<16xi32>
    %add3A_175 = arith.addi %add3A_174, %iota3A : vector<16xi32>
    %lt3A_176 = vector.broadcast %scan3A_20#0 : i32 to vector<16xi32>
    %lt3A_177 = arith.cmpi slt, %add3A_175, %lt3A_176 : vector<16xi32>
    %get3A_178 = arith.constant 96 : index
    %get3A_179 = tpu.vector_load %arg13[%get3A_178] {strides = array<i32>} : memref<9024xi32, #tpu.memory_space<vmem>>, vector<16xi32>,
    %jit3A_180 = arith.constant 0 : i32
    %broadcast_in_dim3A_181 = vector.broadcast %jit3A_180 : i32 to vector<16xi32>
    %select_n3A_182 = arith.select %lt3A_177, %get3A_179, %broadcast_in_dim3A_181 : vector<16xi1>, vector<16xi32>
    %swap3A_183 = arith.constant 96 : index
    %swap3A_184 = tpu.vector_load %arg13[%swap3A_183] {strides = array<i32>} : memref<9024xi32, #tpu.memory_space<vmem>>, vector<16xi32>,
    tpu.vector_store %arg13[%swap3A_183], %select_n3A_182 {strides = array<i32>} : memref<9024xi32, #tpu.memory_space<vmem>>, vector<16xi32>,
    %get3A_185 = arith.constant 96 : index
    %get3A_186 = tpu.vector_load %arg14[%get3A_185] {strides = array<i32>} : memref<9024xi32, #tpu.memory_space<vmem>>, vector<16xi32>,
    %jit3A_187 = arith.constant 0 : i32
    %broadcast_in_dim3A_188 = vector.broadcast %jit3A_187 : i32 to vector<16xi32>
    %select_n3A_189 = arith.select %lt3A_177, %get3A_186, %broadcast_in_dim3A_188 : vector<16xi1>, vector<16xi32>
    %swap3A_190 = arith.constant 96 : index
    %swap3A_191 = tpu.vector_load %arg14[%swap3A_190] {strides = array<i32>} : memref<9024xi32, #tpu.memory_space<vmem>>, vector<16xi32>,
    tpu.vector_store %arg14[%swap3A_190], %select_n3A_189 {strides = array<i32>} : memref<9024xi32, #tpu.memory_space<vmem>>, vector<16xi32>,
    %get3A_192 = arith.constant 96 : index
    %get3A_193 = tpu.vector_load %arg15[%get3A_192] {strides = array<i32>} : memref<9024xf32, #tpu.memory_space<vmem>>, vector<16xf32>,
    %jit3A_194 = arith.constant 0.000000e+00 : f32
    %broadcast_in_dim3A_195 = vector.broadcast %jit3A_194 : f32 to vector<16xf32>
    %select_n3A_196 = arith.select %lt3A_177, %get3A_193, %broadcast_in_dim3A_195 : vector<16xi1>, vector<16xf32>
    %swap3A_197 = arith.constant 96 : index
    %swap3A_198 = tpu.vector_load %arg15[%swap3A_197] {strides = array<i32>} : memref<9024xf32, #tpu.memory_space<vmem>>, vector<16xf32>,
    tpu.vector_store %arg15[%swap3A_197], %select_n3A_196 {strides = array<i32>} : memref<9024xf32, #tpu.memory_space<vmem>>, vector<16xf32>,
    %add3A_199 = arith.constant 112 : i32
    %add3A_200 = vector.broadcast %add3A_199 : i32 to vector<16xi32>
    %add3A_201 = arith.addi %add3A_200, %iota3A : vector<16xi32>
    %lt3A_202 = vector.broadcast %scan3A_20#0 : i32 to vector<16xi32>
    %lt3A_203 = arith.cmpi slt, %add3A_201, %lt3A_202 : vector<16xi32>
    %get3A_204 = arith.constant 112 : index
    %get3A_205 = tpu.vector_load %arg13[%get3A_204] {strides = array<i32>} : memref<9024xi32, #tpu.memory_space<vmem>>, vector<16xi32>,
    %jit3A_206 = arith.constant 0 : i32
    %broadcast_in_dim3A_207 = vector.broadcast %jit3A_206 : i32 to vector<16xi32>
    %select_n3A_208 = arith.select %lt3A_203, %get3A_205, %broadcast_in_dim3A_207 : vector<16xi1>, vector<16xi32>
    %swap3A_209 = arith.constant 112 : index
    %swap3A_210 = tpu.vector_load %arg13[%swap3A_209] {strides = array<i32>} : memref<9024xi32, #tpu.memory_space<vmem>>, vector<16xi32>,
    tpu.vector_store %arg13[%swap3A_209], %select_n3A_208 {strides = array<i32>} : memref<9024xi32, #tpu.memory_space<vmem>>, vector<16xi32>,
    %get3A_211 = arith.constant 112 : index
    %get3A_212 = tpu.vector_load %arg14[%get3A_211] {strides = array<i32>} : memref<9024xi32, #tpu.memory_space<vmem>>, vector<16xi32>,
    %jit3A_213 = arith.constant 0 : i32
    %broadcast_in_dim3A_214 = vector.broadcast %jit3A_213 : i32 to vector<16xi32>
    %select_n3A_215 = arith.select %lt3A_203, %get3A_212, %broadcast_in_dim3A_214 : vector<16xi1>, vector<16xi32>
    %swap3A_216 = arith.constant 112 : index
    %swap3A_217 = tpu.vector_load %arg14[%swap3A_216] {strides = array<i32>} : memref<9024xi32, #tpu.memory_space<vmem>>, vector<16xi32>,
    tpu.vector_store %arg14[%swap3A_216], %select_n3A_215 {strides = array<i32>} : memref<9024xi32, #tpu.memory_space<vmem>>, vector<16xi32>,
    %get3A_218 = arith.constant 112 : index
    %get3A_219 = tpu.vector_load %arg15[%get3A_218] {strides = array<i32>} : memref<9024xf32, #tpu.memory_space<vmem>>, vector<16xf32>,
    %jit3A_220 = arith.constant 0.000000e+00 : f32
    %broadcast_in_dim3A_221 = vector.broadcast %jit3A_220 : f32 to vector<16xf32>
    %select_n3A_222 = arith.select %lt3A_203, %get3A_219, %broadcast_in_dim3A_221 : vector<16xi1>, vector<16xf32>
    %swap3A_223 = arith.constant 112 : index
    %swap3A_224 = tpu.vector_load %arg15[%swap3A_223] {strides = array<i32>} : memref<9024xf32, #tpu.memory_space<vmem>>, vector<16xf32>,
    tpu.vector_store %arg15[%swap3A_223], %select_n3A_222 {strides = array<i32>} : memref<9024xf32, #tpu.memory_space<vmem>>, vector<16xf32>,
    %add3A_225 = arith.constant 128 : i32
    %add3A_226 = vector.broadcast %add3A_225 : i32 to vector<16xi32>
    %add3A_227 = arith.addi %add3A_226, %iota3A : vector<16xi32>
    %lt3A_228 = vector.broadcast %scan3A_20#0 : i32 to vector<16xi32>
    %lt3A_229 = arith.cmpi slt, %add3A_227, %lt3A_228 : vector<16xi32>
    %get3A_230 = arith.constant 128 : index
    %get3A_231 = tpu.vector_load %arg13[%get3A_230] {strides = array<i32>} : memref<9024xi32, #tpu.memory_space<vmem>>, vector<16xi32>,
    %jit3A_232 = arith.constant 0 : i32
    %broadcast_in_dim3A_233 = vector.broadcast %jit3A_232 : i32 to vector<16xi32>
    %select_n3A_234 = arith.select %lt3A_229, %get3A_231, %broadcast_in_dim3A_233 : vector<16xi1>, vector<16xi32>
    %swap3A_235 = arith.constant 128 : index
    %swap3A_236 = tpu.vector_load %arg13[%swap3A_235] {strides = array<i32>} : memref<9024xi32, #tpu.memory_space<vmem>>, vector<16xi32>,
    tpu.vector_store %arg13[%swap3A_235], %select_n3A_234 {strides = array<i32>} : memref<9024xi32, #tpu.memory_space<vmem>>, vector<16xi32>,
    %get3A_237 = arith.constant 128 : index
    %get3A_238 = tpu.vector_load %arg14[%get3A_237] {strides = array<i32>} : memref<9024xi32, #tpu.memory_space<vmem>>, vector<16xi32>,
    %jit3A_239 = arith.constant 0 : i32
    %broadcast_in_dim3A_240 = vector.broadcast %jit3A_239 : i32 to vector<16xi32>
    %select_n3A_241 = arith.select %lt3A_229, %get3A_238, %broadcast_in_dim3A_240 : vector<16xi1>, vector<16xi32>
    %swap3A_242 = arith.constant 128 : index
    %swap3A_243 = tpu.vector_load %arg14[%swap3A_242] {strides = array<i32>} : memref<9024xi32, #tpu.memory_space<vmem>>, vector<16xi32>,
    tpu.vector_store %arg14[%swap3A_242], %select_n3A_241 {strides = array<i32>} : memref<9024xi32, #tpu.memory_space<vmem>>, vector<16xi32>,
    %get3A_244 = arith.constant 128 : index
    %get3A_245 = tpu.vector_load %arg15[%get3A_244] {strides = array<i32>} : memref<9024xf32, #tpu.memory_space<vmem>>, vector<16xf32>,
    %jit3A_246 = arith.constant 0.000000e+00 : f32
    %broadcast_in_dim3A_247 = vector.broadcast %jit3A_246 : f32 to vector<16xf32>
    %select_n3A_248 = arith.select %lt3A_229, %get3A_245, %broadcast_in_dim3A_247 : vector<16xi1>, vector<16xf32>
    %swap3A_249 = arith.constant 128 : index
    %swap3A_250 = tpu.vector_load %arg15[%swap3A_249] {strides = array<i32>} : memref<9024xf32, #tpu.memory_space<vmem>>, vector<16xf32>,
    tpu.vector_store %arg15[%swap3A_249], %select_n3A_248 {strides = array<i32>} : memref<9024xf32, #tpu.memory_space<vmem>>, vector<16xf32>,
    %add3A_251 = arith.constant 144 : i32
    %add3A_252 = vector.broadcast %add3A_251 : i32 to vector<16xi32>
    %add3A_253 = arith.addi %add3A_252, %iota3A : vector<16xi32>
    %lt3A_254 = vector.broadcast %scan3A_20#0 : i32 to vector<16xi32>
    %lt3A_255 = arith.cmpi slt, %add3A_253, %lt3A_254 : vector<16xi32>
    %get3A_256 = arith.constant 144 : index
    %get3A_257 = tpu.vector_load %arg13[%get3A_256] {strides = array<i32>} : memref<9024xi32, #tpu.memory_space<vmem>>, vector<16xi32>,
    %jit3A_258 = arith.constant 0 : i32
    %broadcast_in_dim3A_259 = vector.broadcast %jit3A_258 : i32 to vector<16xi32>
    %select_n3A_260 = arith.select %lt3A_255, %get3A_257, %broadcast_in_dim3A_259 : vector<16xi1>, vector<16xi32>
    %swap3A_261 = arith.constant 144 : index
    %swap3A_262 = tpu.vector_load %arg13[%swap3A_261] {strides = array<i32>} : memref<9024xi32, #tpu.memory_space<vmem>>, vector<16xi32>,
    tpu.vector_store %arg13[%swap3A_261], %select_n3A_260 {strides = array<i32>} : memref<9024xi32, #tpu.memory_space<vmem>>, vector<16xi32>,
    %get3A_263 = arith.constant 144 : index
    %get3A_264 = tpu.vector_load %arg14[%get3A_263] {strides = array<i32>} : memref<9024xi32, #tpu.memory_space<vmem>>, vector<16xi32>,
    %jit3A_265 = arith.constant 0 : i32
    %broadcast_in_dim3A_266 = vector.broadcast %jit3A_265 : i32 to vector<16xi32>
    %select_n3A_267 = arith.select %lt3A_255, %get3A_264, %broadcast_in_dim3A_266 : vector<16xi1>, vector<16xi32>
    %swap3A_268 = arith.constant 144 : index
    %swap3A_269 = tpu.vector_load %arg14[%swap3A_268] {strides = array<i32>} : memref<9024xi32, #tpu.memory_space<vmem>>, vector<16xi32>,
    tpu.vector_store %arg14[%swap3A_268], %select_n3A_267 {strides = array<i32>} : memref<9024xi32, #tpu.memory_space<vmem>>, vector<16xi32>,
    %get3A_270 = arith.constant 144 : index
    %get3A_271 = tpu.vector_load %arg15[%get3A_270] {strides = array<i32>} : memref<9024xf32, #tpu.memory_space<vmem>>, vector<16xf32>,
    %jit3A_272 = arith.constant 0.000000e+00 : f32
    %broadcast_in_dim3A_273 = vector.broadcast %jit3A_272 : f32 to vector<16xf32>
    %select_n3A_274 = arith.select %lt3A_255, %get3A_271, %broadcast_in_dim3A_273 : vector<16xi1>, vector<16xf32>
    %swap3A_275 = arith.constant 144 : index
    %swap3A_276 = tpu.vector_load %arg15[%swap3A_275] {strides = array<i32>} : memref<9024xf32, #tpu.memory_space<vmem>>, vector<16xf32>,
    tpu.vector_store %arg15[%swap3A_275], %select_n3A_274 {strides = array<i32>} : memref<9024xf32, #tpu.memory_space<vmem>>, vector<16xf32>,
    %add3A_277 = arith.constant 160 : i32
    %add3A_278 = vector.broadcast %add3A_277 : i32 to vector<16xi32>
    %add3A_279 = arith.addi %add3A_278, %iota3A : vector<16xi32>
    %lt3A_280 = vector.broadcast %scan3A_20#0 : i32 to vector<16xi32>
    %lt3A_281 = arith.cmpi slt, %add3A_279, %lt3A_280 : vector<16xi32>
    %get3A_282 = arith.constant 160 : index
    %get3A_283 = tpu.vector_load %arg13[%get3A_282] {strides = array<i32>} : memref<9024xi32, #tpu.memory_space<vmem>>, vector<16xi32>,
    %jit3A_284 = arith.constant 0 : i32
    %broadcast_in_dim3A_285 = vector.broadcast %jit3A_284 : i32 to vector<16xi32>
    %select_n3A_286 = arith.select %lt3A_281, %get3A_283, %broadcast_in_dim3A_285 : vector<16xi1>, vector<16xi32>
    %swap3A_287 = arith.constant 160 : index
    %swap3A_288 = tpu.vector_load %arg13[%swap3A_287] {strides = array<i32>} : memref<9024xi32, #tpu.memory_space<vmem>>, vector<16xi32>,
    tpu.vector_store %arg13[%swap3A_287], %select_n3A_286 {strides = array<i32>} : memref<9024xi32, #tpu.memory_space<vmem>>, vector<16xi32>,
    %get3A_289 = arith.constant 160 : index
    %get3A_290 = tpu.vector_load %arg14[%get3A_289] {strides = array<i32>} : memref<9024xi32, #tpu.memory_space<vmem>>, vector<16xi32>,
    %jit3A_291 = arith.constant 0 : i32
    %broadcast_in_dim3A_292 = vector.broadcast %jit3A_291 : i32 to vector<16xi32>
    %select_n3A_293 = arith.select %lt3A_281, %get3A_290, %broadcast_in_dim3A_292 : vector<16xi1>, vector<16xi32>
    %swap3A_294 = arith.constant 160 : index
    %swap3A_295 = tpu.vector_load %arg14[%swap3A_294] {strides = array<i32>} : memref<9024xi32, #tpu.memory_space<vmem>>, vector<16xi32>,
    tpu.vector_store %arg14[%swap3A_294], %select_n3A_293 {strides = array<i32>} : memref<9024xi32, #tpu.memory_space<vmem>>, vector<16xi32>,
    %get3A_296 = arith.constant 160 : index
    %get3A_297 = tpu.vector_load %arg15[%get3A_296] {strides = array<i32>} : memref<9024xf32, #tpu.memory_space<vmem>>, vector<16xf32>,
    %jit3A_298 = arith.constant 0.000000e+00 : f32
    %broadcast_in_dim3A_299 = vector.broadcast %jit3A_298 : f32 to vector<16xf32>
    %select_n3A_300 = arith.select %lt3A_281, %get3A_297, %broadcast_in_dim3A_299 : vector<16xi1>, vector<16xf32>
    %swap3A_301 = arith.constant 160 : index
    %swap3A_302 = tpu.vector_load %arg15[%swap3A_301] {strides = array<i32>} : memref<9024xf32, #tpu.memory_space<vmem>>, vector<16xf32>,
    tpu.vector_store %arg15[%swap3A_301], %select_n3A_300 {strides = array<i32>} : memref<9024xf32, #tpu.memory_space<vmem>>, vector<16xf32>,
    %add3A_303 = arith.constant 176 : i32
    %add3A_304 = vector.broadcast %add3A_303 : i32 to vector<16xi32>
    %add3A_305 = arith.addi %add3A_304, %iota3A : vector<16xi32>
    %lt3A_306 = vector.broadcast %scan3A_20#0 : i32 to vector<16xi32>
    %lt3A_307 = arith.cmpi slt, %add3A_305, %lt3A_306 : vector<16xi32>
    %get3A_308 = arith.constant 176 : index
    %get3A_309 = tpu.vector_load %arg13[%get3A_308] {strides = array<i32>} : memref<9024xi32, #tpu.memory_space<vmem>>, vector<16xi32>,
    %jit3A_310 = arith.constant 0 : i32
    %broadcast_in_dim3A_311 = vector.broadcast %jit3A_310 : i32 to vector<16xi32>
    %select_n3A_312 = arith.select %lt3A_307, %get3A_309, %broadcast_in_dim3A_311 : vector<16xi1>, vector<16xi32>
    %swap3A_313 = arith.constant 176 : index
    %swap3A_314 = tpu.vector_load %arg13[%swap3A_313] {strides = array<i32>} : memref<9024xi32, #tpu.memory_space<vmem>>, vector<16xi32>,
    tpu.vector_store %arg13[%swap3A_313], %select_n3A_312 {strides = array<i32>} : memref<9024xi32, #tpu.memory_space<vmem>>, vector<16xi32>,
    %get3A_315 = arith.constant 176 : index
    %get3A_316 = tpu.vector_load %arg14[%get3A_315] {strides = array<i32>} : memref<9024xi32, #tpu.memory_space<vmem>>, vector<16xi32>,
    %jit3A_317 = arith.constant 0 : i32
    %broadcast_in_dim3A_318 = vector.broadcast %jit3A_317 : i32 to vector<16xi32>
    %select_n3A_319 = arith.select %lt3A_307, %get3A_316, %broadcast_in_dim3A_318 : vector<16xi1>, vector<16xi32>
    %swap3A_320 = arith.constant 176 : index
    %swap3A_321 = tpu.vector_load %arg14[%swap3A_320] {strides = array<i32>} : memref<9024xi32, #tpu.memory_space<vmem>>, vector<16xi32>,
    tpu.vector_store %arg14[%swap3A_320], %select_n3A_319 {strides = array<i32>} : memref<9024xi32, #tpu.memory_space<vmem>>, vector<16xi32>,
    %get3A_322 = arith.constant 176 : index
    %get3A_323 = tpu.vector_load %arg15[%get3A_322] {strides = array<i32>} : memref<9024xf32, #tpu.memory_space<vmem>>, vector<16xf32>,
    %jit3A_324 = arith.constant 0.000000e+00 : f32
    %broadcast_in_dim3A_325 = vector.broadcast %jit3A_324 : f32 to vector<16xf32>
    %select_n3A_326 = arith.select %lt3A_307, %get3A_323, %broadcast_in_dim3A_325 : vector<16xi1>, vector<16xf32>
    %swap3A_327 = arith.constant 176 : index
    %swap3A_328 = tpu.vector_load %arg15[%swap3A_327] {strides = array<i32>} : memref<9024xf32, #tpu.memory_space<vmem>>, vector<16xf32>,
    tpu.vector_store %arg15[%swap3A_327], %select_n3A_326 {strides = array<i32>} : memref<9024xf32, #tpu.memory_space<vmem>>, vector<16xf32>,
    %add3A_329 = arith.constant 192 : i32
    %add3A_330 = vector.broadcast %add3A_329 : i32 to vector<16xi32>
    %add3A_331 = arith.addi %add3A_330, %iota3A : vector<16xi32>
    %lt3A_332 = vector.broadcast %scan3A_20#0 : i32 to vector<16xi32>
    %lt3A_333 = arith.cmpi slt, %add3A_331, %lt3A_332 : vector<16xi32>
    %get3A_334 = arith.constant 192 : index
    %get3A_335 = tpu.vector_load %arg13[%get3A_334] {strides = array<i32>} : memref<9024xi32, #tpu.memory_space<vmem>>, vector<16xi32>,
    %jit3A_336 = arith.constant 0 : i32
    %broadcast_in_dim3A_337 = vector.broadcast %jit3A_336 : i32 to vector<16xi32>
    %select_n3A_338 = arith.select %lt3A_333, %get3A_335, %broadcast_in_dim3A_337 : vector<16xi1>, vector<16xi32>
    %swap3A_339 = arith.constant 192 : index
    %swap3A_340 = tpu.vector_load %arg13[%swap3A_339] {strides = array<i32>} : memref<9024xi32, #tpu.memory_space<vmem>>, vector<16xi32>,
    tpu.vector_store %arg13[%swap3A_339], %select_n3A_338 {strides = array<i32>} : memref<9024xi32, #tpu.memory_space<vmem>>, vector<16xi32>,
    %get3A_341 = arith.constant 192 : index
    %get3A_342 = tpu.vector_load %arg14[%get3A_341] {strides = array<i32>} : memref<9024xi32, #tpu.memory_space<vmem>>, vector<16xi32>,
    %jit3A_343 = arith.constant 0 : i32
    %broadcast_in_dim3A_344 = vector.broadcast %jit3A_343 : i32 to vector<16xi32>
    %select_n3A_345 = arith.select %lt3A_333, %get3A_342, %broadcast_in_dim3A_344 : vector<16xi1>, vector<16xi32>
    %swap3A_346 = arith.constant 192 : index
    %swap3A_347 = tpu.vector_load %arg14[%swap3A_346] {strides = array<i32>} : memref<9024xi32, #tpu.memory_space<vmem>>, vector<16xi32>,
    tpu.vector_store %arg14[%swap3A_346], %select_n3A_345 {strides = array<i32>} : memref<9024xi32, #tpu.memory_space<vmem>>, vector<16xi32>,
    %get3A_348 = arith.constant 192 : index
    %get3A_349 = tpu.vector_load %arg15[%get3A_348] {strides = array<i32>} : memref<9024xf32, #tpu.memory_space<vmem>>, vector<16xf32>,
    %jit3A_350 = arith.constant 0.000000e+00 : f32
    %broadcast_in_dim3A_351 = vector.broadcast %jit3A_350 : f32 to vector<16xf32>
    %select_n3A_352 = arith.select %lt3A_333, %get3A_349, %broadcast_in_dim3A_351 : vector<16xi1>, vector<16xf32>
    %swap3A_353 = arith.constant 192 : index
    %swap3A_354 = tpu.vector_load %arg15[%swap3A_353] {strides = array<i32>} : memref<9024xf32, #tpu.memory_space<vmem>>, vector<16xf32>,
    tpu.vector_store %arg15[%swap3A_353], %select_n3A_352 {strides = array<i32>} : memref<9024xf32, #tpu.memory_space<vmem>>, vector<16xf32>,
    %add3A_355 = arith.constant 208 : i32
    %add3A_356 = vector.broadcast %add3A_355 : i32 to vector<16xi32>
    %add3A_357 = arith.addi %add3A_356, %iota3A : vector<16xi32>
    %lt3A_358 = vector.broadcast %scan3A_20#0 : i32 to vector<16xi32>
    %lt3A_359 = arith.cmpi slt, %add3A_357, %lt3A_358 : vector<16xi32>
    %get3A_360 = arith.constant 208 : index
    %get3A_361 = tpu.vector_load %arg13[%get3A_360] {strides = array<i32>} : memref<9024xi32, #tpu.memory_space<vmem>>, vector<16xi32>,
    %jit3A_362 = arith.constant 0 : i32
    %broadcast_in_dim3A_363 = vector.broadcast %jit3A_362 : i32 to vector<16xi32>
    %select_n3A_364 = arith.select %lt3A_359, %get3A_361, %broadcast_in_dim3A_363 : vector<16xi1>, vector<16xi32>
    %swap3A_365 = arith.constant 208 : index
    %swap3A_366 = tpu.vector_load %arg13[%swap3A_365] {strides = array<i32>} : memref<9024xi32, #tpu.memory_space<vmem>>, vector<16xi32>,
    tpu.vector_store %arg13[%swap3A_365], %select_n3A_364 {strides = array<i32>} : memref<9024xi32, #tpu.memory_space<vmem>>, vector<16xi32>,
    %get3A_367 = arith.constant 208 : index
    %get3A_368 = tpu.vector_load %arg14[%get3A_367] {strides = array<i32>} : memref<9024xi32, #tpu.memory_space<vmem>>, vector<16xi32>,
    %jit3A_369 = arith.constant 0 : i32
    %broadcast_in_dim3A_370 = vector.broadcast %jit3A_369 : i32 to vector<16xi32>
    %select_n3A_371 = arith.select %lt3A_359, %get3A_368, %broadcast_in_dim3A_370 : vector<16xi1>, vector<16xi32>
    %swap3A_372 = arith.constant 208 : index
    %swap3A_373 = tpu.vector_load %arg14[%swap3A_372] {strides = array<i32>} : memref<9024xi32, #tpu.memory_space<vmem>>, vector<16xi32>,
    tpu.vector_store %arg14[%swap3A_372], %select_n3A_371 {strides = array<i32>} : memref<9024xi32, #tpu.memory_space<vmem>>, vector<16xi32>,
    %get3A_374 = arith.constant 208 : index
    %get3A_375 = tpu.vector_load %arg15[%get3A_374] {strides = array<i32>} : memref<9024xf32, #tpu.memory_space<vmem>>, vector<16xf32>,
    %jit3A_376 = arith.constant 0.000000e+00 : f32
    %broadcast_in_dim3A_377 = vector.broadcast %jit3A_376 : f32 to vector<16xf32>
    %select_n3A_378 = arith.select %lt3A_359, %get3A_375, %broadcast_in_dim3A_377 : vector<16xi1>, vector<16xf32>
    %swap3A_379 = arith.constant 208 : index
    %swap3A_380 = tpu.vector_load %arg15[%swap3A_379] {strides = array<i32>} : memref<9024xf32, #tpu.memory_space<vmem>>, vector<16xf32>,
    tpu.vector_store %arg15[%swap3A_379], %select_n3A_378 {strides = array<i32>} : memref<9024xf32, #tpu.memory_space<vmem>>, vector<16xf32>,
    %add3A_381 = arith.constant 224 : i32
    %add3A_382 = vector.broadcast %add3A_381 : i32 to vector<16xi32>
    %add3A_383 = arith.addi %add3A_382, %iota3A : vector<16xi32>
    %lt3A_384 = vector.broadcast %scan3A_20#0 : i32 to vector<16xi32>
    %lt3A_385 = arith.cmpi slt, %add3A_383, %lt3A_384 : vector<16xi32>
    %get3A_386 = arith.constant 224 : index
    %get3A_387 = tpu.vector_load %arg13[%get3A_386] {strides = array<i32>} : memref<9024xi32, #tpu.memory_space<vmem>>, vector<16xi32>,
    %jit3A_388 = arith.constant 0 : i32
    %broadcast_in_dim3A_389 = vector.broadcast %jit3A_388 : i32 to vector<16xi32>
    %select_n3A_390 = arith.select %lt3A_385, %get3A_387, %broadcast_in_dim3A_389 : vector<16xi1>, vector<16xi32>
    %swap3A_391 = arith.constant 224 : index
    %swap3A_392 = tpu.vector_load %arg13[%swap3A_391] {strides = array<i32>} : memref<9024xi32, #tpu.memory_space<vmem>>, vector<16xi32>,
    tpu.vector_store %arg13[%swap3A_391], %select_n3A_390 {strides = array<i32>} : memref<9024xi32, #tpu.memory_space<vmem>>, vector<16xi32>,
    %get3A_393 = arith.constant 224 : index
    %get3A_394 = tpu.vector_load %arg14[%get3A_393] {strides = array<i32>} : memref<9024xi32, #tpu.memory_space<vmem>>, vector<16xi32>,
    %jit3A_395 = arith.constant 0 : i32
    %broadcast_in_dim3A_396 = vector.broadcast %jit3A_395 : i32 to vector<16xi32>
    %select_n3A_397 = arith.select %lt3A_385, %get3A_394, %broadcast_in_dim3A_396 : vector<16xi1>, vector<16xi32>
    %swap3A_398 = arith.constant 224 : index
    %swap3A_399 = tpu.vector_load %arg14[%swap3A_398] {strides = array<i32>} : memref<9024xi32, #tpu.memory_space<vmem>>, vector<16xi32>,
    tpu.vector_store %arg14[%swap3A_398], %select_n3A_397 {strides = array<i32>} : memref<9024xi32, #tpu.memory_space<vmem>>, vector<16xi32>,
    %get3A_400 = arith.constant 224 : index
    %get3A_401 = tpu.vector_load %arg15[%get3A_400] {strides = array<i32>} : memref<9024xf32, #tpu.memory_space<vmem>>, vector<16xf32>,
    %jit3A_402 = arith.constant 0.000000e+00 : f32
    %broadcast_in_dim3A_403 = vector.broadcast %jit3A_402 : f32 to vector<16xf32>
    %select_n3A_404 = arith.select %lt3A_385, %get3A_401, %broadcast_in_dim3A_403 : vector<16xi1>, vector<16xf32>
    %swap3A_405 = arith.constant 224 : index
    %swap3A_406 = tpu.vector_load %arg15[%swap3A_405] {strides = array<i32>} : memref<9024xf32, #tpu.memory_space<vmem>>, vector<16xf32>,
    tpu.vector_store %arg15[%swap3A_405], %select_n3A_404 {strides = array<i32>} : memref<9024xf32, #tpu.memory_space<vmem>>, vector<16xf32>,
    %add3A_407 = arith.constant 240 : i32
    %add3A_408 = vector.broadcast %add3A_407 : i32 to vector<16xi32>
    %add3A_409 = arith.addi %add3A_408, %iota3A : vector<16xi32>
    %lt3A_410 = vector.broadcast %scan3A_20#0 : i32 to vector<16xi32>
    %lt3A_411 = arith.cmpi slt, %add3A_409, %lt3A_410 : vector<16xi32>
    %get3A_412 = arith.constant 240 : index
    %get3A_413 = tpu.vector_load %arg13[%get3A_412] {strides = array<i32>} : memref<9024xi32, #tpu.memory_space<vmem>>, vector<16xi32>,
    %jit3A_414 = arith.constant 0 : i32
    %broadcast_in_dim3A_415 = vector.broadcast %jit3A_414 : i32 to vector<16xi32>
    %select_n3A_416 = arith.select %lt3A_411, %get3A_413, %broadcast_in_dim3A_415 : vector<16xi1>, vector<16xi32>
    %swap3A_417 = arith.constant 240 : index
    %swap3A_418 = tpu.vector_load %arg13[%swap3A_417] {strides = array<i32>} : memref<9024xi32, #tpu.memory_space<vmem>>, vector<16xi32>,
    tpu.vector_store %arg13[%swap3A_417], %select_n3A_416 {strides = array<i32>} : memref<9024xi32, #tpu.memory_space<vmem>>, vector<16xi32>,
    %get3A_419 = arith.constant 240 : index
    %get3A_420 = tpu.vector_load %arg14[%get3A_419] {strides = array<i32>} : memref<9024xi32, #tpu.memory_space<vmem>>, vector<16xi32>,
    %jit3A_421 = arith.constant 0 : i32
    %broadcast_in_dim3A_422 = vector.broadcast %jit3A_421 : i32 to vector<16xi32>
    %select_n3A_423 = arith.select %lt3A_411, %get3A_420, %broadcast_in_dim3A_422 : vector<16xi1>, vector<16xi32>
    %swap3A_424 = arith.constant 240 : index
    %swap3A_425 = tpu.vector_load %arg14[%swap3A_424] {strides = array<i32>} : memref<9024xi32, #tpu.memory_space<vmem>>, vector<16xi32>,
    tpu.vector_store %arg14[%swap3A_424], %select_n3A_423 {strides = array<i32>} : memref<9024xi32, #tpu.memory_space<vmem>>, vector<16xi32>,
    %get3A_426 = arith.constant 240 : index
    %get3A_427 = tpu.vector_load %arg15[%get3A_426] {strides = array<i32>} : memref<9024xf32, #tpu.memory_space<vmem>>, vector<16xf32>,
    %jit3A_428 = arith.constant 0.000000e+00 : f32
    %broadcast_in_dim3A_429 = vector.broadcast %jit3A_428 : f32 to vector<16xf32>
    %select_n3A_430 = arith.select %lt3A_411, %get3A_427, %broadcast_in_dim3A_429 : vector<16xi1>, vector<16xf32>
    %swap3A_431 = arith.constant 240 : index
    %swap3A_432 = tpu.vector_load %arg15[%swap3A_431] {strides = array<i32>} : memref<9024xf32, #tpu.memory_space<vmem>>, vector<16xf32>,
    tpu.vector_store %arg15[%swap3A_431], %select_n3A_430 {strides = array<i32>} : memref<9024xf32, #tpu.memory_space<vmem>>, vector<16xf32>,
    %add3A_433 = arith.constant 256 : i32
    %add3A_434 = vector.broadcast %add3A_433 : i32 to vector<16xi32>
    %add3A_435 = arith.addi %add3A_434, %iota3A : vector<16xi32>
    %lt3A_436 = vector.broadcast %scan3A_20#0 : i32 to vector<16xi32>
    %lt3A_437 = arith.cmpi slt, %add3A_435, %lt3A_436 : vector<16xi32>
    %get3A_438 = arith.constant 256 : index
    %get3A_439 = tpu.vector_load %arg13[%get3A_438] {strides = array<i32>} : memref<9024xi32, #tpu.memory_space<vmem>>, vector<16xi32>,
    %jit3A_440 = arith.constant 0 : i32
    %broadcast_in_dim3A_441 = vector.broadcast %jit3A_440 : i32 to vector<16xi32>
    %select_n3A_442 = arith.select %lt3A_437, %get3A_439, %broadcast_in_dim3A_441 : vector<16xi1>, vector<16xi32>
    %swap3A_443 = arith.constant 256 : index
    %swap3A_444 = tpu.vector_load %arg13[%swap3A_443] {strides = array<i32>} : memref<9024xi32, #tpu.memory_space<vmem>>, vector<16xi32>,
    tpu.vector_store %arg13[%swap3A_443], %select_n3A_442 {strides = array<i32>} : memref<9024xi32, #tpu.memory_space<vmem>>, vector<16xi32>,
    %get3A_445 = arith.constant 256 : index
    %get3A_446 = tpu.vector_load %arg14[%get3A_445] {strides = array<i32>} : memref<9024xi32, #tpu.memory_space<vmem>>, vector<16xi32>,
    %jit3A_447 = arith.constant 0 : i32
    %broadcast_in_dim3A_448 = vector.broadcast %jit3A_447 : i32 to vector<16xi32>
    %select_n3A_449 = arith.select %lt3A_437, %get3A_446, %broadcast_in_dim3A_448 : vector<16xi1>, vector<16xi32>
    %swap3A_450 = arith.constant 256 : index
    %swap3A_451 = tpu.vector_load %arg14[%swap3A_450] {strides = array<i32>} : memref<9024xi32, #tpu.memory_space<vmem>>, vector<16xi32>,
    tpu.vector_store %arg14[%swap3A_450], %select_n3A_449 {strides = array<i32>} : memref<9024xi32, #tpu.memory_space<vmem>>, vector<16xi32>,
    %get3A_452 = arith.constant 256 : index
    %get3A_453 = tpu.vector_load %arg15[%get3A_452] {strides = array<i32>} : memref<9024xf32, #tpu.memory_space<vmem>>, vector<16xf32>,
    %jit3A_454 = arith.constant 0.000000e+00 : f32
    %broadcast_in_dim3A_455 = vector.broadcast %jit3A_454 : f32 to vector<16xf32>
    %select_n3A_456 = arith.select %lt3A_437, %get3A_453, %broadcast_in_dim3A_455 : vector<16xi1>, vector<16xf32>
    %swap3A_457 = arith.constant 256 : index
    %swap3A_458 = tpu.vector_load %arg15[%swap3A_457] {strides = array<i32>} : memref<9024xf32, #tpu.memory_space<vmem>>, vector<16xf32>,
    tpu.vector_store %arg15[%swap3A_457], %select_n3A_456 {strides = array<i32>} : memref<9024xf32, #tpu.memory_space<vmem>>, vector<16xf32>,
    %add3A_459 = arith.constant 272 : i32
    %add3A_460 = vector.broadcast %add3A_459 : i32 to vector<16xi32>
    %add3A_461 = arith.addi %add3A_460, %iota3A : vector<16xi32>
    %lt3A_462 = vector.broadcast %scan3A_20#0 : i32 to vector<16xi32>
    %lt3A_463 = arith.cmpi slt, %add3A_461, %lt3A_462 : vector<16xi32>
    %get3A_464 = arith.constant 272 : index
    %get3A_465 = tpu.vector_load %arg13[%get3A_464] {strides = array<i32>} : memref<9024xi32, #tpu.memory_space<vmem>>, vector<16xi32>,
    %jit3A_466 = arith.constant 0 : i32
    %broadcast_in_dim3A_467 = vector.broadcast %jit3A_466 : i32 to vector<16xi32>
    %select_n3A_468 = arith.select %lt3A_463, %get3A_465, %broadcast_in_dim3A_467 : vector<16xi1>, vector<16xi32>
    %swap3A_469 = arith.constant 272 : index
    %swap3A_470 = tpu.vector_load %arg13[%swap3A_469] {strides = array<i32>} : memref<9024xi32, #tpu.memory_space<vmem>>, vector<16xi32>,
    tpu.vector_store %arg13[%swap3A_469], %select_n3A_468 {strides = array<i32>} : memref<9024xi32, #tpu.memory_space<vmem>>, vector<16xi32>,
    %get3A_471 = arith.constant 272 : index
    %get3A_472 = tpu.vector_load %arg14[%get3A_471] {strides = array<i32>} : memref<9024xi32, #tpu.memory_space<vmem>>, vector<16xi32>,
    %jit3A_473 = arith.constant 0 : i32
    %broadcast_in_dim3A_474 = vector.broadcast %jit3A_473 : i32 to vector<16xi32>
    %select_n3A_475 = arith.select %lt3A_463, %get3A_472, %broadcast_in_dim3A_474 : vector<16xi1>, vector<16xi32>
    %swap3A_476 = arith.constant 272 : index
    %swap3A_477 = tpu.vector_load %arg14[%swap3A_476] {strides = array<i32>} : memref<9024xi32, #tpu.memory_space<vmem>>, vector<16xi32>,
    tpu.vector_store %arg14[%swap3A_476], %select_n3A_475 {strides = array<i32>} : memref<9024xi32, #tpu.memory_space<vmem>>, vector<16xi32>,
    %get3A_478 = arith.constant 272 : index
    %get3A_479 = tpu.vector_load %arg15[%get3A_478] {strides = array<i32>} : memref<9024xf32, #tpu.memory_space<vmem>>, vector<16xf32>,
    %jit3A_480 = arith.constant 0.000000e+00 : f32
    %broadcast_in_dim3A_481 = vector.broadcast %jit3A_480 : f32 to vector<16xf32>
    %select_n3A_482 = arith.select %lt3A_463, %get3A_479, %broadcast_in_dim3A_481 : vector<16xi1>, vector<16xf32>
    %swap3A_483 = arith.constant 272 : index
    %swap3A_484 = tpu.vector_load %arg15[%swap3A_483] {strides = array<i32>} : memref<9024xf32, #tpu.memory_space<vmem>>, vector<16xf32>,
    tpu.vector_store %arg15[%swap3A_483], %select_n3A_482 {strides = array<i32>} : memref<9024xf32, #tpu.memory_space<vmem>>, vector<16xf32>,
    %add3A_485 = arith.constant 288 : i32
    %add3A_486 = vector.broadcast %add3A_485 : i32 to vector<16xi32>
    %add3A_487 = arith.addi %add3A_486, %iota3A : vector<16xi32>
    %lt3A_488 = vector.broadcast %scan3A_20#0 : i32 to vector<16xi32>
    %lt3A_489 = arith.cmpi slt, %add3A_487, %lt3A_488 : vector<16xi32>
    %get3A_490 = arith.constant 288 : index
    %get3A_491 = tpu.vector_load %arg13[%get3A_490] {strides = array<i32>} : memref<9024xi32, #tpu.memory_space<vmem>>, vector<16xi32>,
    %jit3A_492 = arith.constant 0 : i32
    %broadcast_in_dim3A_493 = vector.broadcast %jit3A_492 : i32 to vector<16xi32>
    %select_n3A_494 = arith.select %lt3A_489, %get3A_491, %broadcast_in_dim3A_493 : vector<16xi1>, vector<16xi32>
    %swap3A_495 = arith.constant 288 : index
    %swap3A_496 = tpu.vector_load %arg13[%swap3A_495] {strides = array<i32>} : memref<9024xi32, #tpu.memory_space<vmem>>, vector<16xi32>,
    tpu.vector_store %arg13[%swap3A_495], %select_n3A_494 {strides = array<i32>} : memref<9024xi32, #tpu.memory_space<vmem>>, vector<16xi32>,
    %get3A_497 = arith.constant 288 : index
    %get3A_498 = tpu.vector_load %arg14[%get3A_497] {strides = array<i32>} : memref<9024xi32, #tpu.memory_space<vmem>>, vector<16xi32>,
    %jit3A_499 = arith.constant 0 : i32
    %broadcast_in_dim3A_500 = vector.broadcast %jit3A_499 : i32 to vector<16xi32>
    %select_n3A_501 = arith.select %lt3A_489, %get3A_498, %broadcast_in_dim3A_500 : vector<16xi1>, vector<16xi32>
    %swap3A_502 = arith.constant 288 : index
    %swap3A_503 = tpu.vector_load %arg14[%swap3A_502] {strides = array<i32>} : memref<9024xi32, #tpu.memory_space<vmem>>, vector<16xi32>,
    tpu.vector_store %arg14[%swap3A_502], %select_n3A_501 {strides = array<i32>} : memref<9024xi32, #tpu.memory_space<vmem>>, vector<16xi32>,
    %get3A_504 = arith.constant 288 : index
    %get3A_505 = tpu.vector_load %arg15[%get3A_504] {strides = array<i32>} : memref<9024xf32, #tpu.memory_space<vmem>>, vector<16xf32>,
    %jit3A_506 = arith.constant 0.000000e+00 : f32
    %broadcast_in_dim3A_507 = vector.broadcast %jit3A_506 : f32 to vector<16xf32>
    %select_n3A_508 = arith.select %lt3A_489, %get3A_505, %broadcast_in_dim3A_507 : vector<16xi1>, vector<16xf32>
    %swap3A_509 = arith.constant 288 : index
    %swap3A_510 = tpu.vector_load %arg15[%swap3A_509] {strides = array<i32>} : memref<9024xf32, #tpu.memory_space<vmem>>, vector<16xf32>,
    tpu.vector_store %arg15[%swap3A_509], %select_n3A_508 {strides = array<i32>} : memref<9024xf32, #tpu.memory_space<vmem>>, vector<16xf32>,
    %add3A_511 = arith.constant 304 : i32
    %add3A_512 = vector.broadcast %add3A_511 : i32 to vector<16xi32>
    %add3A_513 = arith.addi %add3A_512, %iota3A : vector<16xi32>
    %lt3A_514 = vector.broadcast %scan3A_20#0 : i32 to vector<16xi32>
    %lt3A_515 = arith.cmpi slt, %add3A_513, %lt3A_514 : vector<16xi32>
    %get3A_516 = arith.constant 304 : index
    %get3A_517 = tpu.vector_load %arg13[%get3A_516] {strides = array<i32>} : memref<9024xi32, #tpu.memory_space<vmem>>, vector<16xi32>,
    %jit3A_518 = arith.constant 0 : i32
    %broadcast_in_dim3A_519 = vector.broadcast %jit3A_518 : i32 to vector<16xi32>
    %select_n3A_520 = arith.select %lt3A_515, %get3A_517, %broadcast_in_dim3A_519 : vector<16xi1>, vector<16xi32>
    %swap3A_521 = arith.constant 304 : index
    %swap3A_522 = tpu.vector_load %arg13[%swap3A_521] {strides = array<i32>} : memref<9024xi32, #tpu.memory_space<vmem>>, vector<16xi32>,
    tpu.vector_store %arg13[%swap3A_521], %select_n3A_520 {strides = array<i32>} : memref<9024xi32, #tpu.memory_space<vmem>>, vector<16xi32>,
    %get3A_523 = arith.constant 304 : index
    %get3A_524 = tpu.vector_load %arg14[%get3A_523] {strides = array<i32>} : memref<9024xi32, #tpu.memory_space<vmem>>, vector<16xi32>,
    %jit3A_525 = arith.constant 0 : i32
    %broadcast_in_dim3A_526 = vector.broadcast %jit3A_525 : i32 to vector<16xi32>
    %select_n3A_527 = arith.select %lt3A_515, %get3A_524, %broadcast_in_dim3A_526 : vector<16xi1>, vector<16xi32>
    %swap3A_528 = arith.constant 304 : index
    %swap3A_529 = tpu.vector_load %arg14[%swap3A_528] {strides = array<i32>} : memref<9024xi32, #tpu.memory_space<vmem>>, vector<16xi32>,
    tpu.vector_store %arg14[%swap3A_528], %select_n3A_527 {strides = array<i32>} : memref<9024xi32, #tpu.memory_space<vmem>>, vector<16xi32>,
    %get3A_530 = arith.constant 304 : index
    %get3A_531 = tpu.vector_load %arg15[%get3A_530] {strides = array<i32>} : memref<9024xf32, #tpu.memory_space<vmem>>, vector<16xf32>,
    %jit3A_532 = arith.constant 0.000000e+00 : f32
    %broadcast_in_dim3A_533 = vector.broadcast %jit3A_532 : f32 to vector<16xf32>
    %select_n3A_534 = arith.select %lt3A_515, %get3A_531, %broadcast_in_dim3A_533 : vector<16xi1>, vector<16xf32>
    %swap3A_535 = arith.constant 304 : index
    %swap3A_536 = tpu.vector_load %arg15[%swap3A_535] {strides = array<i32>} : memref<9024xf32, #tpu.memory_space<vmem>>, vector<16xf32>,
    tpu.vector_store %arg15[%swap3A_535], %select_n3A_534 {strides = array<i32>} : memref<9024xf32, #tpu.memory_space<vmem>>, vector<16xf32>,
    %add3A_537 = arith.constant 320 : i32
    %add3A_538 = vector.broadcast %add3A_537 : i32 to vector<16xi32>
    %add3A_539 = arith.addi %add3A_538, %iota3A : vector<16xi32>
    %lt3A_540 = vector.broadcast %scan3A_20#0 : i32 to vector<16xi32>
    %lt3A_541 = arith.cmpi slt, %add3A_539, %lt3A_540 : vector<16xi32>
    %get3A_542 = arith.constant 320 : index
    %get3A_543 = tpu.vector_load %arg13[%get3A_542] {strides = array<i32>} : memref<9024xi32, #tpu.memory_space<vmem>>, vector<16xi32>,
    %jit3A_544 = arith.constant 0 : i32
    %broadcast_in_dim3A_545 = vector.broadcast %jit3A_544 : i32 to vector<16xi32>
    %select_n3A_546 = arith.select %lt3A_541, %get3A_543, %broadcast_in_dim3A_545 : vector<16xi1>, vector<16xi32>
    %swap3A_547 = arith.constant 320 : index
    %swap3A_548 = tpu.vector_load %arg13[%swap3A_547] {strides = array<i32>} : memref<9024xi32, #tpu.memory_space<vmem>>, vector<16xi32>,
    tpu.vector_store %arg13[%swap3A_547], %select_n3A_546 {strides = array<i32>} : memref<9024xi32, #tpu.memory_space<vmem>>, vector<16xi32>,
    %get3A_549 = arith.constant 320 : index
    %get3A_550 = tpu.vector_load %arg14[%get3A_549] {strides = array<i32>} : memref<9024xi32, #tpu.memory_space<vmem>>, vector<16xi32>,
    %jit3A_551 = arith.constant 0 : i32
    %broadcast_in_dim3A_552 = vector.broadcast %jit3A_551 : i32 to vector<16xi32>
    %select_n3A_553 = arith.select %lt3A_541, %get3A_550, %broadcast_in_dim3A_552 : vector<16xi1>, vector<16xi32>
    %swap3A_554 = arith.constant 320 : index
    %swap3A_555 = tpu.vector_load %arg14[%swap3A_554] {strides = array<i32>} : memref<9024xi32, #tpu.memory_space<vmem>>, vector<16xi32>,
    tpu.vector_store %arg14[%swap3A_554], %select_n3A_553 {strides = array<i32>} : memref<9024xi32, #tpu.memory_space<vmem>>, vector<16xi32>,
    %get3A_556 = arith.constant 320 : index
    %get3A_557 = tpu.vector_load %arg15[%get3A_556] {strides = array<i32>} : memref<9024xf32, #tpu.memory_space<vmem>>, vector<16xf32>,
    %jit3A_558 = arith.constant 0.000000e+00 : f32
    %broadcast_in_dim3A_559 = vector.broadcast %jit3A_558 : f32 to vector<16xf32>
    %select_n3A_560 = arith.select %lt3A_541, %get3A_557, %broadcast_in_dim3A_559 : vector<16xi1>, vector<16xf32>
    %swap3A_561 = arith.constant 320 : index
    %swap3A_562 = tpu.vector_load %arg15[%swap3A_561] {strides = array<i32>} : memref<9024xf32, #tpu.memory_space<vmem>>, vector<16xf32>,
    tpu.vector_store %arg15[%swap3A_561], %select_n3A_560 {strides = array<i32>} : memref<9024xf32, #tpu.memory_space<vmem>>, vector<16xf32>,
    %add3A_563 = arith.constant 336 : i32
    %add3A_564 = vector.broadcast %add3A_563 : i32 to vector<16xi32>
    %add3A_565 = arith.addi %add3A_564, %iota3A : vector<16xi32>
    %lt3A_566 = vector.broadcast %scan3A_20#0 : i32 to vector<16xi32>
    %lt3A_567 = arith.cmpi slt, %add3A_565, %lt3A_566 : vector<16xi32>
    %get3A_568 = arith.constant 336 : index
    %get3A_569 = tpu.vector_load %arg13[%get3A_568] {strides = array<i32>} : memref<9024xi32, #tpu.memory_space<vmem>>, vector<16xi32>,
    %jit3A_570 = arith.constant 0 : i32
    %broadcast_in_dim3A_571 = vector.broadcast %jit3A_570 : i32 to vector<16xi32>
    %select_n3A_572 = arith.select %lt3A_567, %get3A_569, %broadcast_in_dim3A_571 : vector<16xi1>, vector<16xi32>
    %swap3A_573 = arith.constant 336 : index
    %swap3A_574 = tpu.vector_load %arg13[%swap3A_573] {strides = array<i32>} : memref<9024xi32, #tpu.memory_space<vmem>>, vector<16xi32>,
    tpu.vector_store %arg13[%swap3A_573], %select_n3A_572 {strides = array<i32>} : memref<9024xi32, #tpu.memory_space<vmem>>, vector<16xi32>,
    %get3A_575 = arith.constant 336 : index
    %get3A_576 = tpu.vector_load %arg14[%get3A_575] {strides = array<i32>} : memref<9024xi32, #tpu.memory_space<vmem>>, vector<16xi32>,
    %jit3A_577 = arith.constant 0 : i32
    %broadcast_in_dim3A_578 = vector.broadcast %jit3A_577 : i32 to vector<16xi32>
    %select_n3A_579 = arith.select %lt3A_567, %get3A_576, %broadcast_in_dim3A_578 : vector<16xi1>, vector<16xi32>
    %swap3A_580 = arith.constant 336 : index
    %swap3A_581 = tpu.vector_load %arg14[%swap3A_580] {strides = array<i32>} : memref<9024xi32, #tpu.memory_space<vmem>>, vector<16xi32>,
    tpu.vector_store %arg14[%swap3A_580], %select_n3A_579 {strides = array<i32>} : memref<9024xi32, #tpu.memory_space<vmem>>, vector<16xi32>,
    %get3A_582 = arith.constant 336 : index
    %get3A_583 = tpu.vector_load %arg15[%get3A_582] {strides = array<i32>} : memref<9024xf32, #tpu.memory_space<vmem>>, vector<16xf32>,
    %jit3A_584 = arith.constant 0.000000e+00 : f32
    %broadcast_in_dim3A_585 = vector.broadcast %jit3A_584 : f32 to vector<16xf32>
    %select_n3A_586 = arith.select %lt3A_567, %get3A_583, %broadcast_in_dim3A_585 : vector<16xi1>, vector<16xf32>
    %swap3A_587 = arith.constant 336 : index
    %swap3A_588 = tpu.vector_load %arg15[%swap3A_587] {strides = array<i32>} : memref<9024xf32, #tpu.memory_space<vmem>>, vector<16xf32>,
    tpu.vector_store %arg15[%swap3A_587], %select_n3A_586 {strides = array<i32>} : memref<9024xf32, #tpu.memory_space<vmem>>, vector<16xf32>,
    %add3A_589 = arith.constant 352 : i32
    %add3A_590 = vector.broadcast %add3A_589 : i32 to vector<16xi32>
    %add3A_591 = arith.addi %add3A_590, %iota3A : vector<16xi32>
    %lt3A_592 = vector.broadcast %scan3A_20#0 : i32 to vector<16xi32>
    %lt3A_593 = arith.cmpi slt, %add3A_591, %lt3A_592 : vector<16xi32>
    %get3A_594 = arith.constant 352 : index
    %get3A_595 = tpu.vector_load %arg13[%get3A_594] {strides = array<i32>} : memref<9024xi32, #tpu.memory_space<vmem>>, vector<16xi32>,
    %jit3A_596 = arith.constant 0 : i32
    %broadcast_in_dim3A_597 = vector.broadcast %jit3A_596 : i32 to vector<16xi32>
    %select_n3A_598 = arith.select %lt3A_593, %get3A_595, %broadcast_in_dim3A_597 : vector<16xi1>, vector<16xi32>
    %swap3A_599 = arith.constant 352 : index
    %swap3A_600 = tpu.vector_load %arg13[%swap3A_599] {strides = array<i32>} : memref<9024xi32, #tpu.memory_space<vmem>>, vector<16xi32>,
    tpu.vector_store %arg13[%swap3A_599], %select_n3A_598 {strides = array<i32>} : memref<9024xi32, #tpu.memory_space<vmem>>, vector<16xi32>,
    %get3A_601 = arith.constant 352 : index
    %get3A_602 = tpu.vector_load %arg14[%get3A_601] {strides = array<i32>} : memref<9024xi32, #tpu.memory_space<vmem>>, vector<16xi32>,
    %jit3A_603 = arith.constant 0 : i32
    %broadcast_in_dim3A_604 = vector.broadcast %jit3A_603 : i32 to vector<16xi32>
    %select_n3A_605 = arith.select %lt3A_593, %get3A_602, %broadcast_in_dim3A_604 : vector<16xi1>, vector<16xi32>
    %swap3A_606 = arith.constant 352 : index
    %swap3A_607 = tpu.vector_load %arg14[%swap3A_606] {strides = array<i32>} : memref<9024xi32, #tpu.memory_space<vmem>>, vector<16xi32>,
    tpu.vector_store %arg14[%swap3A_606], %select_n3A_605 {strides = array<i32>} : memref<9024xi32, #tpu.memory_space<vmem>>, vector<16xi32>,
    %get3A_608 = arith.constant 352 : index
    %get3A_609 = tpu.vector_load %arg15[%get3A_608] {strides = array<i32>} : memref<9024xf32, #tpu.memory_space<vmem>>, vector<16xf32>,
    %jit3A_610 = arith.constant 0.000000e+00 : f32
    %broadcast_in_dim3A_611 = vector.broadcast %jit3A_610 : f32 to vector<16xf32>
    %select_n3A_612 = arith.select %lt3A_593, %get3A_609, %broadcast_in_dim3A_611 : vector<16xi1>, vector<16xf32>
    %swap3A_613 = arith.constant 352 : index
    %swap3A_614 = tpu.vector_load %arg15[%swap3A_613] {strides = array<i32>} : memref<9024xf32, #tpu.memory_space<vmem>>, vector<16xf32>,
    tpu.vector_store %arg15[%swap3A_613], %select_n3A_612 {strides = array<i32>} : memref<9024xf32, #tpu.memory_space<vmem>>, vector<16xf32>,
    %add3A_615 = arith.constant 368 : i32
    %add3A_616 = vector.broadcast %add3A_615 : i32 to vector<16xi32>
    %add3A_617 = arith.addi %add3A_616, %iota3A : vector<16xi32>
    %lt3A_618 = vector.broadcast %scan3A_20#0 : i32 to vector<16xi32>
    %lt3A_619 = arith.cmpi slt, %add3A_617, %lt3A_618 : vector<16xi32>
    %get3A_620 = arith.constant 368 : index
    %get3A_621 = tpu.vector_load %arg13[%get3A_620] {strides = array<i32>} : memref<9024xi32, #tpu.memory_space<vmem>>, vector<16xi32>,
    %jit3A_622 = arith.constant 0 : i32
    %broadcast_in_dim3A_623 = vector.broadcast %jit3A_622 : i32 to vector<16xi32>
    %select_n3A_624 = arith.select %lt3A_619, %get3A_621, %broadcast_in_dim3A_623 : vector<16xi1>, vector<16xi32>
    %swap3A_625 = arith.constant 368 : index
    %swap3A_626 = tpu.vector_load %arg13[%swap3A_625] {strides = array<i32>} : memref<9024xi32, #tpu.memory_space<vmem>>, vector<16xi32>,
    tpu.vector_store %arg13[%swap3A_625], %select_n3A_624 {strides = array<i32>} : memref<9024xi32, #tpu.memory_space<vmem>>, vector<16xi32>,
    %get3A_627 = arith.constant 368 : index
    %get3A_628 = tpu.vector_load %arg14[%get3A_627] {strides = array<i32>} : memref<9024xi32, #tpu.memory_space<vmem>>, vector<16xi32>,
    %jit3A_629 = arith.constant 0 : i32
    %broadcast_in_dim3A_630 = vector.broadcast %jit3A_629 : i32 to vector<16xi32>
    %select_n3A_631 = arith.select %lt3A_619, %get3A_628, %broadcast_in_dim3A_630 : vector<16xi1>, vector<16xi32>
    %swap3A_632 = arith.constant 368 : index
    %swap3A_633 = tpu.vector_load %arg14[%swap3A_632] {strides = array<i32>} : memref<9024xi32, #tpu.memory_space<vmem>>, vector<16xi32>,
    tpu.vector_store %arg14[%swap3A_632], %select_n3A_631 {strides = array<i32>} : memref<9024xi32, #tpu.memory_space<vmem>>, vector<16xi32>,
    %get3A_634 = arith.constant 368 : index
    %get3A_635 = tpu.vector_load %arg15[%get3A_634] {strides = array<i32>} : memref<9024xf32, #tpu.memory_space<vmem>>, vector<16xf32>,
    %jit3A_636 = arith.constant 0.000000e+00 : f32
    %broadcast_in_dim3A_637 = vector.broadcast %jit3A_636 : f32 to vector<16xf32>
    %select_n3A_638 = arith.select %lt3A_619, %get3A_635, %broadcast_in_dim3A_637 : vector<16xi1>, vector<16xf32>
    %swap3A_639 = arith.constant 368 : index
    %swap3A_640 = tpu.vector_load %arg15[%swap3A_639] {strides = array<i32>} : memref<9024xf32, #tpu.memory_space<vmem>>, vector<16xf32>,
    tpu.vector_store %arg15[%swap3A_639], %select_n3A_638 {strides = array<i32>} : memref<9024xf32, #tpu.memory_space<vmem>>, vector<16xf32>,
    %add3A_641 = arith.constant 384 : i32
    %add3A_642 = vector.broadcast %add3A_641 : i32 to vector<16xi32>
    %add3A_643 = arith.addi %add3A_642, %iota3A : vector<16xi32>
    %lt3A_644 = vector.broadcast %scan3A_20#0 : i32 to vector<16xi32>
    %lt3A_645 = arith.cmpi slt, %add3A_643, %lt3A_644 : vector<16xi32>
    %get3A_646 = arith.constant 384 : index
    %get3A_647 = tpu.vector_load %arg13[%get3A_646] {strides = array<i32>} : memref<9024xi32, #tpu.memory_space<vmem>>, vector<16xi32>,
    %jit3A_648 = arith.constant 0 : i32
    %broadcast_in_dim3A_649 = vector.broadcast %jit3A_648 : i32 to vector<16xi32>
    %select_n3A_650 = arith.select %lt3A_645, %get3A_647, %broadcast_in_dim3A_649 : vector<16xi1>, vector<16xi32>
    %swap3A_651 = arith.constant 384 : index
    %swap3A_652 = tpu.vector_load %arg13[%swap3A_651] {strides = array<i32>} : memref<9024xi32, #tpu.memory_space<vmem>>, vector<16xi32>,
    tpu.vector_store %arg13[%swap3A_651], %select_n3A_650 {strides = array<i32>} : memref<9024xi32, #tpu.memory_space<vmem>>, vector<16xi32>,
    %get3A_653 = arith.constant 384 : index
    %get3A_654 = tpu.vector_load %arg14[%get3A_653] {strides = array<i32>} : memref<9024xi32, #tpu.memory_space<vmem>>, vector<16xi32>,
    %jit3A_655 = arith.constant 0 : i32
    %broadcast_in_dim3A_656 = vector.broadcast %jit3A_655 : i32 to vector<16xi32>
    %select_n3A_657 = arith.select %lt3A_645, %get3A_654, %broadcast_in_dim3A_656 : vector<16xi1>, vector<16xi32>
    %swap3A_658 = arith.constant 384 : index
    %swap3A_659 = tpu.vector_load %arg14[%swap3A_658] {strides = array<i32>} : memref<9024xi32, #tpu.memory_space<vmem>>, vector<16xi32>,
    tpu.vector_store %arg14[%swap3A_658], %select_n3A_657 {strides = array<i32>} : memref<9024xi32, #tpu.memory_space<vmem>>, vector<16xi32>,
    %get3A_660 = arith.constant 384 : index
    %get3A_661 = tpu.vector_load %arg15[%get3A_660] {strides = array<i32>} : memref<9024xf32, #tpu.memory_space<vmem>>, vector<16xf32>,
    %jit3A_662 = arith.constant 0.000000e+00 : f32
    %broadcast_in_dim3A_663 = vector.broadcast %jit3A_662 : f32 to vector<16xf32>
    %select_n3A_664 = arith.select %lt3A_645, %get3A_661, %broadcast_in_dim3A_663 : vector<16xi1>, vector<16xf32>
    %swap3A_665 = arith.constant 384 : index
    %swap3A_666 = tpu.vector_load %arg15[%swap3A_665] {strides = array<i32>} : memref<9024xf32, #tpu.memory_space<vmem>>, vector<16xf32>,
    tpu.vector_store %arg15[%swap3A_665], %select_n3A_664 {strides = array<i32>} : memref<9024xf32, #tpu.memory_space<vmem>>, vector<16xf32>,
    %add3A_667 = arith.constant 400 : i32
    %add3A_668 = vector.broadcast %add3A_667 : i32 to vector<16xi32>
    %add3A_669 = arith.addi %add3A_668, %iota3A : vector<16xi32>
    %lt3A_670 = vector.broadcast %scan3A_20#0 : i32 to vector<16xi32>
    %lt3A_671 = arith.cmpi slt, %add3A_669, %lt3A_670 : vector<16xi32>
    %get3A_672 = arith.constant 400 : index
    %get3A_673 = tpu.vector_load %arg13[%get3A_672] {strides = array<i32>} : memref<9024xi32, #tpu.memory_space<vmem>>, vector<16xi32>,
    %jit3A_674 = arith.constant 0 : i32
    %broadcast_in_dim3A_675 = vector.broadcast %jit3A_674 : i32 to vector<16xi32>
    %select_n3A_676 = arith.select %lt3A_671, %get3A_673, %broadcast_in_dim3A_675 : vector<16xi1>, vector<16xi32>
    %swap3A_677 = arith.constant 400 : index
    %swap3A_678 = tpu.vector_load %arg13[%swap3A_677] {strides = array<i32>} : memref<9024xi32, #tpu.memory_space<vmem>>, vector<16xi32>,
    tpu.vector_store %arg13[%swap3A_677], %select_n3A_676 {strides = array<i32>} : memref<9024xi32, #tpu.memory_space<vmem>>, vector<16xi32>,
    %get3A_679 = arith.constant 400 : index
    %get3A_680 = tpu.vector_load %arg14[%get3A_679] {strides = array<i32>} : memref<9024xi32, #tpu.memory_space<vmem>>, vector<16xi32>,
    %jit3A_681 = arith.constant 0 : i32
    %broadcast_in_dim3A_682 = vector.broadcast %jit3A_681 : i32 to vector<16xi32>
    %select_n3A_683 = arith.select %lt3A_671, %get3A_680, %broadcast_in_dim3A_682 : vector<16xi1>, vector<16xi32>
    %swap3A_684 = arith.constant 400 : index
    %swap3A_685 = tpu.vector_load %arg14[%swap3A_684] {strides = array<i32>} : memref<9024xi32, #tpu.memory_space<vmem>>, vector<16xi32>,
    tpu.vector_store %arg14[%swap3A_684], %select_n3A_683 {strides = array<i32>} : memref<9024xi32, #tpu.memory_space<vmem>>, vector<16xi32>,
    %get3A_686 = arith.constant 400 : index
    %get3A_687 = tpu.vector_load %arg15[%get3A_686] {strides = array<i32>} : memref<9024xf32, #tpu.memory_space<vmem>>, vector<16xf32>,
    %jit3A_688 = arith.constant 0.000000e+00 : f32
    %broadcast_in_dim3A_689 = vector.broadcast %jit3A_688 : f32 to vector<16xf32>
    %select_n3A_690 = arith.select %lt3A_671, %get3A_687, %broadcast_in_dim3A_689 : vector<16xi1>, vector<16xf32>
    %swap3A_691 = arith.constant 400 : index
    %swap3A_692 = tpu.vector_load %arg15[%swap3A_691] {strides = array<i32>} : memref<9024xf32, #tpu.memory_space<vmem>>, vector<16xf32>,
    tpu.vector_store %arg15[%swap3A_691], %select_n3A_690 {strides = array<i32>} : memref<9024xf32, #tpu.memory_space<vmem>>, vector<16xf32>,
    %add3A_693 = arith.constant 416 : i32
    %add3A_694 = vector.broadcast %add3A_693 : i32 to vector<16xi32>
    %add3A_695 = arith.addi %add3A_694, %iota3A : vector<16xi32>
    %lt3A_696 = vector.broadcast %scan3A_20#0 : i32 to vector<16xi32>
    %lt3A_697 = arith.cmpi slt, %add3A_695, %lt3A_696 : vector<16xi32>
    %get3A_698 = arith.constant 416 : index
    %get3A_699 = tpu.vector_load %arg13[%get3A_698] {strides = array<i32>} : memref<9024xi32, #tpu.memory_space<vmem>>, vector<16xi32>,
    %jit3A_700 = arith.constant 0 : i32
    %broadcast_in_dim3A_701 = vector.broadcast %jit3A_700 : i32 to vector<16xi32>
    %select_n3A_702 = arith.select %lt3A_697, %get3A_699, %broadcast_in_dim3A_701 : vector<16xi1>, vector<16xi32>
    %swap3A_703 = arith.constant 416 : index
    %swap3A_704 = tpu.vector_load %arg13[%swap3A_703] {strides = array<i32>} : memref<9024xi32, #tpu.memory_space<vmem>>, vector<16xi32>,
    tpu.vector_store %arg13[%swap3A_703], %select_n3A_702 {strides = array<i32>} : memref<9024xi32, #tpu.memory_space<vmem>>, vector<16xi32>,
    %get3A_705 = arith.constant 416 : index
    %get3A_706 = tpu.vector_load %arg14[%get3A_705] {strides = array<i32>} : memref<9024xi32, #tpu.memory_space<vmem>>, vector<16xi32>,
    %jit3A_707 = arith.constant 0 : i32
    %broadcast_in_dim3A_708 = vector.broadcast %jit3A_707 : i32 to vector<16xi32>
    %select_n3A_709 = arith.select %lt3A_697, %get3A_706, %broadcast_in_dim3A_708 : vector<16xi1>, vector<16xi32>
    %swap3A_710 = arith.constant 416 : index
    %swap3A_711 = tpu.vector_load %arg14[%swap3A_710] {strides = array<i32>} : memref<9024xi32, #tpu.memory_space<vmem>>, vector<16xi32>,
    tpu.vector_store %arg14[%swap3A_710], %select_n3A_709 {strides = array<i32>} : memref<9024xi32, #tpu.memory_space<vmem>>, vector<16xi32>,
    %get3A_712 = arith.constant 416 : index
    %get3A_713 = tpu.vector_load %arg15[%get3A_712] {strides = array<i32>} : memref<9024xf32, #tpu.memory_space<vmem>>, vector<16xf32>,
    %jit3A_714 = arith.constant 0.000000e+00 : f32
    %broadcast_in_dim3A_715 = vector.broadcast %jit3A_714 : f32 to vector<16xf32>
    %select_n3A_716 = arith.select %lt3A_697, %get3A_713, %broadcast_in_dim3A_715 : vector<16xi1>, vector<16xf32>
    %swap3A_717 = arith.constant 416 : index
    %swap3A_718 = tpu.vector_load %arg15[%swap3A_717] {strides = array<i32>} : memref<9024xf32, #tpu.memory_space<vmem>>, vector<16xf32>,
    tpu.vector_store %arg15[%swap3A_717], %select_n3A_716 {strides = array<i32>} : memref<9024xf32, #tpu.memory_space<vmem>>, vector<16xf32>,
    %add3A_719 = arith.constant 432 : i32
    %add3A_720 = vector.broadcast %add3A_719 : i32 to vector<16xi32>
    %add3A_721 = arith.addi %add3A_720, %iota3A : vector<16xi32>
    %lt3A_722 = vector.broadcast %scan3A_20#0 : i32 to vector<16xi32>
    %lt3A_723 = arith.cmpi slt, %add3A_721, %lt3A_722 : vector<16xi32>
    %get3A_724 = arith.constant 432 : index
    %get3A_725 = tpu.vector_load %arg13[%get3A_724] {strides = array<i32>} : memref<9024xi32, #tpu.memory_space<vmem>>, vector<16xi32>,
    %jit3A_726 = arith.constant 0 : i32
    %broadcast_in_dim3A_727 = vector.broadcast %jit3A_726 : i32 to vector<16xi32>
    %select_n3A_728 = arith.select %lt3A_723, %get3A_725, %broadcast_in_dim3A_727 : vector<16xi1>, vector<16xi32>
    %swap3A_729 = arith.constant 432 : index
    %swap3A_730 = tpu.vector_load %arg13[%swap3A_729] {strides = array<i32>} : memref<9024xi32, #tpu.memory_space<vmem>>, vector<16xi32>,
    tpu.vector_store %arg13[%swap3A_729], %select_n3A_728 {strides = array<i32>} : memref<9024xi32, #tpu.memory_space<vmem>>, vector<16xi32>,
    %get3A_731 = arith.constant 432 : index
    %get3A_732 = tpu.vector_load %arg14[%get3A_731] {strides = array<i32>} : memref<9024xi32, #tpu.memory_space<vmem>>, vector<16xi32>,
    %jit3A_733 = arith.constant 0 : i32
    %broadcast_in_dim3A_734 = vector.broadcast %jit3A_733 : i32 to vector<16xi32>
    %select_n3A_735 = arith.select %lt3A_723, %get3A_732, %broadcast_in_dim3A_734 : vector<16xi1>, vector<16xi32>
    %swap3A_736 = arith.constant 432 : index
    %swap3A_737 = tpu.vector_load %arg14[%swap3A_736] {strides = array<i32>} : memref<9024xi32, #tpu.memory_space<vmem>>, vector<16xi32>,
    tpu.vector_store %arg14[%swap3A_736], %select_n3A_735 {strides = array<i32>} : memref<9024xi32, #tpu.memory_space<vmem>>, vector<16xi32>,
    %get3A_738 = arith.constant 432 : index
    %get3A_739 = tpu.vector_load %arg15[%get3A_738] {strides = array<i32>} : memref<9024xf32, #tpu.memory_space<vmem>>, vector<16xf32>,
    %jit3A_740 = arith.constant 0.000000e+00 : f32
    %broadcast_in_dim3A_741 = vector.broadcast %jit3A_740 : f32 to vector<16xf32>
    %select_n3A_742 = arith.select %lt3A_723, %get3A_739, %broadcast_in_dim3A_741 : vector<16xi1>, vector<16xf32>
    %swap3A_743 = arith.constant 432 : index
    %swap3A_744 = tpu.vector_load %arg15[%swap3A_743] {strides = array<i32>} : memref<9024xf32, #tpu.memory_space<vmem>>, vector<16xf32>,
    tpu.vector_store %arg15[%swap3A_743], %select_n3A_742 {strides = array<i32>} : memref<9024xf32, #tpu.memory_space<vmem>>, vector<16xf32>,
    %add3A_745 = arith.constant 448 : i32
    %add3A_746 = vector.broadcast %add3A_745 : i32 to vector<16xi32>
    %add3A_747 = arith.addi %add3A_746, %iota3A : vector<16xi32>
    %lt3A_748 = vector.broadcast %scan3A_20#0 : i32 to vector<16xi32>
    %lt3A_749 = arith.cmpi slt, %add3A_747, %lt3A_748 : vector<16xi32>
    %get3A_750 = arith.constant 448 : index
    %get3A_751 = tpu.vector_load %arg13[%get3A_750] {strides = array<i32>} : memref<9024xi32, #tpu.memory_space<vmem>>, vector<16xi32>,
    %jit3A_752 = arith.constant 0 : i32
    %broadcast_in_dim3A_753 = vector.broadcast %jit3A_752 : i32 to vector<16xi32>
    %select_n3A_754 = arith.select %lt3A_749, %get3A_751, %broadcast_in_dim3A_753 : vector<16xi1>, vector<16xi32>
    %swap3A_755 = arith.constant 448 : index
    %swap3A_756 = tpu.vector_load %arg13[%swap3A_755] {strides = array<i32>} : memref<9024xi32, #tpu.memory_space<vmem>>, vector<16xi32>,
    tpu.vector_store %arg13[%swap3A_755], %select_n3A_754 {strides = array<i32>} : memref<9024xi32, #tpu.memory_space<vmem>>, vector<16xi32>,
    %get3A_757 = arith.constant 448 : index
    %get3A_758 = tpu.vector_load %arg14[%get3A_757] {strides = array<i32>} : memref<9024xi32, #tpu.memory_space<vmem>>, vector<16xi32>,
    %jit3A_759 = arith.constant 0 : i32
    %broadcast_in_dim3A_760 = vector.broadcast %jit3A_759 : i32 to vector<16xi32>
    %select_n3A_761 = arith.select %lt3A_749, %get3A_758, %broadcast_in_dim3A_760 : vector<16xi1>, vector<16xi32>
    %swap3A_762 = arith.constant 448 : index
    %swap3A_763 = tpu.vector_load %arg14[%swap3A_762] {strides = array<i32>} : memref<9024xi32, #tpu.memory_space<vmem>>, vector<16xi32>,
    tpu.vector_store %arg14[%swap3A_762], %select_n3A_761 {strides = array<i32>} : memref<9024xi32, #tpu.memory_space<vmem>>, vector<16xi32>,
    %get3A_764 = arith.constant 448 : index
    %get3A_765 = tpu.vector_load %arg15[%get3A_764] {strides = array<i32>} : memref<9024xf32, #tpu.memory_space<vmem>>, vector<16xf32>,
    %jit3A_766 = arith.constant 0.000000e+00 : f32
    %broadcast_in_dim3A_767 = vector.broadcast %jit3A_766 : f32 to vector<16xf32>
    %select_n3A_768 = arith.select %lt3A_749, %get3A_765, %broadcast_in_dim3A_767 : vector<16xi1>, vector<16xf32>
    %swap3A_769 = arith.constant 448 : index
    %swap3A_770 = tpu.vector_load %arg15[%swap3A_769] {strides = array<i32>} : memref<9024xf32, #tpu.memory_space<vmem>>, vector<16xf32>,
    tpu.vector_store %arg15[%swap3A_769], %select_n3A_768 {strides = array<i32>} : memref<9024xf32, #tpu.memory_space<vmem>>, vector<16xf32>,
    %add3A_771 = arith.constant 464 : i32
    %add3A_772 = vector.broadcast %add3A_771 : i32 to vector<16xi32>
    %add3A_773 = arith.addi %add3A_772, %iota3A : vector<16xi32>
    %lt3A_774 = vector.broadcast %scan3A_20#0 : i32 to vector<16xi32>
    %lt3A_775 = arith.cmpi slt, %add3A_773, %lt3A_774 : vector<16xi32>
    %get3A_776 = arith.constant 464 : index
    %get3A_777 = tpu.vector_load %arg13[%get3A_776] {strides = array<i32>} : memref<9024xi32, #tpu.memory_space<vmem>>, vector<16xi32>,
    %jit3A_778 = arith.constant 0 : i32
    %broadcast_in_dim3A_779 = vector.broadcast %jit3A_778 : i32 to vector<16xi32>
    %select_n3A_780 = arith.select %lt3A_775, %get3A_777, %broadcast_in_dim3A_779 : vector<16xi1>, vector<16xi32>
    %swap3A_781 = arith.constant 464 : index
    %swap3A_782 = tpu.vector_load %arg13[%swap3A_781] {strides = array<i32>} : memref<9024xi32, #tpu.memory_space<vmem>>, vector<16xi32>,
    tpu.vector_store %arg13[%swap3A_781], %select_n3A_780 {strides = array<i32>} : memref<9024xi32, #tpu.memory_space<vmem>>, vector<16xi32>,
    %get3A_783 = arith.constant 464 : index
    %get3A_784 = tpu.vector_load %arg14[%get3A_783] {strides = array<i32>} : memref<9024xi32, #tpu.memory_space<vmem>>, vector<16xi32>,
    %jit3A_785 = arith.constant 0 : i32
    %broadcast_in_dim3A_786 = vector.broadcast %jit3A_785 : i32 to vector<16xi32>
    %select_n3A_787 = arith.select %lt3A_775, %get3A_784, %broadcast_in_dim3A_786 : vector<16xi1>, vector<16xi32>
    %swap3A_788 = arith.constant 464 : index
    %swap3A_789 = tpu.vector_load %arg14[%swap3A_788] {strides = array<i32>} : memref<9024xi32, #tpu.memory_space<vmem>>, vector<16xi32>,
    tpu.vector_store %arg14[%swap3A_788], %select_n3A_787 {strides = array<i32>} : memref<9024xi32, #tpu.memory_space<vmem>>, vector<16xi32>,
    %get3A_790 = arith.constant 464 : index
    %get3A_791 = tpu.vector_load %arg15[%get3A_790] {strides = array<i32>} : memref<9024xf32, #tpu.memory_space<vmem>>, vector<16xf32>,
    %jit3A_792 = arith.constant 0.000000e+00 : f32
    %broadcast_in_dim3A_793 = vector.broadcast %jit3A_792 : f32 to vector<16xf32>
    %select_n3A_794 = arith.select %lt3A_775, %get3A_791, %broadcast_in_dim3A_793 : vector<16xi1>, vector<16xf32>
    %swap3A_795 = arith.constant 464 : index
    %swap3A_796 = tpu.vector_load %arg15[%swap3A_795] {strides = array<i32>} : memref<9024xf32, #tpu.memory_space<vmem>>, vector<16xf32>,
    tpu.vector_store %arg15[%swap3A_795], %select_n3A_794 {strides = array<i32>} : memref<9024xf32, #tpu.memory_space<vmem>>, vector<16xf32>,
    %add3A_797 = arith.constant 480 : i32
    %add3A_798 = vector.broadcast %add3A_797 : i32 to vector<16xi32>
    %add3A_799 = arith.addi %add3A_798, %iota3A : vector<16xi32>
    %lt3A_800 = vector.broadcast %scan3A_20#0 : i32 to vector<16xi32>
    %lt3A_801 = arith.cmpi slt, %add3A_799, %lt3A_800 : vector<16xi32>
    %get3A_802 = arith.constant 480 : index
    %get3A_803 = tpu.vector_load %arg13[%get3A_802] {strides = array<i32>} : memref<9024xi32, #tpu.memory_space<vmem>>, vector<16xi32>,
    %jit3A_804 = arith.constant 0 : i32
    %broadcast_in_dim3A_805 = vector.broadcast %jit3A_804 : i32 to vector<16xi32>
    %select_n3A_806 = arith.select %lt3A_801, %get3A_803, %broadcast_in_dim3A_805 : vector<16xi1>, vector<16xi32>
    %swap3A_807 = arith.constant 480 : index
    %swap3A_808 = tpu.vector_load %arg13[%swap3A_807] {strides = array<i32>} : memref<9024xi32, #tpu.memory_space<vmem>>, vector<16xi32>,
    tpu.vector_store %arg13[%swap3A_807], %select_n3A_806 {strides = array<i32>} : memref<9024xi32, #tpu.memory_space<vmem>>, vector<16xi32>,
    %get3A_809 = arith.constant 480 : index
    %get3A_810 = tpu.vector_load %arg14[%get3A_809] {strides = array<i32>} : memref<9024xi32, #tpu.memory_space<vmem>>, vector<16xi32>,
    %jit3A_811 = arith.constant 0 : i32
    %broadcast_in_dim3A_812 = vector.broadcast %jit3A_811 : i32 to vector<16xi32>
    %select_n3A_813 = arith.select %lt3A_801, %get3A_810, %broadcast_in_dim3A_812 : vector<16xi1>, vector<16xi32>
    %swap3A_814 = arith.constant 480 : index
    %swap3A_815 = tpu.vector_load %arg14[%swap3A_814] {strides = array<i32>} : memref<9024xi32, #tpu.memory_space<vmem>>, vector<16xi32>,
    tpu.vector_store %arg14[%swap3A_814], %select_n3A_813 {strides = array<i32>} : memref<9024xi32, #tpu.memory_space<vmem>>, vector<16xi32>,
    %get3A_816 = arith.constant 480 : index
    %get3A_817 = tpu.vector_load %arg15[%get3A_816] {strides = array<i32>} : memref<9024xf32, #tpu.memory_space<vmem>>, vector<16xf32>,
    %jit3A_818 = arith.constant 0.000000e+00 : f32
    %broadcast_in_dim3A_819 = vector.broadcast %jit3A_818 : f32 to vector<16xf32>
    %select_n3A_820 = arith.select %lt3A_801, %get3A_817, %broadcast_in_dim3A_819 : vector<16xi1>, vector<16xf32>
    %swap3A_821 = arith.constant 480 : index
    %swap3A_822 = tpu.vector_load %arg15[%swap3A_821] {strides = array<i32>} : memref<9024xf32, #tpu.memory_space<vmem>>, vector<16xf32>,
    tpu.vector_store %arg15[%swap3A_821], %select_n3A_820 {strides = array<i32>} : memref<9024xf32, #tpu.memory_space<vmem>>, vector<16xf32>,
    %add3A_823 = arith.constant 496 : i32
    %add3A_824 = vector.broadcast %add3A_823 : i32 to vector<16xi32>
    %add3A_825 = arith.addi %add3A_824, %iota3A : vector<16xi32>
    %lt3A_826 = vector.broadcast %scan3A_20#0 : i32 to vector<16xi32>
    %lt3A_827 = arith.cmpi slt, %add3A_825, %lt3A_826 : vector<16xi32>
    %get3A_828 = arith.constant 496 : index
    %get3A_829 = tpu.vector_load %arg13[%get3A_828] {strides = array<i32>} : memref<9024xi32, #tpu.memory_space<vmem>>, vector<16xi32>,
    %jit3A_830 = arith.constant 0 : i32
    %broadcast_in_dim3A_831 = vector.broadcast %jit3A_830 : i32 to vector<16xi32>
    %select_n3A_832 = arith.select %lt3A_827, %get3A_829, %broadcast_in_dim3A_831 : vector<16xi1>, vector<16xi32>
    %swap3A_833 = arith.constant 496 : index
    %swap3A_834 = tpu.vector_load %arg13[%swap3A_833] {strides = array<i32>} : memref<9024xi32, #tpu.memory_space<vmem>>, vector<16xi32>,
    tpu.vector_store %arg13[%swap3A_833], %select_n3A_832 {strides = array<i32>} : memref<9024xi32, #tpu.memory_space<vmem>>, vector<16xi32>,
    %get3A_835 = arith.constant 496 : index
    %get3A_836 = tpu.vector_load %arg14[%get3A_835] {strides = array<i32>} : memref<9024xi32, #tpu.memory_space<vmem>>, vector<16xi32>,
    %jit3A_837 = arith.constant 0 : i32
    %broadcast_in_dim3A_838 = vector.broadcast %jit3A_837 : i32 to vector<16xi32>
    %select_n3A_839 = arith.select %lt3A_827, %get3A_836, %broadcast_in_dim3A_838 : vector<16xi1>, vector<16xi32>
    %swap3A_840 = arith.constant 496 : index
    %swap3A_841 = tpu.vector_load %arg14[%swap3A_840] {strides = array<i32>} : memref<9024xi32, #tpu.memory_space<vmem>>, vector<16xi32>,
    tpu.vector_store %arg14[%swap3A_840], %select_n3A_839 {strides = array<i32>} : memref<9024xi32, #tpu.memory_space<vmem>>, vector<16xi32>,
    %get3A_842 = arith.constant 496 : index
    %get3A_843 = tpu.vector_load %arg15[%get3A_842] {strides = array<i32>} : memref<9024xf32, #tpu.memory_space<vmem>>, vector<16xf32>,
    %jit3A_844 = arith.constant 0.000000e+00 : f32
    %broadcast_in_dim3A_845 = vector.broadcast %jit3A_844 : f32 to vector<16xf32>
    %select_n3A_846 = arith.select %lt3A_827, %get3A_843, %broadcast_in_dim3A_845 : vector<16xi1>, vector<16xf32>
    %swap3A_847 = arith.constant 496 : index
    %swap3A_848 = tpu.vector_load %arg15[%swap3A_847] {strides = array<i32>} : memref<9024xf32, #tpu.memory_space<vmem>>, vector<16xf32>,
    tpu.vector_store %arg15[%swap3A_847], %select_n3A_846 {strides = array<i32>} : memref<9024xf32, #tpu.memory_space<vmem>>, vector<16xf32>,
    %mul3A_849 = arith.constant 512 : i32
    %mul3A_850 = arith.muli %scan3A_20#1, %mul3A_849 : i32
    %add3A_851 = arith.addi %mul3A_4, %mul3A_850 : i32
    "tpu.region"() ({
      %run_scoped3A = tpu.sem_alloc : memref<!tpu.dma_semaphore, #tpu.memory_space<semaphore_mem>>
      %dma_start3A = arith.constant 0 : i32
      %dma_start3A_861 = tpu.memref_slice %arg13[%dma_start3A] : memref<9024xi32, #tpu.memory_space<vmem>> -> memref<512xi32, #tpu.memory_space<vmem>>
      %dma_start3A_862 = tpu.memref_slice %arg6[%add3A_851] : memref<10256384xi32, #tpu.memory_space<hbm>> -> memref<512xi32, #tpu.memory_space<hbm>>
      %dma_start3A_863 = tpu.memref_slice %arg6[%add3A_851] : memref<10256384xi32, #tpu.memory_space<hbm>> -> memref<512xi32, #tpu.memory_space<hbm>>
      %dma_start3A_864 = arith.constant 0 : i32
      %dma_start3A_865 = tpu.memref_slice %arg13[%dma_start3A_864] : memref<9024xi32, #tpu.memory_space<vmem>> -> memref<512xi32, #tpu.memory_space<vmem>>
      tpu.enqueue_dma source(%dma_start3A_865 : memref<512xi32, #tpu.memory_space<vmem>>) target(%dma_start3A_863 : memref<512xi32, #tpu.memory_space<hbm>>) target_semaphore(%run_scoped3A : memref<!tpu.dma_semaphore, #tpu.memory_space<semaphore_mem>>)
      %dma_wait3A = arith.constant 0 : i32
      %dma_wait3A_866 = tpu.memref_slice %arg13[%dma_wait3A] : memref<9024xi32, #tpu.memory_space<vmem>> -> memref<512xi32, #tpu.memory_space<vmem>>
      %dma_wait3A_867 = tpu.memref_slice %arg6[%add3A_851] : memref<10256384xi32, #tpu.memory_space<hbm>> -> memref<512xi32, #tpu.memory_space<hbm>>
      %dma_wait3A_868 = tpu.memref_slice %arg6[%add3A_851] : memref<10256384xi32, #tpu.memory_space<hbm>> -> memref<512xi32, #tpu.memory_space<hbm>>
      %dma_wait3A_869 = arith.constant 0 : i32
      %dma_wait3A_870 = tpu.memref_slice %arg13[%dma_wait3A_869] : memref<9024xi32, #tpu.memory_space<vmem>> -> memref<512xi32, #tpu.memory_space<vmem>>
      tpu.wait_dma2 semaphore(%run_scoped3A : memref<!tpu.dma_semaphore, #tpu.memory_space<semaphore_mem>>) src(%dma_wait3A_870 : memref<512xi32, #tpu.memory_space<vmem>>) dst(%dma_wait3A_868 : memref<512xi32, #tpu.memory_space<hbm>>)
      tpu.yield
    }) : () -> ()
    "tpu.region"() ({
      %run_scoped3A = tpu.sem_alloc : memref<!tpu.dma_semaphore, #tpu.memory_space<semaphore_mem>>
      %dma_start3A = arith.constant 0 : i32
      %dma_start3A_861 = tpu.memref_slice %arg14[%dma_start3A] : memref<9024xi32, #tpu.memory_space<vmem>> -> memref<512xi32, #tpu.memory_space<vmem>>
      %dma_start3A_862 = tpu.memref_slice %arg7[%add3A_851] : memref<10256384xi32, #tpu.memory_space<hbm>> -> memref<512xi32, #tpu.memory_space<hbm>>
      %dma_start3A_863 = tpu.memref_slice %arg7[%add3A_851] : memref<10256384xi32, #tpu.memory_space<hbm>> -> memref<512xi32, #tpu.memory_space<hbm>>
      %dma_start3A_864 = arith.constant 0 : i32
      %dma_start3A_865 = tpu.memref_slice %arg14[%dma_start3A_864] : memref<9024xi32, #tpu.memory_space<vmem>> -> memref<512xi32, #tpu.memory_space<vmem>>
      tpu.enqueue_dma source(%dma_start3A_865 : memref<512xi32, #tpu.memory_space<vmem>>) target(%dma_start3A_863 : memref<512xi32, #tpu.memory_space<hbm>>) target_semaphore(%run_scoped3A : memref<!tpu.dma_semaphore, #tpu.memory_space<semaphore_mem>>)
      %dma_wait3A = arith.constant 0 : i32
      %dma_wait3A_866 = tpu.memref_slice %arg14[%dma_wait3A] : memref<9024xi32, #tpu.memory_space<vmem>> -> memref<512xi32, #tpu.memory_space<vmem>>
      %dma_wait3A_867 = tpu.memref_slice %arg7[%add3A_851] : memref<10256384xi32, #tpu.memory_space<hbm>> -> memref<512xi32, #tpu.memory_space<hbm>>
      %dma_wait3A_868 = tpu.memref_slice %arg7[%add3A_851] : memref<10256384xi32, #tpu.memory_space<hbm>> -> memref<512xi32, #tpu.memory_space<hbm>>
      %dma_wait3A_869 = arith.constant 0 : i32
      %dma_wait3A_870 = tpu.memref_slice %arg14[%dma_wait3A_869] : memref<9024xi32, #tpu.memory_space<vmem>> -> memref<512xi32, #tpu.memory_space<vmem>>
      tpu.wait_dma2 semaphore(%run_scoped3A : memref<!tpu.dma_semaphore, #tpu.memory_space<semaphore_mem>>) src(%dma_wait3A_870 : memref<512xi32, #tpu.memory_space<vmem>>) dst(%dma_wait3A_868 : memref<512xi32, #tpu.memory_space<hbm>>)
      tpu.yield
    }) : () -> ()
    "tpu.region"() ({
      %run_scoped3A = tpu.sem_alloc : memref<!tpu.dma_semaphore, #tpu.memory_space<semaphore_mem>>
      %dma_start3A = arith.constant 0 : i32
      %dma_start3A_861 = tpu.memref_slice %arg15[%dma_start3A] : memref<9024xf32, #tpu.memory_space<vmem>> -> memref<512xf32, #tpu.memory_space<vmem>>
      %dma_start3A_862 = tpu.memref_slice %arg8[%add3A_851] : memref<10256384xf32, #tpu.memory_space<hbm>> -> memref<512xf32, #tpu.memory_space<hbm>>
      %dma_start3A_863 = tpu.memref_slice %arg8[%add3A_851] : memref<10256384xf32, #tpu.memory_space<hbm>> -> memref<512xf32, #tpu.memory_space<hbm>>
      %dma_start3A_864 = arith.constant 0 : i32
      %dma_start3A_865 = tpu.memref_slice %arg15[%dma_start3A_864] : memref<9024xf32, #tpu.memory_space<vmem>> -> memref<512xf32, #tpu.memory_space<vmem>>
      tpu.enqueue_dma source(%dma_start3A_865 : memref<512xf32, #tpu.memory_space<vmem>>) target(%dma_start3A_863 : memref<512xf32, #tpu.memory_space<hbm>>) target_semaphore(%run_scoped3A : memref<!tpu.dma_semaphore, #tpu.memory_space<semaphore_mem>>)
      %dma_wait3A = arith.constant 0 : i32
      %dma_wait3A_866 = tpu.memref_slice %arg15[%dma_wait3A] : memref<9024xf32, #tpu.memory_space<vmem>> -> memref<512xf32, #tpu.memory_space<vmem>>
      %dma_wait3A_867 = tpu.memref_slice %arg8[%add3A_851] : memref<10256384xf32, #tpu.memory_space<hbm>> -> memref<512xf32, #tpu.memory_space<hbm>>
      %dma_wait3A_868 = tpu.memref_slice %arg8[%add3A_851] : memref<10256384xf32, #tpu.memory_space<hbm>> -> memref<512xf32, #tpu.memory_space<hbm>>
      %dma_wait3A_869 = arith.constant 0 : i32
      %dma_wait3A_870 = tpu.memref_slice %arg15[%dma_wait3A_869] : memref<9024xf32, #tpu.memory_space<vmem>> -> memref<512xf32, #tpu.memory_space<vmem>>
      tpu.wait_dma2 semaphore(%run_scoped3A : memref<!tpu.dma_semaphore, #tpu.memory_space<semaphore_mem>>) src(%dma_wait3A_870 : memref<512xf32, #tpu.memory_space<vmem>>) dst(%dma_wait3A_868 : memref<512xf32, #tpu.memory_space<hbm>>)
      tpu.yield
    }) : () -> ()
    %mul3A_852 = arith.constant 512 : i32
    %mul3A_853 = arith.muli %scan3A_20#1, %mul3A_852 : i32
    %add3A_854 = arith.addi %mul3A_853, %scan3A_20#0 : i32
    %add3A_855 = vector.broadcast %add3A_854 : i32 to vector<16xi32>
    %add3A_856 = arith.addi %broadcast_in_dim3A_7, %add3A_855 : vector<16xi32>
    %swap3A_857 = arith.constant 0 : index
    %swap3A_858 = tpu.vector_load %arg17[%swap3A_857] {strides = array<i32>} : memref<16xi32, #tpu.memory_space<vmem>>, vector<16xi32>,
    tpu.vector_store %arg17[%swap3A_857], %add3A_856 {strides = array<i32>} : memref<16xi32, #tpu.memory_space<vmem>>, vector<16xi32>,
    %mul3A_859 = arith.constant 16 : i32
    %mul3A_860 = arith.muli %add3A, %mul3A_859 : i32
    "tpu.region"() ({
      %run_scoped3A = tpu.sem_alloc : memref<!tpu.dma_semaphore, #tpu.memory_space<semaphore_mem>>
      %dma_start3A = tpu.memref_slice %arg9[%mul3A_860] : memref<512xi32, #tpu.memory_space<hbm>> -> memref<16xi32, #tpu.memory_space<hbm>>
      %dma_start3A_861 = tpu.memref_slice %arg9[%mul3A_860] : memref<512xi32, #tpu.memory_space<hbm>> -> memref<16xi32, #tpu.memory_space<hbm>>
      tpu.enqueue_dma source(%arg17 : memref<16xi32, #tpu.memory_space<vmem>>) target(%dma_start3A_861 : memref<16xi32, #tpu.memory_space<hbm>>) target_semaphore(%run_scoped3A : memref<!tpu.dma_semaphore, #tpu.memory_space<semaphore_mem>>)
      %dma_wait3A = tpu.memref_slice %arg9[%mul3A_860] : memref<512xi32, #tpu.memory_space<hbm>> -> memref<16xi32, #tpu.memory_space<hbm>>
      %dma_wait3A_862 = tpu.memref_slice %arg9[%mul3A_860] : memref<512xi32, #tpu.memory_space<hbm>> -> memref<16xi32, #tpu.memory_space<hbm>>
      tpu.wait_dma2 semaphore(%run_scoped3A : memref<!tpu.dma_semaphore, #tpu.memory_space<semaphore_mem>>) src(%arg17 : memref<16xi32, #tpu.memory_space<vmem>>) dst(%dma_wait3A_862 : memref<16xi32, #tpu.memory_space<hbm>>)
      tpu.yield
    }) : () -> ()
    "tpu.region"() ({
      %run_scoped3A = tpu.sem_alloc : memref<!tpu.dma_semaphore, #tpu.memory_space<semaphore_mem>>
      %dma_start3A = arith.constant 0 : i32
      %dma_start3A_861 = tpu.memref_slice %arg5[%mul3A_2, %dma_start3A] : memref<10240x16xf32, #tpu.memory_space<hbm>> -> memref<320x16xf32, #tpu.memory_space<hbm>>
      %dma_start3A_862 = arith.constant 0 : i32
      %dma_start3A_863 = tpu.memref_slice %arg5[%mul3A_2, %dma_start3A_862] : memref<10240x16xf32, #tpu.memory_space<hbm>> -> memref<320x16xf32, #tpu.memory_space<hbm>>
      tpu.enqueue_dma source(%arg16 : memref<320x16xf32, #tpu.memory_space<vmem>>) target(%dma_start3A_863 : memref<320x16xf32, #tpu.memory_space<hbm>>) target_semaphore(%run_scoped3A : memref<!tpu.dma_semaphore, #tpu.memory_space<semaphore_mem>>)
      %dma_wait3A = arith.constant 0 : i32
      %dma_wait3A_864 = tpu.memref_slice %arg5[%mul3A_2, %dma_wait3A] : memref<10240x16xf32, #tpu.memory_space<hbm>> -> memref<320x16xf32, #tpu.memory_space<hbm>>
      %dma_wait3A_865 = arith.constant 0 : i32
      %dma_wait3A_866 = tpu.memref_slice %arg5[%mul3A_2, %dma_wait3A_865] : memref<10240x16xf32, #tpu.memory_space<hbm>> -> memref<320x16xf32, #tpu.memory_space<hbm>>
      tpu.wait_dma2 semaphore(%run_scoped3A : memref<!tpu.dma_semaphore, #tpu.memory_space<semaphore_mem>>) src(%arg16 : memref<320x16xf32, #tpu.memory_space<vmem>>) dst(%dma_wait3A_866 : memref<320x16xf32, #tpu.memory_space<hbm>>)
      tpu.yield
    }) : () -> ()
    return
  }
}

module attributes {stable_mosaic.version = 14 : i64} {
  func.func @_k1_body(%arg0: i32, %arg1: memref<1024x16xf32, #tpu.memory_space<vmem>>, %arg2: memref<1024x128xf32, #tpu.memory_space<vmem>>, %arg3: memref<128x256xf32, #tpu.memory_space<vmem>>, %arg4: memref<1024x256xf32, #tpu.memory_space<vmem>>, %arg5: memref<1024x1xf32, #tpu.memory_space<vmem>>) attributes {dimension_semantics = [#tpu.dimension_semantics<arbitrary>], iteration_bounds = array<i64: 10>, scalar_prefetch = 0 : i64, scratch_operands = 0 : i64, tpu.core_type = #tpu.core_type<tc>, window_params = [{transform_indices = @transform_0, window_bounds = array<i64: 1024, 16>}, {transform_indices = @transform_1, window_bounds = array<i64: 1024, 128>}, {pipeline_mode = #tpu.pipeline_mode<synchronous>, transform_indices = @transform_2, window_bounds = array<i64: 128, 256>}, {transform_indices = @transform_3, window_bounds = array<i64: 1024, 256>}, {transform_indices = @transform_4, window_bounds = array<i64: 1024, 1>}]} {
    %get3A = arith.constant 0 : index
    %get3A_0 = arith.constant 0 : index
    %get3A_1 = vector.load %arg1[%get3A, %get3A_0] : memref<1024x16xf32, #tpu.memory_space<vmem>>, vector<1024x16xf32>
    %reduce_sum3A = arith.constant dense<0.000000e+00> : vector<1024xf32>
    %reduce_sum3A_2 = vector.multi_reduction <add>, %get3A_1, %reduce_sum3A [1] : vector<1024x16xf32> to vector<1024xf32>
    %broadcast_in_dim3A = vector.shape_cast %reduce_sum3A_2 : vector<1024xf32> to vector<1024x1xf32>
    %add3A = arith.constant 1.000000e+00 : f32
    %add3A_3 = vector.broadcast %add3A : f32 to vector<1024x1xf32>
    %add3A_4 = arith.addf %add3A_3, %broadcast_in_dim3A : vector<1024x1xf32>
    %rsqrt3A = math.rsqrt %add3A_4 : vector<1024x1xf32>
    %get3A_5 = arith.constant 0 : index
    %get3A_6 = arith.constant 0 : index
    %get3A_7 = vector.load %arg2[%get3A_5, %get3A_6] : memref<1024x128xf32, #tpu.memory_space<vmem>>, vector<1024x128xf32>
    %get3A_8 = arith.constant 0 : index
    %get3A_9 = arith.constant 0 : index
    %get3A_10 = vector.load %arg3[%get3A_8, %get3A_9] : memref<128x256xf32, #tpu.memory_space<vmem>>, vector<128x256xf32>
    %dot_general3A = arith.constant dense<0.000000e+00> : vector<1024x256xf32>
    %dot_general3A_11 = tpu.matmul %get3A_7, %get3A_10, %dot_general3A {dimension_numbers = #tpu.dot_dimension_numbers<[1], [0], [0], [1], [0, 0, 1, 1], [], []>, transpose_lhs_hint = false} : vector<1024x128xf32>, vector<128x256xf32>, vector<1024x256xf32> -> vector<1024x256xf32>
    %mul3A = vector.broadcast %rsqrt3A : vector<1024x1xf32> to vector<1024x256xf32>
    %mul3A_12 = arith.mulf %dot_general3A_11, %mul3A : vector<1024x256xf32>
    %swap3A = arith.constant 0 : index
    %swap3A_13 = arith.constant 0 : index
    %swap3A_14 = vector.load %arg4[%swap3A, %swap3A_13] : memref<1024x256xf32, #tpu.memory_space<vmem>>, vector<1024x256xf32>
    tpu.vector_store %arg4[%swap3A, %swap3A_13], %mul3A_12 {strides = array<i32>} : memref<1024x256xf32, #tpu.memory_space<vmem>>, vector<1024x256xf32>,
    %swap3A_15 = arith.constant 0 : index
    %swap3A_16 = arith.constant 0 : index
    %swap3A_17 = vector.load %arg5[%swap3A_15, %swap3A_16] : memref<1024x1xf32, #tpu.memory_space<vmem>>, vector<1024x1xf32>
    tpu.vector_store %arg5[%swap3A_15, %swap3A_16], %rsqrt3A {strides = array<i32>} : memref<1024x1xf32, #tpu.memory_space<vmem>>, vector<1024x1xf32>,
    return
  }
  func.func @transform_0(%arg0: i32) -> (i32, i32) {
    %c0_i32 = arith.constant 0 : i32
    %c0_i32_0 = arith.constant 0 : i32
    return %arg0, %c0_i32 : i32, i32
  }
  func.func @transform_1(%arg0: i32) -> (i32, i32) {
    %c0_i32 = arith.constant 0 : i32
    %c0_i32_0 = arith.constant 0 : i32
    return %arg0, %c0_i32 : i32, i32
  }
  func.func @transform_2(%arg0: i32) -> (i32, i32) {
    %c0_i32 = arith.constant 0 : i32
    %c0_i32_0 = arith.constant 0 : i32
    %c0_i32_1 = arith.constant 0 : i32
    return %c0_i32, %c0_i32_0 : i32, i32
  }
  func.func @transform_3(%arg0: i32) -> (i32, i32) {
    %c0_i32 = arith.constant 0 : i32
    %c0_i32_0 = arith.constant 0 : i32
    return %arg0, %c0_i32 : i32, i32
  }
  func.func @transform_4(%arg0: i32) -> (i32, i32) {
    %c0_i32 = arith.constant 0 : i32
    %c0_i32_0 = arith.constant 0 : i32
    return %arg0, %c0_i32 : i32, i32
  }
}

module attributes {stable_mosaic.version = 14 : i64} {
  func.func @_k3_body(%arg0: i32, %arg1: memref<1024x256xf32, #tpu.memory_space<vmem>>, %arg2: memref<1024x256xf32, #tpu.memory_space<vmem>>, %arg3: memref<1024x1xf32, #tpu.memory_space<vmem>>, %arg4: memref<1x256xf32, #tpu.memory_space<vmem>>, %arg5: memref<256x128xf32, #tpu.memory_space<vmem>>, %arg6: memref<1024x128xf32, #tpu.memory_space<vmem>>) attributes {dimension_semantics = [#tpu.dimension_semantics<arbitrary>], iteration_bounds = array<i64: 10>, scalar_prefetch = 0 : i64, scratch_operands = 0 : i64, tpu.core_type = #tpu.core_type<tc>, window_params = [{transform_indices = @transform_0, window_bounds = array<i64: 1024, 256>}, {transform_indices = @transform_1, window_bounds = array<i64: 1024, 256>}, {transform_indices = @transform_2, window_bounds = array<i64: 1024, 1>}, {pipeline_mode = #tpu.pipeline_mode<synchronous>, transform_indices = @transform_3, window_bounds = array<i64: 1, 256>}, {pipeline_mode = #tpu.pipeline_mode<synchronous>, transform_indices = @transform_4, window_bounds = array<i64: 256, 128>}, {transform_indices = @transform_5, window_bounds = array<i64: 1024, 128>}]} {
    %get3A = arith.constant 0 : index
    %get3A_0 = arith.constant 0 : index
    %get3A_1 = vector.load %arg3[%get3A, %get3A_0] : memref<1024x1xf32, #tpu.memory_space<vmem>>, vector<1024x1xf32>
    %get3A_2 = arith.constant 0 : index
    %get3A_3 = arith.constant 0 : index
    %get3A_4 = vector.load %arg1[%get3A_2, %get3A_3] : memref<1024x256xf32, #tpu.memory_space<vmem>>, vector<1024x256xf32>
    %get3A_5 = arith.constant 0 : index
    %get3A_6 = arith.constant 0 : index
    %get3A_7 = vector.load %arg2[%get3A_5, %get3A_6] : memref<1024x256xf32, #tpu.memory_space<vmem>>, vector<1024x256xf32>
    %add3A = arith.addf %get3A_4, %get3A_7 : vector<1024x256xf32>
    %mul3A = vector.broadcast %get3A_1 : vector<1024x1xf32> to vector<1024x256xf32>
    %mul3A_8 = arith.mulf %mul3A, %add3A : vector<1024x256xf32>
    %get3A_9 = arith.constant 0 : index
    %get3A_10 = arith.constant 0 : index
    %get3A_11 = vector.load %arg4[%get3A_9, %get3A_10] : memref<1x256xf32, #tpu.memory_space<vmem>>, vector<1x256xf32>
    %add3A_12 = vector.broadcast %get3A_11 : vector<1x256xf32> to vector<1024x256xf32>
    %add3A_13 = arith.addf %mul3A_8, %add3A_12 : vector<1024x256xf32>
    %max3A = arith.constant 0.000000e+00 : f32
    %max3A_14 = vector.broadcast %max3A : f32 to vector<1024x256xf32>
    %max3A_15 = arith.maximumf %add3A_13, %max3A_14 : vector<1024x256xf32>
    %get3A_16 = arith.constant 0 : index
    %get3A_17 = arith.constant 0 : index
    %get3A_18 = vector.load %arg5[%get3A_16, %get3A_17] : memref<256x128xf32, #tpu.memory_space<vmem>>, vector<256x128xf32>
    %dot_general3A = arith.constant dense<0.000000e+00> : vector<1024x128xf32>
    %dot_general3A_19 = tpu.matmul %max3A_15, %get3A_18, %dot_general3A {dimension_numbers = #tpu.dot_dimension_numbers<[1], [0], [0], [1], [0, 0, 1, 1], [], []>, transpose_lhs_hint = false} : vector<1024x256xf32>, vector<256x128xf32>, vector<1024x128xf32> -> vector<1024x128xf32>
    %mul3A_20 = vector.broadcast %get3A_1 : vector<1024x1xf32> to vector<1024x128xf32>
    %mul3A_21 = arith.mulf %dot_general3A_19, %mul3A_20 : vector<1024x128xf32>
    %swap3A = arith.constant 0 : index
    %swap3A_22 = arith.constant 0 : index
    %swap3A_23 = vector.load %arg6[%swap3A, %swap3A_22] : memref<1024x128xf32, #tpu.memory_space<vmem>>, vector<1024x128xf32>
    tpu.vector_store %arg6[%swap3A, %swap3A_22], %mul3A_21 {strides = array<i32>} : memref<1024x128xf32, #tpu.memory_space<vmem>>, vector<1024x128xf32>,
    return
  }
  func.func @transform_0(%arg0: i32) -> (i32, i32) {
    %c0_i32 = arith.constant 0 : i32
    %c0_i32_0 = arith.constant 0 : i32
    return %arg0, %c0_i32 : i32, i32
  }
  func.func @transform_1(%arg0: i32) -> (i32, i32) {
    %c0_i32 = arith.constant 0 : i32
    %c0_i32_0 = arith.constant 0 : i32
    return %arg0, %c0_i32 : i32, i32
  }
  func.func @transform_2(%arg0: i32) -> (i32, i32) {
    %c0_i32 = arith.constant 0 : i32
    %c0_i32_0 = arith.constant 0 : i32
    return %arg0, %c0_i32 : i32, i32
  }
  func.func @transform_3(%arg0: i32) -> (i32, i32) {
    %c0_i32 = arith.constant 0 : i32
    %c0_i32_0 = arith.constant 0 : i32
    %c0_i32_1 = arith.constant 0 : i32
    return %c0_i32, %c0_i32_0 : i32, i32
  }
  func.func @transform_4(%arg0: i32) -> (i32, i32) {
    %c0_i32 = arith.constant 0 : i32
    %c0_i32_0 = arith.constant 0 : i32
    %c0_i32_1 = arith.constant 0 : i32
    return %c0_i32, %c0_i32_0 : i32, i32
  }
  func.func @transform_5(%arg0: i32) -> (i32, i32) {
    %c0_i32 = arith.constant 0 : i32
    %c0_i32_0 = arith.constant 0 : i32
    return %arg0, %c0_i32 : i32, i32
  }
}

module attributes {stable_mosaic.version = 14 : i64} {
  func.func @_k5_body(%arg0: i32, %arg1: memref<1024x128xf32, #tpu.memory_space<vmem>>, %arg2: memref<1024x128xf32, #tpu.memory_space<vmem>>, %arg3: memref<1024x1xf32, #tpu.memory_space<vmem>>, %arg4: memref<1x128xf32, #tpu.memory_space<vmem>>, %arg5: memref<1024x128xf32, #tpu.memory_space<vmem>>) attributes {dimension_semantics = [#tpu.dimension_semantics<arbitrary>], iteration_bounds = array<i64: 10>, scalar_prefetch = 0 : i64, scratch_operands = 0 : i64, tpu.core_type = #tpu.core_type<tc>, window_params = [{transform_indices = @transform_0, window_bounds = array<i64: 1024, 128>}, {transform_indices = @transform_1, window_bounds = array<i64: 1024, 128>}, {transform_indices = @transform_2, window_bounds = array<i64: 1024, 1>}, {pipeline_mode = #tpu.pipeline_mode<synchronous>, transform_indices = @transform_3, window_bounds = array<i64: 1, 128>}, {transform_indices = @transform_4, window_bounds = array<i64: 1024, 128>}]} {
    %get3A = arith.constant 0 : index
    %get3A_0 = arith.constant 0 : index
    %get3A_1 = vector.load %arg3[%get3A, %get3A_0] : memref<1024x1xf32, #tpu.memory_space<vmem>>, vector<1024x1xf32>
    %get3A_2 = arith.constant 0 : index
    %get3A_3 = arith.constant 0 : index
    %get3A_4 = vector.load %arg1[%get3A_2, %get3A_3] : memref<1024x128xf32, #tpu.memory_space<vmem>>, vector<1024x128xf32>
    %get3A_5 = arith.constant 0 : index
    %get3A_6 = arith.constant 0 : index
    %get3A_7 = vector.load %arg2[%get3A_5, %get3A_6] : memref<1024x128xf32, #tpu.memory_space<vmem>>, vector<1024x128xf32>
    %add3A = arith.addf %get3A_4, %get3A_7 : vector<1024x128xf32>
    %mul3A = vector.broadcast %get3A_1 : vector<1024x1xf32> to vector<1024x128xf32>
    %mul3A_8 = arith.mulf %mul3A, %add3A : vector<1024x128xf32>
    %get3A_9 = arith.constant 0 : index
    %get3A_10 = arith.constant 0 : index
    %get3A_11 = vector.load %arg4[%get3A_9, %get3A_10] : memref<1x128xf32, #tpu.memory_space<vmem>>, vector<1x128xf32>
    %add3A_12 = vector.broadcast %get3A_11 : vector<1x128xf32> to vector<1024x128xf32>
    %add3A_13 = arith.addf %mul3A_8, %add3A_12 : vector<1024x128xf32>
    %reduce_max3A = arith.constant dense<0xFF800000> : vector<1024xf32>
    %reduce_max3A_14 = vector.multi_reduction <maximumf>, %add3A_13, %reduce_max3A [1] : vector<1024x128xf32> to vector<1024xf32>
    %broadcast_in_dim3A = vector.shape_cast %reduce_max3A_14 : vector<1024xf32> to vector<1024x1xf32>
    %sub3A = vector.broadcast %broadcast_in_dim3A : vector<1024x1xf32> to vector<1024x128xf32>
    %sub3A_15 = arith.subf %add3A_13, %sub3A : vector<1024x128xf32>
    %exp3A = math.exp %sub3A_15 : vector<1024x128xf32>
    %reduce_sum3A = arith.constant dense<0.000000e+00> : vector<1024xf32>
    %reduce_sum3A_16 = vector.multi_reduction <add>, %exp3A, %reduce_sum3A [1] : vector<1024x128xf32> to vector<1024xf32>
    %broadcast_in_dim3A_17 = vector.shape_cast %reduce_sum3A_16 : vector<1024xf32> to vector<1024x1xf32>
    %div3A = vector.broadcast %broadcast_in_dim3A_17 : vector<1024x1xf32> to vector<1024x128xf32>
    %div3A_18 = arith.divf %exp3A, %div3A : vector<1024x128xf32>
    %swap3A = arith.constant 0 : index
    %swap3A_19 = arith.constant 0 : index
    %swap3A_20 = vector.load %arg5[%swap3A, %swap3A_19] : memref<1024x128xf32, #tpu.memory_space<vmem>>, vector<1024x128xf32>
    tpu.vector_store %arg5[%swap3A, %swap3A_19], %div3A_18 {strides = array<i32>} : memref<1024x128xf32, #tpu.memory_space<vmem>>, vector<1024x128xf32>,
    return
  }
  func.func @transform_0(%arg0: i32) -> (i32, i32) {
    %c0_i32 = arith.constant 0 : i32
    %c0_i32_0 = arith.constant 0 : i32
    return %arg0, %c0_i32 : i32, i32
  }
  func.func @transform_1(%arg0: i32) -> (i32, i32) {
    %c0_i32 = arith.constant 0 : i32
    %c0_i32_0 = arith.constant 0 : i32
    return %arg0, %c0_i32 : i32, i32
  }
  func.func @transform_2(%arg0: i32) -> (i32, i32) {
    %c0_i32 = arith.constant 0 : i32
    %c0_i32_0 = arith.constant 0 : i32
    return %arg0, %c0_i32 : i32, i32
  }
  func.func @transform_3(%arg0: i32) -> (i32, i32) {
    %c0_i32 = arith.constant 0 : i32
    %c0_i32_0 = arith.constant 0 : i32
    %c0_i32_1 = arith.constant 0 : i32
    return %c0_i32, %c0_i32_0 : i32, i32
  }
  func.func @transform_4(%arg0: i32) -> (i32, i32) {
    %c0_i32 = arith.constant 0 : i32
    %c0_i32_0 = arith.constant 0 : i32
    return %arg0, %c0_i32 : i32, i32
  }
}

</mosaic_0001>

<sc_bundles>
// kernel: gcn_edge_c128.3.cloned.1.call-start
scs
__scs_entry_jumppad:
0x0: {  	(pc) =	sbr.rel $0x88, $3  }
0x1: {  	(tag) =	ssettag $0x0;
	lr =	simm.s32 $0x1  }
0x2: {  	[smem:$0x3F9A] =	sst lr;
	_ =	strace $0xD0000000  }
0x3: {  	_ = 	snop  }
0x4: {  	_ = 	snop  }
0x5: {  	_ = 	snop  }
0x6: {  	_ = 	snop  }
0x7: {  	_ = 	snop  }
__scs_overlays_trampoline_lowered:
0x8: {  	[smem:$0x3FA9] =	sst s0  }
0x9: {  	[smem:$0x3FAA] =	sst s1  }
0xa: {  	[smem:$0x3FAB] =	sst s2  }
0xb: {  	[smem:$0x3FAC] =	sst s3  }
0xc: {  	[smem:$0x3FAD] =	sst s4  }
0xd: {  	[smem:$0x3FAE] =	sst s5  }
0xe: {  	[smem:$0x3FAF] =	sst s6  }
0xf: {  	[smem:$0x3FB0] =	sst s7  }
0x10: {  	[smem:$0x3FB1] =	sst s8  }
0x11: {  	[smem:$0x3FB2] =	sst s9;
	s0 =	simm.s32 @!p0 $0x0  }
0x12: {  	s1 =	sld [smem:$0x3F98];
	s0 =	simm.s32 @p0 $0x1  }
0x13: {  	[smem:$0x3FB3] =	sst s0;
	s0 =	simm.s32 @!p1 $0x0  }
0x14: {  	s2 =	sld [smem:$0x3F97];
	s0 =	simm.s32 @p1 $0x1  }
0x15: {  	[smem:$0x3FB4] =	sst s0;
	s0 =	simm.s32 @!p2 $0x0  }
0x16: {  	s3 =	sld [smem:$0x3FDB];
	s0 =	simm.s32 @p2 $0x1  }
0x17: {  	s4 =	simm.s32 $0x1BF5;
	[smem:$0x3FB6] =	sst s0  }
0x18: {  	s0 =	sld [smem:$0x3F99];
	_ =	swait.ge [sflag:s4], $0x0  }
0x19: {  	s7 =	sld [smem:$0x3F9A]  }
0x1a: {  	s8 =	sadd.s32 $0xFFFFE003, lr  }
0x1b: {  	s9 =	sadd.s32 $0xFFFFFEF7, lr;
	s5 =	simm.s32 $0xFFFFFFFF;
	p2 =	slt.u32 s8, $0xFFFFF086  }
0x1c: {  	p1 =	slt.u32 s9, $0xF7A;
	s5 =	simm.s32 @!p2 $0x0  }
0x1d: {  	s5 =	simm.s32 @p1 $0x1;
	p0 =	seq.s32 s7, s2  }
0x1e: {  	s7 =	smul.u32 @!p0 $0xF7A, s2;
	p2 =	seq.s32 @!p0 s5, $0x0  }
0x1f: {  	s9 =	smul.u32 $0xF7A, s1;
	s8 =	simm.s32 @!p0 $0x1BF5;
	p2 =	por !p2, p0  }
0x20: {  	[sflag:s8] =	ssyncset.s32 @!p0 $0xFFFFF086;
	s6 =	sadd.s32 @!p0 s3, s7;
	s7 =	simm.s32 @!p0 $0x108  }
0x21: {  	s3 =	sadd.s32 s3, s9;
	s6 =	sadd.s32 @!p0 $0x88, s6;
	s7 =	simm.s32 @p2 $0x1082  }
0x22: {  	[simem:s7], [sflag:s8] =	dma.local @!p0 [hbm:s6], $0xF7A  }
0x23: {  	s9 =	sor.u32 $0xD0000000, s2;
	s6 =	simm.s32 $0x108;
	_ =	swait.ge @!p0 [sflag:s8], $0x0  }
0x24: {  	s3 =	sadd.s32 $0x88, s3;
	s6 =	simm.s32 @!p1 $0x1082;
	[sflag:s4] =	ssyncset.s32 $0xFFFFF086  }
0x25: {  	[simem:s6], [sflag:s4] =	dma.local [hbm:s3], $0xF7A  }
0x26: {  	[smem:$0x3F9A] =	sst s1;
	(tag) =	ssettag s2;
	_ =	strace s9  }
0x27: {  	s1 =	sld [smem:$0x3FAA]  }
0x28: {  	s2 =	sld [smem:$0x3FAB]  }
0x29: {  	s4 =	sld [smem:$0x3FAD]  }
0x2a: {  	p0 =	seq.s32 s5, $0x0;
	s5 =	sld [smem:$0x3FAE]  }
0x2b: {  	s6 =	sld [smem:$0x3FAF]  }
0x2c: {  	s7 =	sld [smem:$0x3FB0]  }
0x2d: {  	s3 =	simm.s32 $0x108;
	s8 =	sld [smem:$0x3FB1]  }
0x2e: {  	s3 =	simm.s32 @!p0 $0x1082;
	s9 =	sld [smem:$0x3FB2]  }
0x2f: {  	lr =	sadd.s32 s0, s3;
	s0 =	sld [smem:$0x3FA9]  }
0x30: {  	s3 =	sld [smem:$0x3FAC]  }
0x31: {  	[smem:$0x3FB5] =	sst s10  }
0x32: {  	s10 =	sld [smem:$0x3FB3];
	_ =	sdelay $0x3  }
0x33: {  	p0 =	seq.s32 s10, $0x1;
	s10 =	sld [smem:$0x3FB5];
	_ =	sdelay $0x3  }
0x34: {  	[smem:$0x3FB5] =	sst s10  }
0x35: {  	s10 =	sld [smem:$0x3FB4];
	_ =	sdelay $0x3  }
0x36: {  	p1 =	seq.s32 s10, $0x1;
	s10 =	sld [smem:$0x3FB5];
	_ =	sdelay $0x3  }
0x37: {  	[smem:$0x3FB5] =	sst s10  }
0x38: {  	s10 =	sld [smem:$0x3FB6]  }
0x39: {  	_ = 	snop;
	(pc) =	sbr.ind lr, $3  }
0x3a: {  	_ = 	snop  }
0x3b: {  	_ = 	snop  }
0x3c: {  	p2 =	seq.s32 s10, $0x1;
	s10 =	sld [smem:$0x3FB5]  }
0x3d: {  	_ =	shalt  }
0x3e: {  	_ =	shalt  }
0x3f: {  	_ =	shalt  }
0x40: {  	_ =	shalt  }
0x41: {  	_ =	shalt  }
0x42: {  	_ =	shalt  }
0x43: {  	_ =	shalt  }
0x44: {  	_ =	shalt  }
0x45: {  	_ =	shalt  }
0x46: {  	_ =	shalt  }
0x47: {  	_ =	shalt  }
0x48: {  	_ =	shalt  }
0x49: {  	_ =	shalt  }
0x4a: {  	_ =	shalt  }
0x4b: {  	_ =	shalt  }
0x4c: {  	_ =	shalt  }
0x4d: {  	_ =	shalt  }
0x4e: {  	_ =	shalt  }
0x4f: {  	_ =	shalt  }
0x50: {  	_ =	shalt  }
0x51: {  	_ =	shalt  }
0x52: {  	_ =	shalt  }
0x53: {  	_ =	shalt  }
0x54: {  	_ =	shalt  }
0x55: {  	_ =	shalt  }
0x56: {  	_ =	shalt  }
0x57: {  	_ =	shalt  }
0x58: {  	_ =	shalt  }
0x59: {  	_ =	shalt  }
0x5a: {  	_ =	shalt  }
0x5b: {  	_ =	shalt  }
0x5c: {  	_ =	shalt  }
0x5d: {  	_ =	shalt  }
0x5e: {  	_ =	shalt  }
0x5f: {  	_ =	shalt  }
0x60: {  	_ =	shalt  }
0x61: {  	_ =	shalt  }
0x62: {  	_ =	shalt  }
0x63: {  	_ =	shalt  }
0x64: {  	_ =	shalt  }
0x65: {  	_ =	shalt  }
0x66: {  	_ =	shalt  }
0x67: {  	_ =	shalt  }
0x68: {  	_ =	shalt  }
0x69: {  	_ =	shalt  }
0x6a: {  	_ =	shalt  }
0x6b: {  	_ =	shalt  }
0x6c: {  	_ =	shalt  }
0x6d: {  	_ =	shalt  }
0x6e: {  	_ =	shalt  }
0x6f: {  	_ =	shalt  }
0x70: {  	_ =	shalt  }
0x71: {  	_ =	shalt  }
0x72: {  	_ =	shalt  }
0x73: {  	_ =	shalt  }
0x74: {  	_ =	shalt  }
0x75: {  	_ =	shalt  }
0x76: {  	_ =	shalt  }
0x77: {  	_ =	shalt  }
0x78: {  	_ =	shalt  }
0x79: {  	_ =	shalt  }
0x7a: {  	_ =	shalt  }
0x7b: {  	_ =	shalt  }
0x7c: {  	_ =	shalt  }
0x7d: {  	_ =	shalt  }
0x7e: {  	_ =	shalt  }
0x7f: {  	_ =	shalt  }
0x80: {  	_ =	shalt  }
0x81: {  	_ =	shalt  }
0x82: {  	_ =	shalt  }
0x83: {  	_ =	shalt  }
0x84: {  	_ =	shalt  }
0x85: {  	_ =	shalt  }
0x86: {  	_ =	shalt  }
0x87: {  	_ =	shalt  }
.Lfunc_end0:
.L_simem_size_0:
called_computation.2_lowered:
.L_overlay_start_0:
0x88: {  	s2 =	sld [smem:$0x3FD9]  }
0x89: {  	s3 =	sld [smem:$0x3FFE];
	_ =	sdelay $0x1  }
0x8a: {  	s1 =	srdreg.scid  }
0x8b: {  	s0 =	sand.u32 $0x1, s1  }
0x8c: {  	s16 =	sshll.u32 s0, $0xA;
	s2 =	sadd.s32 s3, s2  }
0x8d: {  	s2 =	sadd.s32 s2, s16  }
0x8e: {  	[smem:$0x3FC1] =	sst s2  }
0x8f: {  	_ = 	snop  }
0x90: {  	(tm) =	ssettm $0x1  }
0x91: {  	s17 =	sld [smem:$0x3FFB];
	_ =	sdelay $0x3  }
0x92: {  	_ =	strace s17  }
0x93: {  	s2 =	sld [smem:$0x3FFC];
	_ =	sdelay $0x3  }
0x94: {  	_ =	strace s2  }
0x95: {  	s2 =	sld [smem:$0x3FFD];
	_ =	sdelay $0x3  }
0x96: {  	_ =	strace s2  }
0x97: {  	_ =	strace $0x8FFFFFFF  }
0x98: {  	s18 =	sld [smem:$0x3FDB];
	_ =	sdelay $0x1  }
0x99: {  	s19 =	simm.s32 $_scs_section_size  }
0x9a: {  	s4 =	simm.s32 $_size__tile_overlayer_lowered;
	s5 =	simm.s32 $_tile_overlayer_lowered  }
0x9b: {  	s22 =	simm.s32 $0x1BFF;
	s21 =	sshll.u32 s5, $0x1;
	s2 =	sadd.s32 s19, s18  }
0x9c: {  	s6 =	simm.s32 $0x0;
	s20 =	sshll.u32 s4, $0x1;
	s4 =	sadd.s32 s21, s2  }
0x9d: {  	[timem:s6], [sflag:s22] =	dma.local [hbm:s4], s20  }
0x9e: {  	_ =	swait.ge [sflag:s22], s20  }
0x9f: {  	s3 =	ssub.s32 $0x0, s20;
	[sflag:s22] =	ssyncset.done $0x0  }
0xa0: {  	[sflag:s22] =	ssyncadd.s32 s3;
	_ =	sdelay $0x1  }
0xa1: {  	s23 =	simm.s32 $0x1B8B  }
0xa2: {  	_ =	swait.ge [sflag:s23], $0x1  }
0xa3: {  	[sflag:s23] =	ssyncset.done $0x0  }
0xa4: {  	s25 =	simm.s32 $0x1B8E;
	s24 =	sld [smem:$0x3FFE];
	[sflag:s23] =	ssyncadd.s32 $0xFFFFFFFF  }
0xa5: {  	s26 =	simm.s32 $execute0_lowered;
	[smem:$0x3FD2] =	sst s25  }
0xa6: {  	s4 =	sshll.u32 s26, $0x1;
	_ =	strace $0x8000004C;
	[dreg:$0x1] =	wrdreg $0xFFFFFFFF  }
0xa7: {  	s28 =	simm.s32 $_size_execute0_lowered;
	s2 =	sadd.s32 s2, s4;
	[dreg:$0x0] =	wrdreg $0x0  }
0xa8: {  	s4 =	sshll.u32 s28, $0x1;
	[dreg:$0x2] =	wrdreg s2  }
0xa9: {  	[dreg:$0x3] =	wrdreg s4  }
0xaa: {  	[dreg:$0x4] =	wrdreg $0xC0  }
0xab: {  	_ =	task [dreg:s6], $0x5FFFF  }
0xac: {  	[dreg:$0x1] =	wrdreg $0xFFFFFFFF  }
0xad: {  	[dreg:$0x0] =	wrdreg $0x60  }
0xae: {  	[dreg:$0x2] =	wrdreg s24  }
0xaf: {  	[dreg:$0x3] =	wrdreg $0x9  }
0xb0: {  	_ =	task.clear_ibuf [dreg:s6], $0x4FFFF;
	_ =	strace $0x9000004C  }
0xb1: {  	s29 =	simm.s32 $0x9;
	_ =	strace $0x8000004E  }
0xb2: {  	_ =	swait.ge [sflag:s29], $0x1  }
0xb3: {  	[sflag:s29] =	ssyncadd.s32 $0xFFFFFFFF  }
0xb4: {  	_ =	strace $0x9000004E  }
0xb5: {  	_ =	sfence  }
0xb6: {  	s30 =	sld [smem:$0x0];
	_ =	sdelay $0x2  }
0xb7: {  	s31 =	sshll.u32 s1, $0xD;
	s1 =	sshrl.u32 s1, $0x2  }
0xb8: {  	s3 =	sand.u32 $0x4000, s31;
	s1 =	sadd.s32 s1, s30  }
0xb9: {  	s0 =	sor.u32 s3, s0;
	s1 =	sshll.u32 s1, $0x11  }
0xba: {  	s0 =	sor.u32 s1, s0  }
0xbb: {  	s0 =	sadd.s32 $0x8F2B, s0  }
0xbc: {  	[sflag:s0] =	ssyncadd.remote.s32 $0x1  }
0xbd: {  	_ =	sfence.sel $0xFFFF  }
0xbe: {  	[dreg:$0x0] =	wrdreg $0xFFFFFFFF;
	(pc) =	sbr.abs _section_cstart, $3  }
0xbf: {  	[dreg:$0x1] =	wrdreg $0xFFFFFFFF  }
0xc0: {  	_ =	task.clear_ibuf [dreg:s6], $0x2FFFF;
	_ =	strace $0x9FFFFFFF  }
0xc1: {  	(tm) =	ssettm $0x7FFFFFFF  }
tec
execute0_lowered:
.L_overlay_start_1:
0x0: {  	(tag) =	ssettag $0x1  }
0x1: {  	s7 =	rddreg [dreg:$0x0]  }
0x2: {  	s0 =	rddreg [dreg:$0x1];
	s1 =	simm.s32 $0x0;
	s2 =	srdreg.scid  }
0x3: {  	s13 =	simm.s32 $0x8380;
	s14 =	simm.s32 $0x8000;
	s15 =	simm.s32 $0x8100  }
0x4: {  	s16 =	simm.s32 $0x8200;
	s17 =	simm.s32 $0x100;
	s8 =	sand.u32 $0x1, s2  }
0x5: {  	s18 =	simm.s32 $0x0;
	s2 =	stileid.u32;
	s5 =	sshll.u32 s8, $0x4  }
0x6: {  	[smem:$0x7FF] =	sst s1;
	s3 =	sadd.s32 $0x2400, s7;
	s9 =	sor.u32 s2, s5  }
0x7: {  	s4 =	sadd.s32 $0x34200, s7;
	s6 =	sadd.s32 $0x2A6200, s7;
	s11 =	smul.u32 $0x1400, s9  }
.Ltmp0:
0x8: {  	_ =	strace $0x8000004D;
	s8 =	ssub.s32 $0x2, s8;
	(pc) =	sbr.rel .LBB2_1-.Ltmp0, $4  }
0x9: {  	v0 =	vlaneseq.u32;
	s5 =	sadd.s32 $0x16D200, s7;
	s12 =	sshrl.u32 s8, $0x1;
	s10 =	sshll.u32 s9, $0x1  }
0xa: {  	v1 =	vimm.f32 $0.0e+00;
	v2 =	vor.u32 $0x10, v0;
	s12 =	ssub.s32 s8, s12;
	s10 =	sadd.s32 s10, s7;
	s11 =	sadd.s32 s11, s7  }
0xb: {  	v3 =	vor.u32 $0x20, v0;
	v4 =	vor.u32 $0x30, v0;
	v5 =	vor.u32 $0x40, v0;
	s7 =	smul.u32 $0x4E400, s9;
	s8 =	sadd.s32 $0x3DF200, s10;
	s10 =	smax.u32 s12, $0x1  }
0xc: {  	v6 =	vor.u32 $0x50, v0;
	v7 =	vor.u32 $0x60, v0;
	v8 =	vor.u32 $0x70, v0;
	s12 =	simm.s32 $0x1;
	s9 =	sadd.s32 $0x3DF400, s11;
	s11 =	simm.s32 $0x8300  }
.LBB2_7:
0xd: {  	s18 =	sadd.s32 $0x1, s18  }
0xe: {  	p0 =	sne.s32 s18, s10  }
.Ltmp1:
0xf: {  	_ = 	snop;
	(pc) =	sbr.rel @!p0 .LBB2_8-.Ltmp1, $4  }
0x10: {  	[hbm4b:s9+s1] =	stream.linear.scatter [tilespmem:s13], [sflag:$0x1], $0xA000, $0x38;
	[tilespmem:$0x12380] =	vst v63  }
0x11: {  	_ =	swait.ge [sflag:s12], $0xA000  }
0x12: {  	[sflag:s12] =	ssyncset.done $0x0  }
0x13: {  	[sflag:s12] =	ssyncadd.s32 $0xFFFF6000  }
.LBB2_1:
0x14: {  	s19 =	simm.s32 $0x0;
	s20 =	simm.s32 $0x200  }
.LBB2_2:
0x15: {  	p0 =	sne.s32 s20, $0x27E00;
	[tilespmem:s19+$0x83F0] =	vst v1  }
0x16: {  	[tilespmem:s19+$0x8380] =	vst v1  }
0x17: {  	[tilespmem:s19+$0x8390] =	vst v1  }
.Ltmp2:
0x18: {  	[tilespmem:s19+$0x83A0] =	vst v1;
	(pc) =	sbr.rel @p0 .LBB2_2-.Ltmp2, $4  }
0x19: {  	[tilespmem:s19+$0x83B0] =	vst v1  }
0x1a: {  	[tilespmem:s19+$0x83C0] =	vst v1  }
0x1b: {  	[tilespmem:s19+$0x83D0] =	vst v1  }
0x1c: {  	[tilespmem:s19+$0x83E0] =	vst v1;
	s19 =	sshra.s32 s20, $0x2;
	s20 =	sadd.s32 $0x200, s20  }
0x1d: {  	[tilespmem:s19+$0x83F0] =	vst v1  }
0x1e: {  	[tilespmem:s19+$0x8380] =	vst v1  }
0x1f: {  	[tilespmem:s19+$0x8390] =	vst v1  }
0x20: {  	[tilespmem:s19+$0x83A0] =	vst v1  }
0x21: {  	[tilespmem:s19+$0x83B0] =	vst v1  }
0x22: {  	[tilespmem:s19+$0x83C0] =	vst v1  }
0x23: {  	[tilespmem:s19+$0x83D0] =	vst v1  }
0x24: {  	[tilespmem:s19+$0x83E0] =	vst v1;
	s19 =	simm.s32 $0x0  }
0x25: {  	[tilespmem:s11], [sflag:$0x1] =	stream.linear.gather [hbm4b:s8+s19], $0x10, $0x38;
	[tilespmem:$0x12380] =	vst v63  }
0x26: {  	_ =	swait.ge [sflag:s12], $0x10  }
0x27: {  	[sflag:s12] =	ssyncset.done $0x0  }
0x28: {  	[sflag:s12] =	ssyncadd.s32 $0xFFFFFFF0  }
0x29: {  	v9 =	vld [tilespmem:$0x8300];
	_ =	sdelay $0x4  }
0x2a: {  	v9 =	vxor.u32 $0x80000000, v9  }
0x2b: {  	(xrf0) =	vmax.scan.msk.u32 $0xffff, v9;
	_ =	sdelay $0x5  }
0x2c: {  	v9, _, _ =	vpop (xrf0)  }
0x2d: {  	(v2sf) =	vpush v9, $0xF;
	_ =	sdelay $0xe  }
0x2e: {  	s20 =	spop (v2sf)  }
0x2f: {  	s20 =	sadd.s32 $0x800000FF, s20  }
0x30: {  	s20 =	sshrl.u32 s20, $0x8  }
0x31: {  	p0 =	seq.s32 s20, $0x0  }
.Ltmp3:
0x32: {  	_ = 	snop;
	(pc) =	sbr.rel @p0 .LBB2_7-.Ltmp3, $2  }
0x33: {  	_ =	sdelay $0x2  }
0x34: {  	s21 =	simm.s32 $0x0  }
.LBB2_4:
0x35: {  	s22 =	sshll.u32 s21, $0x8  }
0x36: {  	s22 =	sadd.s32 s7, s22  }
0x37: {  	s22 =	sshrl.u32 s22, $0x3  }
0x38: {  	s23 =	sadd.s32 s4, s22  }
0x39: {  	[tilespmem:s14], [sflag:$0x1] =	stream.linear.gather [hbm4b:s23+s19], $0x100, $0x38;
	[tilespmem:$0x12380] =	vst v63  }
0x3a: {  	_ =	swait.ge [sflag:s12], $0x100  }
0x3b: {  	[sflag:s12] =	ssyncset.done $0x0  }
0x3c: {  	s31 =	sadd.s32 s5, s22;
	[sflag:s12] =	ssyncadd.s32 $0xFFFFFF00  }
0x3d: {  	[tilespmem:s15], [sflag:$0x1] =	stream.linear.gather [hbm4b:s31+s19], $0x100, $0x38;
	[tilespmem:$0x12380] =	vst v63  }
0x3e: {  	_ =	swait.ge [sflag:s12], $0x100  }
0x3f: {  	[sflag:s12] =	ssyncset.done $0x0  }
0x40: {  	s22 =	sadd.s32 s6, s22;
	[sflag:s12] =	ssyncadd.s32 $0xFFFFFF00  }
0x41: {  	[tilespmem:s16], [sflag:$0x1] =	stream.linear.gather [hbm4b:s22+s19], $0x100, $0x38;
	[tilespmem:$0x12380] =	vst v63  }
0x42: {  	_ =	swait.ge [sflag:s12], $0x100  }
0x43: {  	[sflag:s12] =	ssyncset.done $0x0  }
0x44: {  	v9 =	vmov s19;
	[sflag:s12] =	ssyncadd.s32 $0xFFFFFF00  }
0x45: {  	[tilespmem:s19], [sflag:$0x1] =	stream.indirect.gather [hbm4b:s3+s17], $0x80, s14, s17, $0xb8;
	[tilespmem:$0x12380] =	vst v63  }
0x46: {  	_ =	swait.ge [sflag:s12], $0x8000  }
0x47: {  	[sflag:s12] =	ssyncset.done $0x0  }
0x48: {  	[sflag:s12] =	ssyncadd.s32 $0xFFFF8000  }
0x49: {  	v10 =	vld.idx.msk [tilespmem:v9+s15+$0x0], $0xffff;
	_ =	sdelay $0x2  }
0x4a: {  	s22 =	simm.s32 $0x40;
	v11 =	vld.idx.msk [tilespmem:v9+s16+$0x0], $0xffff  }
0x4b: {  	v9 =	vld [tilespmem:s22+$0xFFFFFFC0]  }
0x4c: {  	v10 =	vshll.u32 v10, $0x7  }
0x4d: {  	v12 =	vor.u32 v0, v10;
	_ =	sdelay $0x2  }
0x4e: {  	v9 =	vmul.f32 v9, v11;
	_ =	sdelay $0x1  }
0x4f: {  	[tilespmem:v12+s13+$0x0] =	vst.idx.add.f32.msk $0xffff, v9  }
0x50: {  	v9 =	vld [tilespmem:s22+$0xFFFFFFD0];
	_ =	sdelay $0x1  }
0x51: {  	v58 =	vor.u32 v2, v10;
	_ =	sdelay $0x2  }
0x52: {  	v9 =	vmul.f32 v9, v11;
	_ =	sdelay $0x1  }
0x53: {  	[tilespmem:v58+s13+$0x0] =	vst.idx.add.f32.msk $0xffff, v9  }
0x54: {  	v9 =	vld [tilespmem:s22+$0xFFFFFFE0];
	_ =	sdelay $0x1  }
0x55: {  	v59 =	vor.u32 v3, v10;
	_ =	sdelay $0x2  }
0x56: {  	v9 =	vmul.f32 v9, v11;
	_ =	sdelay $0x1  }
0x57: {  	[tilespmem:v59+s13+$0x0] =	vst.idx.add.f32.msk $0xffff, v9  }
0x58: {  	v9 =	vld [tilespmem:s22+$0xFFFFFFF0];
	_ =	sdelay $0x1  }
0x59: {  	v60 =	vor.u32 v4, v10;
	_ =	sdelay $0x2  }
0x5a: {  	v9 =	vmul.f32 v9, v11;
	_ =	sdelay $0x1  }
0x5b: {  	[tilespmem:v60+s13+$0x0] =	vst.idx.add.f32.msk $0xffff, v9  }
0x5c: {  	v9 =	vld [tilespmem:s22+$0x0];
	_ =	sdelay $0x1  }
0x5d: {  	v61 =	vor.u32 v5, v10;
	_ =	sdelay $0x2  }
0x5e: {  	v9 =	vmul.f32 v9, v11;
	_ =	sdelay $0x1  }
0x5f: {  	[tilespmem:v61+s13+$0x0] =	vst.idx.add.f32.msk $0xffff, v9  }
0x60: {  	v9 =	vld [tilespmem:s22+$0x10];
	_ =	sdelay $0x1  }
0x61: {  	v62 =	vor.u32 v6, v10;
	_ =	sdelay $0x2  }
0x62: {  	v9 =	vmul.f32 v9, v11;
	_ =	sdelay $0x1  }
0x63: {  	[tilespmem:v62+s13+$0x0] =	vst.idx.add.f32.msk $0xffff, v9  }
0x64: {  	v9 =	vld [tilespmem:s22+$0x20];
	_ =	sdelay $0x1  }
0x65: {  	v63 =	vor.u32 v7, v10;
	_ =	sdelay $0x2  }
0x66: {  	v9 =	vmul.f32 v9, v11;
	_ =	sdelay $0x1  }
0x67: {  	[tilespmem:v63+s13+$0x0] =	vst.idx.add.f32.msk $0xffff, v9  }
0x68: {  	v12 =	vld [tilespmem:s22+$0x30];
	_ =	sdelay $0x1  }
0x69: {  	s24 =	simm.s32 $0x1;
	v10 =	vor.u32 v8, v10  }
0x6a: {  	v9 =	vmov s24;
	_ =	sdelay $0x1  }
0x6b: {  	s23 =	simm.s32 $0x2;
	v11 =	vmul.f32 v12, v11  }
.LBB2_5:
0x6c: {  	p0 =	sne.s32 s23, $0xFF  }
0x6d: {  	s22 =	sadd.s32 $0x80, s22;
	s24 =	smov.u32 s23;
	s23 =	sadd.s32 $0x1, s23;
	[tilespmem:v10+s13+$0x0] =	vst.idx.add.f32.msk $0xffff, v11  }
0x6e: {  	v10 =	vld.idx.msk [tilespmem:v9+s15+$0x0], $0xffff;
	_ =	sdelay $0x3  }
0x6f: {  	v11 =	vld.idx.msk [tilespmem:v9+s16+$0x0], $0xffff  }
0x70: {  	v9 =	vld [tilespmem:s22+$0xFFFFFFC0]  }
0x71: {  	v10 =	vshll.u32 v10, $0x7  }
0x72: {  	v12 =	vor.u32 v0, v10;
	_ =	sdelay $0x2  }
0x73: {  	v9 =	vmul.f32 v9, v11;
	_ =	sdelay $0x1  }
0x74: {  	[tilespmem:v12+s13+$0x0] =	vst.idx.add.f32.msk $0xffff, v9  }
0x75: {  	v9 =	vld [tilespmem:s22+$0xFFFFFFD0];
	_ =	sdelay $0x1  }
0x76: {  	v12 =	vor.u32 v2, v10;
	_ =	sdelay $0x2  }
0x77: {  	v9 =	vmul.f32 v9, v11;
	_ =	sdelay $0x1  }
0x78: {  	[tilespmem:v12+s13+$0x0] =	vst.idx.add.f32.msk $0xffff, v9  }
0x79: {  	v9 =	vld [tilespmem:s22+$0xFFFFFFE0];
	_ =	sdelay $0x1  }
0x7a: {  	v12 =	vor.u32 v3, v10;
	_ =	sdelay $0x2  }
0x7b: {  	v9 =	vmul.f32 v9, v11;
	_ =	sdelay $0x1  }
0x7c: {  	[tilespmem:v12+s13+$0x0] =	vst.idx.add.f32.msk $0xffff, v9  }
0x7d: {  	v9 =	vld [tilespmem:s22+$0xFFFFFFF0];
	_ =	sdelay $0x1  }
0x7e: {  	v12 =	vor.u32 v4, v10;
	_ =	sdelay $0x2  }
0x7f: {  	v9 =	vmul.f32 v9, v11;
	_ =	sdelay $0x1  }
0x80: {  	[tilespmem:v12+s13+$0x0] =	vst.idx.add.f32.msk $0xffff, v9  }
0x81: {  	v9 =	vld [tilespmem:s22+$0x0];
	_ =	sdelay $0x1  }
0x82: {  	v12 =	vor.u32 v5, v10;
	_ =	sdelay $0x2  }
0x83: {  	v9 =	vmul.f32 v9, v11;
	_ =	sdelay $0x1  }
0x84: {  	[tilespmem:v12+s13+$0x0] =	vst.idx.add.f32.msk $0xffff, v9  }
0x85: {  	v9 =	vld [tilespmem:s22+$0x10];
	_ =	sdelay $0x1  }
0x86: {  	v12 =	vor.u32 v6, v10;
	_ =	sdelay $0x2  }
0x87: {  	v9 =	vmul.f32 v9, v11;
	_ =	sdelay $0x1  }
0x88: {  	[tilespmem:v12+s13+$0x0] =	vst.idx.add.f32.msk $0xffff, v9  }
0x89: {  	v9 =	vld [tilespmem:s22+$0x20];
	_ =	sdelay $0x1  }
0x8a: {  	v12 =	vor.u32 v7, v10;
	_ =	sdelay $0x2  }
0x8b: {  	v9 =	vmul.f32 v9, v11;
	_ =	sdelay $0x1  }
0x8c: {  	[tilespmem:v12+s13+$0x0] =	vst.idx.add.f32.msk $0xffff, v9  }
0x8d: {  	v12 =	vld [tilespmem:s22+$0x30]  }
.Ltmp4:
0x8e: {  	(pc) =	sbr.rel @p0 .LBB2_5-.Ltmp4, $3  }
0x8f: {  	v10 =	vor.u32 v8, v10  }
0x90: {  	v9 =	vmov s24;
	_ =	sdelay $0x1  }
0x91: {  	v11 =	vmul.f32 v12, v11  }
0x92: {  	_ =	sdelay $0x3  }
0x93: {  	[tilespmem:v10+s13+$0x0] =	vst.idx.add.f32.msk $0xffff, v11  }
0x94: {  	v10 =	vld.idx.msk [tilespmem:v9+s15+$0x0], $0xffff;
	_ =	sdelay $0x2  }
0x95: {  	s22 =	sadd.s32 $0x80, s22;
	v9 =	vld.idx.msk [tilespmem:v9+s16+$0x0], $0xffff  }
0x96: {  	v11 =	vld [tilespmem:s22+$0xFFFFFFC0]  }
0x97: {  	v10 =	vshll.u32 v10, $0x7  }
0x98: {  	v12 =	vor.u32 v0, v10;
	_ =	sdelay $0x2  }
0x99: {  	v11 =	vmul.f32 v11, v9;
	_ =	sdelay $0x1  }
0x9a: {  	[tilespmem:v12+s13+$0x0] =	vst.idx.add.f32.msk $0xffff, v11  }
0x9b: {  	v11 =	vld [tilespmem:s22+$0xFFFFFFD0];
	_ =	sdelay $0x1  }
0x9c: {  	v58 =	vor.u32 v2, v10;
	_ =	sdelay $0x2  }
0x9d: {  	v11 =	vmul.f32 v11, v9;
	_ =	sdelay $0x1  }
0x9e: {  	[tilespmem:v58+s13+$0x0] =	vst.idx.add.f32.msk $0xffff, v11  }
0x9f: {  	v11 =	vld [tilespmem:s22+$0xFFFFFFE0];
	_ =	sdelay $0x1  }
0xa0: {  	v59 =	vor.u32 v3, v10;
	_ =	sdelay $0x2  }
0xa1: {  	v11 =	vmul.f32 v11, v9;
	_ =	sdelay $0x1  }
0xa2: {  	[tilespmem:v59+s13+$0x0] =	vst.idx.add.f32.msk $0xffff, v11  }
0xa3: {  	v11 =	vld [tilespmem:s22+$0xFFFFFFF0];
	_ =	sdelay $0x1  }
0xa4: {  	v60 =	vor.u32 v4, v10;
	_ =	sdelay $0x2  }
0xa5: {  	v11 =	vmul.f32 v11, v9;
	_ =	sdelay $0x1  }
0xa6: {  	[tilespmem:v60+s13+$0x0] =	vst.idx.add.f32.msk $0xffff, v11  }
0xa7: {  	v11 =	vld [tilespmem:s22+$0x0];
	_ =	sdelay $0x1  }
0xa8: {  	v61 =	vor.u32 v5, v10;
	_ =	sdelay $0x2  }
0xa9: {  	v11 =	vmul.f32 v11, v9;
	_ =	sdelay $0x1  }
0xaa: {  	[tilespmem:v61+s13+$0x0] =	vst.idx.add.f32.msk $0xffff, v11  }
0xab: {  	v11 =	vld [tilespmem:s22+$0x10];
	_ =	sdelay $0x1  }
0xac: {  	v62 =	vor.u32 v6, v10;
	_ =	sdelay $0x2  }
0xad: {  	v11 =	vmul.f32 v11, v9;
	_ =	sdelay $0x1  }
0xae: {  	[tilespmem:v62+s13+$0x0] =	vst.idx.add.f32.msk $0xffff, v11  }
0xaf: {  	v11 =	vld [tilespmem:s22+$0x20];
	_ =	sdelay $0x1  }
0xb0: {  	v63 =	vor.u32 v7, v10;
	_ =	sdelay $0x2  }
0xb1: {  	v11 =	vmul.f32 v11, v9;
	_ =	sdelay $0x1  }
0xb2: {  	[tilespmem:v63+s13+$0x0] =	vst.idx.add.f32.msk $0xffff, v11  }
0xb3: {  	v11 =	vld [tilespmem:s22+$0x30]  }
0xb4: {  	s21 =	sadd.s32 $0x1, s21  }
0xb5: {  	p0 =	sne.s32 s21, s20;
	v10 =	vor.u32 v8, v10  }
.Ltmp5:
0xb6: {  	_ = 	snop;
	(pc) =	sbr.rel @p0 .LBB2_4-.Ltmp5, $4  }
.Ltmp6:
0xb7: {  	_ = 	snop;
	(pc) =	sbr.rel @!p0 .LBB2_7-.Ltmp6, $4  }
0xb8: {  	v9 =	vmul.f32 v11, v9  }
0xb9: {  	_ = 	snop  }
0xba: {  	[tilespmem:v10+s13+$0x0] =	vst.idx.add.f32.msk $0xffff, v9  }
0xbb: {  	_ = 	snop  }
.LBB2_8:
0xbc: {  	_ =	sfence.sel $0x180000  }
0xbd: {  	[bflag:$0x0] =	sbarrier.arrive $0xFFFF  }
0xbe: {  	p0 =	sne.s32 s2, $0x0;
	_ =	strace $0x9000004D  }
0xbf: {  	s0 =	sadd.s32 @!p0 $0x100000, s0;
	[bflag:$0x2] =	sbarrier.arrive $0xFFFF  }
0xc0: {  	[sflag:s0] =	ssyncadd.tile.s32 @!p0 $0x1;
	_ =	shalt  }
.Lfunc_end2:
_tile_overlayer_lowered:
.L_overlay_start_2:
0xc1: {  	(tag) =	ssettag $0x2  }
0xc2: {  	s0 =	rddreg [dreg:$0x0];
	s2 =	stileid.u32  }
0xc3: {  	s1 =	rddreg [dreg:$0x1];
	p0 =	sne.s32 s2, $0x0  }
0xc4: {  	s3 =	rddreg [dreg:$0x2];
	[bflag:$0x3] =	sbarrier.arrive $0xFFFF;
	s2 =	simm.s32 @!p0 $0x1C01  }
0xc5: {  	[timem:s3], [sflag:s2] =	dma.local @!p0 [hbm:s0], s1  }
0xc6: {  	s0 =	simm.s32 @!p0 $0x1  }
0xc7: {  	_ =	swait.ge @!p0 [sflag:s0], s1  }
0xc8: {  	s1 =	ssub.s32 @!p0 $0x0, s1;
	[sflag:s0] =	ssyncset.done @!p0 $0x0  }
0xc9: {  	[sflag:s0] =	ssyncadd.s32 @!p0 s1  }
0xca: {  	[bflag:$0x3] =	sbarrier.arrive $0xFFFF  }
0xcb: {  	_ =	shalt  }

// kernel: gcn_edge_c256.3.cloned.1.call-start
scs
__scs_entry_jumppad:
0x0: {  	(pc) =	sbr.rel $0x88, $3  }
0x1: {  	(tag) =	ssettag $0x0;
	lr =	simm.s32 $0x1  }
0x2: {  	[smem:$0x3F9A] =	sst lr;
	_ =	strace $0xD0000000  }
0x3: {  	_ = 	snop  }
0x4: {  	_ = 	snop  }
0x5: {  	_ = 	snop  }
0x6: {  	_ = 	snop  }
0x7: {  	_ = 	snop  }
__scs_overlays_trampoline_lowered:
0x8: {  	[smem:$0x3FA9] =	sst s0  }
0x9: {  	[smem:$0x3FAA] =	sst s1  }
0xa: {  	[smem:$0x3FAB] =	sst s2  }
0xb: {  	[smem:$0x3FAC] =	sst s3  }
0xc: {  	[smem:$0x3FAD] =	sst s4  }
0xd: {  	[smem:$0x3FAE] =	sst s5  }
0xe: {  	[smem:$0x3FAF] =	sst s6  }
0xf: {  	[smem:$0x3FB0] =	sst s7  }
0x10: {  	[smem:$0x3FB1] =	sst s8  }
0x11: {  	[smem:$0x3FB2] =	sst s9;
	s0 =	simm.s32 @!p0 $0x0  }
0x12: {  	s1 =	sld [smem:$0x3F98];
	s0 =	simm.s32 @p0 $0x1  }
0x13: {  	[smem:$0x3FB3] =	sst s0;
	s0 =	simm.s32 @!p1 $0x0  }
0x14: {  	s2 =	sld [smem:$0x3F97];
	s0 =	simm.s32 @p1 $0x1  }
0x15: {  	[smem:$0x3FB4] =	sst s0;
	s0 =	simm.s32 @!p2 $0x0  }
0x16: {  	s3 =	sld [smem:$0x3FDB];
	s0 =	simm.s32 @p2 $0x1  }
0x17: {  	s4 =	simm.s32 $0x1BF5;
	[smem:$0x3FB6] =	sst s0  }
0x18: {  	s0 =	sld [smem:$0x3F99];
	_ =	swait.ge [sflag:s4], $0x0  }
0x19: {  	s7 =	sld [smem:$0x3F9A]  }
0x1a: {  	s8 =	sadd.s32 $0xFFFFE003, lr  }
0x1b: {  	s9 =	sadd.s32 $0xFFFFFEF7, lr;
	s5 =	simm.s32 $0xFFFFFFFF;
	p2 =	slt.u32 s8, $0xFFFFF086  }
0x1c: {  	p1 =	slt.u32 s9, $0xF7A;
	s5 =	simm.s32 @!p2 $0x0  }
0x1d: {  	s5 =	simm.s32 @p1 $0x1;
	p0 =	seq.s32 s7, s2  }
0x1e: {  	s7 =	smul.u32 @!p0 $0xF7A, s2;
	p2 =	seq.s32 @!p0 s5, $0x0  }
0x1f: {  	s9 =	smul.u32 $0xF7A, s1;
	s8 =	simm.s32 @!p0 $0x1BF5;
	p2 =	por !p2, p0  }
0x20: {  	[sflag:s8] =	ssyncset.s32 @!p0 $0xFFFFF086;
	s6 =	sadd.s32 @!p0 s3, s7;
	s7 =	simm.s32 @!p0 $0x108  }
0x21: {  	s3 =	sadd.s32 s3, s9;
	s6 =	sadd.s32 @!p0 $0x88, s6;
	s7 =	simm.s32 @p2 $0x1082  }
0x22: {  	[simem:s7], [sflag:s8] =	dma.local @!p0 [hbm:s6], $0xF7A  }
0x23: {  	s9 =	sor.u32 $0xD0000000, s2;
	s6 =	simm.s32 $0x108;
	_ =	swait.ge @!p0 [sflag:s8], $0x0  }
0x24: {  	s3 =	sadd.s32 $0x88, s3;
	s6 =	simm.s32 @!p1 $0x1082;
	[sflag:s4] =	ssyncset.s32 $0xFFFFF086  }
0x25: {  	[simem:s6], [sflag:s4] =	dma.local [hbm:s3], $0xF7A  }
0x26: {  	[smem:$0x3F9A] =	sst s1;
	(tag) =	ssettag s2;
	_ =	strace s9  }
0x27: {  	s1 =	sld [smem:$0x3FAA]  }
0x28: {  	s2 =	sld [smem:$0x3FAB]  }
0x29: {  	s4 =	sld [smem:$0x3FAD]  }
0x2a: {  	p0 =	seq.s32 s5, $0x0;
	s5 =	sld [smem:$0x3FAE]  }
0x2b: {  	s6 =	sld [smem:$0x3FAF]  }
0x2c: {  	s7 =	sld [smem:$0x3FB0]  }
0x2d: {  	s3 =	simm.s32 $0x108;
	s8 =	sld [smem:$0x3FB1]  }
0x2e: {  	s3 =	simm.s32 @!p0 $0x1082;
	s9 =	sld [smem:$0x3FB2]  }
0x2f: {  	lr =	sadd.s32 s0, s3;
	s0 =	sld [smem:$0x3FA9]  }
0x30: {  	s3 =	sld [smem:$0x3FAC]  }
0x31: {  	[smem:$0x3FB5] =	sst s10  }
0x32: {  	s10 =	sld [smem:$0x3FB3];
	_ =	sdelay $0x3  }
0x33: {  	p0 =	seq.s32 s10, $0x1;
	s10 =	sld [smem:$0x3FB5];
	_ =	sdelay $0x3  }
0x34: {  	[smem:$0x3FB5] =	sst s10  }
0x35: {  	s10 =	sld [smem:$0x3FB4];
	_ =	sdelay $0x3  }
0x36: {  	p1 =	seq.s32 s10, $0x1;
	s10 =	sld [smem:$0x3FB5];
	_ =	sdelay $0x3  }
0x37: {  	[smem:$0x3FB5] =	sst s10  }
0x38: {  	s10 =	sld [smem:$0x3FB6]  }
0x39: {  	_ = 	snop;
	(pc) =	sbr.ind lr, $3  }
0x3a: {  	_ = 	snop  }
0x3b: {  	_ = 	snop  }
0x3c: {  	p2 =	seq.s32 s10, $0x1;
	s10 =	sld [smem:$0x3FB5]  }
0x3d: {  	_ =	shalt  }
0x3e: {  	_ =	shalt  }
0x3f: {  	_ =	shalt  }
0x40: {  	_ =	shalt  }
0x41: {  	_ =	shalt  }
0x42: {  	_ =	shalt  }
0x43: {  	_ =	shalt  }
0x44: {  	_ =	shalt  }
0x45: {  	_ =	shalt  }
0x46: {  	_ =	shalt  }
0x47: {  	_ =	shalt  }
0x48: {  	_ =	shalt  }
0x49: {  	_ =	shalt  }
0x4a: {  	_ =	shalt  }
0x4b: {  	_ =	shalt  }
0x4c: {  	_ =	shalt  }
0x4d: {  	_ =	shalt  }
0x4e: {  	_ =	shalt  }
0x4f: {  	_ =	shalt  }
0x50: {  	_ =	shalt  }
0x51: {  	_ =	shalt  }
0x52: {  	_ =	shalt  }
0x53: {  	_ =	shalt  }
0x54: {  	_ =	shalt  }
0x55: {  	_ =	shalt  }
0x56: {  	_ =	shalt  }
0x57: {  	_ =	shalt  }
0x58: {  	_ =	shalt  }
0x59: {  	_ =	shalt  }
0x5a: {  	_ =	shalt  }
0x5b: {  	_ =	shalt  }
0x5c: {  	_ =	shalt  }
0x5d: {  	_ =	shalt  }
0x5e: {  	_ =	shalt  }
0x5f: {  	_ =	shalt  }
0x60: {  	_ =	shalt  }
0x61: {  	_ =	shalt  }
0x62: {  	_ =	shalt  }
0x63: {  	_ =	shalt  }
0x64: {  	_ =	shalt  }
0x65: {  	_ =	shalt  }
0x66: {  	_ =	shalt  }
0x67: {  	_ =	shalt  }
0x68: {  	_ =	shalt  }
0x69: {  	_ =	shalt  }
0x6a: {  	_ =	shalt  }
0x6b: {  	_ =	shalt  }
0x6c: {  	_ =	shalt  }
0x6d: {  	_ =	shalt  }
0x6e: {  	_ =	shalt  }
0x6f: {  	_ =	shalt  }
0x70: {  	_ =	shalt  }
0x71: {  	_ =	shalt  }
0x72: {  	_ =	shalt  }
0x73: {  	_ =	shalt  }
0x74: {  	_ =	shalt  }
0x75: {  	_ =	shalt  }
0x76: {  	_ =	shalt  }
0x77: {  	_ =	shalt  }
0x78: {  	_ =	shalt  }
0x79: {  	_ =	shalt  }
0x7a: {  	_ =	shalt  }
0x7b: {  	_ =	shalt  }
0x7c: {  	_ =	shalt  }
0x7d: {  	_ =	shalt  }
0x7e: {  	_ =	shalt  }
0x7f: {  	_ =	shalt  }
0x80: {  	_ =	shalt  }
0x81: {  	_ =	shalt  }
0x82: {  	_ =	shalt  }
0x83: {  	_ =	shalt  }
0x84: {  	_ =	shalt  }
0x85: {  	_ =	shalt  }
0x86: {  	_ =	shalt  }
0x87: {  	_ =	shalt  }
.Lfunc_end0:
.L_simem_size_0:
called_computation.1_lowered:
.L_overlay_start_0:
0x88: {  	s2 =	sld [smem:$0x3FD9]  }
0x89: {  	s3 =	sld [smem:$0x3FFE];
	_ =	sdelay $0x1  }
0x8a: {  	s1 =	srdreg.scid  }
0x8b: {  	s0 =	sand.u32 $0x1, s1  }
0x8c: {  	s16 =	sshll.u32 s0, $0xA;
	s2 =	sadd.s32 s3, s2  }
0x8d: {  	s2 =	sadd.s32 s2, s16  }
0x8e: {  	[smem:$0x3FC1] =	sst s2  }
0x8f: {  	_ = 	snop  }
0x90: {  	(tm) =	ssettm $0x1  }
0x91: {  	s17 =	sld [smem:$0x3FFB];
	_ =	sdelay $0x3  }
0x92: {  	_ =	strace s17  }
0x93: {  	s2 =	sld [smem:$0x3FFC];
	_ =	sdelay $0x3  }
0x94: {  	_ =	strace s2  }
0x95: {  	s2 =	sld [smem:$0x3FFD];
	_ =	sdelay $0x3  }
0x96: {  	_ =	strace s2  }
0x97: {  	_ =	strace $0x8FFFFFFF  }
0x98: {  	s18 =	sld [smem:$0x3FDB];
	_ =	sdelay $0x1  }
0x99: {  	s19 =	simm.s32 $_scs_section_size  }
0x9a: {  	s4 =	simm.s32 $_size__tile_overlayer_lowered;
	s5 =	simm.s32 $_tile_overlayer_lowered  }
0x9b: {  	s22 =	simm.s32 $0x1BFF;
	s21 =	sshll.u32 s5, $0x1;
	s2 =	sadd.s32 s19, s18  }
0x9c: {  	s6 =	simm.s32 $0x0;
	s20 =	sshll.u32 s4, $0x1;
	s4 =	sadd.s32 s21, s2  }
0x9d: {  	[timem:s6], [sflag:s22] =	dma.local [hbm:s4], s20  }
0x9e: {  	_ =	swait.ge [sflag:s22], s20  }
0x9f: {  	s3 =	ssub.s32 $0x0, s20;
	[sflag:s22] =	ssyncset.done $0x0  }
0xa0: {  	[sflag:s22] =	ssyncadd.s32 s3;
	_ =	sdelay $0x1  }
0xa1: {  	s23 =	simm.s32 $0x1B8B  }
0xa2: {  	_ =	swait.ge [sflag:s23], $0x1  }
0xa3: {  	[sflag:s23] =	ssyncset.done $0x0  }
0xa4: {  	s25 =	simm.s32 $0x1B8E;
	s24 =	sld [smem:$0x3FFE];
	[sflag:s23] =	ssyncadd.s32 $0xFFFFFFFF  }
0xa5: {  	s26 =	simm.s32 $execute0_lowered;
	[smem:$0x3FD2] =	sst s25  }
0xa6: {  	s4 =	sshll.u32 s26, $0x1;
	_ =	strace $0x80000049;
	[dreg:$0x1] =	wrdreg $0xFFFFFFFF  }
0xa7: {  	s28 =	simm.s32 $_size_execute0_lowered;
	s2 =	sadd.s32 s2, s4;
	[dreg:$0x0] =	wrdreg $0x0  }
0xa8: {  	s4 =	sshll.u32 s28, $0x1;
	[dreg:$0x2] =	wrdreg s2  }
0xa9: {  	[dreg:$0x3] =	wrdreg s4  }
0xaa: {  	[dreg:$0x4] =	wrdreg $0xC0  }
0xab: {  	_ =	task [dreg:s6], $0x5FFFF  }
0xac: {  	[dreg:$0x1] =	wrdreg $0xFFFFFFFF  }
0xad: {  	[dreg:$0x0] =	wrdreg $0x60  }
0xae: {  	[dreg:$0x2] =	wrdreg s24  }
0xaf: {  	[dreg:$0x3] =	wrdreg $0x9  }
0xb0: {  	_ =	task.clear_ibuf [dreg:s6], $0x4FFFF;
	_ =	strace $0x90000049  }
0xb1: {  	s29 =	simm.s32 $0x9;
	_ =	strace $0x8000004B  }
0xb2: {  	_ =	swait.ge [sflag:s29], $0x1  }
0xb3: {  	[sflag:s29] =	ssyncadd.s32 $0xFFFFFFFF  }
0xb4: {  	_ =	strace $0x9000004B  }
0xb5: {  	_ =	sfence  }
0xb6: {  	s30 =	sld [smem:$0x0];
	_ =	sdelay $0x2  }
0xb7: {  	s31 =	sshll.u32 s1, $0xD;
	s1 =	sshrl.u32 s1, $0x2  }
0xb8: {  	s3 =	sand.u32 $0x4000, s31;
	s1 =	sadd.s32 s1, s30  }
0xb9: {  	s0 =	sor.u32 s3, s0;
	s1 =	sshll.u32 s1, $0x11  }
0xba: {  	s0 =	sor.u32 s1, s0  }
0xbb: {  	s0 =	sadd.s32 $0x8F2B, s0  }
0xbc: {  	[sflag:s0] =	ssyncadd.remote.s32 $0x1  }
0xbd: {  	_ =	sfence.sel $0xFFFF  }
0xbe: {  	[dreg:$0x0] =	wrdreg $0xFFFFFFFF;
	(pc) =	sbr.abs _section_cstart, $3  }
0xbf: {  	[dreg:$0x1] =	wrdreg $0xFFFFFFFF  }
0xc0: {  	_ =	task.clear_ibuf [dreg:s6], $0x2FFFF;
	_ =	strace $0x9FFFFFFF  }
0xc1: {  	(tm) =	ssettm $0x7FFFFFFF  }
tec
execute0_lowered:
.L_overlay_start_1:
0x0: {  	(tag) =	ssettag $0x1  }
0x1: {  	s0 =	rddreg [dreg:$0x0];
	s1 =	srdreg.scid  }
0x2: {  	s9 =	simm.s32 $0x0;
	s4 =	stileid.u32;
	s12 =	simm.s32 $0x1  }
0x3: {  	s13 =	simm.s32 $0x8200;
	s15 =	simm.s32 $0x8080;
	s16 =	simm.s32 $0x8100  }
0x4: {  	s19 =	simm.s32 $0x1800;
	s20 =	simm.s32 $0x2000;
	s21 =	simm.s32 $0x2800  }
0x5: {  	s22 =	simm.s32 $0x3000;
	s23 =	simm.s32 $0x3800;
	s28 =	simm.s32 $0x5800  }
0x6: {  	s29 =	simm.s32 $0x6000;
	s30 =	simm.s32 $0x6800;
	s31 =	simm.s32 $0x7000  }
0x7: {  	s11 =	simm.s32 $0x0;
	[smem:$0x7FF] =	sst s9;
	s3 =	sadd.s32 $0x3DF400, s0  }
0x8: {  	s1 =	sand.u32 $0x1, s1;
	s5 =	sadd.s32 $0x16D200, s0;
	s6 =	sadd.s32 $0x2A6200, s0  }
0x9: {  	v0 =	vlaneseq.u32;
	s2 =	sshll.u32 s1, $0x4;
	_ =	strace $0x8000004A;
	s1 =	ssub.s32 $0x2, s1  }
0xa: {  	v1 =	vimm.f32 $0.0e+00;
	vm0 =	vmmov $0xffff;
	v2 =	vand.u32 $0x7, v0;
	s2 =	sor.u32 s4, s2;
	s4 =	sadd.s32 $0x34200, s0;
	s24 =	sshrl.u32 s1, $0x1  }
0xb: {  	v3 =	vshrl.u32 v0, $0x3;
	v4 =	vor.u32 $0x8, v0;
	v5 =	vor.u32 $0x10, v0;
	s7 =	smul.u32 $0x2800, s2;
	s8 =	sshll.u32 s2, $0x1;
	s1 =	ssub.s32 s1, s24  }
.Ltmp0:
0xc: {  	v6 =	vor.u32 $0x20, v0;
	v7 =	vor.u32 $0x30, v0;
	v8 =	vor.u32 $0x40, v0;
	s24 =	simm.s32 $0x4000;
	s8 =	sadd.s32 s8, s0;
	(pc) =	sbr.rel .LBB2_1-.Ltmp0, $4  }
0xd: {  	v9 =	vor.u32 $0x50, v0;
	v10 =	vor.u32 $0x60, v0;
	v11 =	vor.u32 $0x70, v0;
	s26 =	smax.u32 s1, $0x1;
	s0 =	sadd.s32 s7, s0;
	s25 =	sadd.s32 $0x3DF200, s8  }
0xe: {  	v12 =	vor.u32 $0x400, v0;
	v13 =	vor.u32 $0x410, v0;
	v14 =	vor.u32 $0x420, v0;
	s8 =	smul.u32 $0x9C8, s2;
	[dreg:$0x4] =	wrdreg s26;
	s26 =	simm.s32 $0x5000  }
0xf: {  	v15 =	vor.u32 $0x430, v0;
	v16 =	vor.u32 $0x440, v0;
	v17 =	vor.u32 $0x450, v0;
	s2 =	simm.s32 $0x0;
	[dreg:$0x2] =	wrdreg s25;
	s0 =	sadd.s32 $0x42F400, s0  }
0x10: {  	v18 =	vor.u32 $0x460, v0;
	v19 =	vor.u32 $0x470, v0;
	v3 =	vmul.u32 $0x8, v3;
	s25 =	simm.s32 $0x4800;
	[dreg:$0x3] =	wrdreg s0;
	s0 =	simm.s32 $0x7800  }
.LBB2_7:
0x11: {  	s9 =	simm.s32 $0x0;
	s1 =	rddreg [dreg:$0x3]  }
0x12: {  	[hbm4b:s1+s9] =	stream.linear.scatter [tilespmem:s13], [sflag:$0x1], $0x14000, $0x38;
	[tilespmem:$0x1C200] =	vst v63  }
0x13: {  	_ =	swait.ge [sflag:s12], $0x14000  }
0x14: {  	s2 =	rddreg [dreg:$0x5]  }
0x15: {  	s18 =	rddreg [dreg:$0x4];
	s2 =	sadd.s32 $0x1, s2  }
0x16: {  	p0 =	sne.s32 s2, s18  }
.Ltmp1:
0x17: {  	_ = 	snop;
	(pc) =	sbr.rel @!p0 .LBB2_8-.Ltmp1, $3  }
0x18: {  	_ =	sdelay $0x1  }
0x19: {  	[sflag:s12] =	ssyncset.done $0x0  }
0x1a: {  	[sflag:s12] =	ssyncadd.s32 $0xFFFEC000  }
.LBB2_1:
0x1b: {  	s1 =	sand.u32 $0x1F800, s9;
	s18 =	sand.u32 $0x380, s9  }
0x1c: {  	s1 =	sor.u32 s18, s1  }
0x1d: {  	[tilespmem:s1+$0x8670] =	vst v1  }
0x1e: {  	[tilespmem:s1+$0x8200] =	vst v1  }
0x1f: {  	[tilespmem:s1+$0x8210] =	vst v1  }
0x20: {  	[tilespmem:s1+$0x8220] =	vst v1  }
0x21: {  	[tilespmem:s1+$0x8230] =	vst v1  }
0x22: {  	[tilespmem:s1+$0x8240] =	vst v1  }
0x23: {  	[tilespmem:s1+$0x8250] =	vst v1  }
0x24: {  	[tilespmem:s1+$0x8260] =	vst v1  }
0x25: {  	[tilespmem:s1+$0x8270] =	vst v1  }
0x26: {  	[tilespmem:s1+$0x8600] =	vst v1  }
0x27: {  	[tilespmem:s1+$0x8610] =	vst v1  }
0x28: {  	[tilespmem:s1+$0x8620] =	vst v1  }
0x29: {  	[tilespmem:s1+$0x8630] =	vst v1  }
0x2a: {  	[dreg:$0x5] =	wrdreg s2;
	s7 =	simm.s32 $0x100;
	s2 =	simm.s32 $0x80;
	[tilespmem:s1+$0x8640] =	vst v1  }
0x2b: {  	s9 =	sand.u32 $0x1F800, s7;
	s10 =	sand.u32 $0x380, s2;
	s7 =	simm.s32 $0x200;
	[tilespmem:s1+$0x8650] =	vst v1  }
.LBB2_2:
0x2c: {  	p0 =	sne.s32 s7, $0x13F00;
	[tilespmem:s1+$0x8660] =	vst v1;
	s1 =	sor.u32 s10, s9  }
0x2d: {  	[tilespmem:s1+$0x8670] =	vst v1  }
0x2e: {  	[tilespmem:s1+$0x8200] =	vst v1  }
0x2f: {  	[tilespmem:s1+$0x8210] =	vst v1  }
0x30: {  	[tilespmem:s1+$0x8220] =	vst v1  }
0x31: {  	[tilespmem:s1+$0x8230] =	vst v1  }
0x32: {  	[tilespmem:s1+$0x8240] =	vst v1  }
0x33: {  	[tilespmem:s1+$0x8250] =	vst v1  }
0x34: {  	[tilespmem:s1+$0x8260] =	vst v1  }
0x35: {  	[tilespmem:s1+$0x8270] =	vst v1  }
0x36: {  	[tilespmem:s1+$0x8600] =	vst v1  }
.Ltmp2:
0x37: {  	[tilespmem:s1+$0x8610] =	vst v1;
	(pc) =	sbr.rel @p0 .LBB2_2-.Ltmp2, $4  }
0x38: {  	[tilespmem:s1+$0x8620] =	vst v1  }
0x39: {  	[tilespmem:s1+$0x8630] =	vst v1  }
0x3a: {  	s2 =	sadd.s32 $0x80, s2;
	[tilespmem:s1+$0x8640] =	vst v1  }
0x3b: {  	s9 =	sand.u32 $0x1F800, s7;
	s7 =	sadd.s32 $0x100, s7;
	s10 =	sand.u32 $0x380, s2;
	[tilespmem:s1+$0x8650] =	vst v1  }
0x3c: {  	s2 =	sor.u32 s10, s9;
	[tilespmem:s1+$0x8660] =	vst v1  }
0x3d: {  	[tilespmem:s2+$0x8670] =	vst v1  }
0x3e: {  	[tilespmem:s2+$0x8200] =	vst v1  }
0x3f: {  	[tilespmem:s2+$0x8210] =	vst v1  }
0x40: {  	[tilespmem:s2+$0x8220] =	vst v1  }
0x41: {  	[tilespmem:s2+$0x8230] =	vst v1  }
0x42: {  	[tilespmem:s2+$0x8240] =	vst v1  }
0x43: {  	[tilespmem:s2+$0x8250] =	vst v1  }
0x44: {  	[tilespmem:s2+$0x8260] =	vst v1  }
0x45: {  	[tilespmem:s2+$0x8270] =	vst v1  }
0x46: {  	[tilespmem:s2+$0x8600] =	vst v1  }
0x47: {  	[tilespmem:s2+$0x8610] =	vst v1  }
0x48: {  	[tilespmem:s2+$0x8620] =	vst v1  }
0x49: {  	[tilespmem:s2+$0x8630] =	vst v1  }
0x4a: {  	[tilespmem:s2+$0x8640] =	vst v1  }
0x4b: {  	[tilespmem:s2+$0x8650] =	vst v1  }
0x4c: {  	s14 =	rddreg [dreg:$0x2];
	s17 =	simm.s32 $0x8180;
	[tilespmem:s2+$0x8660] =	vst v1  }
0x4d: {  	[tilespmem:s17], [sflag:$0x1] =	stream.linear.gather [hbm4b:s14+s11], $0x10, $0x38;
	[tilespmem:$0x1C200] =	vst v63  }
0x4e: {  	_ =	swait.ge [sflag:s12], $0x10  }
0x4f: {  	[sflag:s12] =	ssyncset.done $0x0  }
0x50: {  	[sflag:s12] =	ssyncadd.s32 $0xFFFFFFF0  }
0x51: {  	v20 =	vld [tilespmem:$0x8180];
	_ =	sdelay $0x4  }
0x52: {  	v20 =	vxor.u32 $0x80000000, v20  }
0x53: {  	(xrf0) =	vmax.scan.msk.u32 $0xffff, v20;
	_ =	sdelay $0x5  }
0x54: {  	v20, _, _ =	vpop (xrf0)  }
0x55: {  	(v2sf) =	vpush v20, $0xF;
	_ =	sdelay $0xe  }
0x56: {  	s18 =	spop (v2sf)  }
0x57: {  	s1 =	sadd.s32 $0x8000007F, s18  }
0x58: {  	s7 =	sshrl.u32 s1, $0x7  }
0x59: {  	p0 =	seq.s32 s7, $0x0  }
.Ltmp3:
0x5a: {  	_ = 	snop;
	(pc) =	sbr.rel @p0 .LBB2_7-.Ltmp3, $2  }
0x5b: {  	_ =	sdelay $0x2  }
0x5c: {  	s9 =	simm.s32 $0x0  }
.LBB2_4:
0x5d: {  	s1 =	sadd.s32 s8, s9  }
0x5e: {  	s1 =	sshll.u32 s1, $0x4  }
0x5f: {  	s1 =	sand.u32 $0x1FFFFFF0, s1  }
0x60: {  	s10 =	simm.s32 $0x8000;
	s2 =	sadd.s32 s4, s1  }
0x61: {  	[tilespmem:s10], [sflag:$0x1] =	stream.linear.gather [hbm4b:s2+s11], $0x80, $0x38;
	[tilespmem:$0x1C200] =	vst v63  }
0x62: {  	_ =	swait.ge [sflag:s12], $0x80  }
0x63: {  	[sflag:s12] =	ssyncset.done $0x0  }
0x64: {  	s18 =	sadd.s32 s5, s1;
	[sflag:s12] =	ssyncadd.s32 $0xFFFFFF80  }
0x65: {  	[tilespmem:s15], [sflag:$0x1] =	stream.linear.gather [hbm4b:s18+s11], $0x80, $0x38;
	[tilespmem:$0x1C200] =	vst v63  }
0x66: {  	_ =	swait.ge [sflag:s12], $0x80  }
0x67: {  	[sflag:s12] =	ssyncset.done $0x0  }
0x68: {  	s1 =	sadd.s32 s6, s1;
	[sflag:s12] =	ssyncadd.s32 $0xFFFFFF80  }
0x69: {  	[tilespmem:s16], [sflag:$0x1] =	stream.linear.gather [hbm4b:s1+s11], $0x80, $0x38;
	[tilespmem:$0x1C200] =	vst v63  }
0x6a: {  	_ =	swait.ge [sflag:s12], $0x80  }
0x6b: {  	[sflag:s12] =	ssyncset.done $0x0  }
0x6c: {  	[sflag:s12] =	ssyncadd.s32 $0xFFFFFF80  }
0x6d: {  	v20 =	vld [tilespmem:$0x8000];
	_ =	sdelay $0x4  }
0x6e: {  	v21 =	vshll.u32 v20, $0x1  }
0x6f: {  	v20 =	vand.u32 $0x7, v20;
	v21 =	vand.u32 $0xFFFFFFF0, v21  }
0x70: {  	v20 =	vor.u32 v20, v21  }
0x71: {  	v21 =	vperm.xlane v20, v2;
	_ =	sdelay $0x1  }
0x72: {  	v20 =	vperm.xlane v20, v4;
	v21 =	vadd.s32 v3, v21;
	_ =	sdelay $0x1  }
0x73: {  	v20 =	vadd.s32 v3, v20;
	_ =	sdelay $0x2  }
0x74: {  	[tilespmem:s11], [sflag:$0x1] =	stream.indirect_vreg.gather [hbm4b:s3+s11], $0x80, v21, vm0, $0xb8;
	[tilespmem:$0x1C200] =	vst v63  }
0x75: {  	s2 =	simm.s32 $0x800  }
0x76: {  	[tilespmem:s2], [sflag:$0x1] =	stream.indirect_vreg.gather [hbm4b:s3+s11], $0x80, v20, vm0, $0xb8;
	[tilespmem:$0x1C200] =	vst v63  }
0x77: {  	v20 =	vld [tilespmem:$0x8010];
	_ =	sdelay $0x4  }
0x78: {  	v21 =	vshll.u32 v20, $0x1  }
0x79: {  	v20 =	vand.u32 $0x7, v20;
	v21 =	vand.u32 $0xFFFFFFF0, v21  }
0x7a: {  	v20 =	vor.u32 v20, v21  }
0x7b: {  	v21 =	vperm.xlane v20, v2;
	_ =	sdelay $0x1  }
0x7c: {  	v20 =	vperm.xlane v20, v4;
	v21 =	vadd.s32 v3, v21;
	_ =	sdelay $0x1  }
0x7d: {  	v20 =	vadd.s32 v3, v20;
	_ =	sdelay $0x1  }
0x7e: {  	s10 =	simm.s32 $0x1000  }
0x7f: {  	[tilespmem:s10], [sflag:$0x1] =	stream.indirect_vreg.gather [hbm4b:s3+s11], $0x80, v21, vm0, $0xb8;
	[tilespmem:$0x1C200] =	vst v63  }
0x80: {  	_ = 	snop  }
0x81: {  	[tilespmem:s19], [sflag:$0x1] =	stream.indirect_vreg.gather [hbm4b:s3+s11], $0x80, v20, vm0, $0xb8;
	[tilespmem:$0x1C200] =	vst v63  }
0x82: {  	v20 =	vld [tilespmem:$0x8020];
	_ =	sdelay $0x4  }
0x83: {  	v21 =	vshll.u32 v20, $0x1  }
0x84: {  	v20 =	vand.u32 $0x7, v20;
	v21 =	vand.u32 $0xFFFFFFF0, v21  }
0x85: {  	v20 =	vor.u32 v20, v21  }
0x86: {  	v21 =	vperm.xlane v20, v2;
	_ =	sdelay $0x1  }
0x87: {  	v20 =	vperm.xlane v20, v4;
	v21 =	vadd.s32 v3, v21;
	_ =	sdelay $0x1  }
0x88: {  	v20 =	vadd.s32 v3, v20;
	_ =	sdelay $0x2  }
0x89: {  	[tilespmem:s20], [sflag:$0x1] =	stream.indirect_vreg.gather [hbm4b:s3+s11], $0x80, v21, vm0, $0xb8;
	[tilespmem:$0x1C200] =	vst v63  }
0x8a: {  	_ = 	snop  }
0x8b: {  	[tilespmem:s21], [sflag:$0x1] =	stream.indirect_vreg.gather [hbm4b:s3+s11], $0x80, v20, vm0, $0xb8;
	[tilespmem:$0x1C200] =	vst v63  }
0x8c: {  	v20 =	vld [tilespmem:$0x8030];
	_ =	sdelay $0x4  }
0x8d: {  	v21 =	vshll.u32 v20, $0x1  }
0x8e: {  	v20 =	vand.u32 $0x7, v20;
	v21 =	vand.u32 $0xFFFFFFF0, v21  }
0x8f: {  	v20 =	vor.u32 v20, v21  }
0x90: {  	v21 =	vperm.xlane v20, v2;
	_ =	sdelay $0x1  }
0x91: {  	v20 =	vperm.xlane v20, v4;
	v21 =	vadd.s32 v3, v21;
	_ =	sdelay $0x1  }
0x92: {  	v20 =	vadd.s32 v3, v20;
	_ =	sdelay $0x2  }
0x93: {  	[tilespmem:s22], [sflag:$0x1] =	stream.indirect_vreg.gather [hbm4b:s3+s11], $0x80, v21, vm0, $0xb8;
	[tilespmem:$0x1C200] =	vst v63  }
0x94: {  	_ = 	snop  }
0x95: {  	[tilespmem:s23], [sflag:$0x1] =	stream.indirect_vreg.gather [hbm4b:s3+s11], $0x80, v20, vm0, $0xb8;
	[tilespmem:$0x1C200] =	vst v63  }
0x96: {  	v20 =	vld [tilespmem:$0x8040];
	_ =	sdelay $0x4  }
0x97: {  	v21 =	vshll.u32 v20, $0x1  }
0x98: {  	v20 =	vand.u32 $0x7, v20;
	v21 =	vand.u32 $0xFFFFFFF0, v21  }
0x99: {  	v20 =	vor.u32 v20, v21  }
0x9a: {  	v21 =	vperm.xlane v20, v2;
	_ =	sdelay $0x1  }
0x9b: {  	v20 =	vperm.xlane v20, v4;
	v21 =	vadd.s32 v3, v21;
	_ =	sdelay $0x1  }
0x9c: {  	v20 =	vadd.s32 v3, v20;
	_ =	sdelay $0x2  }
0x9d: {  	[tilespmem:s24], [sflag:$0x1] =	stream.indirect_vreg.gather [hbm4b:s3+s11], $0x80, v21, vm0, $0xb8;
	[tilespmem:$0x1C200] =	vst v63  }
0x9e: {  	_ = 	snop  }
0x9f: {  	[tilespmem:s25], [sflag:$0x1] =	stream.indirect_vreg.gather [hbm4b:s3+s11], $0x80, v20, vm0, $0xb8;
	[tilespmem:$0x1C200] =	vst v63  }
0xa0: {  	v20 =	vld [tilespmem:$0x8050];
	_ =	sdelay $0x4  }
0xa1: {  	v21 =	vshll.u32 v20, $0x1  }
0xa2: {  	v20 =	vand.u32 $0x7, v20;
	v21 =	vand.u32 $0xFFFFFFF0, v21  }
0xa3: {  	v20 =	vor.u32 v20, v21  }
0xa4: {  	v21 =	vperm.xlane v20, v2;
	_ =	sdelay $0x1  }
0xa5: {  	v20 =	vperm.xlane v20, v4;
	v21 =	vadd.s32 v3, v21;
	_ =	sdelay $0x1  }
0xa6: {  	v20 =	vadd.s32 v3, v20;
	_ =	sdelay $0x2  }
0xa7: {  	[tilespmem:s26], [sflag:$0x1] =	stream.indirect_vreg.gather [hbm4b:s3+s11], $0x80, v21, vm0, $0xb8;
	[tilespmem:$0x1C200] =	vst v63  }
0xa8: {  	_ = 	snop  }
0xa9: {  	[tilespmem:s28], [sflag:$0x1] =	stream.indirect_vreg.gather [hbm4b:s3+s11], $0x80, v20, vm0, $0xb8;
	[tilespmem:$0x1C200] =	vst v63  }
0xaa: {  	v20 =	vld [tilespmem:$0x8060];
	_ =	sdelay $0x4  }
0xab: {  	v21 =	vshll.u32 v20, $0x1  }
0xac: {  	v20 =	vand.u32 $0x7, v20;
	v21 =	vand.u32 $0xFFFFFFF0, v21  }
0xad: {  	v20 =	vor.u32 v20, v21  }
0xae: {  	v21 =	vperm.xlane v20, v2;
	_ =	sdelay $0x1  }
0xaf: {  	v20 =	vperm.xlane v20, v4;
	v21 =	vadd.s32 v3, v21;
	_ =	sdelay $0x1  }
0xb0: {  	v20 =	vadd.s32 v3, v20;
	_ =	sdelay $0x2  }
0xb1: {  	[tilespmem:s29], [sflag:$0x1] =	stream.indirect_vreg.gather [hbm4b:s3+s11], $0x80, v21, vm0, $0xb8;
	[tilespmem:$0x1C200] =	vst v63  }
0xb2: {  	_ = 	snop  }
0xb3: {  	[tilespmem:s30], [sflag:$0x1] =	stream.indirect_vreg.gather [hbm4b:s3+s11], $0x80, v20, vm0, $0xb8;
	[tilespmem:$0x1C200] =	vst v63  }
0xb4: {  	v20 =	vld [tilespmem:$0x8070];
	_ =	sdelay $0x4  }
0xb5: {  	v21 =	vshll.u32 v20, $0x1  }
0xb6: {  	v20 =	vand.u32 $0x7, v20;
	v21 =	vand.u32 $0xFFFFFFF0, v21  }
0xb7: {  	v20 =	vor.u32 v20, v21  }
0xb8: {  	v21 =	vperm.xlane v20, v2;
	_ =	sdelay $0x1  }
0xb9: {  	v20 =	vperm.xlane v20, v4;
	v21 =	vadd.s32 v3, v21;
	_ =	sdelay $0x1  }
0xba: {  	v20 =	vadd.s32 v3, v20;
	_ =	sdelay $0x2  }
0xbb: {  	[tilespmem:s31], [sflag:$0x1] =	stream.indirect_vreg.gather [hbm4b:s3+s11], $0x80, v21, vm0, $0xb8;
	[tilespmem:$0x1C200] =	vst v63  }
0xbc: {  	v21 =	vmov s11  }
0xbd: {  	[tilespmem:s0], [sflag:$0x1] =	stream.indirect_vreg.gather [hbm4b:s3+s11], $0x80, v20, vm0, $0xb8;
	[tilespmem:$0x1C200] =	vst v63  }
0xbe: {  	_ =	swait.ge [sflag:s12], $0x8000  }
0xbf: {  	[sflag:s12] =	ssyncset.done $0x0  }
0xc0: {  	[sflag:s12] =	ssyncadd.s32 $0xFFFF8000  }
0xc1: {  	v20 =	vld.idx.msk [tilespmem:v21+s15+$0x0], $0xffff;
	_ =	sdelay $0x3  }
0xc2: {  	s14 =	sand.u32 $0x7800, s11;
	s17 =	sand.u32 $0x380, s11  }
0xc3: {  	s1 =	sor.u32 s17, s14;
	v23 =	vld.idx.msk [tilespmem:v21+s16+$0x0], $0xffff;
	v21 =	vshll.u32 v20, $0x8;
	v20 =	vshll.u32 v20, $0x7  }
0xc4: {  	v22 =	vld [tilespmem:s1+$0x0];
	v21 =	vand.u32 $0xFFFFF800, v21;
	v20 =	vand.u32 $0x380, v20  }
0xc5: {  	v20 =	vor.u32 v20, v21  }
0xc6: {  	v21 =	vor.u32 v0, v20;
	_ =	sdelay $0x2  }
0xc7: {  	v22 =	vmul.f32 v22, v23;
	_ =	sdelay $0x1  }
0xc8: {  	[tilespmem:v21+s13+$0x0] =	vst.idx.add.f32.msk $0xffff, v22  }
0xc9: {  	v21 =	vld [tilespmem:s1+$0x10];
	_ =	sdelay $0x1  }
0xca: {  	v22 =	vor.u32 v5, v20;
	_ =	sdelay $0x2  }
0xcb: {  	v21 =	vmul.f32 v21, v23;
	_ =	sdelay $0x1  }
0xcc: {  	[tilespmem:v22+s13+$0x0] =	vst.idx.add.f32.msk $0xffff, v21  }
0xcd: {  	v21 =	vld [tilespmem:s1+$0x20];
	_ =	sdelay $0x1  }
0xce: {  	v22 =	vor.u32 v6, v20;
	_ =	sdelay $0x2  }
0xcf: {  	v21 =	vmul.f32 v21, v23;
	_ =	sdelay $0x1  }
0xd0: {  	[tilespmem:v22+s13+$0x0] =	vst.idx.add.f32.msk $0xffff, v21  }
0xd1: {  	v21 =	vld [tilespmem:s1+$0x30];
	_ =	sdelay $0x1  }
0xd2: {  	v22 =	vor.u32 v7, v20;
	_ =	sdelay $0x2  }
0xd3: {  	v21 =	vmul.f32 v21, v23;
	_ =	sdelay $0x1  }
0xd4: {  	[tilespmem:v22+s13+$0x0] =	vst.idx.add.f32.msk $0xffff, v21  }
0xd5: {  	v21 =	vld [tilespmem:s1+$0x40];
	_ =	sdelay $0x1  }
0xd6: {  	v22 =	vor.u32 v8, v20;
	_ =	sdelay $0x2  }
0xd7: {  	v21 =	vmul.f32 v21, v23;
	_ =	sdelay $0x1  }
0xd8: {  	[tilespmem:v22+s13+$0x0] =	vst.idx.add.f32.msk $0xffff, v21  }
0xd9: {  	v21 =	vld [tilespmem:s1+$0x50];
	_ =	sdelay $0x1  }
0xda: {  	v22 =	vor.u32 v9, v20;
	_ =	sdelay $0x2  }
0xdb: {  	v21 =	vmul.f32 v21, v23;
	_ =	sdelay $0x1  }
0xdc: {  	[tilespmem:v22+s13+$0x0] =	vst.idx.add.f32.msk $0xffff, v21  }
0xdd: {  	v21 =	vld [tilespmem:s1+$0x60];
	_ =	sdelay $0x1  }
0xde: {  	v22 =	vor.u32 v10, v20;
	_ =	sdelay $0x2  }
0xdf: {  	v21 =	vmul.f32 v21, v23;
	_ =	sdelay $0x1  }
0xe0: {  	[tilespmem:v22+s13+$0x0] =	vst.idx.add.f32.msk $0xffff, v21  }
0xe1: {  	v21 =	vld [tilespmem:s1+$0x70];
	_ =	sdelay $0x1  }
0xe2: {  	v22 =	vor.u32 v11, v20;
	_ =	sdelay $0x2  }
0xe3: {  	v21 =	vmul.f32 v21, v23;
	_ =	sdelay $0x1  }
0xe4: {  	[tilespmem:v22+s13+$0x0] =	vst.idx.add.f32.msk $0xffff, v21  }
0xe5: {  	v21 =	vld [tilespmem:s1+$0x400];
	_ =	sdelay $0x1  }
0xe6: {  	v22 =	vor.u32 v12, v20;
	_ =	sdelay $0x2  }
0xe7: {  	v21 =	vmul.f32 v21, v23;
	_ =	sdelay $0x1  }
0xe8: {  	[tilespmem:v22+s13+$0x0] =	vst.idx.add.f32.msk $0xffff, v21  }
0xe9: {  	v21 =	vld [tilespmem:s1+$0x410];
	_ =	sdelay $0x1  }
0xea: {  	v22 =	vor.u32 v13, v20;
	_ =	sdelay $0x2  }
0xeb: {  	v21 =	vmul.f32 v21, v23;
	_ =	sdelay $0x1  }
0xec: {  	[tilespmem:v22+s13+$0x0] =	vst.idx.add.f32.msk $0xffff, v21  }
0xed: {  	v21 =	vld [tilespmem:s1+$0x420];
	_ =	sdelay $0x1  }
0xee: {  	v22 =	vor.u32 v14, v20;
	_ =	sdelay $0x2  }
0xef: {  	v21 =	vmul.f32 v21, v23;
	_ =	sdelay $0x1  }
0xf0: {  	[tilespmem:v22+s13+$0x0] =	vst.idx.add.f32.msk $0xffff, v21  }
0xf1: {  	v21 =	vld [tilespmem:s1+$0x430];
	_ =	sdelay $0x1  }
0xf2: {  	v22 =	vor.u32 v15, v20;
	_ =	sdelay $0x2  }
0xf3: {  	v21 =	vmul.f32 v21, v23;
	_ =	sdelay $0x1  }
0xf4: {  	[tilespmem:v22+s13+$0x0] =	vst.idx.add.f32.msk $0xffff, v21  }
0xf5: {  	v21 =	vld [tilespmem:s1+$0x440];
	_ =	sdelay $0x1  }
0xf6: {  	v22 =	vor.u32 v16, v20;
	_ =	sdelay $0x2  }
0xf7: {  	v21 =	vmul.f32 v21, v23;
	_ =	sdelay $0x1  }
0xf8: {  	[tilespmem:v22+s13+$0x0] =	vst.idx.add.f32.msk $0xffff, v21  }
0xf9: {  	v21 =	vld [tilespmem:s1+$0x450];
	_ =	sdelay $0x1  }
0xfa: {  	v22 =	vor.u32 v17, v20;
	_ =	sdelay $0x2  }
0xfb: {  	v21 =	vmul.f32 v21, v23;
	_ =	sdelay $0x1  }
0xfc: {  	[tilespmem:v22+s13+$0x0] =	vst.idx.add.f32.msk $0xffff, v21  }
0xfd: {  	v21 =	vld [tilespmem:s1+$0x460];
	_ =	sdelay $0x1  }
0xfe: {  	v22 =	vor.u32 v18, v20;
	_ =	sdelay $0x2  }
0xff: {  	v21 =	vmul.f32 v21, v23;
	_ =	sdelay $0x1  }
0x100: {  	[tilespmem:v22+s13+$0x0] =	vst.idx.add.f32.msk $0xffff, v21  }
0x101: {  	v24 =	vld [tilespmem:s1+$0x470];
	_ =	sdelay $0x1  }
0x102: {  	s18 =	simm.s32 $0x1;
	v22 =	vor.u32 v19, v20  }
0x103: {  	v21 =	vmov s18;
	_ =	sdelay $0x1  }
0x104: {  	s17 =	simm.s32 $0x2;
	s2 =	simm.s32 $0x0;
	s10 =	simm.s32 $0x0;
	v20 =	vmul.f32 v24, v23  }
.LBB2_5:
0x105: {  	s10 =	sadd.s32 $0x80, s10  }
0x106: {  	s2 =	sadd.s32 $0x100, s2;
	s14 =	smov.u32 s17;
	s1 =	sadd.s32 $0x1, s17;
	[tilespmem:v22+s13+$0x0] =	vst.idx.add.f32.msk $0xffff, v20  }
0x107: {  	p0 =	sne.s32 s17, $0x7F;
	v22 =	vld.idx.msk [tilespmem:v21+s15+$0x0], $0xffff;
	_ =	sdelay $0x4  }
0x108: {  	s17 =	sand.u32 $0x7800, s2;
	s18 =	sand.u32 $0x380, s10  }
0x109: {  	s17 =	sor.u32 s18, s17;
	v20 =	vld.idx.msk [tilespmem:v21+s16+$0x0], $0xffff;
	v21 =	vshll.u32 v22, $0x8;
	v22 =	vshll.u32 v22, $0x7  }
0x10a: {  	v23 =	vld [tilespmem:s17+$0x0];
	v21 =	vand.u32 $0xFFFFF800, v21;
	v22 =	vand.u32 $0x380, v22  }
0x10b: {  	v21 =	vor.u32 v22, v21  }
0x10c: {  	v22 =	vor.u32 v0, v21;
	_ =	sdelay $0x2  }
0x10d: {  	v23 =	vmul.f32 v23, v20;
	_ =	sdelay $0x1  }
0x10e: {  	[tilespmem:v22+s13+$0x0] =	vst.idx.add.f32.msk $0xffff, v23  }
0x10f: {  	v22 =	vld [tilespmem:s17+$0x10];
	_ =	sdelay $0x1  }
0x110: {  	v23 =	vor.u32 v5, v21;
	_ =	sdelay $0x2  }
0x111: {  	v22 =	vmul.f32 v22, v20;
	_ =	sdelay $0x1  }
0x112: {  	[tilespmem:v23+s13+$0x0] =	vst.idx.add.f32.msk $0xffff, v22  }
0x113: {  	v22 =	vld [tilespmem:s17+$0x20];
	_ =	sdelay $0x1  }
0x114: {  	v23 =	vor.u32 v6, v21;
	_ =	sdelay $0x2  }
0x115: {  	v22 =	vmul.f32 v22, v20;
	_ =	sdelay $0x1  }
0x116: {  	[tilespmem:v23+s13+$0x0] =	vst.idx.add.f32.msk $0xffff, v22  }
0x117: {  	v22 =	vld [tilespmem:s17+$0x30];
	_ =	sdelay $0x1  }
0x118: {  	v23 =	vor.u32 v7, v21;
	_ =	sdelay $0x2  }
0x119: {  	v22 =	vmul.f32 v22, v20;
	_ =	sdelay $0x1  }
0x11a: {  	[tilespmem:v23+s13+$0x0] =	vst.idx.add.f32.msk $0xffff, v22  }
0x11b: {  	v22 =	vld [tilespmem:s17+$0x40];
	_ =	sdelay $0x1  }
0x11c: {  	v23 =	vor.u32 v8, v21;
	_ =	sdelay $0x2  }
0x11d: {  	v22 =	vmul.f32 v22, v20;
	_ =	sdelay $0x1  }
0x11e: {  	[tilespmem:v23+s13+$0x0] =	vst.idx.add.f32.msk $0xffff, v22  }
0x11f: {  	v22 =	vld [tilespmem:s17+$0x50];
	_ =	sdelay $0x1  }
0x120: {  	v23 =	vor.u32 v9, v21;
	_ =	sdelay $0x2  }
0x121: {  	v22 =	vmul.f32 v22, v20;
	_ =	sdelay $0x1  }
0x122: {  	[tilespmem:v23+s13+$0x0] =	vst.idx.add.f32.msk $0xffff, v22  }
0x123: {  	v22 =	vld [tilespmem:s17+$0x60];
	_ =	sdelay $0x1  }
0x124: {  	v23 =	vor.u32 v10, v21;
	_ =	sdelay $0x2  }
0x125: {  	v22 =	vmul.f32 v22, v20;
	_ =	sdelay $0x1  }
0x126: {  	[tilespmem:v23+s13+$0x0] =	vst.idx.add.f32.msk $0xffff, v22  }
0x127: {  	v22 =	vld [tilespmem:s17+$0x70];
	_ =	sdelay $0x1  }
0x128: {  	v23 =	vor.u32 v11, v21;
	_ =	sdelay $0x2  }
0x129: {  	v22 =	vmul.f32 v22, v20;
	_ =	sdelay $0x1  }
0x12a: {  	[tilespmem:v23+s13+$0x0] =	vst.idx.add.f32.msk $0xffff, v22  }
0x12b: {  	v22 =	vld [tilespmem:s17+$0x400];
	_ =	sdelay $0x1  }
0x12c: {  	v23 =	vor.u32 v12, v21;
	_ =	sdelay $0x2  }
0x12d: {  	v22 =	vmul.f32 v22, v20;
	_ =	sdelay $0x1  }
0x12e: {  	[tilespmem:v23+s13+$0x0] =	vst.idx.add.f32.msk $0xffff, v22  }
0x12f: {  	v22 =	vld [tilespmem:s17+$0x410];
	_ =	sdelay $0x1  }
0x130: {  	v23 =	vor.u32 v13, v21;
	_ =	sdelay $0x2  }
0x131: {  	v22 =	vmul.f32 v22, v20;
	_ =	sdelay $0x1  }
0x132: {  	[tilespmem:v23+s13+$0x0] =	vst.idx.add.f32.msk $0xffff, v22  }
0x133: {  	v22 =	vld [tilespmem:s17+$0x420];
	_ =	sdelay $0x1  }
0x134: {  	v23 =	vor.u32 v14, v21;
	_ =	sdelay $0x2  }
0x135: {  	v22 =	vmul.f32 v22, v20;
	_ =	sdelay $0x1  }
0x136: {  	[tilespmem:v23+s13+$0x0] =	vst.idx.add.f32.msk $0xffff, v22  }
0x137: {  	v22 =	vld [tilespmem:s17+$0x430];
	_ =	sdelay $0x1  }
0x138: {  	v23 =	vor.u32 v15, v21;
	_ =	sdelay $0x2  }
0x139: {  	v22 =	vmul.f32 v22, v20;
	_ =	sdelay $0x1  }
0x13a: {  	[tilespmem:v23+s13+$0x0] =	vst.idx.add.f32.msk $0xffff, v22  }
0x13b: {  	v22 =	vld [tilespmem:s17+$0x440];
	_ =	sdelay $0x1  }
0x13c: {  	v23 =	vor.u32 v16, v21;
	_ =	sdelay $0x2  }
0x13d: {  	v22 =	vmul.f32 v22, v20;
	_ =	sdelay $0x1  }
0x13e: {  	[tilespmem:v23+s13+$0x0] =	vst.idx.add.f32.msk $0xffff, v22  }
0x13f: {  	v22 =	vld [tilespmem:s17+$0x450];
	_ =	sdelay $0x1  }
0x140: {  	v23 =	vor.u32 v17, v21;
	_ =	sdelay $0x2  }
0x141: {  	v22 =	vmul.f32 v22, v20;
	_ =	sdelay $0x1  }
0x142: {  	[tilespmem:v23+s13+$0x0] =	vst.idx.add.f32.msk $0xffff, v22  }
0x143: {  	v22 =	vld [tilespmem:s17+$0x460];
	_ =	sdelay $0x1  }
0x144: {  	v23 =	vor.u32 v18, v21;
	_ =	sdelay $0x2  }
0x145: {  	v22 =	vmul.f32 v22, v20;
	_ =	sdelay $0x1  }
0x146: {  	[tilespmem:v23+s13+$0x0] =	vst.idx.add.f32.msk $0xffff, v22  }
0x147: {  	v23 =	vld [tilespmem:s17+$0x470]  }
.Ltmp4:
0x148: {  	(pc) =	sbr.rel @p0 .LBB2_5-.Ltmp4, $3  }
0x149: {  	v22 =	vor.u32 v19, v21  }
0x14a: {  	v21 =	vmov s14;
	_ =	sdelay $0x1  }
0x14b: {  	s17 =	smov.u32 s1;
	v20 =	vmul.f32 v23, v20  }
0x14c: {  	_ =	sdelay $0x3  }
0x14d: {  	[tilespmem:v22+s13+$0x0] =	vst.idx.add.f32.msk $0xffff, v20  }
0x14e: {  	v20 =	vld.idx.msk [tilespmem:v21+s15+$0x0], $0xffff;
	_ =	sdelay $0x2  }
0x14f: {  	s1 =	sadd.s32 $0x80, s10;
	s2 =	sadd.s32 $0x100, s2  }
0x150: {  	s2 =	sand.u32 $0x7800, s2;
	s1 =	sand.u32 $0x380, s1  }
0x151: {  	v48 =	vld.idx.msk [tilespmem:v21+s16+$0x0], $0xffff;
	s1 =	sor.u32 s1, s2;
	v49 =	vshll.u32 v20, $0x8;
	v20 =	vshll.u32 v20, $0x7  }
0x152: {  	v23 =	vld [tilespmem:s1+$0x0];
	v22 =	vand.u32 $0xFFFFF800, v49;
	v20 =	vand.u32 $0x380, v20  }
0x153: {  	v20 =	vor.u32 v20, v22  }
0x154: {  	v22 =	vor.u32 v0, v20;
	_ =	sdelay $0x2  }
0x155: {  	v23 =	vmul.f32 v23, v48;
	_ =	sdelay $0x1  }
0x156: {  	[tilespmem:v22+s13+$0x0] =	vst.idx.add.f32.msk $0xffff, v23  }
0x157: {  	v22 =	vld [tilespmem:s1+$0x10];
	_ =	sdelay $0x1  }
0x158: {  	v50 =	vor.u32 v5, v20;
	_ =	sdelay $0x2  }
0x159: {  	v22 =	vmul.f32 v22, v48;
	_ =	sdelay $0x1  }
0x15a: {  	[tilespmem:v50+s13+$0x0] =	vst.idx.add.f32.msk $0xffff, v22  }
0x15b: {  	v22 =	vld [tilespmem:s1+$0x20];
	_ =	sdelay $0x1  }
0x15c: {  	v51 =	vor.u32 v6, v20;
	_ =	sdelay $0x2  }
0x15d: {  	v22 =	vmul.f32 v22, v48;
	_ =	sdelay $0x1  }
0x15e: {  	[tilespmem:v51+s13+$0x0] =	vst.idx.add.f32.msk $0xffff, v22  }
0x15f: {  	v22 =	vld [tilespmem:s1+$0x30];
	_ =	sdelay $0x1  }
0x160: {  	v52 =	vor.u32 v7, v20;
	_ =	sdelay $0x2  }
0x161: {  	v22 =	vmul.f32 v22, v48;
	_ =	sdelay $0x1  }
0x162: {  	[tilespmem:v52+s13+$0x0] =	vst.idx.add.f32.msk $0xffff, v22  }
0x163: {  	v22 =	vld [tilespmem:s1+$0x40];
	_ =	sdelay $0x1  }
0x164: {  	v53 =	vor.u32 v8, v20;
	_ =	sdelay $0x2  }
0x165: {  	v22 =	vmul.f32 v22, v48;
	_ =	sdelay $0x1  }
0x166: {  	[tilespmem:v53+s13+$0x0] =	vst.idx.add.f32.msk $0xffff, v22  }
0x167: {  	v22 =	vld [tilespmem:s1+$0x50];
	_ =	sdelay $0x1  }
0x168: {  	v54 =	vor.u32 v9, v20;
	_ =	sdelay $0x2  }
0x169: {  	v22 =	vmul.f32 v22, v48;
	_ =	sdelay $0x1  }
0x16a: {  	[tilespmem:v54+s13+$0x0] =	vst.idx.add.f32.msk $0xffff, v22  }
0x16b: {  	v22 =	vld [tilespmem:s1+$0x60];
	_ =	sdelay $0x1  }
0x16c: {  	v55 =	vor.u32 v10, v20;
	_ =	sdelay $0x2  }
0x16d: {  	v22 =	vmul.f32 v22, v48;
	_ =	sdelay $0x1  }
0x16e: {  	[tilespmem:v55+s13+$0x0] =	vst.idx.add.f32.msk $0xffff, v22  }
0x16f: {  	v22 =	vld [tilespmem:s1+$0x70];
	_ =	sdelay $0x1  }
0x170: {  	v56 =	vor.u32 v11, v20;
	_ =	sdelay $0x2  }
0x171: {  	v22 =	vmul.f32 v22, v48;
	_ =	sdelay $0x1  }
0x172: {  	[tilespmem:v56+s13+$0x0] =	vst.idx.add.f32.msk $0xffff, v22  }
0x173: {  	v22 =	vld [tilespmem:s1+$0x400];
	_ =	sdelay $0x1  }
0x174: {  	v57 =	vor.u32 v12, v20;
	_ =	sdelay $0x2  }
0x175: {  	v22 =	vmul.f32 v22, v48;
	_ =	sdelay $0x1  }
0x176: {  	[tilespmem:v57+s13+$0x0] =	vst.idx.add.f32.msk $0xffff, v22  }
0x177: {  	v22 =	vld [tilespmem:s1+$0x410];
	_ =	sdelay $0x1  }
0x178: {  	v58 =	vor.u32 v13, v20;
	_ =	sdelay $0x2  }
0x179: {  	v22 =	vmul.f32 v22, v48;
	_ =	sdelay $0x1  }
0x17a: {  	[tilespmem:v58+s13+$0x0] =	vst.idx.add.f32.msk $0xffff, v22  }
0x17b: {  	v22 =	vld [tilespmem:s1+$0x420];
	_ =	sdelay $0x1  }
0x17c: {  	v59 =	vor.u32 v14, v20;
	_ =	sdelay $0x2  }
0x17d: {  	v22 =	vmul.f32 v22, v48;
	_ =	sdelay $0x1  }
0x17e: {  	[tilespmem:v59+s13+$0x0] =	vst.idx.add.f32.msk $0xffff, v22  }
0x17f: {  	v22 =	vld [tilespmem:s1+$0x430];
	_ =	sdelay $0x1  }
0x180: {  	v60 =	vor.u32 v15, v20;
	_ =	sdelay $0x2  }
0x181: {  	v22 =	vmul.f32 v22, v48;
	_ =	sdelay $0x1  }
0x182: {  	[tilespmem:v60+s13+$0x0] =	vst.idx.add.f32.msk $0xffff, v22  }
0x183: {  	v22 =	vld [tilespmem:s1+$0x440];
	_ =	sdelay $0x1  }
0x184: {  	v61 =	vor.u32 v16, v20;
	_ =	sdelay $0x2  }
0x185: {  	v22 =	vmul.f32 v22, v48;
	_ =	sdelay $0x1  }
0x186: {  	[tilespmem:v61+s13+$0x0] =	vst.idx.add.f32.msk $0xffff, v22  }
0x187: {  	v22 =	vld [tilespmem:s1+$0x450];
	_ =	sdelay $0x1  }
0x188: {  	v62 =	vor.u32 v17, v20;
	_ =	sdelay $0x2  }
0x189: {  	v22 =	vmul.f32 v22, v48;
	_ =	sdelay $0x1  }
0x18a: {  	[tilespmem:v62+s13+$0x0] =	vst.idx.add.f32.msk $0xffff, v22  }
0x18b: {  	v22 =	vld [tilespmem:s1+$0x460];
	_ =	sdelay $0x1  }
0x18c: {  	v63 =	vor.u32 v18, v20;
	_ =	sdelay $0x2  }
0x18d: {  	v22 =	vmul.f32 v22, v48;
	_ =	sdelay $0x1  }
0x18e: {  	[tilespmem:v63+s13+$0x0] =	vst.idx.add.f32.msk $0xffff, v22  }
0x18f: {  	v22 =	vld [tilespmem:s1+$0x470]  }
0x190: {  	s9 =	sadd.s32 $0x1, s9  }
0x191: {  	p0 =	sne.s32 s9, s7;
	v20 =	vor.u32 v19, v20  }
.Ltmp5:
0x192: {  	_ = 	snop;
	(pc) =	sbr.rel @p0 .LBB2_4-.Ltmp5, $4  }
.Ltmp6:
0x193: {  	_ = 	snop;
	(pc) =	sbr.rel @!p0 .LBB2_7-.Ltmp6, $4  }
0x194: {  	v21 =	vmul.f32 v22, v48  }
0x195: {  	_ = 	snop  }
0x196: {  	[tilespmem:v20+s13+$0x0] =	vst.idx.add.f32.msk $0xffff, v21  }
0x197: {  	_ = 	snop  }
.LBB2_8:
0x198: {  	_ =	sfence.sel $0x180000  }
0x199: {  	[bflag:$0x0] =	sbarrier.arrive $0xFFFF  }
0x19a: {  	_ =	strace $0x9000004A  }
0x19b: {  	s0 =	stileid.u32;
	[bflag:$0x2] =	sbarrier.arrive $0xFFFF  }
0x19c: {  	p0 =	sne.s32 s0, $0x0;
	s0 =	rddreg [dreg:$0x1]  }
0x19d: {  	s0 =	sadd.s32 @!p0 $0x100000, s0  }
0x19e: {  	[sflag:s0] =	ssyncadd.tile.s32 @!p0 $0x1;
	_ =	shalt  }
.Lfunc_end2:
_tile_overlayer_lowered:
.L_overlay_start_2:
0x19f: {  	(tag) =	ssettag $0x2  }
0x1a0: {  	s0 =	rddreg [dreg:$0x0];
	s2 =	stileid.u32  }
0x1a1: {  	s1 =	rddreg [dreg:$0x1];
	p0 =	sne.s32 s2, $0x0  }
0x1a2: {  	s3 =	rddreg [dreg:$0x2];
	[bflag:$0x3] =	sbarrier.arrive $0xFFFF;
	s2 =	simm.s32 @!p0 $0x1C01  }
0x1a3: {  	[timem:s3], [sflag:s2] =	dma.local @!p0 [hbm:s0], s1  }
0x1a4: {  	s0 =	simm.s32 @!p0 $0x1  }
0x1a5: {  	_ =	swait.ge @!p0 [sflag:s0], s1  }
0x1a6: {  	s1 =	ssub.s32 @!p0 $0x0, s1;
	[sflag:s0] =	ssyncset.done @!p0 $0x0  }
0x1a7: {  	[sflag:s0] =	ssyncadd.s32 @!p0 s1  }
0x1a8: {  	[bflag:$0x3] =	sbarrier.arrive $0xFFFF  }
0x1a9: {  	_ =	shalt  }

// kernel: gcn_prep.3.cloned.1.call-start
scs
__scs_entry_jumppad:
0x0: {  	(pc) =	sbr.rel $0x88, $3  }
0x1: {  	(tag) =	ssettag $0x0;
	lr =	simm.s32 $0x1  }
0x2: {  	[smem:$0x3F9A] =	sst lr;
	_ =	strace $0xD0000000  }
0x3: {  	_ = 	snop  }
0x4: {  	_ = 	snop  }
0x5: {  	_ = 	snop  }
0x6: {  	_ = 	snop  }
0x7: {  	_ = 	snop  }
__scs_overlays_trampoline_lowered:
0x8: {  	[smem:$0x3FA9] =	sst s0  }
0x9: {  	[smem:$0x3FAA] =	sst s1  }
0xa: {  	[smem:$0x3FAB] =	sst s2  }
0xb: {  	[smem:$0x3FAC] =	sst s3  }
0xc: {  	[smem:$0x3FAD] =	sst s4  }
0xd: {  	[smem:$0x3FAE] =	sst s5  }
0xe: {  	[smem:$0x3FAF] =	sst s6  }
0xf: {  	[smem:$0x3FB0] =	sst s7  }
0x10: {  	[smem:$0x3FB1] =	sst s8  }
0x11: {  	[smem:$0x3FB2] =	sst s9;
	s0 =	simm.s32 @!p0 $0x0  }
0x12: {  	s1 =	sld [smem:$0x3F98];
	s0 =	simm.s32 @p0 $0x1  }
0x13: {  	[smem:$0x3FB3] =	sst s0;
	s0 =	simm.s32 @!p1 $0x0  }
0x14: {  	s2 =	sld [smem:$0x3F97];
	s0 =	simm.s32 @p1 $0x1  }
0x15: {  	[smem:$0x3FB4] =	sst s0;
	s0 =	simm.s32 @!p2 $0x0  }
0x16: {  	s3 =	sld [smem:$0x3FDB];
	s0 =	simm.s32 @p2 $0x1  }
0x17: {  	s4 =	simm.s32 $0x1BF5;
	[smem:$0x3FB6] =	sst s0  }
0x18: {  	s0 =	sld [smem:$0x3F99];
	_ =	swait.ge [sflag:s4], $0x0  }
0x19: {  	s7 =	sld [smem:$0x3F9A]  }
0x1a: {  	s8 =	sadd.s32 $0xFFFFE003, lr  }
0x1b: {  	s9 =	sadd.s32 $0xFFFFFEF7, lr;
	s5 =	simm.s32 $0xFFFFFFFF;
	p2 =	slt.u32 s8, $0xFFFFF086  }
0x1c: {  	p1 =	slt.u32 s9, $0xF7A;
	s5 =	simm.s32 @!p2 $0x0  }
0x1d: {  	s5 =	simm.s32 @p1 $0x1;
	p0 =	seq.s32 s7, s2  }
0x1e: {  	s7 =	smul.u32 @!p0 $0xF7A, s2;
	p2 =	seq.s32 @!p0 s5, $0x0  }
0x1f: {  	s9 =	smul.u32 $0xF7A, s1;
	s8 =	simm.s32 @!p0 $0x1BF5;
	p2 =	por !p2, p0  }
0x20: {  	[sflag:s8] =	ssyncset.s32 @!p0 $0xFFFFF086;
	s6 =	sadd.s32 @!p0 s3, s7;
	s7 =	simm.s32 @!p0 $0x108  }
0x21: {  	s3 =	sadd.s32 s3, s9;
	s6 =	sadd.s32 @!p0 $0x88, s6;
	s7 =	simm.s32 @p2 $0x1082  }
0x22: {  	[simem:s7], [sflag:s8] =	dma.local @!p0 [hbm:s6], $0xF7A  }
0x23: {  	s9 =	sor.u32 $0xD0000000, s2;
	s6 =	simm.s32 $0x108;
	_ =	swait.ge @!p0 [sflag:s8], $0x0  }
0x24: {  	s3 =	sadd.s32 $0x88, s3;
	s6 =	simm.s32 @!p1 $0x1082;
	[sflag:s4] =	ssyncset.s32 $0xFFFFF086  }
0x25: {  	[simem:s6], [sflag:s4] =	dma.local [hbm:s3], $0xF7A  }
0x26: {  	[smem:$0x3F9A] =	sst s1;
	(tag) =	ssettag s2;
	_ =	strace s9  }
0x27: {  	s1 =	sld [smem:$0x3FAA]  }
0x28: {  	s2 =	sld [smem:$0x3FAB]  }
0x29: {  	s4 =	sld [smem:$0x3FAD]  }
0x2a: {  	p0 =	seq.s32 s5, $0x0;
	s5 =	sld [smem:$0x3FAE]  }
0x2b: {  	s6 =	sld [smem:$0x3FAF]  }
0x2c: {  	s7 =	sld [smem:$0x3FB0]  }
0x2d: {  	s3 =	simm.s32 $0x108;
	s8 =	sld [smem:$0x3FB1]  }
0x2e: {  	s3 =	simm.s32 @!p0 $0x1082;
	s9 =	sld [smem:$0x3FB2]  }
0x2f: {  	lr =	sadd.s32 s0, s3;
	s0 =	sld [smem:$0x3FA9]  }
0x30: {  	s3 =	sld [smem:$0x3FAC]  }
0x31: {  	[smem:$0x3FB5] =	sst s10  }
0x32: {  	s10 =	sld [smem:$0x3FB3];
	_ =	sdelay $0x3  }
0x33: {  	p0 =	seq.s32 s10, $0x1;
	s10 =	sld [smem:$0x3FB5];
	_ =	sdelay $0x3  }
0x34: {  	[smem:$0x3FB5] =	sst s10  }
0x35: {  	s10 =	sld [smem:$0x3FB4];
	_ =	sdelay $0x3  }
0x36: {  	p1 =	seq.s32 s10, $0x1;
	s10 =	sld [smem:$0x3FB5];
	_ =	sdelay $0x3  }
0x37: {  	[smem:$0x3FB5] =	sst s10  }
0x38: {  	s10 =	sld [smem:$0x3FB6]  }
0x39: {  	_ = 	snop;
	(pc) =	sbr.ind lr, $3  }
0x3a: {  	_ = 	snop  }
0x3b: {  	_ = 	snop  }
0x3c: {  	p2 =	seq.s32 s10, $0x1;
	s10 =	sld [smem:$0x3FB5]  }
0x3d: {  	_ =	shalt  }
0x3e: {  	_ =	shalt  }
0x3f: {  	_ =	shalt  }
0x40: {  	_ =	shalt  }
0x41: {  	_ =	shalt  }
0x42: {  	_ =	shalt  }
0x43: {  	_ =	shalt  }
0x44: {  	_ =	shalt  }
0x45: {  	_ =	shalt  }
0x46: {  	_ =	shalt  }
0x47: {  	_ =	shalt  }
0x48: {  	_ =	shalt  }
0x49: {  	_ =	shalt  }
0x4a: {  	_ =	shalt  }
0x4b: {  	_ =	shalt  }
0x4c: {  	_ =	shalt  }
0x4d: {  	_ =	shalt  }
0x4e: {  	_ =	shalt  }
0x4f: {  	_ =	shalt  }
0x50: {  	_ =	shalt  }
0x51: {  	_ =	shalt  }
0x52: {  	_ =	shalt  }
0x53: {  	_ =	shalt  }
0x54: {  	_ =	shalt  }
0x55: {  	_ =	shalt  }
0x56: {  	_ =	shalt  }
0x57: {  	_ =	shalt  }
0x58: {  	_ =	shalt  }
0x59: {  	_ =	shalt  }
0x5a: {  	_ =	shalt  }
0x5b: {  	_ =	shalt  }
0x5c: {  	_ =	shalt  }
0x5d: {  	_ =	shalt  }
0x5e: {  	_ =	shalt  }
0x5f: {  	_ =	shalt  }
0x60: {  	_ =	shalt  }
0x61: {  	_ =	shalt  }
0x62: {  	_ =	shalt  }
0x63: {  	_ =	shalt  }
0x64: {  	_ =	shalt  }
0x65: {  	_ =	shalt  }
0x66: {  	_ =	shalt  }
0x67: {  	_ =	shalt  }
0x68: {  	_ =	shalt  }
0x69: {  	_ =	shalt  }
0x6a: {  	_ =	shalt  }
0x6b: {  	_ =	shalt  }
0x6c: {  	_ =	shalt  }
0x6d: {  	_ =	shalt  }
0x6e: {  	_ =	shalt  }
0x6f: {  	_ =	shalt  }
0x70: {  	_ =	shalt  }
0x71: {  	_ =	shalt  }
0x72: {  	_ =	shalt  }
0x73: {  	_ =	shalt  }
0x74: {  	_ =	shalt  }
0x75: {  	_ =	shalt  }
0x76: {  	_ =	shalt  }
0x77: {  	_ =	shalt  }
0x78: {  	_ =	shalt  }
0x79: {  	_ =	shalt  }
0x7a: {  	_ =	shalt  }
0x7b: {  	_ =	shalt  }
0x7c: {  	_ =	shalt  }
0x7d: {  	_ =	shalt  }
0x7e: {  	_ =	shalt  }
0x7f: {  	_ =	shalt  }
0x80: {  	_ =	shalt  }
0x81: {  	_ =	shalt  }
0x82: {  	_ =	shalt  }
0x83: {  	_ =	shalt  }
0x84: {  	_ =	shalt  }
0x85: {  	_ =	shalt  }
0x86: {  	_ =	shalt  }
0x87: {  	_ =	shalt  }
.Lfunc_end0:
.L_simem_size_0:
called_computation_lowered:
.L_overlay_start_0:
0x88: {  	s2 =	sld [smem:$0x3FD9]  }
0x89: {  	s3 =	sld [smem:$0x3FFE];
	_ =	sdelay $0x1  }
0x8a: {  	s1 =	srdreg.scid  }
0x8b: {  	s0 =	sand.u32 $0x1, s1  }
0x8c: {  	s17 =	sshll.u32 s0, $0xA;
	s2 =	sadd.s32 s3, s2  }
0x8d: {  	s2 =	sadd.s32 s2, s17  }
0x8e: {  	[smem:$0x3FC1] =	sst s2  }
0x8f: {  	_ = 	snop  }
0x90: {  	s2 =	sld [smem:$0x3FC7]  }
0x91: {  	s18 =	sld [smem:$0x3FD0];
	(tm) =	ssettm $0x1  }
0x92: {  	s4 =	sld [smem:$0x3FFB];
	_ =	sdelay $0x3  }
0x93: {  	_ =	strace s4  }
0x94: {  	s4 =	sld [smem:$0x3FFC];
	_ =	sdelay $0x3  }
0x95: {  	_ =	strace s4  }
0x96: {  	s4 =	sld [smem:$0x3FFD];
	_ =	sdelay $0x3  }
0x97: {  	_ =	strace s4  }
0x98: {  	_ =	strace $0x8FFFFFFF  }
0x99: {  	s19 =	sld [smem:$0x3FDB];
	_ =	sdelay $0x1  }
0x9a: {  	s5 =	simm.s32 $_scs_section_size  }
0x9b: {  	s6 =	simm.s32 $_size__tile_overlayer_lowered;
	s7 =	simm.s32 $_tile_overlayer_lowered  }
0x9c: {  	s22 =	simm.s32 $0x1BFF;
	s21 =	sshll.u32 s7, $0x1;
	s4 =	sadd.s32 s5, s19  }
0x9d: {  	s8 =	simm.s32 $0x0;
	s20 =	sshll.u32 s6, $0x1;
	s6 =	sadd.s32 s21, s4  }
0x9e: {  	[timem:s8], [sflag:s22] =	dma.local [hbm:s6], s20  }
0x9f: {  	_ =	swait.ge [sflag:s22], s20  }
0xa0: {  	s5 =	ssub.s32 $0x0, s20;
	[sflag:s22] =	ssyncset.done $0x0  }
0xa1: {  	[sflag:s22] =	ssyncadd.s32 s5;
	_ =	sdelay $0x1  }
0xa2: {  	s23 =	simm.s32 $0x1B8B  }
0xa3: {  	_ =	swait.ge [sflag:s23], $0x1  }
0xa4: {  	[sflag:s23] =	ssyncset.done $0x0  }
0xa5: {  	s25 =	simm.s32 $0x1B8E;
	s24 =	sld [smem:$0x3FFE];
	[sflag:s23] =	ssyncadd.s32 $0xFFFFFFFF  }
0xa6: {  	s26 =	simm.s32 $execute0_lowered;
	[smem:$0x3FD2] =	sst s25  }
0xa7: {  	s6 =	sshll.u32 s26, $0x1;
	_ =	strace $0x80000046;
	[dreg:$0x1] =	wrdreg $0xFFFFFFFF  }
0xa8: {  	s28 =	simm.s32 $_size_execute0_lowered;
	s4 =	sadd.s32 s4, s6;
	[dreg:$0x0] =	wrdreg $0x0  }
0xa9: {  	s6 =	sshll.u32 s28, $0x1;
	[dreg:$0x2] =	wrdreg s4  }
0xaa: {  	[dreg:$0x3] =	wrdreg s6  }
0xab: {  	[dreg:$0x4] =	wrdreg $0xC0  }
0xac: {  	_ =	task [dreg:s8], $0x5FFFF  }
0xad: {  	[dreg:$0x1] =	wrdreg $0xFFFFFFFF  }
0xae: {  	[dreg:$0x0] =	wrdreg $0x60  }
0xaf: {  	[dreg:$0x2] =	wrdreg s24  }
0xb0: {  	[dreg:$0x3] =	wrdreg s18  }
0xb1: {  	[dreg:$0x4] =	wrdreg s2  }
0xb2: {  	[dreg:$0x5] =	wrdreg $0x9  }
0xb3: {  	_ =	task.clear_ibuf [dreg:s8], $0x6FFFF;
	_ =	strace $0x90000046  }
0xb4: {  	s29 =	simm.s32 $0x9;
	_ =	strace $0x80000048  }
0xb5: {  	_ =	swait.ge [sflag:s29], $0x1  }
0xb6: {  	[sflag:s29] =	ssyncadd.s32 $0xFFFFFFFF  }
0xb7: {  	_ =	strace $0x90000048  }
0xb8: {  	_ =	sfence  }
0xb9: {  	s30 =	sld [smem:$0x0];
	_ =	sdelay $0x2  }
0xba: {  	s31 =	sshll.u32 s1, $0xD;
	s1 =	sshrl.u32 s1, $0x2  }
0xbb: {  	s3 =	sand.u32 $0x4000, s31;
	s1 =	sadd.s32 s1, s30  }
0xbc: {  	s0 =	sor.u32 s3, s0;
	s1 =	sshll.u32 s1, $0x11  }
0xbd: {  	s0 =	sor.u32 s1, s0  }
0xbe: {  	s0 =	sadd.s32 $0x8F2B, s0  }
0xbf: {  	[sflag:s0] =	ssyncadd.remote.s32 $0x1  }
0xc0: {  	_ =	sfence.sel $0xFFFF  }
0xc1: {  	[dreg:$0x0] =	wrdreg $0xFFFFFFFF;
	(pc) =	sbr.abs _section_cstart, $3  }
0xc2: {  	[dreg:$0x1] =	wrdreg $0xFFFFFFFF  }
0xc3: {  	_ =	task.clear_ibuf [dreg:s8], $0x2FFFF;
	_ =	strace $0x9FFFFFFF  }
0xc4: {  	(tm) =	ssettm $0x7FFFFFFF  }
0xc5: {  	_ =	shalt  }
tec
execute0_lowered:
.L_overlay_start_1:
0x0: {  	(tag) =	ssettag $0x1  }
0x1: {  	s0 =	srdreg.scid;
	s9 =	rddreg [dreg:$0x0]  }
0x2: {  	s13 =	stileid.u32;
	s2 =	rddreg [dreg:$0x1]  }
0x3: {  	s3 =	rddreg [dreg:$0x2];
	s4 =	simm.s32 $0x0;
	s14 =	simm.s32 $0x1  }
0x4: {  	v2 =	vlaneseq.u32;
	v3 =	vimm.f32 $0.0e+00;
	v4 =	vimm.s32 $0x0;
	s15 =	simm.s32 $0x1F80;
	s16 =	simm.s32 $0x3F00;
	s17 =	simm.s32 $0xC900  }
0x5: {  	s18 =	simm.s32 $0x8200;
	s19 =	simm.s32 $0x5E80;
	s0 =	sand.u32 $0x1, s0;
	v5 =	vor.u32 $0x10, v2;
	v6 =	vor.u32 $0x20, v2;
	v7 =	vor.u32 $0x30, v2  }
0x6: {  	v8 =	vor.u32 $0x40, v2;
	v9 =	vor.u32 $0x50, v2;
	v10 =	vor.u32 $0x60, v2;
	s1 =	sshll.u32 s0, $0x4;
	s12 =	ssub.s32 $0x2, s0;
	s0 =	smul.u32 $0x4E4000, s0  }
0x7: {  	s20 =	simm.s32 $0xA580;
	v11 =	vor.u32 $0x70, v2;
	v12 =	vor.u32 $0x80, v2;
	v13 =	vor.u32 $0x90, v2;
	s1 =	sor.u32 s13, s1;
	s13 =	smul.u32 $0x4E400, s13  }
0x8: {  	s22 =	simm.s32 $0x0;
	[smem:$0x7FF] =	sst s4;
	v14 =	vor.u32 $0xA0, v2;
	v15 =	vor.u32 $0xB0, v2;
	v16 =	vor.u32 $0xC0, v2;
	s5 =	smul.u32 $0x140, s1  }
0x9: {  	s24 =	simm.s32 $0x0;
	s8 =	sadd.s32 $0x2A6200, s9;
	v17 =	vor.u32 $0xD0, v2;
	v18 =	vor.u32 $0xE0, v2;
	v19 =	vor.u32 $0xF0, v2;
	s7 =	smul.u32 $0x1400, s1  }
0xa: {  	v20 =	vor.u32 $0x100, v2;
	v21 =	vor.u32 $0x110, v2;
	v22 =	vor.u32 $0x120, v2;
	s30 =	sshrl.u32 s12, $0x1;
	s10 =	sshll.u32 s1, $0x1;
	s1 =	smul.u32 $0x4E400, s1  }
.Ltmp0:
0xb: {  	v23 =	vor.u32 $0x130, v2;
	v24 =	vor.u32 $0x140, v2;
	v25 =	vor.u32 $0x150, v2;
	_ =	strace $0x80000047;
	s12 =	ssub.s32 s12, s30;
	(pc) =	sbr.rel .LBB2_1-.Ltmp0, $4  }
0xc: {  	v26 =	vor.u32 $0x160, v2;
	v27 =	vor.u32 $0x170, v2;
	s6 =	sadd.s32 $0x140, s5;
	v0 =	vmov s5;
	s5 =	sadd.s32 $0x2400, s9;
	s11 =	sadd.s32 s7, s9  }
0xd: {  	v28 =	vor.u32 $0x180, v2;
	v29 =	vor.u32 $0x190, v2;
	s7 =	sadd.s32 $0x34200, s9;
	v1 =	vmov s6;
	s6 =	sadd.s32 $0x16D200, s9;
	s9 =	sadd.s32 s10, s9  }
0xe: {  	v30 =	vor.u32 $0x1A0, v2;
	v31 =	vor.u32 $0x1B0, v2;
	v32 =	vor.u32 $0x1C0, v2;
	s12 =	smax.u32 s12, $0x1;
	[dreg:$0x4] =	wrdreg s1;
	s31 =	sadd.s32 $0x3DF200, s9  }
0xf: {  	v33 =	vor.u32 $0x1D0, v2;
	v34 =	vor.u32 $0x1E0, v2;
	v35 =	vor.u32 $0x1F0, v2;
	s13 =	sadd.s32 s13, s0;
	s11 =	sadd.s32 $0xC200, s11;
	[dreg:$0x5] =	wrdreg s31  }
.LBB2_14:
0x10: {  	v37 =	vld [tilespmem:$0x5E80]  }
0x11: {  	v38 =	vld [tilespmem:$0x8200]  }
0x12: {  	v39 =	vld [tilespmem:$0xA580]  }
0x13: {  	v36 =	vmov s26;
	v40 =	vld [tilespmem:$0x5E90]  }
0x14: {  	v41 =	vld [tilespmem:$0x8210];
	vm0 =	vgt.u32 v36, v2  }
0x15: {  	v42 =	vld [tilespmem:$0xA590];
	v37 =	vnsel vm0, $0x0, v37  }
0x16: {  	v59 =	vld [tilespmem:$0x5EA0];
	v58 =	vnsel vm0, $0x0, v38;
	[tilespmem:$0x5E80] =	vst v37  }
0x17: {  	v61 =	vld [tilespmem:$0x8220];
	vm9 =	vgt.u32 v36, v5;
	v60 =	vnsel vm0, $0x0, v39;
	[tilespmem:$0x8200] =	vst v58  }
0x18: {  	v63 =	vld [tilespmem:$0xA5A0];
	v62 =	vnsel vm9, $0x0, v40;
	[tilespmem:$0xA580] =	vst v60  }
0x19: {  	v45 =	vld [tilespmem:$0x5EB0];
	v44 =	vnsel vm9, $0x0, v41;
	[tilespmem:$0x5E90] =	vst v62  }
0x1a: {  	v47 =	vld [tilespmem:$0x8230];
	vm10 =	vgt.u32 v36, v6;
	v46 =	vnsel vm9, $0x0, v42;
	[tilespmem:$0x8210] =	vst v44  }
0x1b: {  	v49 =	vld [tilespmem:$0xA5B0];
	v48 =	vnsel vm10, $0x0, v59;
	[tilespmem:$0xA590] =	vst v46  }
0x1c: {  	v51 =	vld [tilespmem:$0x5EC0];
	v50 =	vnsel vm10, $0x0, v61;
	[tilespmem:$0x5EA0] =	vst v48  }
0x1d: {  	v53 =	vld [tilespmem:$0x8240];
	vm11 =	vgt.u32 v36, v7;
	v52 =	vnsel vm10, $0x0, v63;
	[tilespmem:$0x8220] =	vst v50  }
0x1e: {  	v55 =	vld [tilespmem:$0xA5C0];
	v54 =	vnsel vm11, $0x0, v45;
	[tilespmem:$0xA5A0] =	vst v52  }
0x1f: {  	v57 =	vld [tilespmem:$0x5ED0];
	v56 =	vnsel vm11, $0x0, v47;
	[tilespmem:$0x5EB0] =	vst v54  }
0x20: {  	vm12 =	vgt.u32 v36, v8;
	v59 =	vld [tilespmem:$0x8250];
	[tilespmem:$0x8230] =	vst v56;
	v58 =	vnsel vm11, $0x0, v49  }
0x21: {  	v61 =	vld [tilespmem:$0xA5D0];
	v60 =	vnsel vm12, $0x0, v51;
	[tilespmem:$0xA5B0] =	vst v58  }
0x22: {  	v63 =	vld [tilespmem:$0x5EE0];
	v62 =	vnsel vm12, $0x0, v53;
	[tilespmem:$0x5EC0] =	vst v60  }
0x23: {  	vm13 =	vgt.u32 v36, v9;
	v45 =	vld [tilespmem:$0x8260];
	v44 =	vnsel vm12, $0x0, v55;
	[tilespmem:$0x8240] =	vst v62  }
0x24: {  	v47 =	vld [tilespmem:$0xA5E0];
	v46 =	vnsel vm13, $0x0, v57;
	[tilespmem:$0xA5C0] =	vst v44  }
0x25: {  	v49 =	vld [tilespmem:$0x5EF0];
	[tilespmem:$0x5ED0] =	vst v46;
	v48 =	vnsel vm13, $0x0, v59  }
0x26: {  	vm14 =	vgt.u32 v36, v10;
	v51 =	vld [tilespmem:$0x8270];
	v50 =	vnsel vm13, $0x0, v61;
	[tilespmem:$0x8250] =	vst v48  }
0x27: {  	v53 =	vld [tilespmem:$0xA5F0];
	v52 =	vnsel vm14, $0x0, v63;
	[tilespmem:$0xA5D0] =	vst v50  }
0x28: {  	v55 =	vld [tilespmem:$0x5F00];
	v54 =	vnsel vm14, $0x0, v45;
	[tilespmem:$0x5EE0] =	vst v52  }
0x29: {  	vm15 =	vgt.u32 v36, v11;
	v57 =	vld [tilespmem:$0x8280];
	v56 =	vnsel vm14, $0x0, v47;
	[tilespmem:$0x8260] =	vst v54  }
0x2a: {  	v59 =	vld [tilespmem:$0xA600];
	[tilespmem:$0xA5E0] =	vst v56;
	v58 =	vnsel vm15, $0x0, v49  }
0x2b: {  	v61 =	vld [tilespmem:$0x5F10];
	v60 =	vnsel vm15, $0x0, v51;
	[tilespmem:$0x5EF0] =	vst v58  }
0x2c: {  	vm4 =	vgt.u32 v36, v12;
	v63 =	vld [tilespmem:$0x8290];
	v62 =	vnsel vm15, $0x0, v53;
	[tilespmem:$0x8270] =	vst v60  }
0x2d: {  	v45 =	vld [tilespmem:$0xA610];
	v44 =	vnsel vm4, $0x0, v55;
	[tilespmem:$0xA5F0] =	vst v62  }
0x2e: {  	v47 =	vld [tilespmem:$0x5F20];
	v46 =	vnsel vm4, $0x0, v57;
	[tilespmem:$0x5F00] =	vst v44  }
0x2f: {  	vm5 =	vgt.u32 v36, v13;
	v49 =	vld [tilespmem:$0x82A0];
	[tilespmem:$0x8280] =	vst v46;
	v48 =	vnsel vm4, $0x0, v59  }
0x30: {  	v51 =	vld [tilespmem:$0xA620];
	v50 =	vnsel vm5, $0x0, v61;
	[tilespmem:$0xA600] =	vst v48  }
0x31: {  	v53 =	vld [tilespmem:$0x5F30];
	v52 =	vnsel vm5, $0x0, v63;
	[tilespmem:$0x5F10] =	vst v50  }
0x32: {  	vm6 =	vgt.u32 v36, v14;
	v55 =	vld [tilespmem:$0x82B0];
	v54 =	vnsel vm5, $0x0, v45;
	[tilespmem:$0x8290] =	vst v52  }
0x33: {  	v57 =	vld [tilespmem:$0xA630];
	v56 =	vnsel vm6, $0x0, v47;
	[tilespmem:$0xA610] =	vst v54  }
0x34: {  	v59 =	vld [tilespmem:$0x5F40];
	[tilespmem:$0x5F20] =	vst v56;
	v58 =	vnsel vm6, $0x0, v49  }
0x35: {  	vm7 =	vgt.u32 v36, v15;
	v61 =	vld [tilespmem:$0x82C0];
	v60 =	vnsel vm6, $0x0, v51;
	[tilespmem:$0x82A0] =	vst v58  }
0x36: {  	v63 =	vld [tilespmem:$0xA640];
	v62 =	vnsel vm7, $0x0, v53;
	[tilespmem:$0xA620] =	vst v60  }
0x37: {  	v45 =	vld [tilespmem:$0x5F50];
	v44 =	vnsel vm7, $0x0, v55;
	[tilespmem:$0x5F30] =	vst v62  }
0x38: {  	vm8 =	vgt.u32 v36, v16;
	v47 =	vld [tilespmem:$0x82D0];
	v46 =	vnsel vm7, $0x0, v57;
	[tilespmem:$0x82B0] =	vst v44  }
0x39: {  	v49 =	vld [tilespmem:$0xA650];
	[tilespmem:$0xA630] =	vst v46;
	v48 =	vnsel vm8, $0x0, v59  }
0x3a: {  	v51 =	vld [tilespmem:$0x5F60];
	v50 =	vnsel vm8, $0x0, v61;
	[tilespmem:$0x5F40] =	vst v48  }
0x3b: {  	vm9 =	vgt.u32 v36, v17;
	v53 =	vld [tilespmem:$0x82E0];
	v52 =	vnsel vm8, $0x0, v63;
	[tilespmem:$0x82C0] =	vst v50  }
0x3c: {  	v55 =	vld [tilespmem:$0xA660];
	v54 =	vnsel vm9, $0x0, v45;
	[tilespmem:$0xA640] =	vst v52  }
0x3d: {  	v57 =	vld [tilespmem:$0x5F70];
	v56 =	vnsel vm9, $0x0, v47;
	[tilespmem:$0x5F50] =	vst v54  }
0x3e: {  	vm10 =	vgt.u32 v36, v18;
	v59 =	vld [tilespmem:$0x82F0];
	[tilespmem:$0x82D0] =	vst v56;
	v58 =	vnsel vm9, $0x0, v49  }
0x3f: {  	v61 =	vld [tilespmem:$0xA670];
	v60 =	vnsel vm10, $0x0, v51;
	[tilespmem:$0xA650] =	vst v58  }
0x40: {  	v63 =	vld [tilespmem:$0x5F80];
	v62 =	vnsel vm10, $0x0, v53;
	[tilespmem:$0x5F60] =	vst v60  }
0x41: {  	vm11 =	vgt.u32 v36, v19;
	v45 =	vld [tilespmem:$0x8300];
	v44 =	vnsel vm10, $0x0, v55;
	[tilespmem:$0x82E0] =	vst v62  }
0x42: {  	v47 =	vld [tilespmem:$0xA680];
	v46 =	vnsel vm11, $0x0, v57;
	[tilespmem:$0xA660] =	vst v44  }
0x43: {  	v49 =	vld [tilespmem:$0x5F90];
	[tilespmem:$0x5F70] =	vst v46;
	v48 =	vnsel vm11, $0x0, v59  }
0x44: {  	vm12 =	vgt.u32 v36, v20;
	v51 =	vld [tilespmem:$0x8310];
	v50 =	vnsel vm11, $0x0, v61;
	[tilespmem:$0x82F0] =	vst v48  }
0x45: {  	v53 =	vld [tilespmem:$0xA690];
	v52 =	vnsel vm12, $0x0, v63;
	[tilespmem:$0xA670] =	vst v50  }
0x46: {  	v55 =	vld [tilespmem:$0x5FA0];
	v54 =	vnsel vm12, $0x0, v45;
	[tilespmem:$0x5F80] =	vst v52  }
0x47: {  	vm13 =	vgt.u32 v36, v21;
	v57 =	vld [tilespmem:$0x8320];
	v56 =	vnsel vm12, $0x0, v47;
	[tilespmem:$0x8300] =	vst v54  }
0x48: {  	v59 =	vld [tilespmem:$0xA6A0];
	[tilespmem:$0xA680] =	vst v56;
	v58 =	vnsel vm13, $0x0, v49  }
0x49: {  	v61 =	vld [tilespmem:$0x5FB0];
	v60 =	vnsel vm13, $0x0, v51;
	[tilespmem:$0x5F90] =	vst v58  }
0x4a: {  	vm14 =	vgt.u32 v36, v22;
	v63 =	vld [tilespmem:$0x8330];
	v62 =	vnsel vm13, $0x0, v53;
	[tilespmem:$0x8310] =	vst v60  }
0x4b: {  	v45 =	vld [tilespmem:$0xA6B0];
	v44 =	vnsel vm14, $0x0, v55;
	[tilespmem:$0xA690] =	vst v62  }
0x4c: {  	v47 =	vld [tilespmem:$0x5FC0];
	v46 =	vnsel vm14, $0x0, v57;
	[tilespmem:$0x5FA0] =	vst v44  }
0x4d: {  	vm15 =	vgt.u32 v36, v23;
	v49 =	vld [tilespmem:$0x8340];
	[tilespmem:$0x8320] =	vst v46;
	v48 =	vnsel vm14, $0x0, v59  }
0x4e: {  	v51 =	vld [tilespmem:$0xA6C0];
	v50 =	vnsel vm15, $0x0, v61;
	[tilespmem:$0xA6A0] =	vst v48  }
0x4f: {  	v53 =	vld [tilespmem:$0x5FD0];
	v52 =	vnsel vm15, $0x0, v63;
	[tilespmem:$0x5FB0] =	vst v50  }
0x50: {  	vm4 =	vgt.u32 v36, v24;
	v55 =	vld [tilespmem:$0x8350];
	v54 =	vnsel vm15, $0x0, v45;
	[tilespmem:$0x8330] =	vst v52  }
0x51: {  	v57 =	vld [tilespmem:$0xA6D0];
	v56 =	vnsel vm4, $0x0, v47;
	[tilespmem:$0xA6B0] =	vst v54  }
0x52: {  	v59 =	vld [tilespmem:$0x5FE0];
	[tilespmem:$0x5FC0] =	vst v56;
	v58 =	vnsel vm4, $0x0, v49  }
0x53: {  	vm5 =	vgt.u32 v36, v25;
	v61 =	vld [tilespmem:$0x8360];
	v60 =	vnsel vm4, $0x0, v51;
	[tilespmem:$0x8340] =	vst v58  }
0x54: {  	v63 =	vld [tilespmem:$0xA6E0];
	v62 =	vnsel vm5, $0x0, v53;
	[tilespmem:$0xA6C0] =	vst v60  }
0x55: {  	v45 =	vld [tilespmem:$0x5FF0];
	v44 =	vnsel vm5, $0x0, v55;
	[tilespmem:$0x5FD0] =	vst v62  }
0x56: {  	vm6 =	vgt.u32 v36, v26;
	v47 =	vld [tilespmem:$0x8370];
	v46 =	vnsel vm5, $0x0, v57;
	[tilespmem:$0x8350] =	vst v44  }
0x57: {  	v49 =	vld [tilespmem:$0xA6F0];
	[tilespmem:$0xA6D0] =	vst v46;
	v48 =	vnsel vm6, $0x0, v59  }
0x58: {  	v51 =	vld [tilespmem:$0x6000];
	v50 =	vnsel vm6, $0x0, v61;
	[tilespmem:$0x5FE0] =	vst v48  }
0x59: {  	vm7 =	vgt.u32 v36, v27;
	v53 =	vld [tilespmem:$0x8380];
	v52 =	vnsel vm6, $0x0, v63;
	[tilespmem:$0x8360] =	vst v50  }
0x5a: {  	v55 =	vld [tilespmem:$0xA700];
	v54 =	vnsel vm7, $0x0, v45;
	[tilespmem:$0xA6E0] =	vst v52  }
0x5b: {  	v57 =	vld [tilespmem:$0x6010];
	v56 =	vnsel vm7, $0x0, v47;
	[tilespmem:$0x5FF0] =	vst v54  }
0x5c: {  	vm8 =	vgt.u32 v36, v28;
	v59 =	vld [tilespmem:$0x8390];
	[tilespmem:$0x8370] =	vst v56;
	v58 =	vnsel vm7, $0x0, v49  }
0x5d: {  	v61 =	vld [tilespmem:$0xA710];
	v60 =	vnsel vm8, $0x0, v51;
	[tilespmem:$0xA6F0] =	vst v58  }
0x5e: {  	v63 =	vld [tilespmem:$0x6020];
	v62 =	vnsel vm8, $0x0, v53;
	[tilespmem:$0x6000] =	vst v60  }
0x5f: {  	vm9 =	vgt.u32 v36, v29;
	v45 =	vld [tilespmem:$0x83A0];
	v44 =	vnsel vm8, $0x0, v55;
	[tilespmem:$0x8380] =	vst v62  }
0x60: {  	v47 =	vld [tilespmem:$0xA720];
	v46 =	vnsel vm9, $0x0, v57;
	[tilespmem:$0xA700] =	vst v44  }
0x61: {  	v49 =	vld [tilespmem:$0x6030];
	[tilespmem:$0x6010] =	vst v46;
	v48 =	vnsel vm9, $0x0, v59  }
0x62: {  	vm10 =	vgt.u32 v36, v30;
	v51 =	vld [tilespmem:$0x83B0];
	v50 =	vnsel vm9, $0x0, v61;
	[tilespmem:$0x8390] =	vst v48  }
0x63: {  	v53 =	vld [tilespmem:$0xA730];
	v52 =	vnsel vm10, $0x0, v63;
	[tilespmem:$0xA710] =	vst v50  }
0x64: {  	v55 =	vld [tilespmem:$0x6040];
	v54 =	vnsel vm10, $0x0, v45;
	[tilespmem:$0x6020] =	vst v52  }
0x65: {  	vm11 =	vgt.u32 v36, v31;
	v57 =	vld [tilespmem:$0x83C0];
	v56 =	vnsel vm10, $0x0, v47;
	[tilespmem:$0x83A0] =	vst v54  }
0x66: {  	v46 =	vld [tilespmem:$0xA750];
	[tilespmem:$0xA720] =	vst v56;
	v58 =	vnsel vm11, $0x0, v49  }
0x67: {  	v59 =	vld [tilespmem:$0xA740];
	v60 =	vnsel vm11, $0x0, v51;
	[tilespmem:$0x6030] =	vst v58  }
0x68: {  	vm12 =	vgt.u32 v36, v32;
	v61 =	vld [tilespmem:$0x6050];
	v62 =	vnsel vm11, $0x0, v53;
	[tilespmem:$0x83B0] =	vst v60  }
0x69: {  	v63 =	vld [tilespmem:$0x83D0];
	v45 =	vnsel vm12, $0x0, v55;
	[tilespmem:$0xA730] =	vst v62  }
0x6a: {  	vm13 =	vgt.u32 v36, v33;
	v47 =	vnsel vm12, $0x0, v57;
	v48 =	vld [tilespmem:$0x6060];
	[tilespmem:$0x6040] =	vst v45  }
0x6b: {  	v50 =	vld [tilespmem:$0x83E0];
	[tilespmem:$0x83C0] =	vst v47;
	v55 =	vnsel vm13, $0x0, v46  }
0x6c: {  	v52 =	vld [tilespmem:$0xA760];
	[tilespmem:$0xA750] =	vst v55;
	v49 =	vnsel vm12, $0x0, v59  }
0x6d: {  	v54 =	vld [tilespmem:$0x6070];
	v51 =	vnsel vm13, $0x0, v61;
	[tilespmem:$0xA740] =	vst v49  }
0x6e: {  	vm14 =	vgt.u32 v36, v34;
	v56 =	vld [tilespmem:$0x83F0];
	v53 =	vnsel vm13, $0x0, v63;
	[tilespmem:$0x6050] =	vst v51  }
0x6f: {  	v58 =	vld [tilespmem:$0xA770];
	[tilespmem:$0x83D0] =	vst v53;
	v57 =	vnsel vm14, $0x0, v48  }
0x70: {  	v59 =	vnsel vm14, $0x0, v50;
	[tilespmem:$0x6060] =	vst v57  }
0x71: {  	vm15 =	vgt.u32 v36, v35;
	v60 =	vnsel vm14, $0x0, v52;
	[tilespmem:$0x83E0] =	vst v59  }
0x72: {  	s0 =	sshll.u32 s23, $0x9;
	s1 =	rddreg [dreg:$0x4];
	v36 =	vnsel vm15, $0x0, v54;
	[tilespmem:$0xA760] =	vst v60  }
0x73: {  	s1 =	sadd.s32 s1, s0;
	v61 =	vnsel vm15, $0x0, v56;
	[tilespmem:$0x6070] =	vst v36  }
0x74: {  	s1 =	sshrl.u32 s1, $0x3;
	[tilespmem:$0x83F0] =	vst v61;
	v62 =	vnsel vm15, $0x0, v58  }
0x75: {  	s9 =	sadd.s32 s7, s1;
	[tilespmem:$0xA770] =	vst v62  }
0x76: {  	[hbm4b:s9+s4] =	stream.linear.scatter [tilespmem:s19], [sflag:$0x1], $0x200, $0x38;
	[tilespmem:$0x16980] =	vst v63  }
0x77: {  	_ =	swait.ge [sflag:s14], $0x200  }
0x78: {  	[sflag:s14] =	ssyncset.done $0x0  }
0x79: {  	s29 =	sadd.s32 s6, s1;
	[sflag:s14] =	ssyncadd.s32 $0xFFFFFE00  }
0x7a: {  	[hbm4b:s29+s4] =	stream.linear.scatter [tilespmem:s18], [sflag:$0x1], $0x200, $0x38;
	[tilespmem:$0x16980] =	vst v63  }
0x7b: {  	_ =	swait.ge [sflag:s14], $0x200  }
0x7c: {  	[sflag:s14] =	ssyncset.done $0x0  }
0x7d: {  	s1 =	sadd.s32 s8, s1;
	[sflag:s14] =	ssyncadd.s32 $0xFFFFFE00  }
0x7e: {  	[hbm4b:s1+s4] =	stream.linear.scatter [tilespmem:s20], [sflag:$0x1], $0x200, $0x38;
	[tilespmem:$0x16980] =	vst v63  }
0x7f: {  	_ =	swait.ge [sflag:s14], $0x200  }
0x80: {  	s0 =	sor.u32 s26, s0;
	[sflag:s14] =	ssyncset.done $0x0  }
0x81: {  	v63 =	vmov s0;
	[sflag:s14] =	ssyncadd.s32 $0xFFFFFE00  }
0x82: {  	s31 =	simm.s32 $0x16900;
	s30 =	rddreg [dreg:$0x5];
	[tilespmem:$0x16900] =	vst v63  }
0x83: {  	[hbm4b:s30+s4] =	stream.linear.scatter [tilespmem:s31], [sflag:$0x1], $0x10, $0x38;
	[tilespmem:$0x16980] =	vst v63  }
0x84: {  	s22 =	sadd.s32 $0x1, s22;
	_ =	swait.ge [sflag:s14], $0x10  }
0x85: {  	p0 =	sne.s32 s22, s12;
	[sflag:s14] =	ssyncset.done $0x0  }
.Ltmp1:
0x86: {  	[sflag:s14] =	ssyncadd.s32 $0xFFFFFFF0;
	(pc) =	sbr.rel @!p0 .LBB2_15-.Ltmp1, $4  }
0x87: {  	[hbm4b:s11+s4] =	stream.linear.scatter [tilespmem:s17], [sflag:$0x1], $0xA000, $0x38;
	[tilespmem:$0x16980] =	vst v63  }
0x88: {  	_ =	swait.ge [sflag:s14], $0xA000  }
0x89: {  	[sflag:s14] =	ssyncset.done $0x0  }
0x8a: {  	[sflag:s14] =	ssyncadd.s32 $0xFFFF6000  }
.LBB2_1:
0x8b: {  	s0 =	simm.s32 $0x200;
	s1 =	simm.s32 $0x0  }
.LBB2_2:
0x8c: {  	p0 =	sne.s32 s0, $0x27E00;
	[tilespmem:s1+$0xC900] =	vst v3;
	s1 =	smov.u32 s0;
	s0 =	sadd.s32 $0x200, s0  }
.Ltmp2:
0x8d: {  	(pc) =	sbr.rel @p0 .LBB2_2-.Ltmp2, $2  }
0x8e: {  	_ =	sdelay $0x2  }
0x8f: {  	s1 =	sshra.s32 s1, $0x2  }
.Ltmp3:
0x90: {  	(pc) =	sbr.rel .LBB2_4-.Ltmp3, $2  }
0x91: {  	_ =	sdelay $0x2  }
0x92: {  	[tilespmem:s1+$0xC900] =	vst v3;
	s23 =	simm.s32 $0x0;
	s26 =	simm.s32 $0x0;
	s25 =	simm.s32 $0x0  }
.LBB2_8:
0x93: {  	s9 =	simm.s32 $0x5E80  }
.LBB2_12:
0x94: {  	s0 =	sadd.s32 @p0 $0x200, s9  }
0x95: {  	s21 =	sadd.s32 s7, s1;
	[sflag:s14] =	ssyncadd.s32 @p0 $0xFFFFFE00;
	s30 =	smov.u32 @p0 s0  }
0x96: {  	[hbm4b:s21+s4] =	stream.linear.scatter [tilespmem:s30], [sflag:$0x1], $0x200, $0x38;
	[tilespmem:$0x16980] =	vst v63  }
0x97: {  	_ =	swait.ge [sflag:s14], $0x200  }
0x98: {  	[sflag:s14] =	ssyncset.done $0x0  }
0x99: {  	s30 =	sadd.s32 s6, s1;
	[sflag:s14] =	ssyncadd.s32 $0xFFFFFE00  }
0x9a: {  	[hbm4b:s30+s4] =	stream.linear.scatter [tilespmem:s31], [sflag:$0x1], $0x200, $0x38;
	[tilespmem:$0x16980] =	vst v63  }
0x9b: {  	_ =	swait.ge [sflag:s14], $0x200  }
0x9c: {  	[sflag:s14] =	ssyncset.done $0x0  }
0x9d: {  	s31 =	sadd.s32 s8, s1;
	[sflag:s14] =	ssyncadd.s32 $0xFFFFFE00  }
0x9e: {  	[hbm4b:s31+s4] =	stream.linear.scatter [tilespmem:s29], [sflag:$0x1], $0x200, $0x38;
	[tilespmem:$0x16980] =	vst v63  }
0x9f: {  	_ =	swait.ge [sflag:s14], $0x200  }
0xa0: {  	[sflag:s14] =	ssyncset.done $0x0  }
0xa1: {  	[sflag:s14] =	ssyncadd.s32 $0xFFFFFE00  }
.LBB2_13:
0xa2: {  	s29 =	sand.u32 $0xFFFFFE00, s26  }
0xa3: {  	v36 =	vld [tilespmem:s29+$0x5E80];
	_ =	sdelay $0x4  }
0xa4: {  	[tilespmem:$0x5E80] =	vst v36  }
0xa5: {  	v36 =	vld [tilespmem:s29+$0x8200];
	_ =	sdelay $0x4  }
0xa6: {  	[tilespmem:$0x8200] =	vst v36  }
0xa7: {  	v36 =	vld [tilespmem:s29+$0xA580];
	_ =	sdelay $0x4  }
0xa8: {  	[tilespmem:$0xA580] =	vst v36  }
0xa9: {  	v36 =	vld [tilespmem:s29+$0x5E90];
	_ =	sdelay $0x4  }
0xaa: {  	[tilespmem:$0x5E90] =	vst v36  }
0xab: {  	v36 =	vld [tilespmem:s29+$0x8210];
	_ =	sdelay $0x4  }
0xac: {  	[tilespmem:$0x8210] =	vst v36  }
0xad: {  	v36 =	vld [tilespmem:s29+$0xA590];
	_ =	sdelay $0x4  }
0xae: {  	[tilespmem:$0xA590] =	vst v36  }
0xaf: {  	v36 =	vld [tilespmem:s29+$0x5EA0];
	_ =	sdelay $0x4  }
0xb0: {  	[tilespmem:$0x5EA0] =	vst v36  }
0xb1: {  	v36 =	vld [tilespmem:s29+$0x8220];
	_ =	sdelay $0x4  }
0xb2: {  	[tilespmem:$0x8220] =	vst v36  }
0xb3: {  	v36 =	vld [tilespmem:s29+$0xA5A0];
	_ =	sdelay $0x4  }
0xb4: {  	[tilespmem:$0xA5A0] =	vst v36  }
0xb5: {  	v36 =	vld [tilespmem:s29+$0x5EB0];
	_ =	sdelay $0x4  }
0xb6: {  	[tilespmem:$0x5EB0] =	vst v36  }
0xb7: {  	v36 =	vld [tilespmem:s29+$0x8230];
	_ =	sdelay $0x4  }
0xb8: {  	[tilespmem:$0x8230] =	vst v36  }
0xb9: {  	v36 =	vld [tilespmem:s29+$0xA5B0];
	_ =	sdelay $0x4  }
0xba: {  	[tilespmem:$0xA5B0] =	vst v36  }
0xbb: {  	v36 =	vld [tilespmem:s29+$0x5EC0];
	_ =	sdelay $0x4  }
0xbc: {  	[tilespmem:$0x5EC0] =	vst v36  }
0xbd: {  	v36 =	vld [tilespmem:s29+$0x8240];
	_ =	sdelay $0x4  }
0xbe: {  	[tilespmem:$0x8240] =	vst v36  }
0xbf: {  	v36 =	vld [tilespmem:s29+$0xA5C0];
	_ =	sdelay $0x4  }
0xc0: {  	[tilespmem:$0xA5C0] =	vst v36  }
0xc1: {  	v36 =	vld [tilespmem:s29+$0x5ED0];
	_ =	sdelay $0x4  }
0xc2: {  	[tilespmem:$0x5ED0] =	vst v36  }
0xc3: {  	v36 =	vld [tilespmem:s29+$0x8250];
	_ =	sdelay $0x4  }
0xc4: {  	[tilespmem:$0x8250] =	vst v36  }
0xc5: {  	v36 =	vld [tilespmem:s29+$0xA5D0];
	_ =	sdelay $0x4  }
0xc6: {  	[tilespmem:$0xA5D0] =	vst v36  }
0xc7: {  	v36 =	vld [tilespmem:s29+$0x5EE0];
	_ =	sdelay $0x4  }
0xc8: {  	[tilespmem:$0x5EE0] =	vst v36  }
0xc9: {  	v36 =	vld [tilespmem:s29+$0x8260];
	_ =	sdelay $0x4  }
0xca: {  	[tilespmem:$0x8260] =	vst v36  }
0xcb: {  	v36 =	vld [tilespmem:s29+$0xA5E0];
	_ =	sdelay $0x4  }
0xcc: {  	[tilespmem:$0xA5E0] =	vst v36  }
0xcd: {  	v36 =	vld [tilespmem:s29+$0x5EF0];
	_ =	sdelay $0x4  }
0xce: {  	[tilespmem:$0x5EF0] =	vst v36  }
0xcf: {  	v36 =	vld [tilespmem:s29+$0x8270];
	_ =	sdelay $0x4  }
0xd0: {  	[tilespmem:$0x8270] =	vst v36  }
0xd1: {  	v36 =	vld [tilespmem:s29+$0xA5F0];
	_ =	sdelay $0x4  }
0xd2: {  	[tilespmem:$0xA5F0] =	vst v36  }
0xd3: {  	v36 =	vld [tilespmem:s29+$0x5F00];
	_ =	sdelay $0x4  }
0xd4: {  	[tilespmem:$0x5F00] =	vst v36  }
0xd5: {  	v36 =	vld [tilespmem:s29+$0x8280];
	_ =	sdelay $0x4  }
0xd6: {  	[tilespmem:$0x8280] =	vst v36  }
0xd7: {  	v36 =	vld [tilespmem:s29+$0xA600];
	_ =	sdelay $0x4  }
0xd8: {  	[tilespmem:$0xA600] =	vst v36  }
0xd9: {  	v36 =	vld [tilespmem:s29+$0x5F10];
	_ =	sdelay $0x4  }
0xda: {  	[tilespmem:$0x5F10] =	vst v36  }
0xdb: {  	v36 =	vld [tilespmem:s29+$0x8290];
	_ =	sdelay $0x4  }
0xdc: {  	[tilespmem:$0x8290] =	vst v36  }
0xdd: {  	v36 =	vld [tilespmem:s29+$0xA610];
	_ =	sdelay $0x4  }
0xde: {  	[tilespmem:$0xA610] =	vst v36  }
0xdf: {  	v36 =	vld [tilespmem:s29+$0x5F20];
	_ =	sdelay $0x4  }
0xe0: {  	[tilespmem:$0x5F20] =	vst v36  }
0xe1: {  	v36 =	vld [tilespmem:s29+$0x82A0];
	_ =	sdelay $0x4  }
0xe2: {  	[tilespmem:$0x82A0] =	vst v36  }
0xe3: {  	v36 =	vld [tilespmem:s29+$0xA620];
	_ =	sdelay $0x4  }
0xe4: {  	[tilespmem:$0xA620] =	vst v36  }
0xe5: {  	v36 =	vld [tilespmem:s29+$0x5F30];
	_ =	sdelay $0x4  }
0xe6: {  	[tilespmem:$0x5F30] =	vst v36  }
0xe7: {  	v36 =	vld [tilespmem:s29+$0x82B0];
	_ =	sdelay $0x4  }
0xe8: {  	[tilespmem:$0x82B0] =	vst v36  }
0xe9: {  	v36 =	vld [tilespmem:s29+$0xA630];
	_ =	sdelay $0x4  }
0xea: {  	[tilespmem:$0xA630] =	vst v36  }
0xeb: {  	v36 =	vld [tilespmem:s29+$0x5F40];
	_ =	sdelay $0x4  }
0xec: {  	[tilespmem:$0x5F40] =	vst v36  }
0xed: {  	v36 =	vld [tilespmem:s29+$0x82C0];
	_ =	sdelay $0x4  }
0xee: {  	[tilespmem:$0x82C0] =	vst v36  }
0xef: {  	v36 =	vld [tilespmem:s29+$0xA640];
	_ =	sdelay $0x4  }
0xf0: {  	[tilespmem:$0xA640] =	vst v36  }
0xf1: {  	v36 =	vld [tilespmem:s29+$0x5F50];
	_ =	sdelay $0x4  }
0xf2: {  	[tilespmem:$0x5F50] =	vst v36  }
0xf3: {  	v36 =	vld [tilespmem:s29+$0x82D0];
	_ =	sdelay $0x4  }
0xf4: {  	[tilespmem:$0x82D0] =	vst v36  }
0xf5: {  	v36 =	vld [tilespmem:s29+$0xA650];
	_ =	sdelay $0x4  }
0xf6: {  	[tilespmem:$0xA650] =	vst v36  }
0xf7: {  	v36 =	vld [tilespmem:s29+$0x5F60];
	_ =	sdelay $0x4  }
0xf8: {  	[tilespmem:$0x5F60] =	vst v36  }
0xf9: {  	v36 =	vld [tilespmem:s29+$0x82E0];
	_ =	sdelay $0x4  }
0xfa: {  	[tilespmem:$0x82E0] =	vst v36  }
0xfb: {  	v36 =	vld [tilespmem:s29+$0xA660];
	_ =	sdelay $0x4  }
0xfc: {  	[tilespmem:$0xA660] =	vst v36  }
0xfd: {  	v36 =	vld [tilespmem:s29+$0x5F70];
	_ =	sdelay $0x4  }
0xfe: {  	[tilespmem:$0x5F70] =	vst v36  }
0xff: {  	v36 =	vld [tilespmem:s29+$0x82F0];
	_ =	sdelay $0x4  }
0x100: {  	[tilespmem:$0x82F0] =	vst v36  }
0x101: {  	v36 =	vld [tilespmem:s29+$0xA670];
	_ =	sdelay $0x4  }
0x102: {  	[tilespmem:$0xA670] =	vst v36  }
0x103: {  	v36 =	vld [tilespmem:s29+$0x5F80];
	_ =	sdelay $0x4  }
0x104: {  	[tilespmem:$0x5F80] =	vst v36  }
0x105: {  	v36 =	vld [tilespmem:s29+$0x8300];
	_ =	sdelay $0x4  }
0x106: {  	[tilespmem:$0x8300] =	vst v36  }
0x107: {  	v36 =	vld [tilespmem:s29+$0xA680];
	_ =	sdelay $0x4  }
0x108: {  	[tilespmem:$0xA680] =	vst v36  }
0x109: {  	v36 =	vld [tilespmem:s29+$0x5F90];
	_ =	sdelay $0x4  }
0x10a: {  	[tilespmem:$0x5F90] =	vst v36  }
0x10b: {  	v36 =	vld [tilespmem:s29+$0x8310];
	_ =	sdelay $0x4  }
0x10c: {  	[tilespmem:$0x8310] =	vst v36  }
0x10d: {  	v36 =	vld [tilespmem:s29+$0xA690];
	_ =	sdelay $0x4  }
0x10e: {  	[tilespmem:$0xA690] =	vst v36  }
0x10f: {  	v36 =	vld [tilespmem:s29+$0x5FA0];
	_ =	sdelay $0x4  }
0x110: {  	[tilespmem:$0x5FA0] =	vst v36  }
0x111: {  	v36 =	vld [tilespmem:s29+$0x8320];
	_ =	sdelay $0x4  }
0x112: {  	[tilespmem:$0x8320] =	vst v36  }
0x113: {  	v36 =	vld [tilespmem:s29+$0xA6A0];
	_ =	sdelay $0x4  }
0x114: {  	[tilespmem:$0xA6A0] =	vst v36  }
0x115: {  	v36 =	vld [tilespmem:s29+$0x5FB0];
	_ =	sdelay $0x4  }
0x116: {  	[tilespmem:$0x5FB0] =	vst v36  }
0x117: {  	v36 =	vld [tilespmem:s29+$0x8330];
	_ =	sdelay $0x4  }
0x118: {  	[tilespmem:$0x8330] =	vst v36  }
0x119: {  	v36 =	vld [tilespmem:s29+$0xA6B0];
	_ =	sdelay $0x4  }
0x11a: {  	[tilespmem:$0xA6B0] =	vst v36  }
0x11b: {  	v36 =	vld [tilespmem:s29+$0x5FC0];
	_ =	sdelay $0x4  }
0x11c: {  	[tilespmem:$0x5FC0] =	vst v36  }
0x11d: {  	v36 =	vld [tilespmem:s29+$0x8340];
	_ =	sdelay $0x4  }
0x11e: {  	[tilespmem:$0x8340] =	vst v36  }
0x11f: {  	v36 =	vld [tilespmem:s29+$0xA6C0];
	_ =	sdelay $0x4  }
0x120: {  	[tilespmem:$0xA6C0] =	vst v36  }
0x121: {  	v36 =	vld [tilespmem:s29+$0x5FD0];
	_ =	sdelay $0x4  }
0x122: {  	[tilespmem:$0x5FD0] =	vst v36  }
0x123: {  	v36 =	vld [tilespmem:s29+$0x8350];
	_ =	sdelay $0x4  }
0x124: {  	[tilespmem:$0x8350] =	vst v36  }
0x125: {  	v36 =	vld [tilespmem:s29+$0xA6D0];
	_ =	sdelay $0x4  }
0x126: {  	[tilespmem:$0xA6D0] =	vst v36  }
0x127: {  	v36 =	vld [tilespmem:s29+$0x5FE0];
	_ =	sdelay $0x4  }
0x128: {  	[tilespmem:$0x5FE0] =	vst v36  }
0x129: {  	v36 =	vld [tilespmem:s29+$0x8360];
	_ =	sdelay $0x4  }
0x12a: {  	[tilespmem:$0x8360] =	vst v36  }
0x12b: {  	v36 =	vld [tilespmem:s29+$0xA6E0];
	_ =	sdelay $0x4  }
0x12c: {  	[tilespmem:$0xA6E0] =	vst v36  }
0x12d: {  	v36 =	vld [tilespmem:s29+$0x5FF0];
	_ =	sdelay $0x4  }
0x12e: {  	[tilespmem:$0x5FF0] =	vst v36  }
0x12f: {  	v36 =	vld [tilespmem:s29+$0x8370];
	_ =	sdelay $0x4  }
0x130: {  	[tilespmem:$0x8370] =	vst v36  }
0x131: {  	v36 =	vld [tilespmem:s29+$0xA6F0];
	_ =	sdelay $0x4  }
0x132: {  	[tilespmem:$0xA6F0] =	vst v36  }
0x133: {  	v36 =	vld [tilespmem:s29+$0x6000];
	_ =	sdelay $0x4  }
0x134: {  	[tilespmem:$0x6000] =	vst v36  }
0x135: {  	v36 =	vld [tilespmem:s29+$0x8380];
	_ =	sdelay $0x4  }
0x136: {  	[tilespmem:$0x8380] =	vst v36  }
0x137: {  	v36 =	vld [tilespmem:s29+$0xA700];
	_ =	sdelay $0x4  }
0x138: {  	[tilespmem:$0xA700] =	vst v36  }
0x139: {  	v36 =	vld [tilespmem:s29+$0x6010];
	_ =	sdelay $0x4  }
0x13a: {  	[tilespmem:$0x6010] =	vst v36  }
0x13b: {  	v36 =	vld [tilespmem:s29+$0x8390];
	_ =	sdelay $0x4  }
0x13c: {  	[tilespmem:$0x8390] =	vst v36  }
0x13d: {  	v36 =	vld [tilespmem:s29+$0xA710];
	_ =	sdelay $0x4  }
0x13e: {  	[tilespmem:$0xA710] =	vst v36  }
0x13f: {  	v36 =	vld [tilespmem:s29+$0x6020];
	_ =	sdelay $0x4  }
0x140: {  	[tilespmem:$0x6020] =	vst v36  }
0x141: {  	v36 =	vld [tilespmem:s29+$0x83A0];
	_ =	sdelay $0x4  }
0x142: {  	[tilespmem:$0x83A0] =	vst v36  }
0x143: {  	v36 =	vld [tilespmem:s29+$0xA720];
	_ =	sdelay $0x4  }
0x144: {  	[tilespmem:$0xA720] =	vst v36  }
0x145: {  	v36 =	vld [tilespmem:s29+$0x6030];
	_ =	sdelay $0x4  }
0x146: {  	[tilespmem:$0x6030] =	vst v36  }
0x147: {  	v36 =	vld [tilespmem:s29+$0x83B0];
	_ =	sdelay $0x4  }
0x148: {  	[tilespmem:$0x83B0] =	vst v36  }
0x149: {  	v36 =	vld [tilespmem:s29+$0xA730];
	_ =	sdelay $0x4  }
0x14a: {  	[tilespmem:$0xA730] =	vst v36  }
0x14b: {  	v36 =	vld [tilespmem:s29+$0x6040];
	_ =	sdelay $0x4  }
0x14c: {  	[tilespmem:$0x6040] =	vst v36  }
0x14d: {  	v36 =	vld [tilespmem:s29+$0x83C0];
	_ =	sdelay $0x4  }
0x14e: {  	[tilespmem:$0x83C0] =	vst v36  }
0x14f: {  	v36 =	vld [tilespmem:s29+$0xA740];
	_ =	sdelay $0x4  }
0x150: {  	[tilespmem:$0xA740] =	vst v36  }
0x151: {  	v36 =	vld [tilespmem:s29+$0x6050];
	_ =	sdelay $0x4  }
0x152: {  	[tilespmem:$0x6050] =	vst v36  }
0x153: {  	v36 =	vld [tilespmem:s29+$0x83D0];
	_ =	sdelay $0x4  }
0x154: {  	[tilespmem:$0x83D0] =	vst v36  }
0x155: {  	v36 =	vld [tilespmem:s29+$0xA750];
	_ =	sdelay $0x4  }
0x156: {  	[tilespmem:$0xA750] =	vst v36  }
0x157: {  	v36 =	vld [tilespmem:s29+$0x6060];
	_ =	sdelay $0x4  }
0x158: {  	[tilespmem:$0x6060] =	vst v36  }
0x159: {  	v36 =	vld [tilespmem:s29+$0x83E0];
	_ =	sdelay $0x4  }
0x15a: {  	[tilespmem:$0x83E0] =	vst v36  }
0x15b: {  	v36 =	vld [tilespmem:s29+$0xA760];
	_ =	sdelay $0x4  }
0x15c: {  	[tilespmem:$0xA760] =	vst v36  }
0x15d: {  	v36 =	vld [tilespmem:s29+$0x6070];
	_ =	sdelay $0x4  }
0x15e: {  	[tilespmem:$0x6070] =	vst v36  }
0x15f: {  	v36 =	vld [tilespmem:s29+$0x83F0];
	_ =	sdelay $0x4  }
0x160: {  	s25 =	sadd.s32 $0x1, s25;
	[tilespmem:$0x83F0] =	vst v36  }
0x161: {  	p0 =	sne.s32 s25, $0x28;
	v36 =	vld [tilespmem:s29+$0xA770]  }
.Ltmp4:
0x162: {  	_ = 	snop;
	(pc) =	sbr.rel @!p0 .LBB2_14-.Ltmp4, $2  }
0x163: {  	_ =	sdelay $0x2  }
0x164: {  	s26 =	sand.u32 $0x1FF, s26;
	s23 =	sadd.s32 s23, s28;
	[tilespmem:$0xA770] =	vst v36  }
.LBB2_4:
0x165: {  	s0 =	smul.u32 $0x3E8, s25;
	_ =	sdelay $0x1  }
0x166: {  	s1 =	sadd.s32 s5, s0  }
0x167: {  	[tilespmem:s24], [sflag:$0x1] =	stream.linear.gather [hbm4b:s1+s24], $0x1F40, $0x38;
	[tilespmem:$0x16980] =	vst v63  }
0x168: {  	_ =	swait.ge [sflag:s14], $0x1F40  }
0x169: {  	[sflag:s14] =	ssyncset.done $0x0  }
0x16a: {  	s29 =	sadd.s32 s2, s0;
	[sflag:s14] =	ssyncadd.s32 $0xFFFFE0C0  }
0x16b: {  	[tilespmem:s15], [sflag:$0x1] =	stream.linear.gather [hbm4b:s29+s24], $0x1F40, $0x38;
	[tilespmem:$0x16980] =	vst v63  }
0x16c: {  	_ =	swait.ge [sflag:s14], $0x1F40  }
0x16d: {  	[sflag:s14] =	ssyncset.done $0x0  }
0x16e: {  	s0 =	sadd.s32 s3, s0;
	[sflag:s14] =	ssyncadd.s32 $0xFFFFE0C0  }
0x16f: {  	[tilespmem:s16], [sflag:$0x1] =	stream.linear.gather [hbm4b:s0+s24], $0x1F40, $0x38;
	[tilespmem:$0x16980] =	vst v63  }
0x170: {  	_ =	swait.ge [sflag:s14], $0x1F40  }
0x171: {  	[sflag:s14] =	ssyncset.done $0x0  }
0x172: {  	s30 =	simm.s32 $0x0;
	[sflag:s14] =	ssyncadd.s32 $0xFFFFE0C0  }
0x173: {  	v36 =	vld [tilespmem:s30+$0x1F80];
	_ =	sdelay $0x4  }
0x174: {  	vm0 =	vge.s32 v36, v0;
	vm1 =	vlt.s32 v36, v1  }
0x175: {  	vm0 =	vmand vm0, vm1  }
0x176: {  	v37 =	vmpcnt.ones.xlane vm0  }
0x177: {  	v38 =	vsel vm0, $0x1, v4  }
0x178: {  	(xrf0) =	vadd.scan.msk.s32 $0xffff, v38;
	v37 =	vxor.u32 $0x80000000, v37  }
0x179: {  	(xrf0) =	vmax.scan.msk.u32 $0xffff, v37;
	_ =	sdelay $0x1  }
0x17a: {  	v59 =	vmov s26;
	v36 =	vsub.s32 v36, v0  }
0x17b: {  	v36 =	vnsel vm0, $0x0, v36;
	v37 =	vadd.s32 $0xFFFFFFFF, v59  }
0x17c: {  	v60 =	vshll.u32 v36, $0x7;
	v37 =	vbroadcast v37, $0x0  }
0x17d: {  	v39 =	vld [tilespmem:s30+$0x3F00];
	v38 =	vor.u32 v2, v60;
	v40, _, _ =	vpop (xrf0)  }
0x17e: {  	v37 =	vadd.s32 v40, v37;
	v61, _, _ =	vpop (xrf0)  }
0x17f: {  	v41 =	vld [tilespmem:s30+$0x0];
	(v2sf) =	vpush v61, $0xF;
	_ =	sdelay $0x2  }
0x180: {  	[tilespmem:v38+s17+$0x0] =	vst.idx.add.f32.msk vm0, v39  }
0x181: {  	[tilespmem:v37+s18+$0x0] =	vst.idx.msk vm0, v36  }
0x182: {  	[tilespmem:v37+s19+$0x0] =	vst.idx.msk vm0, v41  }
0x183: {  	s28 =	simm.s32 $0x10;
	[tilespmem:v37+s20+$0x0] =	vst.idx.msk vm0, v39  }
0x184: {  	v36 =	vld [tilespmem:s28+$0x1F80];
	_ =	sdelay $0x4  }
0x185: {  	vm0 =	vge.s32 v36, v0;
	vm1 =	vlt.s32 v36, v1  }
0x186: {  	vm0 =	vmand vm0, vm1  }
0x187: {  	v62 =	vmpcnt.ones.xlane vm0  }
0x188: {  	v63 =	vsel vm0, $0x1, v4;
	s31 =	spop (v2sf)  }
0x189: {  	s1 =	simm.s32 $0x80;
	(xrf0) =	vadd.scan.msk.s32 $0xffff, v63;
	v37 =	vxor.u32 $0x80000000, v62;
	s0 =	sadd.s32 s31, s26  }
.LBB2_5:
0x18a: {  	p0 =	sne.s32 s1, $0x7CC0  }
0x18b: {  	(xrf0) =	vmax.scan.msk.u32 $0xffff, v37;
	s0 =	sadd.s32 $0x80000000, s0;
	s9 =	smov.u32 s1;
	s1 =	sadd.s32 $0x40, s1  }
0x18c: {  	v36 =	vsub.s32 v36, v0;
	v37 =	vmov s0  }
0x18d: {  	v36 =	vnsel vm0, $0x0, v36;
	v37 =	vadd.s32 $0xFFFFFFFF, v37  }
0x18e: {  	v38 =	vshll.u32 v36, $0x7;
	v37 =	vbroadcast v37, $0x0  }
0x18f: {  	v38 =	vor.u32 v2, v38;
	v39 =	vld [tilespmem:s28+$0x3F00];
	v40, _, _ =	vpop (xrf0)  }
0x190: {  	v37 =	vadd.s32 v40, v37  }
0x191: {  	v40 =	vld [tilespmem:s28+$0x0];
	v41, _, _ =	vpop (xrf0)  }
0x192: {  	(v2sf) =	vpush v41, $0xF;
	_ =	sdelay $0x1  }
0x193: {  	[tilespmem:v38+s17+$0x0] =	vst.idx.add.f32.msk vm0, v39  }
0x194: {  	[tilespmem:v37+s18+$0x0] =	vst.idx.msk vm0, v36  }
0x195: {  	[tilespmem:v37+s19+$0x0] =	vst.idx.msk vm0, v40  }
0x196: {  	[tilespmem:v37+s20+$0x0] =	vst.idx.msk vm0, v39  }
0x197: {  	s28 =	sshra.s32 s9, $0x2  }
0x198: {  	v36 =	vld [tilespmem:s28+$0x1F80];
	_ =	sdelay $0x4  }
.Ltmp5:
0x199: {  	vm0 =	vge.s32 v36, v0;
	vm1 =	vlt.s32 v36, v1;
	(pc) =	sbr.rel @p0 .LBB2_5-.Ltmp5, $4  }
0x19a: {  	vm0 =	vmand vm0, vm1  }
0x19b: {  	v37 =	vsel vm0, $0x1, v4;
	v38 =	vmpcnt.ones.xlane vm0  }
0x19c: {  	(xrf0) =	vadd.scan.msk.s32 $0xffff, v37;
	s9 =	spop (v2sf)  }
0x19d: {  	v37 =	vxor.u32 $0x80000000, v38;
	s0 =	sadd.s32 s9, s0  }
0x19e: {  	(xrf0) =	vmax.scan.msk.u32 $0xffff, v37;
	_ =	sdelay $0x4  }
0x19f: {  	v61, _, _ =	vpop (xrf0)  }
0x1a0: {  	v38, _, _ =	vpop (xrf0)  }
0x1a1: {  	(v2sf) =	vpush v38, $0xF;
	_ =	sdelay $0xb  }
0x1a2: {  	s0 =	sadd.s32 $0x80000000, s0  }
0x1a3: {  	v36 =	vsub.s32 v36, v0;
	v62 =	vmov s0  }
0x1a4: {  	v36 =	vnsel vm0, $0x0, v36;
	v38 =	vadd.s32 $0xFFFFFFFF, v62  }
0x1a5: {  	v39 =	vshll.u32 v36, $0x7;
	v38 =	vbroadcast v38, $0x0;
	s1 =	spop (v2sf)  }
0x1a6: {  	v40 =	vld [tilespmem:s28+$0x3F00];
	v39 =	vor.u32 v2, v39;
	s0 =	sadd.s32 s1, s0  }
0x1a7: {  	v37 =	vadd.s32 v61, v38;
	s26 =	sadd.s32 $0x80000000, s0  }
0x1a8: {  	v63 =	vld [tilespmem:s28+$0x0];
	s28 =	sshrl.u32 s26, $0x9  }
0x1a9: {  	p0 =	seq.s32 s28, $0x0  }
.Ltmp6:
0x1aa: {  	_ = 	snop;
	(pc) =	sbr.rel @p0 .LBB2_13-.Ltmp6, $4  }
0x1ab: {  	[tilespmem:v39+s17+$0x0] =	vst.idx.add.f32.msk vm0, v40  }
0x1ac: {  	[tilespmem:v37+s18+$0x0] =	vst.idx.msk vm0, v36  }
0x1ad: {  	[tilespmem:v37+s19+$0x0] =	vst.idx.msk vm0, v63  }
0x1ae: {  	[tilespmem:v37+s20+$0x0] =	vst.idx.msk vm0, v40  }
0x1af: {  	p1 =	sne.s32 s28, $0x1  }
.Ltmp7:
0x1b0: {  	_ = 	snop;
	(pc) =	sbr.rel @!p1 .LBB2_8-.Ltmp7, $4  }
0x1b1: {  	_ = 	snop  }
0x1b2: {  	s0 =	sshll.u32 s23, $0x9;
	s30 =	simm.s32 $0x5E80  }
0x1b3: {  	s31 =	simm.s32 $0x8200;
	s29 =	simm.s32 $0xA580;
	s9 =	sadd.s32 s0, s13  }
0x1b4: {  	p0 =	por $0x0, $0x0;
	s0 =	sadd.s32 $0xFFFFFFFF, s28;
	s1 =	sshrl.u32 s9, $0x3  }
0x1b5: {  	s21 =	sadd.s32 s7, s1  }
0x1b6: {  	[hbm4b:s21+s4] =	stream.linear.scatter [tilespmem:s30], [sflag:$0x1], $0x200, $0x38;
	[tilespmem:$0x16980] =	vst v63  }
0x1b7: {  	_ =	swait.ge [sflag:s14], $0x200  }
0x1b8: {  	[sflag:s14] =	ssyncset.done $0x0  }
0x1b9: {  	s10 =	sadd.s32 s6, s1;
	[sflag:s14] =	ssyncadd.s32 $0xFFFFFE00  }
0x1ba: {  	[hbm4b:s10+s4] =	stream.linear.scatter [tilespmem:s31], [sflag:$0x1], $0x200, $0x38;
	[tilespmem:$0x16980] =	vst v63  }
0x1bb: {  	p1 =	sne.s32 s0, $0x1;
	s0 =	sadd.s32 $0xFFFFFFFF, s0;
	_ =	swait.ge [sflag:s14], $0x200  }
.Ltmp8:
0x1bc: {  	p0 =	por $0x1, $0x1;
	[sflag:s14] =	ssyncset.done $0x0;
	(pc) =	sbr.rel @!p1 .LBB2_10-.Ltmp8, $4  }
0x1bd: {  	s21 =	sadd.s32 s8, s1;
	s31 =	simm.s32 $0x8400;
	[sflag:s14] =	ssyncadd.s32 $0xFFFFFE00  }
0x1be: {  	[hbm4b:s21+s4] =	stream.linear.scatter [tilespmem:s29], [sflag:$0x1], $0x200, $0x38;
	[tilespmem:$0x16980] =	vst v63  }
0x1bf: {  	s21 =	sadd.s32 $0x200, s9;
	s29 =	simm.s32 $0xA780;
	_ =	swait.ge [sflag:s14], $0x200  }
0x1c0: {  	s9 =	simm.s32 $0x5E80;
	s1 =	sshrl.u32 s21, $0x3;
	[sflag:s14] =	ssyncset.done $0x0  }
.LBB2_11:
0x1c1: {  	s10 =	sadd.s32 s7, s1;
	[sflag:s14] =	ssyncadd.s32 $0xFFFFFE00;
	s9 =	sadd.s32 $0x200, s9  }
0x1c2: {  	[hbm4b:s10+s4] =	stream.linear.scatter [tilespmem:s9], [sflag:$0x1], $0x200, $0x38;
	[tilespmem:$0x16980] =	vst v63  }
0x1c3: {  	p1 =	sne.s32 s0, $0x1;
	s0 =	sadd.s32 $0xFFFFFFFF, s0;
	_ =	swait.ge [sflag:s14], $0x200  }
0x1c4: {  	[sflag:s14] =	ssyncset.done $0x0  }
0x1c5: {  	s10 =	sadd.s32 s6, s1;
	[sflag:s14] =	ssyncadd.s32 $0xFFFFFE00  }
0x1c6: {  	[hbm4b:s10+s4] =	stream.linear.scatter [tilespmem:s31], [sflag:$0x1], $0x200, $0x38;
	[tilespmem:$0x16980] =	vst v63  }
0x1c7: {  	_ =	swait.ge [sflag:s14], $0x200  }
.Ltmp9:
0x1c8: {  	[sflag:s14] =	ssyncset.done $0x0;
	(pc) =	sbr.rel @p1 .LBB2_11-.Ltmp9, $4  }
0x1c9: {  	s1 =	sadd.s32 s8, s1;
	[sflag:s14] =	ssyncadd.s32 $0xFFFFFE00  }
0x1ca: {  	[hbm4b:s1+s4] =	stream.linear.scatter [tilespmem:s29], [sflag:$0x1], $0x200, $0x38;
	[tilespmem:$0x16980] =	vst v63  }
0x1cb: {  	s21 =	sadd.s32 $0x200, s21;
	s29 =	sadd.s32 $0x200, s29;
	_ =	swait.ge [sflag:s14], $0x200  }
0x1cc: {  	s31 =	sadd.s32 $0x200, s31;
	s1 =	sshrl.u32 s21, $0x3;
	[sflag:s14] =	ssyncset.done $0x0  }
.Ltmp10:
0x1cd: {  	_ = 	snop;
	(pc) =	sbr.rel .LBB2_12-.Ltmp10, $1  }
0x1ce: {  	_ =	sdelay $0x3  }
.LBB2_10:
.Ltmp11:
0x1cf: {  	(pc) =	sbr.rel .LBB2_12-.Ltmp11, $2  }
0x1d0: {  	_ =	sdelay $0x2  }
0x1d1: {  	s9 =	simm.s32 $0x5E80  }
.LBB2_15:
0x1d2: {  	_ =	sfence.sel $0x180000  }
0x1d3: {  	[bflag:$0x0] =	sbarrier.arrive $0xFFFF  }
0x1d4: {  	_ =	strace $0x90000047  }
0x1d5: {  	s0 =	stileid.u32;
	[bflag:$0x2] =	sbarrier.arrive $0xFFFF  }
0x1d6: {  	p0 =	sne.s32 s0, $0x0;
	s0 =	rddreg [dreg:$0x3]  }
0x1d7: {  	s0 =	sadd.s32 @!p0 $0x100000, s0  }
0x1d8: {  	[sflag:s0] =	ssyncadd.tile.s32 @!p0 $0x1;
	_ =	shalt  }
.Lfunc_end2:
_tile_overlayer_lowered:
.L_overlay_start_2:
0x1d9: {  	(tag) =	ssettag $0x2  }
0x1da: {  	s0 =	rddreg [dreg:$0x0];
	s2 =	stileid.u32  }
0x1db: {  	s1 =	rddreg [dreg:$0x1];
	p0 =	sne.s32 s2, $0x0  }
0x1dc: {  	s3 =	rddreg [dreg:$0x2];
	[bflag:$0x3] =	sbarrier.arrive $0xFFFF;
	s2 =	simm.s32 @!p0 $0x1C01  }
0x1dd: {  	[timem:s3], [sflag:s2] =	dma.local @!p0 [hbm:s0], s1  }
0x1de: {  	s0 =	simm.s32 @!p0 $0x1  }
0x1df: {  	_ =	swait.ge @!p0 [sflag:s0], s1  }
0x1e0: {  	s1 =	ssub.s32 @!p0 $0x0, s1;
	[sflag:s0] =	ssyncset.done @!p0 $0x0  }
0x1e1: {  	[sflag:s0] =	ssyncadd.s32 @!p0 s1  }
0x1e2: {  	[bflag:$0x3] =	sbarrier.arrive $0xFFFF  }
0x1e3: {  	_ =	shalt  }

</sc_bundles>
